<compile_context>
chip_gen: v7x
topology: tpu7x:2x2x1
jax: 0.10.2.dev20260603
libtpu: 0.0.44.dev20260713+nightly
codegen_flags: <defaults>
</compile_context>

<pallas_src>
import functools

import numpy as np
import jax
import jax.numpy as jnp
from jax import lax
from jax.experimental import pallas as pl
from jax.experimental.pallas import tpu as pltpu
from jax.experimental.pallas import tpu_sc as plsc

_STRIDES = (8, 16, 32, 64, 128)
_BOUNDS = ((-1.0, 64.0), (64.0, 128.0), (128.0, 256.0), (256.0, 512.0),
           (512.0, 100000000.0))
_IMG = 800
_SAMPLE_RATIO = 1.5

_NGRID = tuple(int(np.ceil(_IMG / s)) for s in _STRIDES)
_LEVEL_P = tuple(n * n for n in _NGRID)
_B, _M, _L = 4, 64, 16
_NC, _NS = 2, 16
_NW = _NC * _NS
_CPB = _NW // _B

_G = tuple(int(np.ceil(p / 128)) for p in _LEVEL_P)
_LSIZE = tuple(g * 128 for g in _G)
_LOFF = tuple(int(x) for x in np.cumsum((0,) + _LSIZE))[:5]
_GTOT = sum(_G)
_GC = 14
_C = _GC * 128
_PT = _C * _CPB
_NVEC = _C // _L

_F32 = jnp.float32
_I32 = jnp.int32


def _xyi_const():
    xs = np.zeros((_PT,), np.float32)
    ys = np.zeros((_PT,), np.float32)
    iv = np.ones((_PT,), np.float32)
    for s, n, off, p in zip(_STRIDES, _NGRID, _LOFF, _LEVEL_P):
        c = (np.arange(n, dtype=np.float32) + 0.5) * np.float32(s)
        yy, xx = np.meshgrid(c, c, indexing="ij")
        xs[off:off + p] = xx.reshape(-1)
        ys[off:off + p] = yy.reshape(-1)
        iv[off:off + p] = np.float32(1.0 / s)
    out = np.empty((_PT // _L, 3 * _L), np.float32)
    out[:, 0:_L] = xs.reshape(-1, _L)
    out[:, _L:2 * _L] = ys.reshape(-1, _L)
    out[:, 2 * _L:] = iv.reshape(-1, _L)
    return np.concatenate([out.reshape(-1), np.full((_C,), 1e8, np.float32)])


_XYI = _xyi_const()


def _sqrt16(q):
    qi = lax.bitcast_convert_type(q, _I32)
    y = lax.bitcast_convert_type((qi >> 1) + _I32(0x1FBD1DF5), _F32)
    y = 0.5 * (y + q / y)
    y = 0.5 * (y + q / y)
    y = 0.5 * (y + q / y)
    return y


_MESH = plsc.VectorSubcoreMesh(core_axis_name="c", subcore_axis_name="s",
                               num_cores=_NC, num_subcores=_NS)

_OUT_TYPE = tuple(
    [jax.ShapeDtypeStruct((_B * g * 128,), _I32) for g in _G]
    + [jax.ShapeDtypeStruct((_B * g * 512,), _F32) for g in _G]
    + [jax.ShapeDtypeStruct((_B * g * 128,), _F32) for g in _G]
)
_SCRATCH = (
    pltpu.VMEM((3 * _C,), _F32),
    pltpu.VMEM((4 * _M,), _F32),
    pltpu.VMEM((_M,), _I32),
    pltpu.VMEM((_C,), _F32),
    pltpu.VMEM((_C,), _I32),
    pltpu.VMEM((_C,), _I32),
    pltpu.VMEM((4 * _C,), _F32),
    pltpu.VMEM((_C,), _F32),
    pltpu.SemaphoreType.DMA,
    pltpu.SemaphoreType.DMA,
    pltpu.SemaphoreType.DMA,
)



@functools.partial(pl.kernel, out_type=_OUT_TYPE, mesh=_MESH,
                   scratch_types=_SCRATCH,
                   compiler_params=pltpu.CompilerParams(
                       needs_layout_passes=False))
def _fcos_sc(xyi_h, box_h, lab_h, *out_and_scratch):
    cls_hs = out_and_scratch[0:5]
    rg_hs = out_and_scratch[5:10]
    ct_hs = out_and_scratch[10:15]
    (xyiv, bxv, lbv, bestv, bidxv, clsv, rgv, ctv,
     sem_in, sem_in_late, sem_out) = out_and_scratch[15:]

    wid = lax.axis_index("s") * _NC + lax.axis_index("c")
    b = wid % _B
    chunk = wid // _B
    base = chunk * _C

    d1 = pltpu.async_copy(xyi_h.at[pl.ds(chunk * (3 * _C), 3 * _C)], xyiv,
                          sem_in_late)
    d2 = pltpu.async_copy(box_h.at[pl.ds(b * (4 * _M), 4 * _M)], bxv, sem_in)
    d3 = pltpu.async_copy(lab_h.at[pl.ds(b * _M, _M)], lbv, sem_in_late)
    d4 = pltpu.async_copy(xyi_h.at[pl.ds(3 * _PT, _C)], bestv, sem_in)
    d2.wait()
    d4.wait()

    lane = lax.iota(_I32, _L)
    ox = (lane & 3) - 2
    oy = (lane >> 2) - 2

    for lvl in range(5):
        s = float(_STRIDES[lvl])
        n = _NGRID[lvl]
        lo = np.float32(_BOUNDS[lvl][0])
        hi = np.float32(_BOUNDS[lvl][1])
        sr = np.float32(_SAMPLE_RATIO * _STRIDES[lvl])
        loff = _LOFF[lvl]
        lend = loff + _LEVEL_P[lvl]

        def box_step(m, carry, s=s, n=n, lo=lo, hi=hi, sr=sr, loff=loff):
            mi = jnp.full((_L,), m, _I32)
            m4 = mi * 4
            x1 = plsc.load_gather(bxv, [m4])
            y1 = plsc.load_gather(bxv, [m4 + 1])
            x2 = plsc.load_gather(bxv, [m4 + 2])
            y2 = plsc.load_gather(bxv, [m4 + 3])
            cx = (x1 + x2) / 2.0
            cy = (y1 + y2) / 2.0
            kcx = (cx * _F32(1.0 / s)).astype(_I32)
            kcy = (cy * _F32(1.0 / s)).astype(_I32)
            kx = kcx + ox
            ky = kcy + oy
            X = (kx.astype(_F32) + 0.5) * _F32(s)
            Y = (ky.astype(_F32) + 0.5) * _F32(s)
            pidx = ky * n + kx + loff
            loc = pidx - base
            valid = ((kx >= 0) & (kx < n) & (ky >= 0) & (ky < n)
                     & (loc >= 0) & (loc < _C))
            lidx = jnp.where(valid, loc, 0)
            l = X - x1
            t = Y - y1
            r = x2 - X
            bo = y2 - Y
            min4 = jnp.minimum(jnp.minimum(l, t), jnp.minimum(r, bo))
            mo = jnp.maximum(jnp.maximum(l, t), jnp.maximum(r, bo))
            mc = jnp.maximum(jnp.abs(X - cx), jnp.abs(Y - cy))
            m6 = jnp.minimum(min4, jnp.minimum(mo - lo, sr - mc))
            pos = (m6 > 0) & (mo <= hi) & valid
            area = (l + r) * (t + bo)
            cur = plsc.load_gather(bestv, [lidx])
            upd = pos & (area < cur)
            plsc.store_scatter(bestv, [lidx], area, mask=upd)
            plsc.store_scatter(bidxv, [lidx], mi, mask=upd)
            return carry

        overlap = (base < lend) & (base + _C > loff)

        @pl.when(overlap)
        def _(box_step=box_step):
            lax.fori_loop(0, _M, box_step, 0, unroll=4)

    d1.wait()
    d3.wait()

    @plsc.parallel_loop(0, _NVEC, unroll=4)
    def out_step(i):
        o3 = i * (3 * _L)
        sl = pl.ds(i * _L, _L)
        X = xyiv[pl.ds(o3, _L)]
        Y = xyiv[pl.ds(o3 + _L, _L)]
        inv = xyiv[pl.ds(o3 + 2 * _L, _L)]
        best = bestv[sl]
        neg = best >= _F32(1e8)
        bi = jnp.where(neg, 0, bidxv[sl])
        b4 = bi * 4
        x1 = plsc.load_gather(bxv, [b4])
        y1 = plsc.load_gather(bxv, [b4 + 1])
        x2 = plsc.load_gather(bxv, [b4 + 2])
        y2 = plsc.load_gather(bxv, [b4 + 3])
        blab = plsc.load_gather(lbv, [bi])
        nl = (X - x1) * inv
        nt = (Y - y1) * inv
        nr = (x2 - X) * inv
        nb = (y2 - Y) * inv
        lrmin = jnp.minimum(nl, nr)
        lrmax = jnp.maximum(nl, nr)
        tbmin = jnp.minimum(nt, nb)
        tbmax = jnp.maximum(nt, nb)
        q = (jnp.maximum(lrmin * tbmin, _F32(0.0))
             / jnp.maximum(lrmax * tbmax, _F32(1e-8)) + _F32(1e-12))
        ctr = _sqrt16(q)
        clsv[sl] = jnp.where(neg, _I32(0), blab)
        ctv[sl] = jnp.where(neg, _F32(-1.0), ctr)
        ro = (i >> 3) * 512 + ((i & 7) << 4)
        rgv[pl.ds(ro, _L)] = jnp.where(neg, _F32(-1.0), nl)
        rgv[pl.ds(ro + 128, _L)] = jnp.where(neg, _F32(-1.0), nt)
        rgv[pl.ds(ro + 256, _L)] = jnp.where(neg, _F32(-1.0), nr)
        rgv[pl.ds(ro + 384, _L)] = jnp.where(neg, _F32(-1.0), nb)

    def emit(lvl, src_g0, n_g, dst_g):
        w = [
            pltpu.async_copy(
                clsv.at[pl.ds(src_g0 * 128, n_g * 128)],
                cls_hs[lvl].at[pl.ds((b * _G[lvl] + dst_g) * 128, n_g * 128)],
                sem_out),
            pltpu.async_copy(
                rgv.at[pl.ds(src_g0 * 512, n_g * 512)],
                rg_hs[lvl].at[pl.ds((b * _G[lvl] + dst_g) * 512, n_g * 512)],
                sem_out),
            pltpu.async_copy(
                ctv.at[pl.ds(src_g0 * 128, n_g * 128)],
                ct_hs[lvl].at[pl.ds((b * _G[lvl] + dst_g) * 128, n_g * 128)],
                sem_out),
        ]
        for h in w:
            h.wait()

    @pl.when(chunk < 5)
    def _():
        emit(0, 0, _GC, chunk * _GC)

    @pl.when(chunk == 5)
    def _():
        emit(0, 0, 9, 70)
        emit(1, 9, 5, 0)

    @pl.when(chunk == 6)
    def _():
        emit(1, 0, _GC, 5)

    @pl.when(chunk == 7)
    def _():
        emit(1, 0, 1, 19)
        emit(2, 1, 5, 0)
        emit(3, 6, 2, 0)
        emit(4, 8, 1, 0)


def kernel(labels, boxes, coords_p3, coords_p4, coords_p5, coords_p6,
           coords_p7):
    del coords_p3, coords_p4, coords_p5, coords_p6, coords_p7
    boxf = boxes.reshape(_B * _M * 4)
    labf = labels.astype(_I32).reshape(_B * _M)

    outs = _fcos_sc(jnp.asarray(_XYI), boxf, labf)
    cls_ts, reg_ts, ctr_ts = [], [], []
    for lvl, (p, g) in enumerate(zip(_LEVEL_P, _G)):
        cls_ts.append(outs[lvl].reshape(_B, g * 128, 1)[:, :p])
        rg = outs[5 + lvl].reshape(_B, g, 4, 128).transpose(0, 1, 3, 2)
        reg_ts.append(rg.reshape(_B, g * 128, 4)[:, :p])
        ctr_ts.append(outs[10 + lvl].reshape(_B, g * 128, 1)[:, :p])
    return tuple(cls_ts), tuple(reg_ts), tuple(ctr_ts)

# --- scband reference (transcript-rebuilt; emitter-appended) ---
"""Pipeline reference for scband-fcostarget-15350213116284 (READ-ONLY COPY).

The authoritative reference and input builder live on the scoring server;
editing this copy changes nothing except your own understanding.
"""

import jax, jax.numpy as jnp
import numpy as np

STRIDES = (8, 16, 32, 64, 128)
BOUNDS = ((-1.0, 64.0), (64.0, 128.0), (128.0, 256.0), (256.0, 512.0), (512.0, 100000000.0))
IMG = 800
SAMPLE_RATIO = 1.5


def _make_coords(stride):
    n = int(np.ceil(IMG / stride))
    c = (np.arange(n, dtype=np.float32) + 0.5) * stride
    yy, xx = np.meshgrid(c, c, indexing='ij')
    return jnp.asarray(np.stack([xx.reshape(-1), yy.reshape(-1)], axis=-1))


def setup_inputs(seed: int = 0):
    key = jax.random.key(seed)
    B, M = 4, 64
    k1, k2, k3, k4, k5 = jax.random.split(key, 5)
    cx = jax.random.uniform(k1, (B, M)) * IMG
    cy = jax.random.uniform(k2, (B, M)) * IMG
    w = jax.random.uniform(k3, (B, M)) * 400.0 + 16.0
    h = jax.random.uniform(k4, (B, M)) * 400.0 + 16.0
    x1 = jnp.clip(cx - w / 2.0, 0.0, IMG)
    y1 = jnp.clip(cy - h / 2.0, 0.0, IMG)
    x2 = jnp.clip(cx + w / 2.0, 0.0, IMG)
    y2 = jnp.clip(cy + h / 2.0, 0.0, IMG)
    boxes = jnp.stack([x1, y1, x2, y2], axis=-1).astype(jnp.float32)
    labels = jax.random.randint(k5, (B, M), 1, 81)
    out = {'labels': labels, 'boxes': boxes}
    for i, s in enumerate(STRIDES):
        out['coords_p%d' % (i + 3)] = _make_coords(s)
    return out


def _stage(labels, boxes, coords, stride, bound):
    B, M = boxes.shape[0], boxes.shape[1]
    P = coords.shape[0]
    x = coords[:, 0][None, :, None]
    y = coords[:, 1][None, :, None]
    x1 = boxes[..., 0][:, None, :]
    y1 = boxes[..., 1][:, None, :]
    x2 = boxes[..., 2][:, None, :]
    y2 = boxes[..., 3][:, None, :]
    l = x - x1
    t = y - y1
    r = x2 - x
    b = y2 - y
    offsets = jnp.stack([l, t, r, b], axis=-1)
    min_off = offsets.min(axis=-1)
    max_off = offsets.max(axis=-1)
    boxes_mask = min_off > 0
    stage_mask = (max_off > bound[0]) & (max_off <= bound[1])
    cxs = (x1 + x2) / 2.0
    cys = (y1 + y2) / 2.0
    ctr_offsets = jnp.stack([x - cxs, y - cys, cxs - x, cys - y], axis=-1)
    max_ctr = ctr_offsets.max(axis=-1)
    ctr_mask = max_ctr < SAMPLE_RATIO * stride
    pos_mask = boxes_mask & stage_mask & ctr_mask
    areas = (l + r) * (t + b)
    areas = jnp.where(pos_mask, areas, 1e8)
    min_idx = jnp.argmin(areas, axis=-1)
    labels_rep = jnp.broadcast_to(labels[:, None, :], (B, P, M))
    cls_t = jnp.take_along_axis(labels_rep, min_idx[:, :, None], axis=-1)
    reg_t = jnp.take_along_axis(offsets / stride, min_idx[:, :, None, None], axis=2)[:, :, 0, :]
    lr_min = jnp.minimum(reg_t[..., 0], reg_t[..., 2])
    lr_max = jnp.maximum(reg_t[..., 0], reg_t[..., 2])
    tb_min = jnp.minimum(reg_t[..., 1], reg_t[..., 3])
    tb_max = jnp.maximum(reg_t[..., 1], reg_t[..., 3])
    ctr_t = jnp.sqrt(jnp.maximum(lr_min * tb_min, 0.0) / jnp.maximum(lr_max * tb_max, 1e-8) + 1e-12)[..., None]
    neg_mask = pos_mask.sum(axis=-1) < 1
    cls_t = jnp.where(neg_mask[..., None], 0, cls_t)
    reg_t = jnp.where(neg_mask[..., None], -1.0, reg_t)
    ctr_t = jnp.where(neg_mask[..., None], -1.0, ctr_t)
    return cls_t, reg_t, ctr_t


def reference(labels, boxes, coords_p3, coords_p4, coords_p5, coords_p6, coords_p7):
    coords_list = [coords_p3, coords_p4, coords_p5, coords_p6, coords_p7]
    cls_targets, reg_targets, ctr_targets = [], [], []
    for coords, stride, bound in zip(coords_list, STRIDES, BOUNDS):
        c, r, t = _stage(labels, boxes, coords, stride, bound)
        cls_targets.append(c)
        reg_targets.append(r)
        ctr_targets.append(t)
    return (tuple(cls_targets), tuple(reg_targets), tuple(ctr_targets))

if __name__ == "__main__":
    import jax
    _d = setup_inputs()
    print(jax.jit(kernel)(*tuple(_d.values())))

</pallas_src>

<mosaic_0001>
#map = affine_map<(d0, d1) -> (0)>
module attributes {stable_mosaic.version = 14 : i64} {
  func.func @_fcos_sc(%arg0: i32, %arg1: i32, %arg2: memref<44800xf32, #tpu.memory_space<hbm>>, %arg3: memref<1024xf32, #tpu.memory_space<hbm>>, %arg4: memref<256xi32, #tpu.memory_space<hbm>>, %arg5: memref<40448xi32, #tpu.memory_space<hbm>>, %arg6: memref<10240xi32, #tpu.memory_space<hbm>>, %arg7: memref<2560xi32, #tpu.memory_space<hbm>>, %arg8: memref<1024xi32, #tpu.memory_space<hbm>>, %arg9: memref<512xi32, #tpu.memory_space<hbm>>, %arg10: memref<161792xf32, #tpu.memory_space<hbm>>, %arg11: memref<40960xf32, #tpu.memory_space<hbm>>, %arg12: memref<10240xf32, #tpu.memory_space<hbm>>, %arg13: memref<4096xf32, #tpu.memory_space<hbm>>, %arg14: memref<2048xf32, #tpu.memory_space<hbm>>, %arg15: memref<40448xf32, #tpu.memory_space<hbm>>, %arg16: memref<10240xf32, #tpu.memory_space<hbm>>, %arg17: memref<2560xf32, #tpu.memory_space<hbm>>, %arg18: memref<1024xf32, #tpu.memory_space<hbm>>, %arg19: memref<512xf32, #tpu.memory_space<hbm>>, %arg20: memref<5376xf32, #tpu.memory_space<vmem>>, %arg21: memref<256xf32, #tpu.memory_space<vmem>>, %arg22: memref<64xi32, #tpu.memory_space<vmem>>, %arg23: memref<1792xf32, #tpu.memory_space<vmem>>, %arg24: memref<1792xi32, #tpu.memory_space<vmem>>, %arg25: memref<1792xi32, #tpu.memory_space<vmem>>, %arg26: memref<7168xf32, #tpu.memory_space<vmem>>, %arg27: memref<1792xf32, #tpu.memory_space<vmem>>, %arg28: memref<!tpu.dma_semaphore, #tpu.memory_space<semaphore_mem>>, %arg29: memref<!tpu.dma_semaphore, #tpu.memory_space<semaphore_mem>>, %arg30: memref<!tpu.dma_semaphore, #tpu.memory_space<semaphore_mem>>) attributes {dimension_semantics = [#tpu.dimension_semantics<core_parallel>, #tpu.dimension_semantics<subcore_parallel>], iteration_bounds = array<i64: 2, 16>, scalar_prefetch = 0 : i64, scratch_operands = 11 : i64, tpu.core_type = #tpu.core_type<sc_vector_subcore>, window_params = [{transform_indices = #map}, {transform_indices = #map}, {transform_indices = #map}, {transform_indices = #map}, {transform_indices = #map}, {transform_indices = #map}, {transform_indices = #map}, {transform_indices = #map}, {transform_indices = #map}, {transform_indices = #map}, {transform_indices = #map}, {transform_indices = #map}, {transform_indices = #map}, {transform_indices = #map}, {transform_indices = #map}, {transform_indices = #map}, {transform_indices = #map}, {transform_indices = #map}]} {
    %mul3A = arith.constant 2 : i32
    %mul3A_0 = arith.muli %arg1, %mul3A : i32
    %add3A = arith.addi %mul3A_0, %arg0 : i32
    %jit3A = arith.constant 4 : i32
    %eq3A = arith.constant 0 : i32
    %eq3A_1 = arith.cmpi eq, %jit3A, %eq3A : i32
    %jit3A_2 = arith.constant 1 : i32
    %select_n3A = arith.select %eq3A_1, %jit3A_2, %jit3A : i32
    %rem3A = arith.remsi %add3A, %select_n3A : i32
    %ne3A = arith.constant 0 : i32
    %ne3A_3 = arith.cmpi ne, %rem3A, %ne3A : i32
    %lt3A = arith.constant 0 : i32
    %lt3A_4 = arith.cmpi slt, %rem3A, %lt3A : i32
    %lt3A_5 = arith.constant 0 : i32
    %lt3A_6 = arith.cmpi slt, %select_n3A, %lt3A_5 : i32
    %ne3A_7 = arith.xori %lt3A_4, %lt3A_6 : i1
    %and3A = arith.andi %ne3A_7, %ne3A_3 : i1
    %add3A_8 = arith.addi %rem3A, %select_n3A : i32
    %select_n3A_9 = arith.select %and3A, %add3A_8, %rem3A : i32
    %jit3A_10 = arith.constant 4 : i32
    %div3A = arith.divsi %add3A, %jit3A_10 : i32
    %sign3A = arith.constant 0 : i32
    %sign3A_11 = arith.cmpi sgt, %add3A, %sign3A : i32
    %sign3A_12 = arith.extui %sign3A_11 : i1 to i32
    %sign3A_13 = arith.constant 0 : i32
    %sign3A_14 = arith.cmpi slt, %add3A, %sign3A_13 : i32
    %sign3A_15 = arith.extui %sign3A_14 : i1 to i32
    %sign3A_16 = arith.subi %sign3A_12, %sign3A_15 : i32
    %sign3A_17 = arith.constant 0 : i32
    %sign3A_18 = arith.cmpi sgt, %jit3A_10, %sign3A_17 : i32
    %sign3A_19 = arith.extui %sign3A_18 : i1 to i32
    %sign3A_20 = arith.constant 0 : i32
    %sign3A_21 = arith.cmpi slt, %jit3A_10, %sign3A_20 : i32
    %sign3A_22 = arith.extui %sign3A_21 : i1 to i32
    %sign3A_23 = arith.subi %sign3A_19, %sign3A_22 : i32
    %ne3A_24 = arith.cmpi ne, %sign3A_16, %sign3A_23 : i32
    %rem3A_25 = arith.remsi %add3A, %jit3A_10 : i32
    %ne3A_26 = arith.constant 0 : i32
    %ne3A_27 = arith.cmpi ne, %rem3A_25, %ne3A_26 : i32
    %and3A_28 = arith.andi %ne3A_24, %ne3A_27 : i1
    %sub3A = arith.constant 1 : i32
    %sub3A_29 = arith.subi %div3A, %sub3A : i32
    %select_n3A_30 = arith.select %and3A_28, %sub3A_29, %div3A : i32
    %mul3A_31 = arith.constant 1792 : i32
    %mul3A_32 = arith.muli %select_n3A_30, %mul3A_31 : i32
    %mul3A_33 = arith.constant 5376 : i32
    %mul3A_34 = arith.muli %select_n3A_30, %mul3A_33 : i32
    %dma_start3A = tpu.memref_slice %arg2[%mul3A_34] : memref<44800xf32, #tpu.memory_space<hbm>> -> memref<5376xf32, #tpu.memory_space<hbm>>
    %dma_start3A_35 = tpu.memref_slice %arg2[%mul3A_34] : memref<44800xf32, #tpu.memory_space<hbm>> -> memref<5376xf32, #tpu.memory_space<hbm>>
    tpu.enqueue_dma source(%dma_start3A_35 : memref<5376xf32, #tpu.memory_space<hbm>>) target(%arg20 : memref<5376xf32, #tpu.memory_space<vmem>>) target_semaphore(%arg29 : memref<!tpu.dma_semaphore, #tpu.memory_space<semaphore_mem>>)
    %mul3A_36 = arith.constant 256 : i32
    %mul3A_37 = arith.muli %select_n3A_9, %mul3A_36 : i32
    %dma_start3A_38 = tpu.memref_slice %arg3[%mul3A_37] : memref<1024xf32, #tpu.memory_space<hbm>> -> memref<256xf32, #tpu.memory_space<hbm>>
    %dma_start3A_39 = tpu.memref_slice %arg3[%mul3A_37] : memref<1024xf32, #tpu.memory_space<hbm>> -> memref<256xf32, #tpu.memory_space<hbm>>
    tpu.enqueue_dma source(%dma_start3A_39 : memref<256xf32, #tpu.memory_space<hbm>>) target(%arg21 : memref<256xf32, #tpu.memory_space<vmem>>) target_semaphore(%arg28 : memref<!tpu.dma_semaphore, #tpu.memory_space<semaphore_mem>>)
    %mul3A_40 = arith.constant 64 : i32
    %mul3A_41 = arith.muli %select_n3A_9, %mul3A_40 : i32
    %dma_start3A_42 = tpu.memref_slice %arg4[%mul3A_41] : memref<256xi32, #tpu.memory_space<hbm>> -> memref<64xi32, #tpu.memory_space<hbm>>
    %dma_start3A_43 = tpu.memref_slice %arg4[%mul3A_41] : memref<256xi32, #tpu.memory_space<hbm>> -> memref<64xi32, #tpu.memory_space<hbm>>
    tpu.enqueue_dma source(%dma_start3A_43 : memref<64xi32, #tpu.memory_space<hbm>>) target(%arg22 : memref<64xi32, #tpu.memory_space<vmem>>) target_semaphore(%arg29 : memref<!tpu.dma_semaphore, #tpu.memory_space<semaphore_mem>>)
    %dma_start3A_44 = arith.constant 43008 : i32
    %dma_start3A_45 = tpu.memref_slice %arg2[%dma_start3A_44] : memref<44800xf32, #tpu.memory_space<hbm>> -> memref<1792xf32, #tpu.memory_space<hbm>>
    %dma_start3A_46 = arith.constant 43008 : i32
    %dma_start3A_47 = tpu.memref_slice %arg2[%dma_start3A_46] : memref<44800xf32, #tpu.memory_space<hbm>> -> memref<1792xf32, #tpu.memory_space<hbm>>
    tpu.enqueue_dma source(%dma_start3A_47 : memref<1792xf32, #tpu.memory_space<hbm>>) target(%arg23 : memref<1792xf32, #tpu.memory_space<vmem>>) target_semaphore(%arg28 : memref<!tpu.dma_semaphore, #tpu.memory_space<semaphore_mem>>)
    %dma_wait3A = tpu.memref_slice %arg3[%mul3A_37] : memref<1024xf32, #tpu.memory_space<hbm>> -> memref<256xf32, #tpu.memory_space<hbm>>
    %dma_wait3A_48 = tpu.memref_slice %arg3[%mul3A_37] : memref<1024xf32, #tpu.memory_space<hbm>> -> memref<256xf32, #tpu.memory_space<hbm>>
    tpu.wait_dma2 semaphore(%arg28 : memref<!tpu.dma_semaphore, #tpu.memory_space<semaphore_mem>>) src(%dma_wait3A_48 : memref<256xf32, #tpu.memory_space<hbm>>) dst(%arg21 : memref<256xf32, #tpu.memory_space<vmem>>)
    %dma_wait3A_49 = arith.constant 43008 : i32
    %dma_wait3A_50 = tpu.memref_slice %arg2[%dma_wait3A_49] : memref<44800xf32, #tpu.memory_space<hbm>> -> memref<1792xf32, #tpu.memory_space<hbm>>
    %dma_wait3A_51 = arith.constant 43008 : i32
    %dma_wait3A_52 = tpu.memref_slice %arg2[%dma_wait3A_51] : memref<44800xf32, #tpu.memory_space<hbm>> -> memref<1792xf32, #tpu.memory_space<hbm>>
    tpu.wait_dma2 semaphore(%arg28 : memref<!tpu.dma_semaphore, #tpu.memory_space<semaphore_mem>>) src(%dma_wait3A_52 : memref<1792xf32, #tpu.memory_space<hbm>>) dst(%arg23 : memref<1792xf32, #tpu.memory_space<vmem>>)
    %iota3A = tpu.iota {dimensions = array<i32: 0>} : vector<16xi32>
    %and3A_53 = arith.constant 3 : i32
    %and3A_54 = vector.broadcast %and3A_53 : i32 to vector<16xi32>
    %and3A_55 = arith.andi %iota3A, %and3A_54 : vector<16xi32>
    %sub3A_56 = arith.constant 2 : i32
    %sub3A_57 = vector.broadcast %sub3A_56 : i32 to vector<16xi32>
    %sub3A_58 = arith.subi %and3A_55, %sub3A_57 : vector<16xi32>
    %shift_right_arithmetic3A = arith.constant 2 : i32
    %shift_right_arithmetic3A_59 = vector.broadcast %shift_right_arithmetic3A : i32 to vector<16xi32>
    %shift_right_arithmetic3A_60 = arith.shrsi %iota3A, %shift_right_arithmetic3A_59 : vector<16xi32>
    %sub3A_61 = arith.constant 2 : i32
    %sub3A_62 = vector.broadcast %sub3A_61 : i32 to vector<16xi32>
    %sub3A_63 = arith.subi %shift_right_arithmetic3A_60, %sub3A_62 : vector<16xi32>
    %lt3A_64 = arith.constant 10000 : i32
    %lt3A_65 = arith.cmpi slt, %mul3A_32, %lt3A_64 : i32
    %add3A_66 = arith.constant 1792 : i32
    %add3A_67 = arith.addi %mul3A_32, %add3A_66 : i32
    %gt3A = arith.constant 0 : i32
    %gt3A_68 = arith.cmpi sgt, %add3A_67, %gt3A : i32
    %and3A_69 = arith.andi %lt3A_65, %gt3A_68 : i1
    %convert_element_type3A = arith.extui %and3A_69 : i1 to i32
    %cond3A = arith.constant 0 : i32
    %cond3A_70 = arith.cmpi ne, %convert_element_type3A, %cond3A : i32
    scf.if %cond3A_70 {
      %scan3A = arith.constant 0 : i32
      %scan3A_137 = arith.constant 0 : i32
      %scan3A_138 = arith.constant 64 : i32
      %scan3A_139 = arith.addi %scan3A_137, %scan3A_138 : i32
      %scan3A_140 = arith.constant 4 : i32
      scf.for %scan3A_142 = %scan3A_137 to %scan3A_139 step %scan3A_140  : i32 {
        %broadcast_in_dim3A = vector.broadcast %scan3A_142 : i32 to vector<16xi32>
        %mul3A_143 = arith.constant 4 : i32
        %mul3A_144 = vector.broadcast %mul3A_143 : i32 to vector<16xi32>
        %mul3A_145 = arith.muli %broadcast_in_dim3A, %mul3A_144 : vector<16xi32>
        %gather3A = tpu.vector_load_idx %arg21[%mul3A_145] : memref<256xf32, #tpu.memory_space<vmem>>[vector<16xi32>], vector<16xf32>,
        %add3A_146 = arith.constant 1 : i32
        %add3A_147 = vector.broadcast %add3A_146 : i32 to vector<16xi32>
        %add3A_148 = arith.addi %mul3A_145, %add3A_147 : vector<16xi32>
        %gather3A_149 = tpu.vector_load_idx %arg21[%add3A_148] : memref<256xf32, #tpu.memory_space<vmem>>[vector<16xi32>], vector<16xf32>,
        %add3A_150 = arith.constant 2 : i32
        %add3A_151 = vector.broadcast %add3A_150 : i32 to vector<16xi32>
        %add3A_152 = arith.addi %mul3A_145, %add3A_151 : vector<16xi32>
        %gather3A_153 = tpu.vector_load_idx %arg21[%add3A_152] : memref<256xf32, #tpu.memory_space<vmem>>[vector<16xi32>], vector<16xf32>,
        %add3A_154 = arith.constant 3 : i32
        %add3A_155 = vector.broadcast %add3A_154 : i32 to vector<16xi32>
        %add3A_156 = arith.addi %mul3A_145, %add3A_155 : vector<16xi32>
        %gather3A_157 = tpu.vector_load_idx %arg21[%add3A_156] : memref<256xf32, #tpu.memory_space<vmem>>[vector<16xi32>], vector<16xf32>,
        %add3A_158 = arith.addf %gather3A, %gather3A_153 : vector<16xf32>
        %div3A_159 = arith.constant 2.000000e+00 : f32
        %div3A_160 = vector.broadcast %div3A_159 : f32 to vector<16xf32>
        %div3A_161 = arith.divf %add3A_158, %div3A_160 : vector<16xf32>
        %add3A_162 = arith.addf %gather3A_149, %gather3A_157 : vector<16xf32>
        %div3A_163 = arith.constant 2.000000e+00 : f32
        %div3A_164 = vector.broadcast %div3A_163 : f32 to vector<16xf32>
        %div3A_165 = arith.divf %add3A_162, %div3A_164 : vector<16xf32>
        %mul3A_166 = arith.constant 1.250000e-01 : f32
        %mul3A_167 = vector.broadcast %mul3A_166 : f32 to vector<16xf32>
        %mul3A_168 = arith.mulf %div3A_161, %mul3A_167 : vector<16xf32>
        %convert_element_type3A_169 = arith.fptosi %mul3A_168 : vector<16xf32> to vector<16xi32>
        %mul3A_170 = arith.constant 1.250000e-01 : f32
        %mul3A_171 = vector.broadcast %mul3A_170 : f32 to vector<16xf32>
        %mul3A_172 = arith.mulf %div3A_165, %mul3A_171 : vector<16xf32>
        %convert_element_type3A_173 = arith.fptosi %mul3A_172 : vector<16xf32> to vector<16xi32>
        %add3A_174 = arith.addi %convert_element_type3A_169, %sub3A_58 : vector<16xi32>
        %add3A_175 = arith.addi %convert_element_type3A_173, %sub3A_63 : vector<16xi32>
        %convert_element_type3A_176 = arith.sitofp %add3A_174 : vector<16xi32> to vector<16xf32>
        %add3A_177 = arith.constant 5.000000e-01 : f32
        %add3A_178 = vector.broadcast %add3A_177 : f32 to vector<16xf32>
        %add3A_179 = arith.addf %convert_element_type3A_176, %add3A_178 : vector<16xf32>
        %mul3A_180 = arith.constant 8.000000e+00 : f32
        %mul3A_181 = vector.broadcast %mul3A_180 : f32 to vector<16xf32>
        %mul3A_182 = arith.mulf %add3A_179, %mul3A_181 : vector<16xf32>
        %convert_element_type3A_183 = arith.sitofp %add3A_175 : vector<16xi32> to vector<16xf32>
        %add3A_184 = arith.constant 5.000000e-01 : f32
        %add3A_185 = vector.broadcast %add3A_184 : f32 to vector<16xf32>
        %add3A_186 = arith.addf %convert_element_type3A_183, %add3A_185 : vector<16xf32>
        %mul3A_187 = arith.constant 8.000000e+00 : f32
        %mul3A_188 = vector.broadcast %mul3A_187 : f32 to vector<16xf32>
        %mul3A_189 = arith.mulf %add3A_186, %mul3A_188 : vector<16xf32>
        %mul3A_190 = arith.constant 100 : i32
        %mul3A_191 = vector.broadcast %mul3A_190 : i32 to vector<16xi32>
        %mul3A_192 = arith.muli %add3A_175, %mul3A_191 : vector<16xi32>
        %add3A_193 = arith.addi %mul3A_192, %add3A_174 : vector<16xi32>
        %add3A_194 = arith.constant 0 : i32
        %add3A_195 = vector.broadcast %add3A_194 : i32 to vector<16xi32>
        %add3A_196 = arith.addi %add3A_193, %add3A_195 : vector<16xi32>
        %sub3A_197 = vector.broadcast %mul3A_32 : i32 to vector<16xi32>
        %sub3A_198 = arith.subi %add3A_196, %sub3A_197 : vector<16xi32>
        %ge3A = arith.constant 0 : i32
        %ge3A_199 = vector.broadcast %ge3A : i32 to vector<16xi32>
        %ge3A_200 = arith.cmpi sge, %add3A_174, %ge3A_199 : vector<16xi32>
        %lt3A_201 = arith.constant 100 : i32
        %lt3A_202 = vector.broadcast %lt3A_201 : i32 to vector<16xi32>
        %lt3A_203 = arith.cmpi slt, %add3A_174, %lt3A_202 : vector<16xi32>
        %and3A_204 = arith.andi %ge3A_200, %lt3A_203 : vector<16xi1>
        %ge3A_205 = arith.constant 0 : i32
        %ge3A_206 = vector.broadcast %ge3A_205 : i32 to vector<16xi32>
        %ge3A_207 = arith.cmpi sge, %add3A_175, %ge3A_206 : vector<16xi32>
        %and3A_208 = arith.andi %and3A_204, %ge3A_207 : vector<16xi1>
        %lt3A_209 = arith.constant 100 : i32
        %lt3A_210 = vector.broadcast %lt3A_209 : i32 to vector<16xi32>
        %lt3A_211 = arith.cmpi slt, %add3A_175, %lt3A_210 : vector<16xi32>
        %and3A_212 = arith.andi %and3A_208, %lt3A_211 : vector<16xi1>
        %ge3A_213 = arith.constant 0 : i32
        %ge3A_214 = vector.broadcast %ge3A_213 : i32 to vector<16xi32>
        %ge3A_215 = arith.cmpi sge, %sub3A_198, %ge3A_214 : vector<16xi32>
        %and3A_216 = arith.andi %and3A_212, %ge3A_215 : vector<16xi1>
        %lt3A_217 = arith.constant 1792 : i32
        %lt3A_218 = vector.broadcast %lt3A_217 : i32 to vector<16xi32>
        %lt3A_219 = arith.cmpi slt, %sub3A_198, %lt3A_218 : vector<16xi32>
        %and3A_220 = arith.andi %and3A_216, %lt3A_219 : vector<16xi1>
        %jit3A_221 = arith.constant 0 : i32
        %broadcast_in_dim3A_222 = vector.broadcast %jit3A_221 : i32 to vector<16xi32>
        %select_n3A_223 = arith.select %and3A_220, %sub3A_198, %broadcast_in_dim3A_222 : vector<16xi1>, vector<16xi32>
        %sub3A_224 = arith.subf %mul3A_182, %gather3A : vector<16xf32>
        %sub3A_225 = arith.subf %mul3A_189, %gather3A_149 : vector<16xf32>
        %sub3A_226 = arith.subf %gather3A_153, %mul3A_182 : vector<16xf32>
        %sub3A_227 = arith.subf %gather3A_157, %mul3A_189 : vector<16xf32>
        %min3A = arith.minimumf %sub3A_224, %sub3A_225 : vector<16xf32>
        %min3A_228 = arith.minimumf %sub3A_226, %sub3A_227 : vector<16xf32>
        %min3A_229 = arith.minimumf %min3A, %min3A_228 : vector<16xf32>
        %max3A = arith.maximumf %sub3A_224, %sub3A_225 : vector<16xf32>
        %max3A_230 = arith.maximumf %sub3A_226, %sub3A_227 : vector<16xf32>
        %max3A_231 = arith.maximumf %max3A, %max3A_230 : vector<16xf32>
        %sub3A_232 = arith.subf %mul3A_182, %div3A_161 : vector<16xf32>
        %abs3A = math.absf %sub3A_232 : vector<16xf32>
        %sub3A_233 = arith.subf %mul3A_189, %div3A_165 : vector<16xf32>
        %abs3A_234 = math.absf %sub3A_233 : vector<16xf32>
        %max3A_235 = arith.maximumf %abs3A, %abs3A_234 : vector<16xf32>
        %sub3A_236 = arith.constant -1.000000e+00 : f32
        %sub3A_237 = vector.broadcast %sub3A_236 : f32 to vector<16xf32>
        %sub3A_238 = arith.subf %max3A_231, %sub3A_237 : vector<16xf32>
        %sub3A_239 = arith.constant 1.200000e+01 : f32
        %sub3A_240 = vector.broadcast %sub3A_239 : f32 to vector<16xf32>
        %sub3A_241 = arith.subf %sub3A_240, %max3A_235 : vector<16xf32>
        %min3A_242 = arith.minimumf %sub3A_238, %sub3A_241 : vector<16xf32>
        %min3A_243 = arith.minimumf %min3A_229, %min3A_242 : vector<16xf32>
        %gt3A_244 = arith.constant 0.000000e+00 : f32
        %gt3A_245 = vector.broadcast %gt3A_244 : f32 to vector<16xf32>
        %gt3A_246 = arith.cmpf ogt, %min3A_243, %gt3A_245 : vector<16xf32>
        %le3A = arith.constant 6.400000e+01 : f32
        %le3A_247 = vector.broadcast %le3A : f32 to vector<16xf32>
        %le3A_248 = arith.cmpf ole, %max3A_231, %le3A_247 : vector<16xf32>
        %and3A_249 = arith.andi %gt3A_246, %le3A_248 : vector<16xi1>
        %and3A_250 = arith.andi %and3A_249, %and3A_220 : vector<16xi1>
        %add3A_251 = arith.addf %sub3A_224, %sub3A_226 : vector<16xf32>
        %add3A_252 = arith.addf %sub3A_225, %sub3A_227 : vector<16xf32>
        %mul3A_253 = arith.mulf %add3A_251, %add3A_252 : vector<16xf32>
        %gather3A_254 = tpu.vector_load_idx %arg23[%select_n3A_223] : memref<1792xf32, #tpu.memory_space<vmem>>[vector<16xi32>], vector<16xf32>,
        %lt3A_255 = arith.cmpf olt, %mul3A_253, %gather3A_254 : vector<16xf32>
        %and3A_256 = arith.andi %and3A_250, %lt3A_255 : vector<16xi1>
        tpu.vector_store_idx %arg23[%select_n3A_223], %mul3A_253 masked %and3A_256 : memref<1792xf32, #tpu.memory_space<vmem>>[vector<16xi32>], vector<16xf32>, vector<16xi1>
        tpu.vector_store_idx %arg24[%select_n3A_223], %broadcast_in_dim3A masked %and3A_256 : memref<1792xi32, #tpu.memory_space<vmem>>[vector<16xi32>], vector<16xi32>, vector<16xi1>
        %scan3A_257 = arith.constant 1 : i32
        %scan3A_258 = arith.addi %scan3A_142, %scan3A_257 : i32
        %broadcast_in_dim3A_259 = vector.broadcast %scan3A_258 : i32 to vector<16xi32>
        %mul3A_260 = arith.constant 4 : i32
        %mul3A_261 = vector.broadcast %mul3A_260 : i32 to vector<16xi32>
        %mul3A_262 = arith.muli %broadcast_in_dim3A_259, %mul3A_261 : vector<16xi32>
        %gather3A_263 = tpu.vector_load_idx %arg21[%mul3A_262] : memref<256xf32, #tpu.memory_space<vmem>>[vector<16xi32>], vector<16xf32>,
        %add3A_264 = arith.constant 1 : i32
        %add3A_265 = vector.broadcast %add3A_264 : i32 to vector<16xi32>
        %add3A_266 = arith.addi %mul3A_262, %add3A_265 : vector<16xi32>
        %gather3A_267 = tpu.vector_load_idx %arg21[%add3A_266] : memref<256xf32, #tpu.memory_space<vmem>>[vector<16xi32>], vector<16xf32>,
        %add3A_268 = arith.constant 2 : i32
        %add3A_269 = vector.broadcast %add3A_268 : i32 to vector<16xi32>
        %add3A_270 = arith.addi %mul3A_262, %add3A_269 : vector<16xi32>
        %gather3A_271 = tpu.vector_load_idx %arg21[%add3A_270] : memref<256xf32, #tpu.memory_space<vmem>>[vector<16xi32>], vector<16xf32>,
        %add3A_272 = arith.constant 3 : i32
        %add3A_273 = vector.broadcast %add3A_272 : i32 to vector<16xi32>
        %add3A_274 = arith.addi %mul3A_262, %add3A_273 : vector<16xi32>
        %gather3A_275 = tpu.vector_load_idx %arg21[%add3A_274] : memref<256xf32, #tpu.memory_space<vmem>>[vector<16xi32>], vector<16xf32>,
        %add3A_276 = arith.addf %gather3A_263, %gather3A_271 : vector<16xf32>
        %div3A_277 = arith.constant 2.000000e+00 : f32
        %div3A_278 = vector.broadcast %div3A_277 : f32 to vector<16xf32>
        %div3A_279 = arith.divf %add3A_276, %div3A_278 : vector<16xf32>
        %add3A_280 = arith.addf %gather3A_267, %gather3A_275 : vector<16xf32>
        %div3A_281 = arith.constant 2.000000e+00 : f32
        %div3A_282 = vector.broadcast %div3A_281 : f32 to vector<16xf32>
        %div3A_283 = arith.divf %add3A_280, %div3A_282 : vector<16xf32>
        %mul3A_284 = arith.constant 1.250000e-01 : f32
        %mul3A_285 = vector.broadcast %mul3A_284 : f32 to vector<16xf32>
        %mul3A_286 = arith.mulf %div3A_279, %mul3A_285 : vector<16xf32>
        %convert_element_type3A_287 = arith.fptosi %mul3A_286 : vector<16xf32> to vector<16xi32>
        %mul3A_288 = arith.constant 1.250000e-01 : f32
        %mul3A_289 = vector.broadcast %mul3A_288 : f32 to vector<16xf32>
        %mul3A_290 = arith.mulf %div3A_283, %mul3A_289 : vector<16xf32>
        %convert_element_type3A_291 = arith.fptosi %mul3A_290 : vector<16xf32> to vector<16xi32>
        %add3A_292 = arith.addi %convert_element_type3A_287, %sub3A_58 : vector<16xi32>
        %add3A_293 = arith.addi %convert_element_type3A_291, %sub3A_63 : vector<16xi32>
        %convert_element_type3A_294 = arith.sitofp %add3A_292 : vector<16xi32> to vector<16xf32>
        %add3A_295 = arith.constant 5.000000e-01 : f32
        %add3A_296 = vector.broadcast %add3A_295 : f32 to vector<16xf32>
        %add3A_297 = arith.addf %convert_element_type3A_294, %add3A_296 : vector<16xf32>
        %mul3A_298 = arith.constant 8.000000e+00 : f32
        %mul3A_299 = vector.broadcast %mul3A_298 : f32 to vector<16xf32>
        %mul3A_300 = arith.mulf %add3A_297, %mul3A_299 : vector<16xf32>
        %convert_element_type3A_301 = arith.sitofp %add3A_293 : vector<16xi32> to vector<16xf32>
        %add3A_302 = arith.constant 5.000000e-01 : f32
        %add3A_303 = vector.broadcast %add3A_302 : f32 to vector<16xf32>
        %add3A_304 = arith.addf %convert_element_type3A_301, %add3A_303 : vector<16xf32>
        %mul3A_305 = arith.constant 8.000000e+00 : f32
        %mul3A_306 = vector.broadcast %mul3A_305 : f32 to vector<16xf32>
        %mul3A_307 = arith.mulf %add3A_304, %mul3A_306 : vector<16xf32>
        %mul3A_308 = arith.constant 100 : i32
        %mul3A_309 = vector.broadcast %mul3A_308 : i32 to vector<16xi32>
        %mul3A_310 = arith.muli %add3A_293, %mul3A_309 : vector<16xi32>
        %add3A_311 = arith.addi %mul3A_310, %add3A_292 : vector<16xi32>
        %add3A_312 = arith.constant 0 : i32
        %add3A_313 = vector.broadcast %add3A_312 : i32 to vector<16xi32>
        %add3A_314 = arith.addi %add3A_311, %add3A_313 : vector<16xi32>
        %sub3A_315 = vector.broadcast %mul3A_32 : i32 to vector<16xi32>
        %sub3A_316 = arith.subi %add3A_314, %sub3A_315 : vector<16xi32>
        %ge3A_317 = arith.constant 0 : i32
        %ge3A_318 = vector.broadcast %ge3A_317 : i32 to vector<16xi32>
        %ge3A_319 = arith.cmpi sge, %add3A_292, %ge3A_318 : vector<16xi32>
        %lt3A_320 = arith.constant 100 : i32
        %lt3A_321 = vector.broadcast %lt3A_320 : i32 to vector<16xi32>
        %lt3A_322 = arith.cmpi slt, %add3A_292, %lt3A_321 : vector<16xi32>
        %and3A_323 = arith.andi %ge3A_319, %lt3A_322 : vector<16xi1>
        %ge3A_324 = arith.constant 0 : i32
        %ge3A_325 = vector.broadcast %ge3A_324 : i32 to vector<16xi32>
        %ge3A_326 = arith.cmpi sge, %add3A_293, %ge3A_325 : vector<16xi32>
        %and3A_327 = arith.andi %and3A_323, %ge3A_326 : vector<16xi1>
        %lt3A_328 = arith.constant 100 : i32
        %lt3A_329 = vector.broadcast %lt3A_328 : i32 to vector<16xi32>
        %lt3A_330 = arith.cmpi slt, %add3A_293, %lt3A_329 : vector<16xi32>
        %and3A_331 = arith.andi %and3A_327, %lt3A_330 : vector<16xi1>
        %ge3A_332 = arith.constant 0 : i32
        %ge3A_333 = vector.broadcast %ge3A_332 : i32 to vector<16xi32>
        %ge3A_334 = arith.cmpi sge, %sub3A_316, %ge3A_333 : vector<16xi32>
        %and3A_335 = arith.andi %and3A_331, %ge3A_334 : vector<16xi1>
        %lt3A_336 = arith.constant 1792 : i32
        %lt3A_337 = vector.broadcast %lt3A_336 : i32 to vector<16xi32>
        %lt3A_338 = arith.cmpi slt, %sub3A_316, %lt3A_337 : vector<16xi32>
        %and3A_339 = arith.andi %and3A_335, %lt3A_338 : vector<16xi1>
        %jit3A_340 = arith.constant 0 : i32
        %broadcast_in_dim3A_341 = vector.broadcast %jit3A_340 : i32 to vector<16xi32>
        %select_n3A_342 = arith.select %and3A_339, %sub3A_316, %broadcast_in_dim3A_341 : vector<16xi1>, vector<16xi32>
        %sub3A_343 = arith.subf %mul3A_300, %gather3A_263 : vector<16xf32>
        %sub3A_344 = arith.subf %mul3A_307, %gather3A_267 : vector<16xf32>
        %sub3A_345 = arith.subf %gather3A_271, %mul3A_300 : vector<16xf32>
        %sub3A_346 = arith.subf %gather3A_275, %mul3A_307 : vector<16xf32>
        %min3A_347 = arith.minimumf %sub3A_343, %sub3A_344 : vector<16xf32>
        %min3A_348 = arith.minimumf %sub3A_345, %sub3A_346 : vector<16xf32>
        %min3A_349 = arith.minimumf %min3A_347, %min3A_348 : vector<16xf32>
        %max3A_350 = arith.maximumf %sub3A_343, %sub3A_344 : vector<16xf32>
        %max3A_351 = arith.maximumf %sub3A_345, %sub3A_346 : vector<16xf32>
        %max3A_352 = arith.maximumf %max3A_350, %max3A_351 : vector<16xf32>
        %sub3A_353 = arith.subf %mul3A_300, %div3A_279 : vector<16xf32>
        %abs3A_354 = math.absf %sub3A_353 : vector<16xf32>
        %sub3A_355 = arith.subf %mul3A_307, %div3A_283 : vector<16xf32>
        %abs3A_356 = math.absf %sub3A_355 : vector<16xf32>
        %max3A_357 = arith.maximumf %abs3A_354, %abs3A_356 : vector<16xf32>
        %sub3A_358 = arith.constant -1.000000e+00 : f32
        %sub3A_359 = vector.broadcast %sub3A_358 : f32 to vector<16xf32>
        %sub3A_360 = arith.subf %max3A_352, %sub3A_359 : vector<16xf32>
        %sub3A_361 = arith.constant 1.200000e+01 : f32
        %sub3A_362 = vector.broadcast %sub3A_361 : f32 to vector<16xf32>
        %sub3A_363 = arith.subf %sub3A_362, %max3A_357 : vector<16xf32>
        %min3A_364 = arith.minimumf %sub3A_360, %sub3A_363 : vector<16xf32>
        %min3A_365 = arith.minimumf %min3A_349, %min3A_364 : vector<16xf32>
        %gt3A_366 = arith.constant 0.000000e+00 : f32
        %gt3A_367 = vector.broadcast %gt3A_366 : f32 to vector<16xf32>
        %gt3A_368 = arith.cmpf ogt, %min3A_365, %gt3A_367 : vector<16xf32>
        %le3A_369 = arith.constant 6.400000e+01 : f32
        %le3A_370 = vector.broadcast %le3A_369 : f32 to vector<16xf32>
        %le3A_371 = arith.cmpf ole, %max3A_352, %le3A_370 : vector<16xf32>
        %and3A_372 = arith.andi %gt3A_368, %le3A_371 : vector<16xi1>
        %and3A_373 = arith.andi %and3A_372, %and3A_339 : vector<16xi1>
        %add3A_374 = arith.addf %sub3A_343, %sub3A_345 : vector<16xf32>
        %add3A_375 = arith.addf %sub3A_344, %sub3A_346 : vector<16xf32>
        %mul3A_376 = arith.mulf %add3A_374, %add3A_375 : vector<16xf32>
        %gather3A_377 = tpu.vector_load_idx %arg23[%select_n3A_342] : memref<1792xf32, #tpu.memory_space<vmem>>[vector<16xi32>], vector<16xf32>,
        %lt3A_378 = arith.cmpf olt, %mul3A_376, %gather3A_377 : vector<16xf32>
        %and3A_379 = arith.andi %and3A_373, %lt3A_378 : vector<16xi1>
        tpu.vector_store_idx %arg23[%select_n3A_342], %mul3A_376 masked %and3A_379 : memref<1792xf32, #tpu.memory_space<vmem>>[vector<16xi32>], vector<16xf32>, vector<16xi1>
        tpu.vector_store_idx %arg24[%select_n3A_342], %broadcast_in_dim3A_259 masked %and3A_379 : memref<1792xi32, #tpu.memory_space<vmem>>[vector<16xi32>], vector<16xi32>, vector<16xi1>
        %scan3A_380 = arith.constant 2 : i32
        %scan3A_381 = arith.addi %scan3A_142, %scan3A_380 : i32
        %broadcast_in_dim3A_382 = vector.broadcast %scan3A_381 : i32 to vector<16xi32>
        %mul3A_383 = arith.constant 4 : i32
        %mul3A_384 = vector.broadcast %mul3A_383 : i32 to vector<16xi32>
        %mul3A_385 = arith.muli %broadcast_in_dim3A_382, %mul3A_384 : vector<16xi32>
        %gather3A_386 = tpu.vector_load_idx %arg21[%mul3A_385] : memref<256xf32, #tpu.memory_space<vmem>>[vector<16xi32>], vector<16xf32>,
        %add3A_387 = arith.constant 1 : i32
        %add3A_388 = vector.broadcast %add3A_387 : i32 to vector<16xi32>
        %add3A_389 = arith.addi %mul3A_385, %add3A_388 : vector<16xi32>
        %gather3A_390 = tpu.vector_load_idx %arg21[%add3A_389] : memref<256xf32, #tpu.memory_space<vmem>>[vector<16xi32>], vector<16xf32>,
        %add3A_391 = arith.constant 2 : i32
        %add3A_392 = vector.broadcast %add3A_391 : i32 to vector<16xi32>
        %add3A_393 = arith.addi %mul3A_385, %add3A_392 : vector<16xi32>
        %gather3A_394 = tpu.vector_load_idx %arg21[%add3A_393] : memref<256xf32, #tpu.memory_space<vmem>>[vector<16xi32>], vector<16xf32>,
        %add3A_395 = arith.constant 3 : i32
        %add3A_396 = vector.broadcast %add3A_395 : i32 to vector<16xi32>
        %add3A_397 = arith.addi %mul3A_385, %add3A_396 : vector<16xi32>
        %gather3A_398 = tpu.vector_load_idx %arg21[%add3A_397] : memref<256xf32, #tpu.memory_space<vmem>>[vector<16xi32>], vector<16xf32>,
        %add3A_399 = arith.addf %gather3A_386, %gather3A_394 : vector<16xf32>
        %div3A_400 = arith.constant 2.000000e+00 : f32
        %div3A_401 = vector.broadcast %div3A_400 : f32 to vector<16xf32>
        %div3A_402 = arith.divf %add3A_399, %div3A_401 : vector<16xf32>
        %add3A_403 = arith.addf %gather3A_390, %gather3A_398 : vector<16xf32>
        %div3A_404 = arith.constant 2.000000e+00 : f32
        %div3A_405 = vector.broadcast %div3A_404 : f32 to vector<16xf32>
        %div3A_406 = arith.divf %add3A_403, %div3A_405 : vector<16xf32>
        %mul3A_407 = arith.constant 1.250000e-01 : f32
        %mul3A_408 = vector.broadcast %mul3A_407 : f32 to vector<16xf32>
        %mul3A_409 = arith.mulf %div3A_402, %mul3A_408 : vector<16xf32>
        %convert_element_type3A_410 = arith.fptosi %mul3A_409 : vector<16xf32> to vector<16xi32>
        %mul3A_411 = arith.constant 1.250000e-01 : f32
        %mul3A_412 = vector.broadcast %mul3A_411 : f32 to vector<16xf32>
        %mul3A_413 = arith.mulf %div3A_406, %mul3A_412 : vector<16xf32>
        %convert_element_type3A_414 = arith.fptosi %mul3A_413 : vector<16xf32> to vector<16xi32>
        %add3A_415 = arith.addi %convert_element_type3A_410, %sub3A_58 : vector<16xi32>
        %add3A_416 = arith.addi %convert_element_type3A_414, %sub3A_63 : vector<16xi32>
        %convert_element_type3A_417 = arith.sitofp %add3A_415 : vector<16xi32> to vector<16xf32>
        %add3A_418 = arith.constant 5.000000e-01 : f32
        %add3A_419 = vector.broadcast %add3A_418 : f32 to vector<16xf32>
        %add3A_420 = arith.addf %convert_element_type3A_417, %add3A_419 : vector<16xf32>
        %mul3A_421 = arith.constant 8.000000e+00 : f32
        %mul3A_422 = vector.broadcast %mul3A_421 : f32 to vector<16xf32>
        %mul3A_423 = arith.mulf %add3A_420, %mul3A_422 : vector<16xf32>
        %convert_element_type3A_424 = arith.sitofp %add3A_416 : vector<16xi32> to vector<16xf32>
        %add3A_425 = arith.constant 5.000000e-01 : f32
        %add3A_426 = vector.broadcast %add3A_425 : f32 to vector<16xf32>
        %add3A_427 = arith.addf %convert_element_type3A_424, %add3A_426 : vector<16xf32>
        %mul3A_428 = arith.constant 8.000000e+00 : f32
        %mul3A_429 = vector.broadcast %mul3A_428 : f32 to vector<16xf32>
        %mul3A_430 = arith.mulf %add3A_427, %mul3A_429 : vector<16xf32>
        %mul3A_431 = arith.constant 100 : i32
        %mul3A_432 = vector.broadcast %mul3A_431 : i32 to vector<16xi32>
        %mul3A_433 = arith.muli %add3A_416, %mul3A_432 : vector<16xi32>
        %add3A_434 = arith.addi %mul3A_433, %add3A_415 : vector<16xi32>
        %add3A_435 = arith.constant 0 : i32
        %add3A_436 = vector.broadcast %add3A_435 : i32 to vector<16xi32>
        %add3A_437 = arith.addi %add3A_434, %add3A_436 : vector<16xi32>
        %sub3A_438 = vector.broadcast %mul3A_32 : i32 to vector<16xi32>
        %sub3A_439 = arith.subi %add3A_437, %sub3A_438 : vector<16xi32>
        %ge3A_440 = arith.constant 0 : i32
        %ge3A_441 = vector.broadcast %ge3A_440 : i32 to vector<16xi32>
        %ge3A_442 = arith.cmpi sge, %add3A_415, %ge3A_441 : vector<16xi32>
        %lt3A_443 = arith.constant 100 : i32
        %lt3A_444 = vector.broadcast %lt3A_443 : i32 to vector<16xi32>
        %lt3A_445 = arith.cmpi slt, %add3A_415, %lt3A_444 : vector<16xi32>
        %and3A_446 = arith.andi %ge3A_442, %lt3A_445 : vector<16xi1>
        %ge3A_447 = arith.constant 0 : i32
        %ge3A_448 = vector.broadcast %ge3A_447 : i32 to vector<16xi32>
        %ge3A_449 = arith.cmpi sge, %add3A_416, %ge3A_448 : vector<16xi32>
        %and3A_450 = arith.andi %and3A_446, %ge3A_449 : vector<16xi1>
        %lt3A_451 = arith.constant 100 : i32
        %lt3A_452 = vector.broadcast %lt3A_451 : i32 to vector<16xi32>
        %lt3A_453 = arith.cmpi slt, %add3A_416, %lt3A_452 : vector<16xi32>
        %and3A_454 = arith.andi %and3A_450, %lt3A_453 : vector<16xi1>
        %ge3A_455 = arith.constant 0 : i32
        %ge3A_456 = vector.broadcast %ge3A_455 : i32 to vector<16xi32>
        %ge3A_457 = arith.cmpi sge, %sub3A_439, %ge3A_456 : vector<16xi32>
        %and3A_458 = arith.andi %and3A_454, %ge3A_457 : vector<16xi1>
        %lt3A_459 = arith.constant 1792 : i32
        %lt3A_460 = vector.broadcast %lt3A_459 : i32 to vector<16xi32>
        %lt3A_461 = arith.cmpi slt, %sub3A_439, %lt3A_460 : vector<16xi32>
        %and3A_462 = arith.andi %and3A_458, %lt3A_461 : vector<16xi1>
        %jit3A_463 = arith.constant 0 : i32
        %broadcast_in_dim3A_464 = vector.broadcast %jit3A_463 : i32 to vector<16xi32>
        %select_n3A_465 = arith.select %and3A_462, %sub3A_439, %broadcast_in_dim3A_464 : vector<16xi1>, vector<16xi32>
        %sub3A_466 = arith.subf %mul3A_423, %gather3A_386 : vector<16xf32>
        %sub3A_467 = arith.subf %mul3A_430, %gather3A_390 : vector<16xf32>
        %sub3A_468 = arith.subf %gather3A_394, %mul3A_423 : vector<16xf32>
        %sub3A_469 = arith.subf %gather3A_398, %mul3A_430 : vector<16xf32>
        %min3A_470 = arith.minimumf %sub3A_466, %sub3A_467 : vector<16xf32>
        %min3A_471 = arith.minimumf %sub3A_468, %sub3A_469 : vector<16xf32>
        %min3A_472 = arith.minimumf %min3A_470, %min3A_471 : vector<16xf32>
        %max3A_473 = arith.maximumf %sub3A_466, %sub3A_467 : vector<16xf32>
        %max3A_474 = arith.maximumf %sub3A_468, %sub3A_469 : vector<16xf32>
        %max3A_475 = arith.maximumf %max3A_473, %max3A_474 : vector<16xf32>
        %sub3A_476 = arith.subf %mul3A_423, %div3A_402 : vector<16xf32>
        %abs3A_477 = math.absf %sub3A_476 : vector<16xf32>
        %sub3A_478 = arith.subf %mul3A_430, %div3A_406 : vector<16xf32>
        %abs3A_479 = math.absf %sub3A_478 : vector<16xf32>
        %max3A_480 = arith.maximumf %abs3A_477, %abs3A_479 : vector<16xf32>
        %sub3A_481 = arith.constant -1.000000e+00 : f32
        %sub3A_482 = vector.broadcast %sub3A_481 : f32 to vector<16xf32>
        %sub3A_483 = arith.subf %max3A_475, %sub3A_482 : vector<16xf32>
        %sub3A_484 = arith.constant 1.200000e+01 : f32
        %sub3A_485 = vector.broadcast %sub3A_484 : f32 to vector<16xf32>
        %sub3A_486 = arith.subf %sub3A_485, %max3A_480 : vector<16xf32>
        %min3A_487 = arith.minimumf %sub3A_483, %sub3A_486 : vector<16xf32>
        %min3A_488 = arith.minimumf %min3A_472, %min3A_487 : vector<16xf32>
        %gt3A_489 = arith.constant 0.000000e+00 : f32
        %gt3A_490 = vector.broadcast %gt3A_489 : f32 to vector<16xf32>
        %gt3A_491 = arith.cmpf ogt, %min3A_488, %gt3A_490 : vector<16xf32>
        %le3A_492 = arith.constant 6.400000e+01 : f32
        %le3A_493 = vector.broadcast %le3A_492 : f32 to vector<16xf32>
        %le3A_494 = arith.cmpf ole, %max3A_475, %le3A_493 : vector<16xf32>
        %and3A_495 = arith.andi %gt3A_491, %le3A_494 : vector<16xi1>
        %and3A_496 = arith.andi %and3A_495, %and3A_462 : vector<16xi1>
        %add3A_497 = arith.addf %sub3A_466, %sub3A_468 : vector<16xf32>
        %add3A_498 = arith.addf %sub3A_467, %sub3A_469 : vector<16xf32>
        %mul3A_499 = arith.mulf %add3A_497, %add3A_498 : vector<16xf32>
        %gather3A_500 = tpu.vector_load_idx %arg23[%select_n3A_465] : memref<1792xf32, #tpu.memory_space<vmem>>[vector<16xi32>], vector<16xf32>,
        %lt3A_501 = arith.cmpf olt, %mul3A_499, %gather3A_500 : vector<16xf32>
        %and3A_502 = arith.andi %and3A_496, %lt3A_501 : vector<16xi1>
        tpu.vector_store_idx %arg23[%select_n3A_465], %mul3A_499 masked %and3A_502 : memref<1792xf32, #tpu.memory_space<vmem>>[vector<16xi32>], vector<16xf32>, vector<16xi1>
        tpu.vector_store_idx %arg24[%select_n3A_465], %broadcast_in_dim3A_382 masked %and3A_502 : memref<1792xi32, #tpu.memory_space<vmem>>[vector<16xi32>], vector<16xi32>, vector<16xi1>
        %scan3A_503 = arith.constant 3 : i32
        %scan3A_504 = arith.addi %scan3A_142, %scan3A_503 : i32
        %broadcast_in_dim3A_505 = vector.broadcast %scan3A_504 : i32 to vector<16xi32>
        %mul3A_506 = arith.constant 4 : i32
        %mul3A_507 = vector.broadcast %mul3A_506 : i32 to vector<16xi32>
        %mul3A_508 = arith.muli %broadcast_in_dim3A_505, %mul3A_507 : vector<16xi32>
        %gather3A_509 = tpu.vector_load_idx %arg21[%mul3A_508] : memref<256xf32, #tpu.memory_space<vmem>>[vector<16xi32>], vector<16xf32>,
        %add3A_510 = arith.constant 1 : i32
        %add3A_511 = vector.broadcast %add3A_510 : i32 to vector<16xi32>
        %add3A_512 = arith.addi %mul3A_508, %add3A_511 : vector<16xi32>
        %gather3A_513 = tpu.vector_load_idx %arg21[%add3A_512] : memref<256xf32, #tpu.memory_space<vmem>>[vector<16xi32>], vector<16xf32>,
        %add3A_514 = arith.constant 2 : i32
        %add3A_515 = vector.broadcast %add3A_514 : i32 to vector<16xi32>
        %add3A_516 = arith.addi %mul3A_508, %add3A_515 : vector<16xi32>
        %gather3A_517 = tpu.vector_load_idx %arg21[%add3A_516] : memref<256xf32, #tpu.memory_space<vmem>>[vector<16xi32>], vector<16xf32>,
        %add3A_518 = arith.constant 3 : i32
        %add3A_519 = vector.broadcast %add3A_518 : i32 to vector<16xi32>
        %add3A_520 = arith.addi %mul3A_508, %add3A_519 : vector<16xi32>
        %gather3A_521 = tpu.vector_load_idx %arg21[%add3A_520] : memref<256xf32, #tpu.memory_space<vmem>>[vector<16xi32>], vector<16xf32>,
        %add3A_522 = arith.addf %gather3A_509, %gather3A_517 : vector<16xf32>
        %div3A_523 = arith.constant 2.000000e+00 : f32
        %div3A_524 = vector.broadcast %div3A_523 : f32 to vector<16xf32>
        %div3A_525 = arith.divf %add3A_522, %div3A_524 : vector<16xf32>
        %add3A_526 = arith.addf %gather3A_513, %gather3A_521 : vector<16xf32>
        %div3A_527 = arith.constant 2.000000e+00 : f32
        %div3A_528 = vector.broadcast %div3A_527 : f32 to vector<16xf32>
        %div3A_529 = arith.divf %add3A_526, %div3A_528 : vector<16xf32>
        %mul3A_530 = arith.constant 1.250000e-01 : f32
        %mul3A_531 = vector.broadcast %mul3A_530 : f32 to vector<16xf32>
        %mul3A_532 = arith.mulf %div3A_525, %mul3A_531 : vector<16xf32>
        %convert_element_type3A_533 = arith.fptosi %mul3A_532 : vector<16xf32> to vector<16xi32>
        %mul3A_534 = arith.constant 1.250000e-01 : f32
        %mul3A_535 = vector.broadcast %mul3A_534 : f32 to vector<16xf32>
        %mul3A_536 = arith.mulf %div3A_529, %mul3A_535 : vector<16xf32>
        %convert_element_type3A_537 = arith.fptosi %mul3A_536 : vector<16xf32> to vector<16xi32>
        %add3A_538 = arith.addi %convert_element_type3A_533, %sub3A_58 : vector<16xi32>
        %add3A_539 = arith.addi %convert_element_type3A_537, %sub3A_63 : vector<16xi32>
        %convert_element_type3A_540 = arith.sitofp %add3A_538 : vector<16xi32> to vector<16xf32>
        %add3A_541 = arith.constant 5.000000e-01 : f32
        %add3A_542 = vector.broadcast %add3A_541 : f32 to vector<16xf32>
        %add3A_543 = arith.addf %convert_element_type3A_540, %add3A_542 : vector<16xf32>
        %mul3A_544 = arith.constant 8.000000e+00 : f32
        %mul3A_545 = vector.broadcast %mul3A_544 : f32 to vector<16xf32>
        %mul3A_546 = arith.mulf %add3A_543, %mul3A_545 : vector<16xf32>
        %convert_element_type3A_547 = arith.sitofp %add3A_539 : vector<16xi32> to vector<16xf32>
        %add3A_548 = arith.constant 5.000000e-01 : f32
        %add3A_549 = vector.broadcast %add3A_548 : f32 to vector<16xf32>
        %add3A_550 = arith.addf %convert_element_type3A_547, %add3A_549 : vector<16xf32>
        %mul3A_551 = arith.constant 8.000000e+00 : f32
        %mul3A_552 = vector.broadcast %mul3A_551 : f32 to vector<16xf32>
        %mul3A_553 = arith.mulf %add3A_550, %mul3A_552 : vector<16xf32>
        %mul3A_554 = arith.constant 100 : i32
        %mul3A_555 = vector.broadcast %mul3A_554 : i32 to vector<16xi32>
        %mul3A_556 = arith.muli %add3A_539, %mul3A_555 : vector<16xi32>
        %add3A_557 = arith.addi %mul3A_556, %add3A_538 : vector<16xi32>
        %add3A_558 = arith.constant 0 : i32
        %add3A_559 = vector.broadcast %add3A_558 : i32 to vector<16xi32>
        %add3A_560 = arith.addi %add3A_557, %add3A_559 : vector<16xi32>
        %sub3A_561 = vector.broadcast %mul3A_32 : i32 to vector<16xi32>
        %sub3A_562 = arith.subi %add3A_560, %sub3A_561 : vector<16xi32>
        %ge3A_563 = arith.constant 0 : i32
        %ge3A_564 = vector.broadcast %ge3A_563 : i32 to vector<16xi32>
        %ge3A_565 = arith.cmpi sge, %add3A_538, %ge3A_564 : vector<16xi32>
        %lt3A_566 = arith.constant 100 : i32
        %lt3A_567 = vector.broadcast %lt3A_566 : i32 to vector<16xi32>
        %lt3A_568 = arith.cmpi slt, %add3A_538, %lt3A_567 : vector<16xi32>
        %and3A_569 = arith.andi %ge3A_565, %lt3A_568 : vector<16xi1>
        %ge3A_570 = arith.constant 0 : i32
        %ge3A_571 = vector.broadcast %ge3A_570 : i32 to vector<16xi32>
        %ge3A_572 = arith.cmpi sge, %add3A_539, %ge3A_571 : vector<16xi32>
        %and3A_573 = arith.andi %and3A_569, %ge3A_572 : vector<16xi1>
        %lt3A_574 = arith.constant 100 : i32
        %lt3A_575 = vector.broadcast %lt3A_574 : i32 to vector<16xi32>
        %lt3A_576 = arith.cmpi slt, %add3A_539, %lt3A_575 : vector<16xi32>
        %and3A_577 = arith.andi %and3A_573, %lt3A_576 : vector<16xi1>
        %ge3A_578 = arith.constant 0 : i32
        %ge3A_579 = vector.broadcast %ge3A_578 : i32 to vector<16xi32>
        %ge3A_580 = arith.cmpi sge, %sub3A_562, %ge3A_579 : vector<16xi32>
        %and3A_581 = arith.andi %and3A_577, %ge3A_580 : vector<16xi1>
        %lt3A_582 = arith.constant 1792 : i32
        %lt3A_583 = vector.broadcast %lt3A_582 : i32 to vector<16xi32>
        %lt3A_584 = arith.cmpi slt, %sub3A_562, %lt3A_583 : vector<16xi32>
        %and3A_585 = arith.andi %and3A_581, %lt3A_584 : vector<16xi1>
        %jit3A_586 = arith.constant 0 : i32
        %broadcast_in_dim3A_587 = vector.broadcast %jit3A_586 : i32 to vector<16xi32>
        %select_n3A_588 = arith.select %and3A_585, %sub3A_562, %broadcast_in_dim3A_587 : vector<16xi1>, vector<16xi32>
        %sub3A_589 = arith.subf %mul3A_546, %gather3A_509 : vector<16xf32>
        %sub3A_590 = arith.subf %mul3A_553, %gather3A_513 : vector<16xf32>
        %sub3A_591 = arith.subf %gather3A_517, %mul3A_546 : vector<16xf32>
        %sub3A_592 = arith.subf %gather3A_521, %mul3A_553 : vector<16xf32>
        %min3A_593 = arith.minimumf %sub3A_589, %sub3A_590 : vector<16xf32>
        %min3A_594 = arith.minimumf %sub3A_591, %sub3A_592 : vector<16xf32>
        %min3A_595 = arith.minimumf %min3A_593, %min3A_594 : vector<16xf32>
        %max3A_596 = arith.maximumf %sub3A_589, %sub3A_590 : vector<16xf32>
        %max3A_597 = arith.maximumf %sub3A_591, %sub3A_592 : vector<16xf32>
        %max3A_598 = arith.maximumf %max3A_596, %max3A_597 : vector<16xf32>
        %sub3A_599 = arith.subf %mul3A_546, %div3A_525 : vector<16xf32>
        %abs3A_600 = math.absf %sub3A_599 : vector<16xf32>
        %sub3A_601 = arith.subf %mul3A_553, %div3A_529 : vector<16xf32>
        %abs3A_602 = math.absf %sub3A_601 : vector<16xf32>
        %max3A_603 = arith.maximumf %abs3A_600, %abs3A_602 : vector<16xf32>
        %sub3A_604 = arith.constant -1.000000e+00 : f32
        %sub3A_605 = vector.broadcast %sub3A_604 : f32 to vector<16xf32>
        %sub3A_606 = arith.subf %max3A_598, %sub3A_605 : vector<16xf32>
        %sub3A_607 = arith.constant 1.200000e+01 : f32
        %sub3A_608 = vector.broadcast %sub3A_607 : f32 to vector<16xf32>
        %sub3A_609 = arith.subf %sub3A_608, %max3A_603 : vector<16xf32>
        %min3A_610 = arith.minimumf %sub3A_606, %sub3A_609 : vector<16xf32>
        %min3A_611 = arith.minimumf %min3A_595, %min3A_610 : vector<16xf32>
        %gt3A_612 = arith.constant 0.000000e+00 : f32
        %gt3A_613 = vector.broadcast %gt3A_612 : f32 to vector<16xf32>
        %gt3A_614 = arith.cmpf ogt, %min3A_611, %gt3A_613 : vector<16xf32>
        %le3A_615 = arith.constant 6.400000e+01 : f32
        %le3A_616 = vector.broadcast %le3A_615 : f32 to vector<16xf32>
        %le3A_617 = arith.cmpf ole, %max3A_598, %le3A_616 : vector<16xf32>
        %and3A_618 = arith.andi %gt3A_614, %le3A_617 : vector<16xi1>
        %and3A_619 = arith.andi %and3A_618, %and3A_585 : vector<16xi1>
        %add3A_620 = arith.addf %sub3A_589, %sub3A_591 : vector<16xf32>
        %add3A_621 = arith.addf %sub3A_590, %sub3A_592 : vector<16xf32>
        %mul3A_622 = arith.mulf %add3A_620, %add3A_621 : vector<16xf32>
        %gather3A_623 = tpu.vector_load_idx %arg23[%select_n3A_588] : memref<1792xf32, #tpu.memory_space<vmem>>[vector<16xi32>], vector<16xf32>,
        %lt3A_624 = arith.cmpf olt, %mul3A_622, %gather3A_623 : vector<16xf32>
        %and3A_625 = arith.andi %and3A_619, %lt3A_624 : vector<16xi1>
        tpu.vector_store_idx %arg23[%select_n3A_588], %mul3A_622 masked %and3A_625 : memref<1792xf32, #tpu.memory_space<vmem>>[vector<16xi32>], vector<16xf32>, vector<16xi1>
        tpu.vector_store_idx %arg24[%select_n3A_588], %broadcast_in_dim3A_505 masked %and3A_625 : memref<1792xi32, #tpu.memory_space<vmem>>[vector<16xi32>], vector<16xi32>, vector<16xi1>
      }
      %scan3A_141 = arith.constant 64 : i32
    } else {
    }
    %lt3A_71 = arith.constant 12612 : i32
    %lt3A_72 = arith.cmpi slt, %mul3A_32, %lt3A_71 : i32
    %add3A_73 = arith.constant 1792 : i32
    %add3A_74 = arith.addi %mul3A_32, %add3A_73 : i32
    %gt3A_75 = arith.constant 10112 : i32
    %gt3A_76 = arith.cmpi sgt, %add3A_74, %gt3A_75 : i32
    %and3A_77 = arith.andi %lt3A_72, %gt3A_76 : i1
    %convert_element_type3A_78 = arith.extui %and3A_77 : i1 to i32
    %cond3A_79 = arith.constant 0 : i32
    %cond3A_80 = arith.cmpi ne, %convert_element_type3A_78, %cond3A_79 : i32
    scf.if %cond3A_80 {
      %scan3A = arith.constant 0 : i32
      %scan3A_137 = arith.constant 0 : i32
      %scan3A_138 = arith.constant 64 : i32
      %scan3A_139 = arith.addi %scan3A_137, %scan3A_138 : i32
      %scan3A_140 = arith.constant 4 : i32
      scf.for %scan3A_142 = %scan3A_137 to %scan3A_139 step %scan3A_140  : i32 {
        %broadcast_in_dim3A = vector.broadcast %scan3A_142 : i32 to vector<16xi32>
        %mul3A_143 = arith.constant 4 : i32
        %mul3A_144 = vector.broadcast %mul3A_143 : i32 to vector<16xi32>
        %mul3A_145 = arith.muli %broadcast_in_dim3A, %mul3A_144 : vector<16xi32>
        %gather3A = tpu.vector_load_idx %arg21[%mul3A_145] : memref<256xf32, #tpu.memory_space<vmem>>[vector<16xi32>], vector<16xf32>,
        %add3A_146 = arith.constant 1 : i32
        %add3A_147 = vector.broadcast %add3A_146 : i32 to vector<16xi32>
        %add3A_148 = arith.addi %mul3A_145, %add3A_147 : vector<16xi32>
        %gather3A_149 = tpu.vector_load_idx %arg21[%add3A_148] : memref<256xf32, #tpu.memory_space<vmem>>[vector<16xi32>], vector<16xf32>,
        %add3A_150 = arith.constant 2 : i32
        %add3A_151 = vector.broadcast %add3A_150 : i32 to vector<16xi32>
        %add3A_152 = arith.addi %mul3A_145, %add3A_151 : vector<16xi32>
        %gather3A_153 = tpu.vector_load_idx %arg21[%add3A_152] : memref<256xf32, #tpu.memory_space<vmem>>[vector<16xi32>], vector<16xf32>,
        %add3A_154 = arith.constant 3 : i32
        %add3A_155 = vector.broadcast %add3A_154 : i32 to vector<16xi32>
        %add3A_156 = arith.addi %mul3A_145, %add3A_155 : vector<16xi32>
        %gather3A_157 = tpu.vector_load_idx %arg21[%add3A_156] : memref<256xf32, #tpu.memory_space<vmem>>[vector<16xi32>], vector<16xf32>,
        %add3A_158 = arith.addf %gather3A, %gather3A_153 : vector<16xf32>
        %div3A_159 = arith.constant 2.000000e+00 : f32
        %div3A_160 = vector.broadcast %div3A_159 : f32 to vector<16xf32>
        %div3A_161 = arith.divf %add3A_158, %div3A_160 : vector<16xf32>
        %add3A_162 = arith.addf %gather3A_149, %gather3A_157 : vector<16xf32>
        %div3A_163 = arith.constant 2.000000e+00 : f32
        %div3A_164 = vector.broadcast %div3A_163 : f32 to vector<16xf32>
        %div3A_165 = arith.divf %add3A_162, %div3A_164 : vector<16xf32>
        %mul3A_166 = arith.constant 6.250000e-02 : f32
        %mul3A_167 = vector.broadcast %mul3A_166 : f32 to vector<16xf32>
        %mul3A_168 = arith.mulf %div3A_161, %mul3A_167 : vector<16xf32>
        %convert_element_type3A_169 = arith.fptosi %mul3A_168 : vector<16xf32> to vector<16xi32>
        %mul3A_170 = arith.constant 6.250000e-02 : f32
        %mul3A_171 = vector.broadcast %mul3A_170 : f32 to vector<16xf32>
        %mul3A_172 = arith.mulf %div3A_165, %mul3A_171 : vector<16xf32>
        %convert_element_type3A_173 = arith.fptosi %mul3A_172 : vector<16xf32> to vector<16xi32>
        %add3A_174 = arith.addi %convert_element_type3A_169, %sub3A_58 : vector<16xi32>
        %add3A_175 = arith.addi %convert_element_type3A_173, %sub3A_63 : vector<16xi32>
        %convert_element_type3A_176 = arith.sitofp %add3A_174 : vector<16xi32> to vector<16xf32>
        %add3A_177 = arith.constant 5.000000e-01 : f32
        %add3A_178 = vector.broadcast %add3A_177 : f32 to vector<16xf32>
        %add3A_179 = arith.addf %convert_element_type3A_176, %add3A_178 : vector<16xf32>
        %mul3A_180 = arith.constant 1.600000e+01 : f32
        %mul3A_181 = vector.broadcast %mul3A_180 : f32 to vector<16xf32>
        %mul3A_182 = arith.mulf %add3A_179, %mul3A_181 : vector<16xf32>
        %convert_element_type3A_183 = arith.sitofp %add3A_175 : vector<16xi32> to vector<16xf32>
        %add3A_184 = arith.constant 5.000000e-01 : f32
        %add3A_185 = vector.broadcast %add3A_184 : f32 to vector<16xf32>
        %add3A_186 = arith.addf %convert_element_type3A_183, %add3A_185 : vector<16xf32>
        %mul3A_187 = arith.constant 1.600000e+01 : f32
        %mul3A_188 = vector.broadcast %mul3A_187 : f32 to vector<16xf32>
        %mul3A_189 = arith.mulf %add3A_186, %mul3A_188 : vector<16xf32>
        %mul3A_190 = arith.constant 50 : i32
        %mul3A_191 = vector.broadcast %mul3A_190 : i32 to vector<16xi32>
        %mul3A_192 = arith.muli %add3A_175, %mul3A_191 : vector<16xi32>
        %add3A_193 = arith.addi %mul3A_192, %add3A_174 : vector<16xi32>
        %add3A_194 = arith.constant 10112 : i32
        %add3A_195 = vector.broadcast %add3A_194 : i32 to vector<16xi32>
        %add3A_196 = arith.addi %add3A_193, %add3A_195 : vector<16xi32>
        %sub3A_197 = vector.broadcast %mul3A_32 : i32 to vector<16xi32>
        %sub3A_198 = arith.subi %add3A_196, %sub3A_197 : vector<16xi32>
        %ge3A = arith.constant 0 : i32
        %ge3A_199 = vector.broadcast %ge3A : i32 to vector<16xi32>
        %ge3A_200 = arith.cmpi sge, %add3A_174, %ge3A_199 : vector<16xi32>
        %lt3A_201 = arith.constant 50 : i32
        %lt3A_202 = vector.broadcast %lt3A_201 : i32 to vector<16xi32>
        %lt3A_203 = arith.cmpi slt, %add3A_174, %lt3A_202 : vector<16xi32>
        %and3A_204 = arith.andi %ge3A_200, %lt3A_203 : vector<16xi1>
        %ge3A_205 = arith.constant 0 : i32
        %ge3A_206 = vector.broadcast %ge3A_205 : i32 to vector<16xi32>
        %ge3A_207 = arith.cmpi sge, %add3A_175, %ge3A_206 : vector<16xi32>
        %and3A_208 = arith.andi %and3A_204, %ge3A_207 : vector<16xi1>
        %lt3A_209 = arith.constant 50 : i32
        %lt3A_210 = vector.broadcast %lt3A_209 : i32 to vector<16xi32>
        %lt3A_211 = arith.cmpi slt, %add3A_175, %lt3A_210 : vector<16xi32>
        %and3A_212 = arith.andi %and3A_208, %lt3A_211 : vector<16xi1>
        %ge3A_213 = arith.constant 0 : i32
        %ge3A_214 = vector.broadcast %ge3A_213 : i32 to vector<16xi32>
        %ge3A_215 = arith.cmpi sge, %sub3A_198, %ge3A_214 : vector<16xi32>
        %and3A_216 = arith.andi %and3A_212, %ge3A_215 : vector<16xi1>
        %lt3A_217 = arith.constant 1792 : i32
        %lt3A_218 = vector.broadcast %lt3A_217 : i32 to vector<16xi32>
        %lt3A_219 = arith.cmpi slt, %sub3A_198, %lt3A_218 : vector<16xi32>
        %and3A_220 = arith.andi %and3A_216, %lt3A_219 : vector<16xi1>
        %jit3A_221 = arith.constant 0 : i32
        %broadcast_in_dim3A_222 = vector.broadcast %jit3A_221 : i32 to vector<16xi32>
        %select_n3A_223 = arith.select %and3A_220, %sub3A_198, %broadcast_in_dim3A_222 : vector<16xi1>, vector<16xi32>
        %sub3A_224 = arith.subf %mul3A_182, %gather3A : vector<16xf32>
        %sub3A_225 = arith.subf %mul3A_189, %gather3A_149 : vector<16xf32>
        %sub3A_226 = arith.subf %gather3A_153, %mul3A_182 : vector<16xf32>
        %sub3A_227 = arith.subf %gather3A_157, %mul3A_189 : vector<16xf32>
        %min3A = arith.minimumf %sub3A_224, %sub3A_225 : vector<16xf32>
        %min3A_228 = arith.minimumf %sub3A_226, %sub3A_227 : vector<16xf32>
        %min3A_229 = arith.minimumf %min3A, %min3A_228 : vector<16xf32>
        %max3A = arith.maximumf %sub3A_224, %sub3A_225 : vector<16xf32>
        %max3A_230 = arith.maximumf %sub3A_226, %sub3A_227 : vector<16xf32>
        %max3A_231 = arith.maximumf %max3A, %max3A_230 : vector<16xf32>
        %sub3A_232 = arith.subf %mul3A_182, %div3A_161 : vector<16xf32>
        %abs3A = math.absf %sub3A_232 : vector<16xf32>
        %sub3A_233 = arith.subf %mul3A_189, %div3A_165 : vector<16xf32>
        %abs3A_234 = math.absf %sub3A_233 : vector<16xf32>
        %max3A_235 = arith.maximumf %abs3A, %abs3A_234 : vector<16xf32>
        %sub3A_236 = arith.constant 6.400000e+01 : f32
        %sub3A_237 = vector.broadcast %sub3A_236 : f32 to vector<16xf32>
        %sub3A_238 = arith.subf %max3A_231, %sub3A_237 : vector<16xf32>
        %sub3A_239 = arith.constant 2.400000e+01 : f32
        %sub3A_240 = vector.broadcast %sub3A_239 : f32 to vector<16xf32>
        %sub3A_241 = arith.subf %sub3A_240, %max3A_235 : vector<16xf32>
        %min3A_242 = arith.minimumf %sub3A_238, %sub3A_241 : vector<16xf32>
        %min3A_243 = arith.minimumf %min3A_229, %min3A_242 : vector<16xf32>
        %gt3A_244 = arith.constant 0.000000e+00 : f32
        %gt3A_245 = vector.broadcast %gt3A_244 : f32 to vector<16xf32>
        %gt3A_246 = arith.cmpf ogt, %min3A_243, %gt3A_245 : vector<16xf32>
        %le3A = arith.constant 1.280000e+02 : f32
        %le3A_247 = vector.broadcast %le3A : f32 to vector<16xf32>
        %le3A_248 = arith.cmpf ole, %max3A_231, %le3A_247 : vector<16xf32>
        %and3A_249 = arith.andi %gt3A_246, %le3A_248 : vector<16xi1>
        %and3A_250 = arith.andi %and3A_249, %and3A_220 : vector<16xi1>
        %add3A_251 = arith.addf %sub3A_224, %sub3A_226 : vector<16xf32>
        %add3A_252 = arith.addf %sub3A_225, %sub3A_227 : vector<16xf32>
        %mul3A_253 = arith.mulf %add3A_251, %add3A_252 : vector<16xf32>
        %gather3A_254 = tpu.vector_load_idx %arg23[%select_n3A_223] : memref<1792xf32, #tpu.memory_space<vmem>>[vector<16xi32>], vector<16xf32>,
        %lt3A_255 = arith.cmpf olt, %mul3A_253, %gather3A_254 : vector<16xf32>
        %and3A_256 = arith.andi %and3A_250, %lt3A_255 : vector<16xi1>
        tpu.vector_store_idx %arg23[%select_n3A_223], %mul3A_253 masked %and3A_256 : memref<1792xf32, #tpu.memory_space<vmem>>[vector<16xi32>], vector<16xf32>, vector<16xi1>
        tpu.vector_store_idx %arg24[%select_n3A_223], %broadcast_in_dim3A masked %and3A_256 : memref<1792xi32, #tpu.memory_space<vmem>>[vector<16xi32>], vector<16xi32>, vector<16xi1>
        %scan3A_257 = arith.constant 1 : i32
        %scan3A_258 = arith.addi %scan3A_142, %scan3A_257 : i32
        %broadcast_in_dim3A_259 = vector.broadcast %scan3A_258 : i32 to vector<16xi32>
        %mul3A_260 = arith.constant 4 : i32
        %mul3A_261 = vector.broadcast %mul3A_260 : i32 to vector<16xi32>
        %mul3A_262 = arith.muli %broadcast_in_dim3A_259, %mul3A_261 : vector<16xi32>
        %gather3A_263 = tpu.vector_load_idx %arg21[%mul3A_262] : memref<256xf32, #tpu.memory_space<vmem>>[vector<16xi32>], vector<16xf32>,
        %add3A_264 = arith.constant 1 : i32
        %add3A_265 = vector.broadcast %add3A_264 : i32 to vector<16xi32>
        %add3A_266 = arith.addi %mul3A_262, %add3A_265 : vector<16xi32>
        %gather3A_267 = tpu.vector_load_idx %arg21[%add3A_266] : memref<256xf32, #tpu.memory_space<vmem>>[vector<16xi32>], vector<16xf32>,
        %add3A_268 = arith.constant 2 : i32
        %add3A_269 = vector.broadcast %add3A_268 : i32 to vector<16xi32>
        %add3A_270 = arith.addi %mul3A_262, %add3A_269 : vector<16xi32>
        %gather3A_271 = tpu.vector_load_idx %arg21[%add3A_270] : memref<256xf32, #tpu.memory_space<vmem>>[vector<16xi32>], vector<16xf32>,
        %add3A_272 = arith.constant 3 : i32
        %add3A_273 = vector.broadcast %add3A_272 : i32 to vector<16xi32>
        %add3A_274 = arith.addi %mul3A_262, %add3A_273 : vector<16xi32>
        %gather3A_275 = tpu.vector_load_idx %arg21[%add3A_274] : memref<256xf32, #tpu.memory_space<vmem>>[vector<16xi32>], vector<16xf32>,
        %add3A_276 = arith.addf %gather3A_263, %gather3A_271 : vector<16xf32>
        %div3A_277 = arith.constant 2.000000e+00 : f32
        %div3A_278 = vector.broadcast %div3A_277 : f32 to vector<16xf32>
        %div3A_279 = arith.divf %add3A_276, %div3A_278 : vector<16xf32>
        %add3A_280 = arith.addf %gather3A_267, %gather3A_275 : vector<16xf32>
        %div3A_281 = arith.constant 2.000000e+00 : f32
        %div3A_282 = vector.broadcast %div3A_281 : f32 to vector<16xf32>
        %div3A_283 = arith.divf %add3A_280, %div3A_282 : vector<16xf32>
        %mul3A_284 = arith.constant 6.250000e-02 : f32
        %mul3A_285 = vector.broadcast %mul3A_284 : f32 to vector<16xf32>
        %mul3A_286 = arith.mulf %div3A_279, %mul3A_285 : vector<16xf32>
        %convert_element_type3A_287 = arith.fptosi %mul3A_286 : vector<16xf32> to vector<16xi32>
        %mul3A_288 = arith.constant 6.250000e-02 : f32
        %mul3A_289 = vector.broadcast %mul3A_288 : f32 to vector<16xf32>
        %mul3A_290 = arith.mulf %div3A_283, %mul3A_289 : vector<16xf32>
        %convert_element_type3A_291 = arith.fptosi %mul3A_290 : vector<16xf32> to vector<16xi32>
        %add3A_292 = arith.addi %convert_element_type3A_287, %sub3A_58 : vector<16xi32>
        %add3A_293 = arith.addi %convert_element_type3A_291, %sub3A_63 : vector<16xi32>
        %convert_element_type3A_294 = arith.sitofp %add3A_292 : vector<16xi32> to vector<16xf32>
        %add3A_295 = arith.constant 5.000000e-01 : f32
        %add3A_296 = vector.broadcast %add3A_295 : f32 to vector<16xf32>
        %add3A_297 = arith.addf %convert_element_type3A_294, %add3A_296 : vector<16xf32>
        %mul3A_298 = arith.constant 1.600000e+01 : f32
        %mul3A_299 = vector.broadcast %mul3A_298 : f32 to vector<16xf32>
        %mul3A_300 = arith.mulf %add3A_297, %mul3A_299 : vector<16xf32>
        %convert_element_type3A_301 = arith.sitofp %add3A_293 : vector<16xi32> to vector<16xf32>
        %add3A_302 = arith.constant 5.000000e-01 : f32
        %add3A_303 = vector.broadcast %add3A_302 : f32 to vector<16xf32>
        %add3A_304 = arith.addf %convert_element_type3A_301, %add3A_303 : vector<16xf32>
        %mul3A_305 = arith.constant 1.600000e+01 : f32
        %mul3A_306 = vector.broadcast %mul3A_305 : f32 to vector<16xf32>
        %mul3A_307 = arith.mulf %add3A_304, %mul3A_306 : vector<16xf32>
        %mul3A_308 = arith.constant 50 : i32
        %mul3A_309 = vector.broadcast %mul3A_308 : i32 to vector<16xi32>
        %mul3A_310 = arith.muli %add3A_293, %mul3A_309 : vector<16xi32>
        %add3A_311 = arith.addi %mul3A_310, %add3A_292 : vector<16xi32>
        %add3A_312 = arith.constant 10112 : i32
        %add3A_313 = vector.broadcast %add3A_312 : i32 to vector<16xi32>
        %add3A_314 = arith.addi %add3A_311, %add3A_313 : vector<16xi32>
        %sub3A_315 = vector.broadcast %mul3A_32 : i32 to vector<16xi32>
        %sub3A_316 = arith.subi %add3A_314, %sub3A_315 : vector<16xi32>
        %ge3A_317 = arith.constant 0 : i32
        %ge3A_318 = vector.broadcast %ge3A_317 : i32 to vector<16xi32>
        %ge3A_319 = arith.cmpi sge, %add3A_292, %ge3A_318 : vector<16xi32>
        %lt3A_320 = arith.constant 50 : i32
        %lt3A_321 = vector.broadcast %lt3A_320 : i32 to vector<16xi32>
        %lt3A_322 = arith.cmpi slt, %add3A_292, %lt3A_321 : vector<16xi32>
        %and3A_323 = arith.andi %ge3A_319, %lt3A_322 : vector<16xi1>
        %ge3A_324 = arith.constant 0 : i32
        %ge3A_325 = vector.broadcast %ge3A_324 : i32 to vector<16xi32>
        %ge3A_326 = arith.cmpi sge, %add3A_293, %ge3A_325 : vector<16xi32>
        %and3A_327 = arith.andi %and3A_323, %ge3A_326 : vector<16xi1>
        %lt3A_328 = arith.constant 50 : i32
        %lt3A_329 = vector.broadcast %lt3A_328 : i32 to vector<16xi32>
        %lt3A_330 = arith.cmpi slt, %add3A_293, %lt3A_329 : vector<16xi32>
        %and3A_331 = arith.andi %and3A_327, %lt3A_330 : vector<16xi1>
        %ge3A_332 = arith.constant 0 : i32
        %ge3A_333 = vector.broadcast %ge3A_332 : i32 to vector<16xi32>
        %ge3A_334 = arith.cmpi sge, %sub3A_316, %ge3A_333 : vector<16xi32>
        %and3A_335 = arith.andi %and3A_331, %ge3A_334 : vector<16xi1>
        %lt3A_336 = arith.constant 1792 : i32
        %lt3A_337 = vector.broadcast %lt3A_336 : i32 to vector<16xi32>
        %lt3A_338 = arith.cmpi slt, %sub3A_316, %lt3A_337 : vector<16xi32>
        %and3A_339 = arith.andi %and3A_335, %lt3A_338 : vector<16xi1>
        %jit3A_340 = arith.constant 0 : i32
        %broadcast_in_dim3A_341 = vector.broadcast %jit3A_340 : i32 to vector<16xi32>
        %select_n3A_342 = arith.select %and3A_339, %sub3A_316, %broadcast_in_dim3A_341 : vector<16xi1>, vector<16xi32>
        %sub3A_343 = arith.subf %mul3A_300, %gather3A_263 : vector<16xf32>
        %sub3A_344 = arith.subf %mul3A_307, %gather3A_267 : vector<16xf32>
        %sub3A_345 = arith.subf %gather3A_271, %mul3A_300 : vector<16xf32>
        %sub3A_346 = arith.subf %gather3A_275, %mul3A_307 : vector<16xf32>
        %min3A_347 = arith.minimumf %sub3A_343, %sub3A_344 : vector<16xf32>
        %min3A_348 = arith.minimumf %sub3A_345, %sub3A_346 : vector<16xf32>
        %min3A_349 = arith.minimumf %min3A_347, %min3A_348 : vector<16xf32>
        %max3A_350 = arith.maximumf %sub3A_343, %sub3A_344 : vector<16xf32>
        %max3A_351 = arith.maximumf %sub3A_345, %sub3A_346 : vector<16xf32>
        %max3A_352 = arith.maximumf %max3A_350, %max3A_351 : vector<16xf32>
        %sub3A_353 = arith.subf %mul3A_300, %div3A_279 : vector<16xf32>
        %abs3A_354 = math.absf %sub3A_353 : vector<16xf32>
        %sub3A_355 = arith.subf %mul3A_307, %div3A_283 : vector<16xf32>
        %abs3A_356 = math.absf %sub3A_355 : vector<16xf32>
        %max3A_357 = arith.maximumf %abs3A_354, %abs3A_356 : vector<16xf32>
        %sub3A_358 = arith.constant 6.400000e+01 : f32
        %sub3A_359 = vector.broadcast %sub3A_358 : f32 to vector<16xf32>
        %sub3A_360 = arith.subf %max3A_352, %sub3A_359 : vector<16xf32>
        %sub3A_361 = arith.constant 2.400000e+01 : f32
        %sub3A_362 = vector.broadcast %sub3A_361 : f32 to vector<16xf32>
        %sub3A_363 = arith.subf %sub3A_362, %max3A_357 : vector<16xf32>
        %min3A_364 = arith.minimumf %sub3A_360, %sub3A_363 : vector<16xf32>
        %min3A_365 = arith.minimumf %min3A_349, %min3A_364 : vector<16xf32>
        %gt3A_366 = arith.constant 0.000000e+00 : f32
        %gt3A_367 = vector.broadcast %gt3A_366 : f32 to vector<16xf32>
        %gt3A_368 = arith.cmpf ogt, %min3A_365, %gt3A_367 : vector<16xf32>
        %le3A_369 = arith.constant 1.280000e+02 : f32
        %le3A_370 = vector.broadcast %le3A_369 : f32 to vector<16xf32>
        %le3A_371 = arith.cmpf ole, %max3A_352, %le3A_370 : vector<16xf32>
        %and3A_372 = arith.andi %gt3A_368, %le3A_371 : vector<16xi1>
        %and3A_373 = arith.andi %and3A_372, %and3A_339 : vector<16xi1>
        %add3A_374 = arith.addf %sub3A_343, %sub3A_345 : vector<16xf32>
        %add3A_375 = arith.addf %sub3A_344, %sub3A_346 : vector<16xf32>
        %mul3A_376 = arith.mulf %add3A_374, %add3A_375 : vector<16xf32>
        %gather3A_377 = tpu.vector_load_idx %arg23[%select_n3A_342] : memref<1792xf32, #tpu.memory_space<vmem>>[vector<16xi32>], vector<16xf32>,
        %lt3A_378 = arith.cmpf olt, %mul3A_376, %gather3A_377 : vector<16xf32>
        %and3A_379 = arith.andi %and3A_373, %lt3A_378 : vector<16xi1>
        tpu.vector_store_idx %arg23[%select_n3A_342], %mul3A_376 masked %and3A_379 : memref<1792xf32, #tpu.memory_space<vmem>>[vector<16xi32>], vector<16xf32>, vector<16xi1>
        tpu.vector_store_idx %arg24[%select_n3A_342], %broadcast_in_dim3A_259 masked %and3A_379 : memref<1792xi32, #tpu.memory_space<vmem>>[vector<16xi32>], vector<16xi32>, vector<16xi1>
        %scan3A_380 = arith.constant 2 : i32
        %scan3A_381 = arith.addi %scan3A_142, %scan3A_380 : i32
        %broadcast_in_dim3A_382 = vector.broadcast %scan3A_381 : i32 to vector<16xi32>
        %mul3A_383 = arith.constant 4 : i32
        %mul3A_384 = vector.broadcast %mul3A_383 : i32 to vector<16xi32>
        %mul3A_385 = arith.muli %broadcast_in_dim3A_382, %mul3A_384 : vector<16xi32>
        %gather3A_386 = tpu.vector_load_idx %arg21[%mul3A_385] : memref<256xf32, #tpu.memory_space<vmem>>[vector<16xi32>], vector<16xf32>,
        %add3A_387 = arith.constant 1 : i32
        %add3A_388 = vector.broadcast %add3A_387 : i32 to vector<16xi32>
        %add3A_389 = arith.addi %mul3A_385, %add3A_388 : vector<16xi32>
        %gather3A_390 = tpu.vector_load_idx %arg21[%add3A_389] : memref<256xf32, #tpu.memory_space<vmem>>[vector<16xi32>], vector<16xf32>,
        %add3A_391 = arith.constant 2 : i32
        %add3A_392 = vector.broadcast %add3A_391 : i32 to vector<16xi32>
        %add3A_393 = arith.addi %mul3A_385, %add3A_392 : vector<16xi32>
        %gather3A_394 = tpu.vector_load_idx %arg21[%add3A_393] : memref<256xf32, #tpu.memory_space<vmem>>[vector<16xi32>], vector<16xf32>,
        %add3A_395 = arith.constant 3 : i32
        %add3A_396 = vector.broadcast %add3A_395 : i32 to vector<16xi32>
        %add3A_397 = arith.addi %mul3A_385, %add3A_396 : vector<16xi32>
        %gather3A_398 = tpu.vector_load_idx %arg21[%add3A_397] : memref<256xf32, #tpu.memory_space<vmem>>[vector<16xi32>], vector<16xf32>,
        %add3A_399 = arith.addf %gather3A_386, %gather3A_394 : vector<16xf32>
        %div3A_400 = arith.constant 2.000000e+00 : f32
        %div3A_401 = vector.broadcast %div3A_400 : f32 to vector<16xf32>
        %div3A_402 = arith.divf %add3A_399, %div3A_401 : vector<16xf32>
        %add3A_403 = arith.addf %gather3A_390, %gather3A_398 : vector<16xf32>
        %div3A_404 = arith.constant 2.000000e+00 : f32
        %div3A_405 = vector.broadcast %div3A_404 : f32 to vector<16xf32>
        %div3A_406 = arith.divf %add3A_403, %div3A_405 : vector<16xf32>
        %mul3A_407 = arith.constant 6.250000e-02 : f32
        %mul3A_408 = vector.broadcast %mul3A_407 : f32 to vector<16xf32>
        %mul3A_409 = arith.mulf %div3A_402, %mul3A_408 : vector<16xf32>
        %convert_element_type3A_410 = arith.fptosi %mul3A_409 : vector<16xf32> to vector<16xi32>
        %mul3A_411 = arith.constant 6.250000e-02 : f32
        %mul3A_412 = vector.broadcast %mul3A_411 : f32 to vector<16xf32>
        %mul3A_413 = arith.mulf %div3A_406, %mul3A_412 : vector<16xf32>
        %convert_element_type3A_414 = arith.fptosi %mul3A_413 : vector<16xf32> to vector<16xi32>
        %add3A_415 = arith.addi %convert_element_type3A_410, %sub3A_58 : vector<16xi32>
        %add3A_416 = arith.addi %convert_element_type3A_414, %sub3A_63 : vector<16xi32>
        %convert_element_type3A_417 = arith.sitofp %add3A_415 : vector<16xi32> to vector<16xf32>
        %add3A_418 = arith.constant 5.000000e-01 : f32
        %add3A_419 = vector.broadcast %add3A_418 : f32 to vector<16xf32>
        %add3A_420 = arith.addf %convert_element_type3A_417, %add3A_419 : vector<16xf32>
        %mul3A_421 = arith.constant 1.600000e+01 : f32
        %mul3A_422 = vector.broadcast %mul3A_421 : f32 to vector<16xf32>
        %mul3A_423 = arith.mulf %add3A_420, %mul3A_422 : vector<16xf32>
        %convert_element_type3A_424 = arith.sitofp %add3A_416 : vector<16xi32> to vector<16xf32>
        %add3A_425 = arith.constant 5.000000e-01 : f32
        %add3A_426 = vector.broadcast %add3A_425 : f32 to vector<16xf32>
        %add3A_427 = arith.addf %convert_element_type3A_424, %add3A_426 : vector<16xf32>
        %mul3A_428 = arith.constant 1.600000e+01 : f32
        %mul3A_429 = vector.broadcast %mul3A_428 : f32 to vector<16xf32>
        %mul3A_430 = arith.mulf %add3A_427, %mul3A_429 : vector<16xf32>
        %mul3A_431 = arith.constant 50 : i32
        %mul3A_432 = vector.broadcast %mul3A_431 : i32 to vector<16xi32>
        %mul3A_433 = arith.muli %add3A_416, %mul3A_432 : vector<16xi32>
        %add3A_434 = arith.addi %mul3A_433, %add3A_415 : vector<16xi32>
        %add3A_435 = arith.constant 10112 : i32
        %add3A_436 = vector.broadcast %add3A_435 : i32 to vector<16xi32>
        %add3A_437 = arith.addi %add3A_434, %add3A_436 : vector<16xi32>
        %sub3A_438 = vector.broadcast %mul3A_32 : i32 to vector<16xi32>
        %sub3A_439 = arith.subi %add3A_437, %sub3A_438 : vector<16xi32>
        %ge3A_440 = arith.constant 0 : i32
        %ge3A_441 = vector.broadcast %ge3A_440 : i32 to vector<16xi32>
        %ge3A_442 = arith.cmpi sge, %add3A_415, %ge3A_441 : vector<16xi32>
        %lt3A_443 = arith.constant 50 : i32
        %lt3A_444 = vector.broadcast %lt3A_443 : i32 to vector<16xi32>
        %lt3A_445 = arith.cmpi slt, %add3A_415, %lt3A_444 : vector<16xi32>
        %and3A_446 = arith.andi %ge3A_442, %lt3A_445 : vector<16xi1>
        %ge3A_447 = arith.constant 0 : i32
        %ge3A_448 = vector.broadcast %ge3A_447 : i32 to vector<16xi32>
        %ge3A_449 = arith.cmpi sge, %add3A_416, %ge3A_448 : vector<16xi32>
        %and3A_450 = arith.andi %and3A_446, %ge3A_449 : vector<16xi1>
        %lt3A_451 = arith.constant 50 : i32
        %lt3A_452 = vector.broadcast %lt3A_451 : i32 to vector<16xi32>
        %lt3A_453 = arith.cmpi slt, %add3A_416, %lt3A_452 : vector<16xi32>
        %and3A_454 = arith.andi %and3A_450, %lt3A_453 : vector<16xi1>
        %ge3A_455 = arith.constant 0 : i32
        %ge3A_456 = vector.broadcast %ge3A_455 : i32 to vector<16xi32>
        %ge3A_457 = arith.cmpi sge, %sub3A_439, %ge3A_456 : vector<16xi32>
        %and3A_458 = arith.andi %and3A_454, %ge3A_457 : vector<16xi1>
        %lt3A_459 = arith.constant 1792 : i32
        %lt3A_460 = vector.broadcast %lt3A_459 : i32 to vector<16xi32>
        %lt3A_461 = arith.cmpi slt, %sub3A_439, %lt3A_460 : vector<16xi32>
        %and3A_462 = arith.andi %and3A_458, %lt3A_461 : vector<16xi1>
        %jit3A_463 = arith.constant 0 : i32
        %broadcast_in_dim3A_464 = vector.broadcast %jit3A_463 : i32 to vector<16xi32>
        %select_n3A_465 = arith.select %and3A_462, %sub3A_439, %broadcast_in_dim3A_464 : vector<16xi1>, vector<16xi32>
        %sub3A_466 = arith.subf %mul3A_423, %gather3A_386 : vector<16xf32>
        %sub3A_467 = arith.subf %mul3A_430, %gather3A_390 : vector<16xf32>
        %sub3A_468 = arith.subf %gather3A_394, %mul3A_423 : vector<16xf32>
        %sub3A_469 = arith.subf %gather3A_398, %mul3A_430 : vector<16xf32>
        %min3A_470 = arith.minimumf %sub3A_466, %sub3A_467 : vector<16xf32>
        %min3A_471 = arith.minimumf %sub3A_468, %sub3A_469 : vector<16xf32>
        %min3A_472 = arith.minimumf %min3A_470, %min3A_471 : vector<16xf32>
        %max3A_473 = arith.maximumf %sub3A_466, %sub3A_467 : vector<16xf32>
        %max3A_474 = arith.maximumf %sub3A_468, %sub3A_469 : vector<16xf32>
        %max3A_475 = arith.maximumf %max3A_473, %max3A_474 : vector<16xf32>
        %sub3A_476 = arith.subf %mul3A_423, %div3A_402 : vector<16xf32>
        %abs3A_477 = math.absf %sub3A_476 : vector<16xf32>
        %sub3A_478 = arith.subf %mul3A_430, %div3A_406 : vector<16xf32>
        %abs3A_479 = math.absf %sub3A_478 : vector<16xf32>
        %max3A_480 = arith.maximumf %abs3A_477, %abs3A_479 : vector<16xf32>
        %sub3A_481 = arith.constant 6.400000e+01 : f32
        %sub3A_482 = vector.broadcast %sub3A_481 : f32 to vector<16xf32>
        %sub3A_483 = arith.subf %max3A_475, %sub3A_482 : vector<16xf32>
        %sub3A_484 = arith.constant 2.400000e+01 : f32
        %sub3A_485 = vector.broadcast %sub3A_484 : f32 to vector<16xf32>
        %sub3A_486 = arith.subf %sub3A_485, %max3A_480 : vector<16xf32>
        %min3A_487 = arith.minimumf %sub3A_483, %sub3A_486 : vector<16xf32>
        %min3A_488 = arith.minimumf %min3A_472, %min3A_487 : vector<16xf32>
        %gt3A_489 = arith.constant 0.000000e+00 : f32
        %gt3A_490 = vector.broadcast %gt3A_489 : f32 to vector<16xf32>
        %gt3A_491 = arith.cmpf ogt, %min3A_488, %gt3A_490 : vector<16xf32>
        %le3A_492 = arith.constant 1.280000e+02 : f32
        %le3A_493 = vector.broadcast %le3A_492 : f32 to vector<16xf32>
        %le3A_494 = arith.cmpf ole, %max3A_475, %le3A_493 : vector<16xf32>
        %and3A_495 = arith.andi %gt3A_491, %le3A_494 : vector<16xi1>
        %and3A_496 = arith.andi %and3A_495, %and3A_462 : vector<16xi1>
        %add3A_497 = arith.addf %sub3A_466, %sub3A_468 : vector<16xf32>
        %add3A_498 = arith.addf %sub3A_467, %sub3A_469 : vector<16xf32>
        %mul3A_499 = arith.mulf %add3A_497, %add3A_498 : vector<16xf32>
        %gather3A_500 = tpu.vector_load_idx %arg23[%select_n3A_465] : memref<1792xf32, #tpu.memory_space<vmem>>[vector<16xi32>], vector<16xf32>,
        %lt3A_501 = arith.cmpf olt, %mul3A_499, %gather3A_500 : vector<16xf32>
        %and3A_502 = arith.andi %and3A_496, %lt3A_501 : vector<16xi1>
        tpu.vector_store_idx %arg23[%select_n3A_465], %mul3A_499 masked %and3A_502 : memref<1792xf32, #tpu.memory_space<vmem>>[vector<16xi32>], vector<16xf32>, vector<16xi1>
        tpu.vector_store_idx %arg24[%select_n3A_465], %broadcast_in_dim3A_382 masked %and3A_502 : memref<1792xi32, #tpu.memory_space<vmem>>[vector<16xi32>], vector<16xi32>, vector<16xi1>
        %scan3A_503 = arith.constant 3 : i32
        %scan3A_504 = arith.addi %scan3A_142, %scan3A_503 : i32
        %broadcast_in_dim3A_505 = vector.broadcast %scan3A_504 : i32 to vector<16xi32>
        %mul3A_506 = arith.constant 4 : i32
        %mul3A_507 = vector.broadcast %mul3A_506 : i32 to vector<16xi32>
        %mul3A_508 = arith.muli %broadcast_in_dim3A_505, %mul3A_507 : vector<16xi32>
        %gather3A_509 = tpu.vector_load_idx %arg21[%mul3A_508] : memref<256xf32, #tpu.memory_space<vmem>>[vector<16xi32>], vector<16xf32>,
        %add3A_510 = arith.constant 1 : i32
        %add3A_511 = vector.broadcast %add3A_510 : i32 to vector<16xi32>
        %add3A_512 = arith.addi %mul3A_508, %add3A_511 : vector<16xi32>
        %gather3A_513 = tpu.vector_load_idx %arg21[%add3A_512] : memref<256xf32, #tpu.memory_space<vmem>>[vector<16xi32>], vector<16xf32>,
        %add3A_514 = arith.constant 2 : i32
        %add3A_515 = vector.broadcast %add3A_514 : i32 to vector<16xi32>
        %add3A_516 = arith.addi %mul3A_508, %add3A_515 : vector<16xi32>
        %gather3A_517 = tpu.vector_load_idx %arg21[%add3A_516] : memref<256xf32, #tpu.memory_space<vmem>>[vector<16xi32>], vector<16xf32>,
        %add3A_518 = arith.constant 3 : i32
        %add3A_519 = vector.broadcast %add3A_518 : i32 to vector<16xi32>
        %add3A_520 = arith.addi %mul3A_508, %add3A_519 : vector<16xi32>
        %gather3A_521 = tpu.vector_load_idx %arg21[%add3A_520] : memref<256xf32, #tpu.memory_space<vmem>>[vector<16xi32>], vector<16xf32>,
        %add3A_522 = arith.addf %gather3A_509, %gather3A_517 : vector<16xf32>
        %div3A_523 = arith.constant 2.000000e+00 : f32
        %div3A_524 = vector.broadcast %div3A_523 : f32 to vector<16xf32>
        %div3A_525 = arith.divf %add3A_522, %div3A_524 : vector<16xf32>
        %add3A_526 = arith.addf %gather3A_513, %gather3A_521 : vector<16xf32>
        %div3A_527 = arith.constant 2.000000e+00 : f32
        %div3A_528 = vector.broadcast %div3A_527 : f32 to vector<16xf32>
        %div3A_529 = arith.divf %add3A_526, %div3A_528 : vector<16xf32>
        %mul3A_530 = arith.constant 6.250000e-02 : f32
        %mul3A_531 = vector.broadcast %mul3A_530 : f32 to vector<16xf32>
        %mul3A_532 = arith.mulf %div3A_525, %mul3A_531 : vector<16xf32>
        %convert_element_type3A_533 = arith.fptosi %mul3A_532 : vector<16xf32> to vector<16xi32>
        %mul3A_534 = arith.constant 6.250000e-02 : f32
        %mul3A_535 = vector.broadcast %mul3A_534 : f32 to vector<16xf32>
        %mul3A_536 = arith.mulf %div3A_529, %mul3A_535 : vector<16xf32>
        %convert_element_type3A_537 = arith.fptosi %mul3A_536 : vector<16xf32> to vector<16xi32>
        %add3A_538 = arith.addi %convert_element_type3A_533, %sub3A_58 : vector<16xi32>
        %add3A_539 = arith.addi %convert_element_type3A_537, %sub3A_63 : vector<16xi32>
        %convert_element_type3A_540 = arith.sitofp %add3A_538 : vector<16xi32> to vector<16xf32>
        %add3A_541 = arith.constant 5.000000e-01 : f32
        %add3A_542 = vector.broadcast %add3A_541 : f32 to vector<16xf32>
        %add3A_543 = arith.addf %convert_element_type3A_540, %add3A_542 : vector<16xf32>
        %mul3A_544 = arith.constant 1.600000e+01 : f32
        %mul3A_545 = vector.broadcast %mul3A_544 : f32 to vector<16xf32>
        %mul3A_546 = arith.mulf %add3A_543, %mul3A_545 : vector<16xf32>
        %convert_element_type3A_547 = arith.sitofp %add3A_539 : vector<16xi32> to vector<16xf32>
        %add3A_548 = arith.constant 5.000000e-01 : f32
        %add3A_549 = vector.broadcast %add3A_548 : f32 to vector<16xf32>
        %add3A_550 = arith.addf %convert_element_type3A_547, %add3A_549 : vector<16xf32>
        %mul3A_551 = arith.constant 1.600000e+01 : f32
        %mul3A_552 = vector.broadcast %mul3A_551 : f32 to vector<16xf32>
        %mul3A_553 = arith.mulf %add3A_550, %mul3A_552 : vector<16xf32>
        %mul3A_554 = arith.constant 50 : i32
        %mul3A_555 = vector.broadcast %mul3A_554 : i32 to vector<16xi32>
        %mul3A_556 = arith.muli %add3A_539, %mul3A_555 : vector<16xi32>
        %add3A_557 = arith.addi %mul3A_556, %add3A_538 : vector<16xi32>
        %add3A_558 = arith.constant 10112 : i32
        %add3A_559 = vector.broadcast %add3A_558 : i32 to vector<16xi32>
        %add3A_560 = arith.addi %add3A_557, %add3A_559 : vector<16xi32>
        %sub3A_561 = vector.broadcast %mul3A_32 : i32 to vector<16xi32>
        %sub3A_562 = arith.subi %add3A_560, %sub3A_561 : vector<16xi32>
        %ge3A_563 = arith.constant 0 : i32
        %ge3A_564 = vector.broadcast %ge3A_563 : i32 to vector<16xi32>
        %ge3A_565 = arith.cmpi sge, %add3A_538, %ge3A_564 : vector<16xi32>
        %lt3A_566 = arith.constant 50 : i32
        %lt3A_567 = vector.broadcast %lt3A_566 : i32 to vector<16xi32>
        %lt3A_568 = arith.cmpi slt, %add3A_538, %lt3A_567 : vector<16xi32>
        %and3A_569 = arith.andi %ge3A_565, %lt3A_568 : vector<16xi1>
        %ge3A_570 = arith.constant 0 : i32
        %ge3A_571 = vector.broadcast %ge3A_570 : i32 to vector<16xi32>
        %ge3A_572 = arith.cmpi sge, %add3A_539, %ge3A_571 : vector<16xi32>
        %and3A_573 = arith.andi %and3A_569, %ge3A_572 : vector<16xi1>
        %lt3A_574 = arith.constant 50 : i32
        %lt3A_575 = vector.broadcast %lt3A_574 : i32 to vector<16xi32>
        %lt3A_576 = arith.cmpi slt, %add3A_539, %lt3A_575 : vector<16xi32>
        %and3A_577 = arith.andi %and3A_573, %lt3A_576 : vector<16xi1>
        %ge3A_578 = arith.constant 0 : i32
        %ge3A_579 = vector.broadcast %ge3A_578 : i32 to vector<16xi32>
        %ge3A_580 = arith.cmpi sge, %sub3A_562, %ge3A_579 : vector<16xi32>
        %and3A_581 = arith.andi %and3A_577, %ge3A_580 : vector<16xi1>
        %lt3A_582 = arith.constant 1792 : i32
        %lt3A_583 = vector.broadcast %lt3A_582 : i32 to vector<16xi32>
        %lt3A_584 = arith.cmpi slt, %sub3A_562, %lt3A_583 : vector<16xi32>
        %and3A_585 = arith.andi %and3A_581, %lt3A_584 : vector<16xi1>
        %jit3A_586 = arith.constant 0 : i32
        %broadcast_in_dim3A_587 = vector.broadcast %jit3A_586 : i32 to vector<16xi32>
        %select_n3A_588 = arith.select %and3A_585, %sub3A_562, %broadcast_in_dim3A_587 : vector<16xi1>, vector<16xi32>
        %sub3A_589 = arith.subf %mul3A_546, %gather3A_509 : vector<16xf32>
        %sub3A_590 = arith.subf %mul3A_553, %gather3A_513 : vector<16xf32>
        %sub3A_591 = arith.subf %gather3A_517, %mul3A_546 : vector<16xf32>
        %sub3A_592 = arith.subf %gather3A_521, %mul3A_553 : vector<16xf32>
        %min3A_593 = arith.minimumf %sub3A_589, %sub3A_590 : vector<16xf32>
        %min3A_594 = arith.minimumf %sub3A_591, %sub3A_592 : vector<16xf32>
        %min3A_595 = arith.minimumf %min3A_593, %min3A_594 : vector<16xf32>
        %max3A_596 = arith.maximumf %sub3A_589, %sub3A_590 : vector<16xf32>
        %max3A_597 = arith.maximumf %sub3A_591, %sub3A_592 : vector<16xf32>
        %max3A_598 = arith.maximumf %max3A_596, %max3A_597 : vector<16xf32>
        %sub3A_599 = arith.subf %mul3A_546, %div3A_525 : vector<16xf32>
        %abs3A_600 = math.absf %sub3A_599 : vector<16xf32>
        %sub3A_601 = arith.subf %mul3A_553, %div3A_529 : vector<16xf32>
        %abs3A_602 = math.absf %sub3A_601 : vector<16xf32>
        %max3A_603 = arith.maximumf %abs3A_600, %abs3A_602 : vector<16xf32>
        %sub3A_604 = arith.constant 6.400000e+01 : f32
        %sub3A_605 = vector.broadcast %sub3A_604 : f32 to vector<16xf32>
        %sub3A_606 = arith.subf %max3A_598, %sub3A_605 : vector<16xf32>
        %sub3A_607 = arith.constant 2.400000e+01 : f32
        %sub3A_608 = vector.broadcast %sub3A_607 : f32 to vector<16xf32>
        %sub3A_609 = arith.subf %sub3A_608, %max3A_603 : vector<16xf32>
        %min3A_610 = arith.minimumf %sub3A_606, %sub3A_609 : vector<16xf32>
        %min3A_611 = arith.minimumf %min3A_595, %min3A_610 : vector<16xf32>
        %gt3A_612 = arith.constant 0.000000e+00 : f32
        %gt3A_613 = vector.broadcast %gt3A_612 : f32 to vector<16xf32>
        %gt3A_614 = arith.cmpf ogt, %min3A_611, %gt3A_613 : vector<16xf32>
        %le3A_615 = arith.constant 1.280000e+02 : f32
        %le3A_616 = vector.broadcast %le3A_615 : f32 to vector<16xf32>
        %le3A_617 = arith.cmpf ole, %max3A_598, %le3A_616 : vector<16xf32>
        %and3A_618 = arith.andi %gt3A_614, %le3A_617 : vector<16xi1>
        %and3A_619 = arith.andi %and3A_618, %and3A_585 : vector<16xi1>
        %add3A_620 = arith.addf %sub3A_589, %sub3A_591 : vector<16xf32>
        %add3A_621 = arith.addf %sub3A_590, %sub3A_592 : vector<16xf32>
        %mul3A_622 = arith.mulf %add3A_620, %add3A_621 : vector<16xf32>
        %gather3A_623 = tpu.vector_load_idx %arg23[%select_n3A_588] : memref<1792xf32, #tpu.memory_space<vmem>>[vector<16xi32>], vector<16xf32>,
        %lt3A_624 = arith.cmpf olt, %mul3A_622, %gather3A_623 : vector<16xf32>
        %and3A_625 = arith.andi %and3A_619, %lt3A_624 : vector<16xi1>
        tpu.vector_store_idx %arg23[%select_n3A_588], %mul3A_622 masked %and3A_625 : memref<1792xf32, #tpu.memory_space<vmem>>[vector<16xi32>], vector<16xf32>, vector<16xi1>
        tpu.vector_store_idx %arg24[%select_n3A_588], %broadcast_in_dim3A_505 masked %and3A_625 : memref<1792xi32, #tpu.memory_space<vmem>>[vector<16xi32>], vector<16xi32>, vector<16xi1>
      }
      %scan3A_141 = arith.constant 64 : i32
    } else {
    }
    %lt3A_81 = arith.constant 13297 : i32
    %lt3A_82 = arith.cmpi slt, %mul3A_32, %lt3A_81 : i32
    %add3A_83 = arith.constant 1792 : i32
    %add3A_84 = arith.addi %mul3A_32, %add3A_83 : i32
    %gt3A_85 = arith.constant 12672 : i32
    %gt3A_86 = arith.cmpi sgt, %add3A_84, %gt3A_85 : i32
    %and3A_87 = arith.andi %lt3A_82, %gt3A_86 : i1
    %convert_element_type3A_88 = arith.extui %and3A_87 : i1 to i32
    %cond3A_89 = arith.constant 0 : i32
    %cond3A_90 = arith.cmpi ne, %convert_element_type3A_88, %cond3A_89 : i32
    scf.if %cond3A_90 {
      %scan3A = arith.constant 0 : i32
      %scan3A_137 = arith.constant 0 : i32
      %scan3A_138 = arith.constant 64 : i32
      %scan3A_139 = arith.addi %scan3A_137, %scan3A_138 : i32
      %scan3A_140 = arith.constant 4 : i32
      scf.for %scan3A_142 = %scan3A_137 to %scan3A_139 step %scan3A_140  : i32 {
        %broadcast_in_dim3A = vector.broadcast %scan3A_142 : i32 to vector<16xi32>
        %mul3A_143 = arith.constant 4 : i32
        %mul3A_144 = vector.broadcast %mul3A_143 : i32 to vector<16xi32>
        %mul3A_145 = arith.muli %broadcast_in_dim3A, %mul3A_144 : vector<16xi32>
        %gather3A = tpu.vector_load_idx %arg21[%mul3A_145] : memref<256xf32, #tpu.memory_space<vmem>>[vector<16xi32>], vector<16xf32>,
        %add3A_146 = arith.constant 1 : i32
        %add3A_147 = vector.broadcast %add3A_146 : i32 to vector<16xi32>
        %add3A_148 = arith.addi %mul3A_145, %add3A_147 : vector<16xi32>
        %gather3A_149 = tpu.vector_load_idx %arg21[%add3A_148] : memref<256xf32, #tpu.memory_space<vmem>>[vector<16xi32>], vector<16xf32>,
        %add3A_150 = arith.constant 2 : i32
        %add3A_151 = vector.broadcast %add3A_150 : i32 to vector<16xi32>
        %add3A_152 = arith.addi %mul3A_145, %add3A_151 : vector<16xi32>
        %gather3A_153 = tpu.vector_load_idx %arg21[%add3A_152] : memref<256xf32, #tpu.memory_space<vmem>>[vector<16xi32>], vector<16xf32>,
        %add3A_154 = arith.constant 3 : i32
        %add3A_155 = vector.broadcast %add3A_154 : i32 to vector<16xi32>
        %add3A_156 = arith.addi %mul3A_145, %add3A_155 : vector<16xi32>
        %gather3A_157 = tpu.vector_load_idx %arg21[%add3A_156] : memref<256xf32, #tpu.memory_space<vmem>>[vector<16xi32>], vector<16xf32>,
        %add3A_158 = arith.addf %gather3A, %gather3A_153 : vector<16xf32>
        %div3A_159 = arith.constant 2.000000e+00 : f32
        %div3A_160 = vector.broadcast %div3A_159 : f32 to vector<16xf32>
        %div3A_161 = arith.divf %add3A_158, %div3A_160 : vector<16xf32>
        %add3A_162 = arith.addf %gather3A_149, %gather3A_157 : vector<16xf32>
        %div3A_163 = arith.constant 2.000000e+00 : f32
        %div3A_164 = vector.broadcast %div3A_163 : f32 to vector<16xf32>
        %div3A_165 = arith.divf %add3A_162, %div3A_164 : vector<16xf32>
        %mul3A_166 = arith.constant 3.125000e-02 : f32
        %mul3A_167 = vector.broadcast %mul3A_166 : f32 to vector<16xf32>
        %mul3A_168 = arith.mulf %div3A_161, %mul3A_167 : vector<16xf32>
        %convert_element_type3A_169 = arith.fptosi %mul3A_168 : vector<16xf32> to vector<16xi32>
        %mul3A_170 = arith.constant 3.125000e-02 : f32
        %mul3A_171 = vector.broadcast %mul3A_170 : f32 to vector<16xf32>
        %mul3A_172 = arith.mulf %div3A_165, %mul3A_171 : vector<16xf32>
        %convert_element_type3A_173 = arith.fptosi %mul3A_172 : vector<16xf32> to vector<16xi32>
        %add3A_174 = arith.addi %convert_element_type3A_169, %sub3A_58 : vector<16xi32>
        %add3A_175 = arith.addi %convert_element_type3A_173, %sub3A_63 : vector<16xi32>
        %convert_element_type3A_176 = arith.sitofp %add3A_174 : vector<16xi32> to vector<16xf32>
        %add3A_177 = arith.constant 5.000000e-01 : f32
        %add3A_178 = vector.broadcast %add3A_177 : f32 to vector<16xf32>
        %add3A_179 = arith.addf %convert_element_type3A_176, %add3A_178 : vector<16xf32>
        %mul3A_180 = arith.constant 3.200000e+01 : f32
        %mul3A_181 = vector.broadcast %mul3A_180 : f32 to vector<16xf32>
        %mul3A_182 = arith.mulf %add3A_179, %mul3A_181 : vector<16xf32>
        %convert_element_type3A_183 = arith.sitofp %add3A_175 : vector<16xi32> to vector<16xf32>
        %add3A_184 = arith.constant 5.000000e-01 : f32
        %add3A_185 = vector.broadcast %add3A_184 : f32 to vector<16xf32>
        %add3A_186 = arith.addf %convert_element_type3A_183, %add3A_185 : vector<16xf32>
        %mul3A_187 = arith.constant 3.200000e+01 : f32
        %mul3A_188 = vector.broadcast %mul3A_187 : f32 to vector<16xf32>
        %mul3A_189 = arith.mulf %add3A_186, %mul3A_188 : vector<16xf32>
        %mul3A_190 = arith.constant 25 : i32
        %mul3A_191 = vector.broadcast %mul3A_190 : i32 to vector<16xi32>
        %mul3A_192 = arith.muli %add3A_175, %mul3A_191 : vector<16xi32>
        %add3A_193 = arith.addi %mul3A_192, %add3A_174 : vector<16xi32>
        %add3A_194 = arith.constant 12672 : i32
        %add3A_195 = vector.broadcast %add3A_194 : i32 to vector<16xi32>
        %add3A_196 = arith.addi %add3A_193, %add3A_195 : vector<16xi32>
        %sub3A_197 = vector.broadcast %mul3A_32 : i32 to vector<16xi32>
        %sub3A_198 = arith.subi %add3A_196, %sub3A_197 : vector<16xi32>
        %ge3A = arith.constant 0 : i32
        %ge3A_199 = vector.broadcast %ge3A : i32 to vector<16xi32>
        %ge3A_200 = arith.cmpi sge, %add3A_174, %ge3A_199 : vector<16xi32>
        %lt3A_201 = arith.constant 25 : i32
        %lt3A_202 = vector.broadcast %lt3A_201 : i32 to vector<16xi32>
        %lt3A_203 = arith.cmpi slt, %add3A_174, %lt3A_202 : vector<16xi32>
        %and3A_204 = arith.andi %ge3A_200, %lt3A_203 : vector<16xi1>
        %ge3A_205 = arith.constant 0 : i32
        %ge3A_206 = vector.broadcast %ge3A_205 : i32 to vector<16xi32>
        %ge3A_207 = arith.cmpi sge, %add3A_175, %ge3A_206 : vector<16xi32>
        %and3A_208 = arith.andi %and3A_204, %ge3A_207 : vector<16xi1>
        %lt3A_209 = arith.constant 25 : i32
        %lt3A_210 = vector.broadcast %lt3A_209 : i32 to vector<16xi32>
        %lt3A_211 = arith.cmpi slt, %add3A_175, %lt3A_210 : vector<16xi32>
        %and3A_212 = arith.andi %and3A_208, %lt3A_211 : vector<16xi1>
        %ge3A_213 = arith.constant 0 : i32
        %ge3A_214 = vector.broadcast %ge3A_213 : i32 to vector<16xi32>
        %ge3A_215 = arith.cmpi sge, %sub3A_198, %ge3A_214 : vector<16xi32>
        %and3A_216 = arith.andi %and3A_212, %ge3A_215 : vector<16xi1>
        %lt3A_217 = arith.constant 1792 : i32
        %lt3A_218 = vector.broadcast %lt3A_217 : i32 to vector<16xi32>
        %lt3A_219 = arith.cmpi slt, %sub3A_198, %lt3A_218 : vector<16xi32>
        %and3A_220 = arith.andi %and3A_216, %lt3A_219 : vector<16xi1>
        %jit3A_221 = arith.constant 0 : i32
        %broadcast_in_dim3A_222 = vector.broadcast %jit3A_221 : i32 to vector<16xi32>
        %select_n3A_223 = arith.select %and3A_220, %sub3A_198, %broadcast_in_dim3A_222 : vector<16xi1>, vector<16xi32>
        %sub3A_224 = arith.subf %mul3A_182, %gather3A : vector<16xf32>
        %sub3A_225 = arith.subf %mul3A_189, %gather3A_149 : vector<16xf32>
        %sub3A_226 = arith.subf %gather3A_153, %mul3A_182 : vector<16xf32>
        %sub3A_227 = arith.subf %gather3A_157, %mul3A_189 : vector<16xf32>
        %min3A = arith.minimumf %sub3A_224, %sub3A_225 : vector<16xf32>
        %min3A_228 = arith.minimumf %sub3A_226, %sub3A_227 : vector<16xf32>
        %min3A_229 = arith.minimumf %min3A, %min3A_228 : vector<16xf32>
        %max3A = arith.maximumf %sub3A_224, %sub3A_225 : vector<16xf32>
        %max3A_230 = arith.maximumf %sub3A_226, %sub3A_227 : vector<16xf32>
        %max3A_231 = arith.maximumf %max3A, %max3A_230 : vector<16xf32>
        %sub3A_232 = arith.subf %mul3A_182, %div3A_161 : vector<16xf32>
        %abs3A = math.absf %sub3A_232 : vector<16xf32>
        %sub3A_233 = arith.subf %mul3A_189, %div3A_165 : vector<16xf32>
        %abs3A_234 = math.absf %sub3A_233 : vector<16xf32>
        %max3A_235 = arith.maximumf %abs3A, %abs3A_234 : vector<16xf32>
        %sub3A_236 = arith.constant 1.280000e+02 : f32
        %sub3A_237 = vector.broadcast %sub3A_236 : f32 to vector<16xf32>
        %sub3A_238 = arith.subf %max3A_231, %sub3A_237 : vector<16xf32>
        %sub3A_239 = arith.constant 4.800000e+01 : f32
        %sub3A_240 = vector.broadcast %sub3A_239 : f32 to vector<16xf32>
        %sub3A_241 = arith.subf %sub3A_240, %max3A_235 : vector<16xf32>
        %min3A_242 = arith.minimumf %sub3A_238, %sub3A_241 : vector<16xf32>
        %min3A_243 = arith.minimumf %min3A_229, %min3A_242 : vector<16xf32>
        %gt3A_244 = arith.constant 0.000000e+00 : f32
        %gt3A_245 = vector.broadcast %gt3A_244 : f32 to vector<16xf32>
        %gt3A_246 = arith.cmpf ogt, %min3A_243, %gt3A_245 : vector<16xf32>
        %le3A = arith.constant 2.560000e+02 : f32
        %le3A_247 = vector.broadcast %le3A : f32 to vector<16xf32>
        %le3A_248 = arith.cmpf ole, %max3A_231, %le3A_247 : vector<16xf32>
        %and3A_249 = arith.andi %gt3A_246, %le3A_248 : vector<16xi1>
        %and3A_250 = arith.andi %and3A_249, %and3A_220 : vector<16xi1>
        %add3A_251 = arith.addf %sub3A_224, %sub3A_226 : vector<16xf32>
        %add3A_252 = arith.addf %sub3A_225, %sub3A_227 : vector<16xf32>
        %mul3A_253 = arith.mulf %add3A_251, %add3A_252 : vector<16xf32>
        %gather3A_254 = tpu.vector_load_idx %arg23[%select_n3A_223] : memref<1792xf32, #tpu.memory_space<vmem>>[vector<16xi32>], vector<16xf32>,
        %lt3A_255 = arith.cmpf olt, %mul3A_253, %gather3A_254 : vector<16xf32>
        %and3A_256 = arith.andi %and3A_250, %lt3A_255 : vector<16xi1>
        tpu.vector_store_idx %arg23[%select_n3A_223], %mul3A_253 masked %and3A_256 : memref<1792xf32, #tpu.memory_space<vmem>>[vector<16xi32>], vector<16xf32>, vector<16xi1>
        tpu.vector_store_idx %arg24[%select_n3A_223], %broadcast_in_dim3A masked %and3A_256 : memref<1792xi32, #tpu.memory_space<vmem>>[vector<16xi32>], vector<16xi32>, vector<16xi1>
        %scan3A_257 = arith.constant 1 : i32
        %scan3A_258 = arith.addi %scan3A_142, %scan3A_257 : i32
        %broadcast_in_dim3A_259 = vector.broadcast %scan3A_258 : i32 to vector<16xi32>
        %mul3A_260 = arith.constant 4 : i32
        %mul3A_261 = vector.broadcast %mul3A_260 : i32 to vector<16xi32>
        %mul3A_262 = arith.muli %broadcast_in_dim3A_259, %mul3A_261 : vector<16xi32>
        %gather3A_263 = tpu.vector_load_idx %arg21[%mul3A_262] : memref<256xf32, #tpu.memory_space<vmem>>[vector<16xi32>], vector<16xf32>,
        %add3A_264 = arith.constant 1 : i32
        %add3A_265 = vector.broadcast %add3A_264 : i32 to vector<16xi32>
        %add3A_266 = arith.addi %mul3A_262, %add3A_265 : vector<16xi32>
        %gather3A_267 = tpu.vector_load_idx %arg21[%add3A_266] : memref<256xf32, #tpu.memory_space<vmem>>[vector<16xi32>], vector<16xf32>,
        %add3A_268 = arith.constant 2 : i32
        %add3A_269 = vector.broadcast %add3A_268 : i32 to vector<16xi32>
        %add3A_270 = arith.addi %mul3A_262, %add3A_269 : vector<16xi32>
        %gather3A_271 = tpu.vector_load_idx %arg21[%add3A_270] : memref<256xf32, #tpu.memory_space<vmem>>[vector<16xi32>], vector<16xf32>,
        %add3A_272 = arith.constant 3 : i32
        %add3A_273 = vector.broadcast %add3A_272 : i32 to vector<16xi32>
        %add3A_274 = arith.addi %mul3A_262, %add3A_273 : vector<16xi32>
        %gather3A_275 = tpu.vector_load_idx %arg21[%add3A_274] : memref<256xf32, #tpu.memory_space<vmem>>[vector<16xi32>], vector<16xf32>,
        %add3A_276 = arith.addf %gather3A_263, %gather3A_271 : vector<16xf32>
        %div3A_277 = arith.constant 2.000000e+00 : f32
        %div3A_278 = vector.broadcast %div3A_277 : f32 to vector<16xf32>
        %div3A_279 = arith.divf %add3A_276, %div3A_278 : vector<16xf32>
        %add3A_280 = arith.addf %gather3A_267, %gather3A_275 : vector<16xf32>
        %div3A_281 = arith.constant 2.000000e+00 : f32
        %div3A_282 = vector.broadcast %div3A_281 : f32 to vector<16xf32>
        %div3A_283 = arith.divf %add3A_280, %div3A_282 : vector<16xf32>
        %mul3A_284 = arith.constant 3.125000e-02 : f32
        %mul3A_285 = vector.broadcast %mul3A_284 : f32 to vector<16xf32>
        %mul3A_286 = arith.mulf %div3A_279, %mul3A_285 : vector<16xf32>
        %convert_element_type3A_287 = arith.fptosi %mul3A_286 : vector<16xf32> to vector<16xi32>
        %mul3A_288 = arith.constant 3.125000e-02 : f32
        %mul3A_289 = vector.broadcast %mul3A_288 : f32 to vector<16xf32>
        %mul3A_290 = arith.mulf %div3A_283, %mul3A_289 : vector<16xf32>
        %convert_element_type3A_291 = arith.fptosi %mul3A_290 : vector<16xf32> to vector<16xi32>
        %add3A_292 = arith.addi %convert_element_type3A_287, %sub3A_58 : vector<16xi32>
        %add3A_293 = arith.addi %convert_element_type3A_291, %sub3A_63 : vector<16xi32>
        %convert_element_type3A_294 = arith.sitofp %add3A_292 : vector<16xi32> to vector<16xf32>
        %add3A_295 = arith.constant 5.000000e-01 : f32
        %add3A_296 = vector.broadcast %add3A_295 : f32 to vector<16xf32>
        %add3A_297 = arith.addf %convert_element_type3A_294, %add3A_296 : vector<16xf32>
        %mul3A_298 = arith.constant 3.200000e+01 : f32
        %mul3A_299 = vector.broadcast %mul3A_298 : f32 to vector<16xf32>
        %mul3A_300 = arith.mulf %add3A_297, %mul3A_299 : vector<16xf32>
        %convert_element_type3A_301 = arith.sitofp %add3A_293 : vector<16xi32> to vector<16xf32>
        %add3A_302 = arith.constant 5.000000e-01 : f32
        %add3A_303 = vector.broadcast %add3A_302 : f32 to vector<16xf32>
        %add3A_304 = arith.addf %convert_element_type3A_301, %add3A_303 : vector<16xf32>
        %mul3A_305 = arith.constant 3.200000e+01 : f32
        %mul3A_306 = vector.broadcast %mul3A_305 : f32 to vector<16xf32>
        %mul3A_307 = arith.mulf %add3A_304, %mul3A_306 : vector<16xf32>
        %mul3A_308 = arith.constant 25 : i32
        %mul3A_309 = vector.broadcast %mul3A_308 : i32 to vector<16xi32>
        %mul3A_310 = arith.muli %add3A_293, %mul3A_309 : vector<16xi32>
        %add3A_311 = arith.addi %mul3A_310, %add3A_292 : vector<16xi32>
        %add3A_312 = arith.constant 12672 : i32
        %add3A_313 = vector.broadcast %add3A_312 : i32 to vector<16xi32>
        %add3A_314 = arith.addi %add3A_311, %add3A_313 : vector<16xi32>
        %sub3A_315 = vector.broadcast %mul3A_32 : i32 to vector<16xi32>
        %sub3A_316 = arith.subi %add3A_314, %sub3A_315 : vector<16xi32>
        %ge3A_317 = arith.constant 0 : i32
        %ge3A_318 = vector.broadcast %ge3A_317 : i32 to vector<16xi32>
        %ge3A_319 = arith.cmpi sge, %add3A_292, %ge3A_318 : vector<16xi32>
        %lt3A_320 = arith.constant 25 : i32
        %lt3A_321 = vector.broadcast %lt3A_320 : i32 to vector<16xi32>
        %lt3A_322 = arith.cmpi slt, %add3A_292, %lt3A_321 : vector<16xi32>
        %and3A_323 = arith.andi %ge3A_319, %lt3A_322 : vector<16xi1>
        %ge3A_324 = arith.constant 0 : i32
        %ge3A_325 = vector.broadcast %ge3A_324 : i32 to vector<16xi32>
        %ge3A_326 = arith.cmpi sge, %add3A_293, %ge3A_325 : vector<16xi32>
        %and3A_327 = arith.andi %and3A_323, %ge3A_326 : vector<16xi1>
        %lt3A_328 = arith.constant 25 : i32
        %lt3A_329 = vector.broadcast %lt3A_328 : i32 to vector<16xi32>
        %lt3A_330 = arith.cmpi slt, %add3A_293, %lt3A_329 : vector<16xi32>
        %and3A_331 = arith.andi %and3A_327, %lt3A_330 : vector<16xi1>
        %ge3A_332 = arith.constant 0 : i32
        %ge3A_333 = vector.broadcast %ge3A_332 : i32 to vector<16xi32>
        %ge3A_334 = arith.cmpi sge, %sub3A_316, %ge3A_333 : vector<16xi32>
        %and3A_335 = arith.andi %and3A_331, %ge3A_334 : vector<16xi1>
        %lt3A_336 = arith.constant 1792 : i32
        %lt3A_337 = vector.broadcast %lt3A_336 : i32 to vector<16xi32>
        %lt3A_338 = arith.cmpi slt, %sub3A_316, %lt3A_337 : vector<16xi32>
        %and3A_339 = arith.andi %and3A_335, %lt3A_338 : vector<16xi1>
        %jit3A_340 = arith.constant 0 : i32
        %broadcast_in_dim3A_341 = vector.broadcast %jit3A_340 : i32 to vector<16xi32>
        %select_n3A_342 = arith.select %and3A_339, %sub3A_316, %broadcast_in_dim3A_341 : vector<16xi1>, vector<16xi32>
        %sub3A_343 = arith.subf %mul3A_300, %gather3A_263 : vector<16xf32>
        %sub3A_344 = arith.subf %mul3A_307, %gather3A_267 : vector<16xf32>
        %sub3A_345 = arith.subf %gather3A_271, %mul3A_300 : vector<16xf32>
        %sub3A_346 = arith.subf %gather3A_275, %mul3A_307 : vector<16xf32>
        %min3A_347 = arith.minimumf %sub3A_343, %sub3A_344 : vector<16xf32>
        %min3A_348 = arith.minimumf %sub3A_345, %sub3A_346 : vector<16xf32>
        %min3A_349 = arith.minimumf %min3A_347, %min3A_348 : vector<16xf32>
        %max3A_350 = arith.maximumf %sub3A_343, %sub3A_344 : vector<16xf32>
        %max3A_351 = arith.maximumf %sub3A_345, %sub3A_346 : vector<16xf32>
        %max3A_352 = arith.maximumf %max3A_350, %max3A_351 : vector<16xf32>
        %sub3A_353 = arith.subf %mul3A_300, %div3A_279 : vector<16xf32>
        %abs3A_354 = math.absf %sub3A_353 : vector<16xf32>
        %sub3A_355 = arith.subf %mul3A_307, %div3A_283 : vector<16xf32>
        %abs3A_356 = math.absf %sub3A_355 : vector<16xf32>
        %max3A_357 = arith.maximumf %abs3A_354, %abs3A_356 : vector<16xf32>
        %sub3A_358 = arith.constant 1.280000e+02 : f32
        %sub3A_359 = vector.broadcast %sub3A_358 : f32 to vector<16xf32>
        %sub3A_360 = arith.subf %max3A_352, %sub3A_359 : vector<16xf32>
        %sub3A_361 = arith.constant 4.800000e+01 : f32
        %sub3A_362 = vector.broadcast %sub3A_361 : f32 to vector<16xf32>
        %sub3A_363 = arith.subf %sub3A_362, %max3A_357 : vector<16xf32>
        %min3A_364 = arith.minimumf %sub3A_360, %sub3A_363 : vector<16xf32>
        %min3A_365 = arith.minimumf %min3A_349, %min3A_364 : vector<16xf32>
        %gt3A_366 = arith.constant 0.000000e+00 : f32
        %gt3A_367 = vector.broadcast %gt3A_366 : f32 to vector<16xf32>
        %gt3A_368 = arith.cmpf ogt, %min3A_365, %gt3A_367 : vector<16xf32>
        %le3A_369 = arith.constant 2.560000e+02 : f32
        %le3A_370 = vector.broadcast %le3A_369 : f32 to vector<16xf32>
        %le3A_371 = arith.cmpf ole, %max3A_352, %le3A_370 : vector<16xf32>
        %and3A_372 = arith.andi %gt3A_368, %le3A_371 : vector<16xi1>
        %and3A_373 = arith.andi %and3A_372, %and3A_339 : vector<16xi1>
        %add3A_374 = arith.addf %sub3A_343, %sub3A_345 : vector<16xf32>
        %add3A_375 = arith.addf %sub3A_344, %sub3A_346 : vector<16xf32>
        %mul3A_376 = arith.mulf %add3A_374, %add3A_375 : vector<16xf32>
        %gather3A_377 = tpu.vector_load_idx %arg23[%select_n3A_342] : memref<1792xf32, #tpu.memory_space<vmem>>[vector<16xi32>], vector<16xf32>,
        %lt3A_378 = arith.cmpf olt, %mul3A_376, %gather3A_377 : vector<16xf32>
        %and3A_379 = arith.andi %and3A_373, %lt3A_378 : vector<16xi1>
        tpu.vector_store_idx %arg23[%select_n3A_342], %mul3A_376 masked %and3A_379 : memref<1792xf32, #tpu.memory_space<vmem>>[vector<16xi32>], vector<16xf32>, vector<16xi1>
        tpu.vector_store_idx %arg24[%select_n3A_342], %broadcast_in_dim3A_259 masked %and3A_379 : memref<1792xi32, #tpu.memory_space<vmem>>[vector<16xi32>], vector<16xi32>, vector<16xi1>
        %scan3A_380 = arith.constant 2 : i32
        %scan3A_381 = arith.addi %scan3A_142, %scan3A_380 : i32
        %broadcast_in_dim3A_382 = vector.broadcast %scan3A_381 : i32 to vector<16xi32>
        %mul3A_383 = arith.constant 4 : i32
        %mul3A_384 = vector.broadcast %mul3A_383 : i32 to vector<16xi32>
        %mul3A_385 = arith.muli %broadcast_in_dim3A_382, %mul3A_384 : vector<16xi32>
        %gather3A_386 = tpu.vector_load_idx %arg21[%mul3A_385] : memref<256xf32, #tpu.memory_space<vmem>>[vector<16xi32>], vector<16xf32>,
        %add3A_387 = arith.constant 1 : i32
        %add3A_388 = vector.broadcast %add3A_387 : i32 to vector<16xi32>
        %add3A_389 = arith.addi %mul3A_385, %add3A_388 : vector<16xi32>
        %gather3A_390 = tpu.vector_load_idx %arg21[%add3A_389] : memref<256xf32, #tpu.memory_space<vmem>>[vector<16xi32>], vector<16xf32>,
        %add3A_391 = arith.constant 2 : i32
        %add3A_392 = vector.broadcast %add3A_391 : i32 to vector<16xi32>
        %add3A_393 = arith.addi %mul3A_385, %add3A_392 : vector<16xi32>
        %gather3A_394 = tpu.vector_load_idx %arg21[%add3A_393] : memref<256xf32, #tpu.memory_space<vmem>>[vector<16xi32>], vector<16xf32>,
        %add3A_395 = arith.constant 3 : i32
        %add3A_396 = vector.broadcast %add3A_395 : i32 to vector<16xi32>
        %add3A_397 = arith.addi %mul3A_385, %add3A_396 : vector<16xi32>
        %gather3A_398 = tpu.vector_load_idx %arg21[%add3A_397] : memref<256xf32, #tpu.memory_space<vmem>>[vector<16xi32>], vector<16xf32>,
        %add3A_399 = arith.addf %gather3A_386, %gather3A_394 : vector<16xf32>
        %div3A_400 = arith.constant 2.000000e+00 : f32
        %div3A_401 = vector.broadcast %div3A_400 : f32 to vector<16xf32>
        %div3A_402 = arith.divf %add3A_399, %div3A_401 : vector<16xf32>
        %add3A_403 = arith.addf %gather3A_390, %gather3A_398 : vector<16xf32>
        %div3A_404 = arith.constant 2.000000e+00 : f32
        %div3A_405 = vector.broadcast %div3A_404 : f32 to vector<16xf32>
        %div3A_406 = arith.divf %add3A_403, %div3A_405 : vector<16xf32>
        %mul3A_407 = arith.constant 3.125000e-02 : f32
        %mul3A_408 = vector.broadcast %mul3A_407 : f32 to vector<16xf32>
        %mul3A_409 = arith.mulf %div3A_402, %mul3A_408 : vector<16xf32>
        %convert_element_type3A_410 = arith.fptosi %mul3A_409 : vector<16xf32> to vector<16xi32>
        %mul3A_411 = arith.constant 3.125000e-02 : f32
        %mul3A_412 = vector.broadcast %mul3A_411 : f32 to vector<16xf32>
        %mul3A_413 = arith.mulf %div3A_406, %mul3A_412 : vector<16xf32>
        %convert_element_type3A_414 = arith.fptosi %mul3A_413 : vector<16xf32> to vector<16xi32>
        %add3A_415 = arith.addi %convert_element_type3A_410, %sub3A_58 : vector<16xi32>
        %add3A_416 = arith.addi %convert_element_type3A_414, %sub3A_63 : vector<16xi32>
        %convert_element_type3A_417 = arith.sitofp %add3A_415 : vector<16xi32> to vector<16xf32>
        %add3A_418 = arith.constant 5.000000e-01 : f32
        %add3A_419 = vector.broadcast %add3A_418 : f32 to vector<16xf32>
        %add3A_420 = arith.addf %convert_element_type3A_417, %add3A_419 : vector<16xf32>
        %mul3A_421 = arith.constant 3.200000e+01 : f32
        %mul3A_422 = vector.broadcast %mul3A_421 : f32 to vector<16xf32>
        %mul3A_423 = arith.mulf %add3A_420, %mul3A_422 : vector<16xf32>
        %convert_element_type3A_424 = arith.sitofp %add3A_416 : vector<16xi32> to vector<16xf32>
        %add3A_425 = arith.constant 5.000000e-01 : f32
        %add3A_426 = vector.broadcast %add3A_425 : f32 to vector<16xf32>
        %add3A_427 = arith.addf %convert_element_type3A_424, %add3A_426 : vector<16xf32>
        %mul3A_428 = arith.constant 3.200000e+01 : f32
        %mul3A_429 = vector.broadcast %mul3A_428 : f32 to vector<16xf32>
        %mul3A_430 = arith.mulf %add3A_427, %mul3A_429 : vector<16xf32>
        %mul3A_431 = arith.constant 25 : i32
        %mul3A_432 = vector.broadcast %mul3A_431 : i32 to vector<16xi32>
        %mul3A_433 = arith.muli %add3A_416, %mul3A_432 : vector<16xi32>
        %add3A_434 = arith.addi %mul3A_433, %add3A_415 : vector<16xi32>
        %add3A_435 = arith.constant 12672 : i32
        %add3A_436 = vector.broadcast %add3A_435 : i32 to vector<16xi32>
        %add3A_437 = arith.addi %add3A_434, %add3A_436 : vector<16xi32>
        %sub3A_438 = vector.broadcast %mul3A_32 : i32 to vector<16xi32>
        %sub3A_439 = arith.subi %add3A_437, %sub3A_438 : vector<16xi32>
        %ge3A_440 = arith.constant 0 : i32
        %ge3A_441 = vector.broadcast %ge3A_440 : i32 to vector<16xi32>
        %ge3A_442 = arith.cmpi sge, %add3A_415, %ge3A_441 : vector<16xi32>
        %lt3A_443 = arith.constant 25 : i32
        %lt3A_444 = vector.broadcast %lt3A_443 : i32 to vector<16xi32>
        %lt3A_445 = arith.cmpi slt, %add3A_415, %lt3A_444 : vector<16xi32>
        %and3A_446 = arith.andi %ge3A_442, %lt3A_445 : vector<16xi1>
        %ge3A_447 = arith.constant 0 : i32
        %ge3A_448 = vector.broadcast %ge3A_447 : i32 to vector<16xi32>
        %ge3A_449 = arith.cmpi sge, %add3A_416, %ge3A_448 : vector<16xi32>
        %and3A_450 = arith.andi %and3A_446, %ge3A_449 : vector<16xi1>
        %lt3A_451 = arith.constant 25 : i32
        %lt3A_452 = vector.broadcast %lt3A_451 : i32 to vector<16xi32>
        %lt3A_453 = arith.cmpi slt, %add3A_416, %lt3A_452 : vector<16xi32>
        %and3A_454 = arith.andi %and3A_450, %lt3A_453 : vector<16xi1>
        %ge3A_455 = arith.constant 0 : i32
        %ge3A_456 = vector.broadcast %ge3A_455 : i32 to vector<16xi32>
        %ge3A_457 = arith.cmpi sge, %sub3A_439, %ge3A_456 : vector<16xi32>
        %and3A_458 = arith.andi %and3A_454, %ge3A_457 : vector<16xi1>
        %lt3A_459 = arith.constant 1792 : i32
        %lt3A_460 = vector.broadcast %lt3A_459 : i32 to vector<16xi32>
        %lt3A_461 = arith.cmpi slt, %sub3A_439, %lt3A_460 : vector<16xi32>
        %and3A_462 = arith.andi %and3A_458, %lt3A_461 : vector<16xi1>
        %jit3A_463 = arith.constant 0 : i32
        %broadcast_in_dim3A_464 = vector.broadcast %jit3A_463 : i32 to vector<16xi32>
        %select_n3A_465 = arith.select %and3A_462, %sub3A_439, %broadcast_in_dim3A_464 : vector<16xi1>, vector<16xi32>
        %sub3A_466 = arith.subf %mul3A_423, %gather3A_386 : vector<16xf32>
        %sub3A_467 = arith.subf %mul3A_430, %gather3A_390 : vector<16xf32>
        %sub3A_468 = arith.subf %gather3A_394, %mul3A_423 : vector<16xf32>
        %sub3A_469 = arith.subf %gather3A_398, %mul3A_430 : vector<16xf32>
        %min3A_470 = arith.minimumf %sub3A_466, %sub3A_467 : vector<16xf32>
        %min3A_471 = arith.minimumf %sub3A_468, %sub3A_469 : vector<16xf32>
        %min3A_472 = arith.minimumf %min3A_470, %min3A_471 : vector<16xf32>
        %max3A_473 = arith.maximumf %sub3A_466, %sub3A_467 : vector<16xf32>
        %max3A_474 = arith.maximumf %sub3A_468, %sub3A_469 : vector<16xf32>
        %max3A_475 = arith.maximumf %max3A_473, %max3A_474 : vector<16xf32>
        %sub3A_476 = arith.subf %mul3A_423, %div3A_402 : vector<16xf32>
        %abs3A_477 = math.absf %sub3A_476 : vector<16xf32>
        %sub3A_478 = arith.subf %mul3A_430, %div3A_406 : vector<16xf32>
        %abs3A_479 = math.absf %sub3A_478 : vector<16xf32>
        %max3A_480 = arith.maximumf %abs3A_477, %abs3A_479 : vector<16xf32>
        %sub3A_481 = arith.constant 1.280000e+02 : f32
        %sub3A_482 = vector.broadcast %sub3A_481 : f32 to vector<16xf32>
        %sub3A_483 = arith.subf %max3A_475, %sub3A_482 : vector<16xf32>
        %sub3A_484 = arith.constant 4.800000e+01 : f32
        %sub3A_485 = vector.broadcast %sub3A_484 : f32 to vector<16xf32>
        %sub3A_486 = arith.subf %sub3A_485, %max3A_480 : vector<16xf32>
        %min3A_487 = arith.minimumf %sub3A_483, %sub3A_486 : vector<16xf32>
        %min3A_488 = arith.minimumf %min3A_472, %min3A_487 : vector<16xf32>
        %gt3A_489 = arith.constant 0.000000e+00 : f32
        %gt3A_490 = vector.broadcast %gt3A_489 : f32 to vector<16xf32>
        %gt3A_491 = arith.cmpf ogt, %min3A_488, %gt3A_490 : vector<16xf32>
        %le3A_492 = arith.constant 2.560000e+02 : f32
        %le3A_493 = vector.broadcast %le3A_492 : f32 to vector<16xf32>
        %le3A_494 = arith.cmpf ole, %max3A_475, %le3A_493 : vector<16xf32>
        %and3A_495 = arith.andi %gt3A_491, %le3A_494 : vector<16xi1>
        %and3A_496 = arith.andi %and3A_495, %and3A_462 : vector<16xi1>
        %add3A_497 = arith.addf %sub3A_466, %sub3A_468 : vector<16xf32>
        %add3A_498 = arith.addf %sub3A_467, %sub3A_469 : vector<16xf32>
        %mul3A_499 = arith.mulf %add3A_497, %add3A_498 : vector<16xf32>
        %gather3A_500 = tpu.vector_load_idx %arg23[%select_n3A_465] : memref<1792xf32, #tpu.memory_space<vmem>>[vector<16xi32>], vector<16xf32>,
        %lt3A_501 = arith.cmpf olt, %mul3A_499, %gather3A_500 : vector<16xf32>
        %and3A_502 = arith.andi %and3A_496, %lt3A_501 : vector<16xi1>
        tpu.vector_store_idx %arg23[%select_n3A_465], %mul3A_499 masked %and3A_502 : memref<1792xf32, #tpu.memory_space<vmem>>[vector<16xi32>], vector<16xf32>, vector<16xi1>
        tpu.vector_store_idx %arg24[%select_n3A_465], %broadcast_in_dim3A_382 masked %and3A_502 : memref<1792xi32, #tpu.memory_space<vmem>>[vector<16xi32>], vector<16xi32>, vector<16xi1>
        %scan3A_503 = arith.constant 3 : i32
        %scan3A_504 = arith.addi %scan3A_142, %scan3A_503 : i32
        %broadcast_in_dim3A_505 = vector.broadcast %scan3A_504 : i32 to vector<16xi32>
        %mul3A_506 = arith.constant 4 : i32
        %mul3A_507 = vector.broadcast %mul3A_506 : i32 to vector<16xi32>
        %mul3A_508 = arith.muli %broadcast_in_dim3A_505, %mul3A_507 : vector<16xi32>
        %gather3A_509 = tpu.vector_load_idx %arg21[%mul3A_508] : memref<256xf32, #tpu.memory_space<vmem>>[vector<16xi32>], vector<16xf32>,
        %add3A_510 = arith.constant 1 : i32
        %add3A_511 = vector.broadcast %add3A_510 : i32 to vector<16xi32>
        %add3A_512 = arith.addi %mul3A_508, %add3A_511 : vector<16xi32>
        %gather3A_513 = tpu.vector_load_idx %arg21[%add3A_512] : memref<256xf32, #tpu.memory_space<vmem>>[vector<16xi32>], vector<16xf32>,
        %add3A_514 = arith.constant 2 : i32
        %add3A_515 = vector.broadcast %add3A_514 : i32 to vector<16xi32>
        %add3A_516 = arith.addi %mul3A_508, %add3A_515 : vector<16xi32>
        %gather3A_517 = tpu.vector_load_idx %arg21[%add3A_516] : memref<256xf32, #tpu.memory_space<vmem>>[vector<16xi32>], vector<16xf32>,
        %add3A_518 = arith.constant 3 : i32
        %add3A_519 = vector.broadcast %add3A_518 : i32 to vector<16xi32>
        %add3A_520 = arith.addi %mul3A_508, %add3A_519 : vector<16xi32>
        %gather3A_521 = tpu.vector_load_idx %arg21[%add3A_520] : memref<256xf32, #tpu.memory_space<vmem>>[vector<16xi32>], vector<16xf32>,
        %add3A_522 = arith.addf %gather3A_509, %gather3A_517 : vector<16xf32>
        %div3A_523 = arith.constant 2.000000e+00 : f32
        %div3A_524 = vector.broadcast %div3A_523 : f32 to vector<16xf32>
        %div3A_525 = arith.divf %add3A_522, %div3A_524 : vector<16xf32>
        %add3A_526 = arith.addf %gather3A_513, %gather3A_521 : vector<16xf32>
        %div3A_527 = arith.constant 2.000000e+00 : f32
        %div3A_528 = vector.broadcast %div3A_527 : f32 to vector<16xf32>
        %div3A_529 = arith.divf %add3A_526, %div3A_528 : vector<16xf32>
        %mul3A_530 = arith.constant 3.125000e-02 : f32
        %mul3A_531 = vector.broadcast %mul3A_530 : f32 to vector<16xf32>
        %mul3A_532 = arith.mulf %div3A_525, %mul3A_531 : vector<16xf32>
        %convert_element_type3A_533 = arith.fptosi %mul3A_532 : vector<16xf32> to vector<16xi32>
        %mul3A_534 = arith.constant 3.125000e-02 : f32
        %mul3A_535 = vector.broadcast %mul3A_534 : f32 to vector<16xf32>
        %mul3A_536 = arith.mulf %div3A_529, %mul3A_535 : vector<16xf32>
        %convert_element_type3A_537 = arith.fptosi %mul3A_536 : vector<16xf32> to vector<16xi32>
        %add3A_538 = arith.addi %convert_element_type3A_533, %sub3A_58 : vector<16xi32>
        %add3A_539 = arith.addi %convert_element_type3A_537, %sub3A_63 : vector<16xi32>
        %convert_element_type3A_540 = arith.sitofp %add3A_538 : vector<16xi32> to vector<16xf32>
        %add3A_541 = arith.constant 5.000000e-01 : f32
        %add3A_542 = vector.broadcast %add3A_541 : f32 to vector<16xf32>
        %add3A_543 = arith.addf %convert_element_type3A_540, %add3A_542 : vector<16xf32>
        %mul3A_544 = arith.constant 3.200000e+01 : f32
        %mul3A_545 = vector.broadcast %mul3A_544 : f32 to vector<16xf32>
        %mul3A_546 = arith.mulf %add3A_543, %mul3A_545 : vector<16xf32>
        %convert_element_type3A_547 = arith.sitofp %add3A_539 : vector<16xi32> to vector<16xf32>
        %add3A_548 = arith.constant 5.000000e-01 : f32
        %add3A_549 = vector.broadcast %add3A_548 : f32 to vector<16xf32>
        %add3A_550 = arith.addf %convert_element_type3A_547, %add3A_549 : vector<16xf32>
        %mul3A_551 = arith.constant 3.200000e+01 : f32
        %mul3A_552 = vector.broadcast %mul3A_551 : f32 to vector<16xf32>
        %mul3A_553 = arith.mulf %add3A_550, %mul3A_552 : vector<16xf32>
        %mul3A_554 = arith.constant 25 : i32
        %mul3A_555 = vector.broadcast %mul3A_554 : i32 to vector<16xi32>
        %mul3A_556 = arith.muli %add3A_539, %mul3A_555 : vector<16xi32>
        %add3A_557 = arith.addi %mul3A_556, %add3A_538 : vector<16xi32>
        %add3A_558 = arith.constant 12672 : i32
        %add3A_559 = vector.broadcast %add3A_558 : i32 to vector<16xi32>
        %add3A_560 = arith.addi %add3A_557, %add3A_559 : vector<16xi32>
        %sub3A_561 = vector.broadcast %mul3A_32 : i32 to vector<16xi32>
        %sub3A_562 = arith.subi %add3A_560, %sub3A_561 : vector<16xi32>
        %ge3A_563 = arith.constant 0 : i32
        %ge3A_564 = vector.broadcast %ge3A_563 : i32 to vector<16xi32>
        %ge3A_565 = arith.cmpi sge, %add3A_538, %ge3A_564 : vector<16xi32>
        %lt3A_566 = arith.constant 25 : i32
        %lt3A_567 = vector.broadcast %lt3A_566 : i32 to vector<16xi32>
        %lt3A_568 = arith.cmpi slt, %add3A_538, %lt3A_567 : vector<16xi32>
        %and3A_569 = arith.andi %ge3A_565, %lt3A_568 : vector<16xi1>
        %ge3A_570 = arith.constant 0 : i32
        %ge3A_571 = vector.broadcast %ge3A_570 : i32 to vector<16xi32>
        %ge3A_572 = arith.cmpi sge, %add3A_539, %ge3A_571 : vector<16xi32>
        %and3A_573 = arith.andi %and3A_569, %ge3A_572 : vector<16xi1>
        %lt3A_574 = arith.constant 25 : i32
        %lt3A_575 = vector.broadcast %lt3A_574 : i32 to vector<16xi32>
        %lt3A_576 = arith.cmpi slt, %add3A_539, %lt3A_575 : vector<16xi32>
        %and3A_577 = arith.andi %and3A_573, %lt3A_576 : vector<16xi1>
        %ge3A_578 = arith.constant 0 : i32
        %ge3A_579 = vector.broadcast %ge3A_578 : i32 to vector<16xi32>
        %ge3A_580 = arith.cmpi sge, %sub3A_562, %ge3A_579 : vector<16xi32>
        %and3A_581 = arith.andi %and3A_577, %ge3A_580 : vector<16xi1>
        %lt3A_582 = arith.constant 1792 : i32
        %lt3A_583 = vector.broadcast %lt3A_582 : i32 to vector<16xi32>
        %lt3A_584 = arith.cmpi slt, %sub3A_562, %lt3A_583 : vector<16xi32>
        %and3A_585 = arith.andi %and3A_581, %lt3A_584 : vector<16xi1>
        %jit3A_586 = arith.constant 0 : i32
        %broadcast_in_dim3A_587 = vector.broadcast %jit3A_586 : i32 to vector<16xi32>
        %select_n3A_588 = arith.select %and3A_585, %sub3A_562, %broadcast_in_dim3A_587 : vector<16xi1>, vector<16xi32>
        %sub3A_589 = arith.subf %mul3A_546, %gather3A_509 : vector<16xf32>
        %sub3A_590 = arith.subf %mul3A_553, %gather3A_513 : vector<16xf32>
        %sub3A_591 = arith.subf %gather3A_517, %mul3A_546 : vector<16xf32>
        %sub3A_592 = arith.subf %gather3A_521, %mul3A_553 : vector<16xf32>
        %min3A_593 = arith.minimumf %sub3A_589, %sub3A_590 : vector<16xf32>
        %min3A_594 = arith.minimumf %sub3A_591, %sub3A_592 : vector<16xf32>
        %min3A_595 = arith.minimumf %min3A_593, %min3A_594 : vector<16xf32>
        %max3A_596 = arith.maximumf %sub3A_589, %sub3A_590 : vector<16xf32>
        %max3A_597 = arith.maximumf %sub3A_591, %sub3A_592 : vector<16xf32>
        %max3A_598 = arith.maximumf %max3A_596, %max3A_597 : vector<16xf32>
        %sub3A_599 = arith.subf %mul3A_546, %div3A_525 : vector<16xf32>
        %abs3A_600 = math.absf %sub3A_599 : vector<16xf32>
        %sub3A_601 = arith.subf %mul3A_553, %div3A_529 : vector<16xf32>
        %abs3A_602 = math.absf %sub3A_601 : vector<16xf32>
        %max3A_603 = arith.maximumf %abs3A_600, %abs3A_602 : vector<16xf32>
        %sub3A_604 = arith.constant 1.280000e+02 : f32
        %sub3A_605 = vector.broadcast %sub3A_604 : f32 to vector<16xf32>
        %sub3A_606 = arith.subf %max3A_598, %sub3A_605 : vector<16xf32>
        %sub3A_607 = arith.constant 4.800000e+01 : f32
        %sub3A_608 = vector.broadcast %sub3A_607 : f32 to vector<16xf32>
        %sub3A_609 = arith.subf %sub3A_608, %max3A_603 : vector<16xf32>
        %min3A_610 = arith.minimumf %sub3A_606, %sub3A_609 : vector<16xf32>
        %min3A_611 = arith.minimumf %min3A_595, %min3A_610 : vector<16xf32>
        %gt3A_612 = arith.constant 0.000000e+00 : f32
        %gt3A_613 = vector.broadcast %gt3A_612 : f32 to vector<16xf32>
        %gt3A_614 = arith.cmpf ogt, %min3A_611, %gt3A_613 : vector<16xf32>
        %le3A_615 = arith.constant 2.560000e+02 : f32
        %le3A_616 = vector.broadcast %le3A_615 : f32 to vector<16xf32>
        %le3A_617 = arith.cmpf ole, %max3A_598, %le3A_616 : vector<16xf32>
        %and3A_618 = arith.andi %gt3A_614, %le3A_617 : vector<16xi1>
        %and3A_619 = arith.andi %and3A_618, %and3A_585 : vector<16xi1>
        %add3A_620 = arith.addf %sub3A_589, %sub3A_591 : vector<16xf32>
        %add3A_621 = arith.addf %sub3A_590, %sub3A_592 : vector<16xf32>
        %mul3A_622 = arith.mulf %add3A_620, %add3A_621 : vector<16xf32>
        %gather3A_623 = tpu.vector_load_idx %arg23[%select_n3A_588] : memref<1792xf32, #tpu.memory_space<vmem>>[vector<16xi32>], vector<16xf32>,
        %lt3A_624 = arith.cmpf olt, %mul3A_622, %gather3A_623 : vector<16xf32>
        %and3A_625 = arith.andi %and3A_619, %lt3A_624 : vector<16xi1>
        tpu.vector_store_idx %arg23[%select_n3A_588], %mul3A_622 masked %and3A_625 : memref<1792xf32, #tpu.memory_space<vmem>>[vector<16xi32>], vector<16xf32>, vector<16xi1>
        tpu.vector_store_idx %arg24[%select_n3A_588], %broadcast_in_dim3A_505 masked %and3A_625 : memref<1792xi32, #tpu.memory_space<vmem>>[vector<16xi32>], vector<16xi32>, vector<16xi1>
      }
      %scan3A_141 = arith.constant 64 : i32
    } else {
    }
    %lt3A_91 = arith.constant 13481 : i32
    %lt3A_92 = arith.cmpi slt, %mul3A_32, %lt3A_91 : i32
    %add3A_93 = arith.constant 1792 : i32
    %add3A_94 = arith.addi %mul3A_32, %add3A_93 : i32
    %gt3A_95 = arith.constant 13312 : i32
    %gt3A_96 = arith.cmpi sgt, %add3A_94, %gt3A_95 : i32
    %and3A_97 = arith.andi %lt3A_92, %gt3A_96 : i1
    %convert_element_type3A_98 = arith.extui %and3A_97 : i1 to i32
    %cond3A_99 = arith.constant 0 : i32
    %cond3A_100 = arith.cmpi ne, %convert_element_type3A_98, %cond3A_99 : i32
    scf.if %cond3A_100 {
      %scan3A = arith.constant 0 : i32
      %scan3A_137 = arith.constant 0 : i32
      %scan3A_138 = arith.constant 64 : i32
      %scan3A_139 = arith.addi %scan3A_137, %scan3A_138 : i32
      %scan3A_140 = arith.constant 4 : i32
      scf.for %scan3A_142 = %scan3A_137 to %scan3A_139 step %scan3A_140  : i32 {
        %broadcast_in_dim3A = vector.broadcast %scan3A_142 : i32 to vector<16xi32>
        %mul3A_143 = arith.constant 4 : i32
        %mul3A_144 = vector.broadcast %mul3A_143 : i32 to vector<16xi32>
        %mul3A_145 = arith.muli %broadcast_in_dim3A, %mul3A_144 : vector<16xi32>
        %gather3A = tpu.vector_load_idx %arg21[%mul3A_145] : memref<256xf32, #tpu.memory_space<vmem>>[vector<16xi32>], vector<16xf32>,
        %add3A_146 = arith.constant 1 : i32
        %add3A_147 = vector.broadcast %add3A_146 : i32 to vector<16xi32>
        %add3A_148 = arith.addi %mul3A_145, %add3A_147 : vector<16xi32>
        %gather3A_149 = tpu.vector_load_idx %arg21[%add3A_148] : memref<256xf32, #tpu.memory_space<vmem>>[vector<16xi32>], vector<16xf32>,
        %add3A_150 = arith.constant 2 : i32
        %add3A_151 = vector.broadcast %add3A_150 : i32 to vector<16xi32>
        %add3A_152 = arith.addi %mul3A_145, %add3A_151 : vector<16xi32>
        %gather3A_153 = tpu.vector_load_idx %arg21[%add3A_152] : memref<256xf32, #tpu.memory_space<vmem>>[vector<16xi32>], vector<16xf32>,
        %add3A_154 = arith.constant 3 : i32
        %add3A_155 = vector.broadcast %add3A_154 : i32 to vector<16xi32>
        %add3A_156 = arith.addi %mul3A_145, %add3A_155 : vector<16xi32>
        %gather3A_157 = tpu.vector_load_idx %arg21[%add3A_156] : memref<256xf32, #tpu.memory_space<vmem>>[vector<16xi32>], vector<16xf32>,
        %add3A_158 = arith.addf %gather3A, %gather3A_153 : vector<16xf32>
        %div3A_159 = arith.constant 2.000000e+00 : f32
        %div3A_160 = vector.broadcast %div3A_159 : f32 to vector<16xf32>
        %div3A_161 = arith.divf %add3A_158, %div3A_160 : vector<16xf32>
        %add3A_162 = arith.addf %gather3A_149, %gather3A_157 : vector<16xf32>
        %div3A_163 = arith.constant 2.000000e+00 : f32
        %div3A_164 = vector.broadcast %div3A_163 : f32 to vector<16xf32>
        %div3A_165 = arith.divf %add3A_162, %div3A_164 : vector<16xf32>
        %mul3A_166 = arith.constant 1.562500e-02 : f32
        %mul3A_167 = vector.broadcast %mul3A_166 : f32 to vector<16xf32>
        %mul3A_168 = arith.mulf %div3A_161, %mul3A_167 : vector<16xf32>
        %convert_element_type3A_169 = arith.fptosi %mul3A_168 : vector<16xf32> to vector<16xi32>
        %mul3A_170 = arith.constant 1.562500e-02 : f32
        %mul3A_171 = vector.broadcast %mul3A_170 : f32 to vector<16xf32>
        %mul3A_172 = arith.mulf %div3A_165, %mul3A_171 : vector<16xf32>
        %convert_element_type3A_173 = arith.fptosi %mul3A_172 : vector<16xf32> to vector<16xi32>
        %add3A_174 = arith.addi %convert_element_type3A_169, %sub3A_58 : vector<16xi32>
        %add3A_175 = arith.addi %convert_element_type3A_173, %sub3A_63 : vector<16xi32>
        %convert_element_type3A_176 = arith.sitofp %add3A_174 : vector<16xi32> to vector<16xf32>
        %add3A_177 = arith.constant 5.000000e-01 : f32
        %add3A_178 = vector.broadcast %add3A_177 : f32 to vector<16xf32>
        %add3A_179 = arith.addf %convert_element_type3A_176, %add3A_178 : vector<16xf32>
        %mul3A_180 = arith.constant 6.400000e+01 : f32
        %mul3A_181 = vector.broadcast %mul3A_180 : f32 to vector<16xf32>
        %mul3A_182 = arith.mulf %add3A_179, %mul3A_181 : vector<16xf32>
        %convert_element_type3A_183 = arith.sitofp %add3A_175 : vector<16xi32> to vector<16xf32>
        %add3A_184 = arith.constant 5.000000e-01 : f32
        %add3A_185 = vector.broadcast %add3A_184 : f32 to vector<16xf32>
        %add3A_186 = arith.addf %convert_element_type3A_183, %add3A_185 : vector<16xf32>
        %mul3A_187 = arith.constant 6.400000e+01 : f32
        %mul3A_188 = vector.broadcast %mul3A_187 : f32 to vector<16xf32>
        %mul3A_189 = arith.mulf %add3A_186, %mul3A_188 : vector<16xf32>
        %mul3A_190 = arith.constant 13 : i32
        %mul3A_191 = vector.broadcast %mul3A_190 : i32 to vector<16xi32>
        %mul3A_192 = arith.muli %add3A_175, %mul3A_191 : vector<16xi32>
        %add3A_193 = arith.addi %mul3A_192, %add3A_174 : vector<16xi32>
        %add3A_194 = arith.constant 13312 : i32
        %add3A_195 = vector.broadcast %add3A_194 : i32 to vector<16xi32>
        %add3A_196 = arith.addi %add3A_193, %add3A_195 : vector<16xi32>
        %sub3A_197 = vector.broadcast %mul3A_32 : i32 to vector<16xi32>
        %sub3A_198 = arith.subi %add3A_196, %sub3A_197 : vector<16xi32>
        %ge3A = arith.constant 0 : i32
        %ge3A_199 = vector.broadcast %ge3A : i32 to vector<16xi32>
        %ge3A_200 = arith.cmpi sge, %add3A_174, %ge3A_199 : vector<16xi32>
        %lt3A_201 = arith.constant 13 : i32
        %lt3A_202 = vector.broadcast %lt3A_201 : i32 to vector<16xi32>
        %lt3A_203 = arith.cmpi slt, %add3A_174, %lt3A_202 : vector<16xi32>
        %and3A_204 = arith.andi %ge3A_200, %lt3A_203 : vector<16xi1>
        %ge3A_205 = arith.constant 0 : i32
        %ge3A_206 = vector.broadcast %ge3A_205 : i32 to vector<16xi32>
        %ge3A_207 = arith.cmpi sge, %add3A_175, %ge3A_206 : vector<16xi32>
        %and3A_208 = arith.andi %and3A_204, %ge3A_207 : vector<16xi1>
        %lt3A_209 = arith.constant 13 : i32
        %lt3A_210 = vector.broadcast %lt3A_209 : i32 to vector<16xi32>
        %lt3A_211 = arith.cmpi slt, %add3A_175, %lt3A_210 : vector<16xi32>
        %and3A_212 = arith.andi %and3A_208, %lt3A_211 : vector<16xi1>
        %ge3A_213 = arith.constant 0 : i32
        %ge3A_214 = vector.broadcast %ge3A_213 : i32 to vector<16xi32>
        %ge3A_215 = arith.cmpi sge, %sub3A_198, %ge3A_214 : vector<16xi32>
        %and3A_216 = arith.andi %and3A_212, %ge3A_215 : vector<16xi1>
        %lt3A_217 = arith.constant 1792 : i32
        %lt3A_218 = vector.broadcast %lt3A_217 : i32 to vector<16xi32>
        %lt3A_219 = arith.cmpi slt, %sub3A_198, %lt3A_218 : vector<16xi32>
        %and3A_220 = arith.andi %and3A_216, %lt3A_219 : vector<16xi1>
        %jit3A_221 = arith.constant 0 : i32
        %broadcast_in_dim3A_222 = vector.broadcast %jit3A_221 : i32 to vector<16xi32>
        %select_n3A_223 = arith.select %and3A_220, %sub3A_198, %broadcast_in_dim3A_222 : vector<16xi1>, vector<16xi32>
        %sub3A_224 = arith.subf %mul3A_182, %gather3A : vector<16xf32>
        %sub3A_225 = arith.subf %mul3A_189, %gather3A_149 : vector<16xf32>
        %sub3A_226 = arith.subf %gather3A_153, %mul3A_182 : vector<16xf32>
        %sub3A_227 = arith.subf %gather3A_157, %mul3A_189 : vector<16xf32>
        %min3A = arith.minimumf %sub3A_224, %sub3A_225 : vector<16xf32>
        %min3A_228 = arith.minimumf %sub3A_226, %sub3A_227 : vector<16xf32>
        %min3A_229 = arith.minimumf %min3A, %min3A_228 : vector<16xf32>
        %max3A = arith.maximumf %sub3A_224, %sub3A_225 : vector<16xf32>
        %max3A_230 = arith.maximumf %sub3A_226, %sub3A_227 : vector<16xf32>
        %max3A_231 = arith.maximumf %max3A, %max3A_230 : vector<16xf32>
        %sub3A_232 = arith.subf %mul3A_182, %div3A_161 : vector<16xf32>
        %abs3A = math.absf %sub3A_232 : vector<16xf32>
        %sub3A_233 = arith.subf %mul3A_189, %div3A_165 : vector<16xf32>
        %abs3A_234 = math.absf %sub3A_233 : vector<16xf32>
        %max3A_235 = arith.maximumf %abs3A, %abs3A_234 : vector<16xf32>
        %sub3A_236 = arith.constant 2.560000e+02 : f32
        %sub3A_237 = vector.broadcast %sub3A_236 : f32 to vector<16xf32>
        %sub3A_238 = arith.subf %max3A_231, %sub3A_237 : vector<16xf32>
        %sub3A_239 = arith.constant 9.600000e+01 : f32
        %sub3A_240 = vector.broadcast %sub3A_239 : f32 to vector<16xf32>
        %sub3A_241 = arith.subf %sub3A_240, %max3A_235 : vector<16xf32>
        %min3A_242 = arith.minimumf %sub3A_238, %sub3A_241 : vector<16xf32>
        %min3A_243 = arith.minimumf %min3A_229, %min3A_242 : vector<16xf32>
        %gt3A_244 = arith.constant 0.000000e+00 : f32
        %gt3A_245 = vector.broadcast %gt3A_244 : f32 to vector<16xf32>
        %gt3A_246 = arith.cmpf ogt, %min3A_243, %gt3A_245 : vector<16xf32>
        %le3A = arith.constant 5.120000e+02 : f32
        %le3A_247 = vector.broadcast %le3A : f32 to vector<16xf32>
        %le3A_248 = arith.cmpf ole, %max3A_231, %le3A_247 : vector<16xf32>
        %and3A_249 = arith.andi %gt3A_246, %le3A_248 : vector<16xi1>
        %and3A_250 = arith.andi %and3A_249, %and3A_220 : vector<16xi1>
        %add3A_251 = arith.addf %sub3A_224, %sub3A_226 : vector<16xf32>
        %add3A_252 = arith.addf %sub3A_225, %sub3A_227 : vector<16xf32>
        %mul3A_253 = arith.mulf %add3A_251, %add3A_252 : vector<16xf32>
        %gather3A_254 = tpu.vector_load_idx %arg23[%select_n3A_223] : memref<1792xf32, #tpu.memory_space<vmem>>[vector<16xi32>], vector<16xf32>,
        %lt3A_255 = arith.cmpf olt, %mul3A_253, %gather3A_254 : vector<16xf32>
        %and3A_256 = arith.andi %and3A_250, %lt3A_255 : vector<16xi1>
        tpu.vector_store_idx %arg23[%select_n3A_223], %mul3A_253 masked %and3A_256 : memref<1792xf32, #tpu.memory_space<vmem>>[vector<16xi32>], vector<16xf32>, vector<16xi1>
        tpu.vector_store_idx %arg24[%select_n3A_223], %broadcast_in_dim3A masked %and3A_256 : memref<1792xi32, #tpu.memory_space<vmem>>[vector<16xi32>], vector<16xi32>, vector<16xi1>
        %scan3A_257 = arith.constant 1 : i32
        %scan3A_258 = arith.addi %scan3A_142, %scan3A_257 : i32
        %broadcast_in_dim3A_259 = vector.broadcast %scan3A_258 : i32 to vector<16xi32>
        %mul3A_260 = arith.constant 4 : i32
        %mul3A_261 = vector.broadcast %mul3A_260 : i32 to vector<16xi32>
        %mul3A_262 = arith.muli %broadcast_in_dim3A_259, %mul3A_261 : vector<16xi32>
        %gather3A_263 = tpu.vector_load_idx %arg21[%mul3A_262] : memref<256xf32, #tpu.memory_space<vmem>>[vector<16xi32>], vector<16xf32>,
        %add3A_264 = arith.constant 1 : i32
        %add3A_265 = vector.broadcast %add3A_264 : i32 to vector<16xi32>
        %add3A_266 = arith.addi %mul3A_262, %add3A_265 : vector<16xi32>
        %gather3A_267 = tpu.vector_load_idx %arg21[%add3A_266] : memref<256xf32, #tpu.memory_space<vmem>>[vector<16xi32>], vector<16xf32>,
        %add3A_268 = arith.constant 2 : i32
        %add3A_269 = vector.broadcast %add3A_268 : i32 to vector<16xi32>
        %add3A_270 = arith.addi %mul3A_262, %add3A_269 : vector<16xi32>
        %gather3A_271 = tpu.vector_load_idx %arg21[%add3A_270] : memref<256xf32, #tpu.memory_space<vmem>>[vector<16xi32>], vector<16xf32>,
        %add3A_272 = arith.constant 3 : i32
        %add3A_273 = vector.broadcast %add3A_272 : i32 to vector<16xi32>
        %add3A_274 = arith.addi %mul3A_262, %add3A_273 : vector<16xi32>
        %gather3A_275 = tpu.vector_load_idx %arg21[%add3A_274] : memref<256xf32, #tpu.memory_space<vmem>>[vector<16xi32>], vector<16xf32>,
        %add3A_276 = arith.addf %gather3A_263, %gather3A_271 : vector<16xf32>
        %div3A_277 = arith.constant 2.000000e+00 : f32
        %div3A_278 = vector.broadcast %div3A_277 : f32 to vector<16xf32>
        %div3A_279 = arith.divf %add3A_276, %div3A_278 : vector<16xf32>
        %add3A_280 = arith.addf %gather3A_267, %gather3A_275 : vector<16xf32>
        %div3A_281 = arith.constant 2.000000e+00 : f32
        %div3A_282 = vector.broadcast %div3A_281 : f32 to vector<16xf32>
        %div3A_283 = arith.divf %add3A_280, %div3A_282 : vector<16xf32>
        %mul3A_284 = arith.constant 1.562500e-02 : f32
        %mul3A_285 = vector.broadcast %mul3A_284 : f32 to vector<16xf32>
        %mul3A_286 = arith.mulf %div3A_279, %mul3A_285 : vector<16xf32>
        %convert_element_type3A_287 = arith.fptosi %mul3A_286 : vector<16xf32> to vector<16xi32>
        %mul3A_288 = arith.constant 1.562500e-02 : f32
        %mul3A_289 = vector.broadcast %mul3A_288 : f32 to vector<16xf32>
        %mul3A_290 = arith.mulf %div3A_283, %mul3A_289 : vector<16xf32>
        %convert_element_type3A_291 = arith.fptosi %mul3A_290 : vector<16xf32> to vector<16xi32>
        %add3A_292 = arith.addi %convert_element_type3A_287, %sub3A_58 : vector<16xi32>
        %add3A_293 = arith.addi %convert_element_type3A_291, %sub3A_63 : vector<16xi32>
        %convert_element_type3A_294 = arith.sitofp %add3A_292 : vector<16xi32> to vector<16xf32>
        %add3A_295 = arith.constant 5.000000e-01 : f32
        %add3A_296 = vector.broadcast %add3A_295 : f32 to vector<16xf32>
        %add3A_297 = arith.addf %convert_element_type3A_294, %add3A_296 : vector<16xf32>
        %mul3A_298 = arith.constant 6.400000e+01 : f32
        %mul3A_299 = vector.broadcast %mul3A_298 : f32 to vector<16xf32>
        %mul3A_300 = arith.mulf %add3A_297, %mul3A_299 : vector<16xf32>
        %convert_element_type3A_301 = arith.sitofp %add3A_293 : vector<16xi32> to vector<16xf32>
        %add3A_302 = arith.constant 5.000000e-01 : f32
        %add3A_303 = vector.broadcast %add3A_302 : f32 to vector<16xf32>
        %add3A_304 = arith.addf %convert_element_type3A_301, %add3A_303 : vector<16xf32>
        %mul3A_305 = arith.constant 6.400000e+01 : f32
        %mul3A_306 = vector.broadcast %mul3A_305 : f32 to vector<16xf32>
        %mul3A_307 = arith.mulf %add3A_304, %mul3A_306 : vector<16xf32>
        %mul3A_308 = arith.constant 13 : i32
        %mul3A_309 = vector.broadcast %mul3A_308 : i32 to vector<16xi32>
        %mul3A_310 = arith.muli %add3A_293, %mul3A_309 : vector<16xi32>
        %add3A_311 = arith.addi %mul3A_310, %add3A_292 : vector<16xi32>
        %add3A_312 = arith.constant 13312 : i32
        %add3A_313 = vector.broadcast %add3A_312 : i32 to vector<16xi32>
        %add3A_314 = arith.addi %add3A_311, %add3A_313 : vector<16xi32>
        %sub3A_315 = vector.broadcast %mul3A_32 : i32 to vector<16xi32>
        %sub3A_316 = arith.subi %add3A_314, %sub3A_315 : vector<16xi32>
        %ge3A_317 = arith.constant 0 : i32
        %ge3A_318 = vector.broadcast %ge3A_317 : i32 to vector<16xi32>
        %ge3A_319 = arith.cmpi sge, %add3A_292, %ge3A_318 : vector<16xi32>
        %lt3A_320 = arith.constant 13 : i32
        %lt3A_321 = vector.broadcast %lt3A_320 : i32 to vector<16xi32>
        %lt3A_322 = arith.cmpi slt, %add3A_292, %lt3A_321 : vector<16xi32>
        %and3A_323 = arith.andi %ge3A_319, %lt3A_322 : vector<16xi1>
        %ge3A_324 = arith.constant 0 : i32
        %ge3A_325 = vector.broadcast %ge3A_324 : i32 to vector<16xi32>
        %ge3A_326 = arith.cmpi sge, %add3A_293, %ge3A_325 : vector<16xi32>
        %and3A_327 = arith.andi %and3A_323, %ge3A_326 : vector<16xi1>
        %lt3A_328 = arith.constant 13 : i32
        %lt3A_329 = vector.broadcast %lt3A_328 : i32 to vector<16xi32>
        %lt3A_330 = arith.cmpi slt, %add3A_293, %lt3A_329 : vector<16xi32>
        %and3A_331 = arith.andi %and3A_327, %lt3A_330 : vector<16xi1>
        %ge3A_332 = arith.constant 0 : i32
        %ge3A_333 = vector.broadcast %ge3A_332 : i32 to vector<16xi32>
        %ge3A_334 = arith.cmpi sge, %sub3A_316, %ge3A_333 : vector<16xi32>
        %and3A_335 = arith.andi %and3A_331, %ge3A_334 : vector<16xi1>
        %lt3A_336 = arith.constant 1792 : i32
        %lt3A_337 = vector.broadcast %lt3A_336 : i32 to vector<16xi32>
        %lt3A_338 = arith.cmpi slt, %sub3A_316, %lt3A_337 : vector<16xi32>
        %and3A_339 = arith.andi %and3A_335, %lt3A_338 : vector<16xi1>
        %jit3A_340 = arith.constant 0 : i32
        %broadcast_in_dim3A_341 = vector.broadcast %jit3A_340 : i32 to vector<16xi32>
        %select_n3A_342 = arith.select %and3A_339, %sub3A_316, %broadcast_in_dim3A_341 : vector<16xi1>, vector<16xi32>
        %sub3A_343 = arith.subf %mul3A_300, %gather3A_263 : vector<16xf32>
        %sub3A_344 = arith.subf %mul3A_307, %gather3A_267 : vector<16xf32>
        %sub3A_345 = arith.subf %gather3A_271, %mul3A_300 : vector<16xf32>
        %sub3A_346 = arith.subf %gather3A_275, %mul3A_307 : vector<16xf32>
        %min3A_347 = arith.minimumf %sub3A_343, %sub3A_344 : vector<16xf32>
        %min3A_348 = arith.minimumf %sub3A_345, %sub3A_346 : vector<16xf32>
        %min3A_349 = arith.minimumf %min3A_347, %min3A_348 : vector<16xf32>
        %max3A_350 = arith.maximumf %sub3A_343, %sub3A_344 : vector<16xf32>
        %max3A_351 = arith.maximumf %sub3A_345, %sub3A_346 : vector<16xf32>
        %max3A_352 = arith.maximumf %max3A_350, %max3A_351 : vector<16xf32>
        %sub3A_353 = arith.subf %mul3A_300, %div3A_279 : vector<16xf32>
        %abs3A_354 = math.absf %sub3A_353 : vector<16xf32>
        %sub3A_355 = arith.subf %mul3A_307, %div3A_283 : vector<16xf32>
        %abs3A_356 = math.absf %sub3A_355 : vector<16xf32>
        %max3A_357 = arith.maximumf %abs3A_354, %abs3A_356 : vector<16xf32>
        %sub3A_358 = arith.constant 2.560000e+02 : f32
        %sub3A_359 = vector.broadcast %sub3A_358 : f32 to vector<16xf32>
        %sub3A_360 = arith.subf %max3A_352, %sub3A_359 : vector<16xf32>
        %sub3A_361 = arith.constant 9.600000e+01 : f32
        %sub3A_362 = vector.broadcast %sub3A_361 : f32 to vector<16xf32>
        %sub3A_363 = arith.subf %sub3A_362, %max3A_357 : vector<16xf32>
        %min3A_364 = arith.minimumf %sub3A_360, %sub3A_363 : vector<16xf32>
        %min3A_365 = arith.minimumf %min3A_349, %min3A_364 : vector<16xf32>
        %gt3A_366 = arith.constant 0.000000e+00 : f32
        %gt3A_367 = vector.broadcast %gt3A_366 : f32 to vector<16xf32>
        %gt3A_368 = arith.cmpf ogt, %min3A_365, %gt3A_367 : vector<16xf32>
        %le3A_369 = arith.constant 5.120000e+02 : f32
        %le3A_370 = vector.broadcast %le3A_369 : f32 to vector<16xf32>
        %le3A_371 = arith.cmpf ole, %max3A_352, %le3A_370 : vector<16xf32>
        %and3A_372 = arith.andi %gt3A_368, %le3A_371 : vector<16xi1>
        %and3A_373 = arith.andi %and3A_372, %and3A_339 : vector<16xi1>
        %add3A_374 = arith.addf %sub3A_343, %sub3A_345 : vector<16xf32>
        %add3A_375 = arith.addf %sub3A_344, %sub3A_346 : vector<16xf32>
        %mul3A_376 = arith.mulf %add3A_374, %add3A_375 : vector<16xf32>
        %gather3A_377 = tpu.vector_load_idx %arg23[%select_n3A_342] : memref<1792xf32, #tpu.memory_space<vmem>>[vector<16xi32>], vector<16xf32>,
        %lt3A_378 = arith.cmpf olt, %mul3A_376, %gather3A_377 : vector<16xf32>
        %and3A_379 = arith.andi %and3A_373, %lt3A_378 : vector<16xi1>
        tpu.vector_store_idx %arg23[%select_n3A_342], %mul3A_376 masked %and3A_379 : memref<1792xf32, #tpu.memory_space<vmem>>[vector<16xi32>], vector<16xf32>, vector<16xi1>
        tpu.vector_store_idx %arg24[%select_n3A_342], %broadcast_in_dim3A_259 masked %and3A_379 : memref<1792xi32, #tpu.memory_space<vmem>>[vector<16xi32>], vector<16xi32>, vector<16xi1>
        %scan3A_380 = arith.constant 2 : i32
        %scan3A_381 = arith.addi %scan3A_142, %scan3A_380 : i32
        %broadcast_in_dim3A_382 = vector.broadcast %scan3A_381 : i32 to vector<16xi32>
        %mul3A_383 = arith.constant 4 : i32
        %mul3A_384 = vector.broadcast %mul3A_383 : i32 to vector<16xi32>
        %mul3A_385 = arith.muli %broadcast_in_dim3A_382, %mul3A_384 : vector<16xi32>
        %gather3A_386 = tpu.vector_load_idx %arg21[%mul3A_385] : memref<256xf32, #tpu.memory_space<vmem>>[vector<16xi32>], vector<16xf32>,
        %add3A_387 = arith.constant 1 : i32
        %add3A_388 = vector.broadcast %add3A_387 : i32 to vector<16xi32>
        %add3A_389 = arith.addi %mul3A_385, %add3A_388 : vector<16xi32>
        %gather3A_390 = tpu.vector_load_idx %arg21[%add3A_389] : memref<256xf32, #tpu.memory_space<vmem>>[vector<16xi32>], vector<16xf32>,
        %add3A_391 = arith.constant 2 : i32
        %add3A_392 = vector.broadcast %add3A_391 : i32 to vector<16xi32>
        %add3A_393 = arith.addi %mul3A_385, %add3A_392 : vector<16xi32>
        %gather3A_394 = tpu.vector_load_idx %arg21[%add3A_393] : memref<256xf32, #tpu.memory_space<vmem>>[vector<16xi32>], vector<16xf32>,
        %add3A_395 = arith.constant 3 : i32
        %add3A_396 = vector.broadcast %add3A_395 : i32 to vector<16xi32>
        %add3A_397 = arith.addi %mul3A_385, %add3A_396 : vector<16xi32>
        %gather3A_398 = tpu.vector_load_idx %arg21[%add3A_397] : memref<256xf32, #tpu.memory_space<vmem>>[vector<16xi32>], vector<16xf32>,
        %add3A_399 = arith.addf %gather3A_386, %gather3A_394 : vector<16xf32>
        %div3A_400 = arith.constant 2.000000e+00 : f32
        %div3A_401 = vector.broadcast %div3A_400 : f32 to vector<16xf32>
        %div3A_402 = arith.divf %add3A_399, %div3A_401 : vector<16xf32>
        %add3A_403 = arith.addf %gather3A_390, %gather3A_398 : vector<16xf32>
        %div3A_404 = arith.constant 2.000000e+00 : f32
        %div3A_405 = vector.broadcast %div3A_404 : f32 to vector<16xf32>
        %div3A_406 = arith.divf %add3A_403, %div3A_405 : vector<16xf32>
        %mul3A_407 = arith.constant 1.562500e-02 : f32
        %mul3A_408 = vector.broadcast %mul3A_407 : f32 to vector<16xf32>
        %mul3A_409 = arith.mulf %div3A_402, %mul3A_408 : vector<16xf32>
        %convert_element_type3A_410 = arith.fptosi %mul3A_409 : vector<16xf32> to vector<16xi32>
        %mul3A_411 = arith.constant 1.562500e-02 : f32
        %mul3A_412 = vector.broadcast %mul3A_411 : f32 to vector<16xf32>
        %mul3A_413 = arith.mulf %div3A_406, %mul3A_412 : vector<16xf32>
        %convert_element_type3A_414 = arith.fptosi %mul3A_413 : vector<16xf32> to vector<16xi32>
        %add3A_415 = arith.addi %convert_element_type3A_410, %sub3A_58 : vector<16xi32>
        %add3A_416 = arith.addi %convert_element_type3A_414, %sub3A_63 : vector<16xi32>
        %convert_element_type3A_417 = arith.sitofp %add3A_415 : vector<16xi32> to vector<16xf32>
        %add3A_418 = arith.constant 5.000000e-01 : f32
        %add3A_419 = vector.broadcast %add3A_418 : f32 to vector<16xf32>
        %add3A_420 = arith.addf %convert_element_type3A_417, %add3A_419 : vector<16xf32>
        %mul3A_421 = arith.constant 6.400000e+01 : f32
        %mul3A_422 = vector.broadcast %mul3A_421 : f32 to vector<16xf32>
        %mul3A_423 = arith.mulf %add3A_420, %mul3A_422 : vector<16xf32>
        %convert_element_type3A_424 = arith.sitofp %add3A_416 : vector<16xi32> to vector<16xf32>
        %add3A_425 = arith.constant 5.000000e-01 : f32
        %add3A_426 = vector.broadcast %add3A_425 : f32 to vector<16xf32>
        %add3A_427 = arith.addf %convert_element_type3A_424, %add3A_426 : vector<16xf32>
        %mul3A_428 = arith.constant 6.400000e+01 : f32
        %mul3A_429 = vector.broadcast %mul3A_428 : f32 to vector<16xf32>
        %mul3A_430 = arith.mulf %add3A_427, %mul3A_429 : vector<16xf32>
        %mul3A_431 = arith.constant 13 : i32
        %mul3A_432 = vector.broadcast %mul3A_431 : i32 to vector<16xi32>
        %mul3A_433 = arith.muli %add3A_416, %mul3A_432 : vector<16xi32>
        %add3A_434 = arith.addi %mul3A_433, %add3A_415 : vector<16xi32>
        %add3A_435 = arith.constant 13312 : i32
        %add3A_436 = vector.broadcast %add3A_435 : i32 to vector<16xi32>
        %add3A_437 = arith.addi %add3A_434, %add3A_436 : vector<16xi32>
        %sub3A_438 = vector.broadcast %mul3A_32 : i32 to vector<16xi32>
        %sub3A_439 = arith.subi %add3A_437, %sub3A_438 : vector<16xi32>
        %ge3A_440 = arith.constant 0 : i32
        %ge3A_441 = vector.broadcast %ge3A_440 : i32 to vector<16xi32>
        %ge3A_442 = arith.cmpi sge, %add3A_415, %ge3A_441 : vector<16xi32>
        %lt3A_443 = arith.constant 13 : i32
        %lt3A_444 = vector.broadcast %lt3A_443 : i32 to vector<16xi32>
        %lt3A_445 = arith.cmpi slt, %add3A_415, %lt3A_444 : vector<16xi32>
        %and3A_446 = arith.andi %ge3A_442, %lt3A_445 : vector<16xi1>
        %ge3A_447 = arith.constant 0 : i32
        %ge3A_448 = vector.broadcast %ge3A_447 : i32 to vector<16xi32>
        %ge3A_449 = arith.cmpi sge, %add3A_416, %ge3A_448 : vector<16xi32>
        %and3A_450 = arith.andi %and3A_446, %ge3A_449 : vector<16xi1>
        %lt3A_451 = arith.constant 13 : i32
        %lt3A_452 = vector.broadcast %lt3A_451 : i32 to vector<16xi32>
        %lt3A_453 = arith.cmpi slt, %add3A_416, %lt3A_452 : vector<16xi32>
        %and3A_454 = arith.andi %and3A_450, %lt3A_453 : vector<16xi1>
        %ge3A_455 = arith.constant 0 : i32
        %ge3A_456 = vector.broadcast %ge3A_455 : i32 to vector<16xi32>
        %ge3A_457 = arith.cmpi sge, %sub3A_439, %ge3A_456 : vector<16xi32>
        %and3A_458 = arith.andi %and3A_454, %ge3A_457 : vector<16xi1>
        %lt3A_459 = arith.constant 1792 : i32
        %lt3A_460 = vector.broadcast %lt3A_459 : i32 to vector<16xi32>
        %lt3A_461 = arith.cmpi slt, %sub3A_439, %lt3A_460 : vector<16xi32>
        %and3A_462 = arith.andi %and3A_458, %lt3A_461 : vector<16xi1>
        %jit3A_463 = arith.constant 0 : i32
        %broadcast_in_dim3A_464 = vector.broadcast %jit3A_463 : i32 to vector<16xi32>
        %select_n3A_465 = arith.select %and3A_462, %sub3A_439, %broadcast_in_dim3A_464 : vector<16xi1>, vector<16xi32>
        %sub3A_466 = arith.subf %mul3A_423, %gather3A_386 : vector<16xf32>
        %sub3A_467 = arith.subf %mul3A_430, %gather3A_390 : vector<16xf32>
        %sub3A_468 = arith.subf %gather3A_394, %mul3A_423 : vector<16xf32>
        %sub3A_469 = arith.subf %gather3A_398, %mul3A_430 : vector<16xf32>
        %min3A_470 = arith.minimumf %sub3A_466, %sub3A_467 : vector<16xf32>
        %min3A_471 = arith.minimumf %sub3A_468, %sub3A_469 : vector<16xf32>
        %min3A_472 = arith.minimumf %min3A_470, %min3A_471 : vector<16xf32>
        %max3A_473 = arith.maximumf %sub3A_466, %sub3A_467 : vector<16xf32>
        %max3A_474 = arith.maximumf %sub3A_468, %sub3A_469 : vector<16xf32>
        %max3A_475 = arith.maximumf %max3A_473, %max3A_474 : vector<16xf32>
        %sub3A_476 = arith.subf %mul3A_423, %div3A_402 : vector<16xf32>
        %abs3A_477 = math.absf %sub3A_476 : vector<16xf32>
        %sub3A_478 = arith.subf %mul3A_430, %div3A_406 : vector<16xf32>
        %abs3A_479 = math.absf %sub3A_478 : vector<16xf32>
        %max3A_480 = arith.maximumf %abs3A_477, %abs3A_479 : vector<16xf32>
        %sub3A_481 = arith.constant 2.560000e+02 : f32
        %sub3A_482 = vector.broadcast %sub3A_481 : f32 to vector<16xf32>
        %sub3A_483 = arith.subf %max3A_475, %sub3A_482 : vector<16xf32>
        %sub3A_484 = arith.constant 9.600000e+01 : f32
        %sub3A_485 = vector.broadcast %sub3A_484 : f32 to vector<16xf32>
        %sub3A_486 = arith.subf %sub3A_485, %max3A_480 : vector<16xf32>
        %min3A_487 = arith.minimumf %sub3A_483, %sub3A_486 : vector<16xf32>
        %min3A_488 = arith.minimumf %min3A_472, %min3A_487 : vector<16xf32>
        %gt3A_489 = arith.constant 0.000000e+00 : f32
        %gt3A_490 = vector.broadcast %gt3A_489 : f32 to vector<16xf32>
        %gt3A_491 = arith.cmpf ogt, %min3A_488, %gt3A_490 : vector<16xf32>
        %le3A_492 = arith.constant 5.120000e+02 : f32
        %le3A_493 = vector.broadcast %le3A_492 : f32 to vector<16xf32>
        %le3A_494 = arith.cmpf ole, %max3A_475, %le3A_493 : vector<16xf32>
        %and3A_495 = arith.andi %gt3A_491, %le3A_494 : vector<16xi1>
        %and3A_496 = arith.andi %and3A_495, %and3A_462 : vector<16xi1>
        %add3A_497 = arith.addf %sub3A_466, %sub3A_468 : vector<16xf32>
        %add3A_498 = arith.addf %sub3A_467, %sub3A_469 : vector<16xf32>
        %mul3A_499 = arith.mulf %add3A_497, %add3A_498 : vector<16xf32>
        %gather3A_500 = tpu.vector_load_idx %arg23[%select_n3A_465] : memref<1792xf32, #tpu.memory_space<vmem>>[vector<16xi32>], vector<16xf32>,
        %lt3A_501 = arith.cmpf olt, %mul3A_499, %gather3A_500 : vector<16xf32>
        %and3A_502 = arith.andi %and3A_496, %lt3A_501 : vector<16xi1>
        tpu.vector_store_idx %arg23[%select_n3A_465], %mul3A_499 masked %and3A_502 : memref<1792xf32, #tpu.memory_space<vmem>>[vector<16xi32>], vector<16xf32>, vector<16xi1>
        tpu.vector_store_idx %arg24[%select_n3A_465], %broadcast_in_dim3A_382 masked %and3A_502 : memref<1792xi32, #tpu.memory_space<vmem>>[vector<16xi32>], vector<16xi32>, vector<16xi1>
        %scan3A_503 = arith.constant 3 : i32
        %scan3A_504 = arith.addi %scan3A_142, %scan3A_503 : i32
        %broadcast_in_dim3A_505 = vector.broadcast %scan3A_504 : i32 to vector<16xi32>
        %mul3A_506 = arith.constant 4 : i32
        %mul3A_507 = vector.broadcast %mul3A_506 : i32 to vector<16xi32>
        %mul3A_508 = arith.muli %broadcast_in_dim3A_505, %mul3A_507 : vector<16xi32>
        %gather3A_509 = tpu.vector_load_idx %arg21[%mul3A_508] : memref<256xf32, #tpu.memory_space<vmem>>[vector<16xi32>], vector<16xf32>,
        %add3A_510 = arith.constant 1 : i32
        %add3A_511 = vector.broadcast %add3A_510 : i32 to vector<16xi32>
        %add3A_512 = arith.addi %mul3A_508, %add3A_511 : vector<16xi32>
        %gather3A_513 = tpu.vector_load_idx %arg21[%add3A_512] : memref<256xf32, #tpu.memory_space<vmem>>[vector<16xi32>], vector<16xf32>,
        %add3A_514 = arith.constant 2 : i32
        %add3A_515 = vector.broadcast %add3A_514 : i32 to vector<16xi32>
        %add3A_516 = arith.addi %mul3A_508, %add3A_515 : vector<16xi32>
        %gather3A_517 = tpu.vector_load_idx %arg21[%add3A_516] : memref<256xf32, #tpu.memory_space<vmem>>[vector<16xi32>], vector<16xf32>,
        %add3A_518 = arith.constant 3 : i32
        %add3A_519 = vector.broadcast %add3A_518 : i32 to vector<16xi32>
        %add3A_520 = arith.addi %mul3A_508, %add3A_519 : vector<16xi32>
        %gather3A_521 = tpu.vector_load_idx %arg21[%add3A_520] : memref<256xf32, #tpu.memory_space<vmem>>[vector<16xi32>], vector<16xf32>,
        %add3A_522 = arith.addf %gather3A_509, %gather3A_517 : vector<16xf32>
        %div3A_523 = arith.constant 2.000000e+00 : f32
        %div3A_524 = vector.broadcast %div3A_523 : f32 to vector<16xf32>
        %div3A_525 = arith.divf %add3A_522, %div3A_524 : vector<16xf32>
        %add3A_526 = arith.addf %gather3A_513, %gather3A_521 : vector<16xf32>
        %div3A_527 = arith.constant 2.000000e+00 : f32
        %div3A_528 = vector.broadcast %div3A_527 : f32 to vector<16xf32>
        %div3A_529 = arith.divf %add3A_526, %div3A_528 : vector<16xf32>
        %mul3A_530 = arith.constant 1.562500e-02 : f32
        %mul3A_531 = vector.broadcast %mul3A_530 : f32 to vector<16xf32>
        %mul3A_532 = arith.mulf %div3A_525, %mul3A_531 : vector<16xf32>
        %convert_element_type3A_533 = arith.fptosi %mul3A_532 : vector<16xf32> to vector<16xi32>
        %mul3A_534 = arith.constant 1.562500e-02 : f32
        %mul3A_535 = vector.broadcast %mul3A_534 : f32 to vector<16xf32>
        %mul3A_536 = arith.mulf %div3A_529, %mul3A_535 : vector<16xf32>
        %convert_element_type3A_537 = arith.fptosi %mul3A_536 : vector<16xf32> to vector<16xi32>
        %add3A_538 = arith.addi %convert_element_type3A_533, %sub3A_58 : vector<16xi32>
        %add3A_539 = arith.addi %convert_element_type3A_537, %sub3A_63 : vector<16xi32>
        %convert_element_type3A_540 = arith.sitofp %add3A_538 : vector<16xi32> to vector<16xf32>
        %add3A_541 = arith.constant 5.000000e-01 : f32
        %add3A_542 = vector.broadcast %add3A_541 : f32 to vector<16xf32>
        %add3A_543 = arith.addf %convert_element_type3A_540, %add3A_542 : vector<16xf32>
        %mul3A_544 = arith.constant 6.400000e+01 : f32
        %mul3A_545 = vector.broadcast %mul3A_544 : f32 to vector<16xf32>
        %mul3A_546 = arith.mulf %add3A_543, %mul3A_545 : vector<16xf32>
        %convert_element_type3A_547 = arith.sitofp %add3A_539 : vector<16xi32> to vector<16xf32>
        %add3A_548 = arith.constant 5.000000e-01 : f32
        %add3A_549 = vector.broadcast %add3A_548 : f32 to vector<16xf32>
        %add3A_550 = arith.addf %convert_element_type3A_547, %add3A_549 : vector<16xf32>
        %mul3A_551 = arith.constant 6.400000e+01 : f32
        %mul3A_552 = vector.broadcast %mul3A_551 : f32 to vector<16xf32>
        %mul3A_553 = arith.mulf %add3A_550, %mul3A_552 : vector<16xf32>
        %mul3A_554 = arith.constant 13 : i32
        %mul3A_555 = vector.broadcast %mul3A_554 : i32 to vector<16xi32>
        %mul3A_556 = arith.muli %add3A_539, %mul3A_555 : vector<16xi32>
        %add3A_557 = arith.addi %mul3A_556, %add3A_538 : vector<16xi32>
        %add3A_558 = arith.constant 13312 : i32
        %add3A_559 = vector.broadcast %add3A_558 : i32 to vector<16xi32>
        %add3A_560 = arith.addi %add3A_557, %add3A_559 : vector<16xi32>
        %sub3A_561 = vector.broadcast %mul3A_32 : i32 to vector<16xi32>
        %sub3A_562 = arith.subi %add3A_560, %sub3A_561 : vector<16xi32>
        %ge3A_563 = arith.constant 0 : i32
        %ge3A_564 = vector.broadcast %ge3A_563 : i32 to vector<16xi32>
        %ge3A_565 = arith.cmpi sge, %add3A_538, %ge3A_564 : vector<16xi32>
        %lt3A_566 = arith.constant 13 : i32
        %lt3A_567 = vector.broadcast %lt3A_566 : i32 to vector<16xi32>
        %lt3A_568 = arith.cmpi slt, %add3A_538, %lt3A_567 : vector<16xi32>
        %and3A_569 = arith.andi %ge3A_565, %lt3A_568 : vector<16xi1>
        %ge3A_570 = arith.constant 0 : i32
        %ge3A_571 = vector.broadcast %ge3A_570 : i32 to vector<16xi32>
        %ge3A_572 = arith.cmpi sge, %add3A_539, %ge3A_571 : vector<16xi32>
        %and3A_573 = arith.andi %and3A_569, %ge3A_572 : vector<16xi1>
        %lt3A_574 = arith.constant 13 : i32
        %lt3A_575 = vector.broadcast %lt3A_574 : i32 to vector<16xi32>
        %lt3A_576 = arith.cmpi slt, %add3A_539, %lt3A_575 : vector<16xi32>
        %and3A_577 = arith.andi %and3A_573, %lt3A_576 : vector<16xi1>
        %ge3A_578 = arith.constant 0 : i32
        %ge3A_579 = vector.broadcast %ge3A_578 : i32 to vector<16xi32>
        %ge3A_580 = arith.cmpi sge, %sub3A_562, %ge3A_579 : vector<16xi32>
        %and3A_581 = arith.andi %and3A_577, %ge3A_580 : vector<16xi1>
        %lt3A_582 = arith.constant 1792 : i32
        %lt3A_583 = vector.broadcast %lt3A_582 : i32 to vector<16xi32>
        %lt3A_584 = arith.cmpi slt, %sub3A_562, %lt3A_583 : vector<16xi32>
        %and3A_585 = arith.andi %and3A_581, %lt3A_584 : vector<16xi1>
        %jit3A_586 = arith.constant 0 : i32
        %broadcast_in_dim3A_587 = vector.broadcast %jit3A_586 : i32 to vector<16xi32>
        %select_n3A_588 = arith.select %and3A_585, %sub3A_562, %broadcast_in_dim3A_587 : vector<16xi1>, vector<16xi32>
        %sub3A_589 = arith.subf %mul3A_546, %gather3A_509 : vector<16xf32>
        %sub3A_590 = arith.subf %mul3A_553, %gather3A_513 : vector<16xf32>
        %sub3A_591 = arith.subf %gather3A_517, %mul3A_546 : vector<16xf32>
        %sub3A_592 = arith.subf %gather3A_521, %mul3A_553 : vector<16xf32>
        %min3A_593 = arith.minimumf %sub3A_589, %sub3A_590 : vector<16xf32>
        %min3A_594 = arith.minimumf %sub3A_591, %sub3A_592 : vector<16xf32>
        %min3A_595 = arith.minimumf %min3A_593, %min3A_594 : vector<16xf32>
        %max3A_596 = arith.maximumf %sub3A_589, %sub3A_590 : vector<16xf32>
        %max3A_597 = arith.maximumf %sub3A_591, %sub3A_592 : vector<16xf32>
        %max3A_598 = arith.maximumf %max3A_596, %max3A_597 : vector<16xf32>
        %sub3A_599 = arith.subf %mul3A_546, %div3A_525 : vector<16xf32>
        %abs3A_600 = math.absf %sub3A_599 : vector<16xf32>
        %sub3A_601 = arith.subf %mul3A_553, %div3A_529 : vector<16xf32>
        %abs3A_602 = math.absf %sub3A_601 : vector<16xf32>
        %max3A_603 = arith.maximumf %abs3A_600, %abs3A_602 : vector<16xf32>
        %sub3A_604 = arith.constant 2.560000e+02 : f32
        %sub3A_605 = vector.broadcast %sub3A_604 : f32 to vector<16xf32>
        %sub3A_606 = arith.subf %max3A_598, %sub3A_605 : vector<16xf32>
        %sub3A_607 = arith.constant 9.600000e+01 : f32
        %sub3A_608 = vector.broadcast %sub3A_607 : f32 to vector<16xf32>
        %sub3A_609 = arith.subf %sub3A_608, %max3A_603 : vector<16xf32>
        %min3A_610 = arith.minimumf %sub3A_606, %sub3A_609 : vector<16xf32>
        %min3A_611 = arith.minimumf %min3A_595, %min3A_610 : vector<16xf32>
        %gt3A_612 = arith.constant 0.000000e+00 : f32
        %gt3A_613 = vector.broadcast %gt3A_612 : f32 to vector<16xf32>
        %gt3A_614 = arith.cmpf ogt, %min3A_611, %gt3A_613 : vector<16xf32>
        %le3A_615 = arith.constant 5.120000e+02 : f32
        %le3A_616 = vector.broadcast %le3A_615 : f32 to vector<16xf32>
        %le3A_617 = arith.cmpf ole, %max3A_598, %le3A_616 : vector<16xf32>
        %and3A_618 = arith.andi %gt3A_614, %le3A_617 : vector<16xi1>
        %and3A_619 = arith.andi %and3A_618, %and3A_585 : vector<16xi1>
        %add3A_620 = arith.addf %sub3A_589, %sub3A_591 : vector<16xf32>
        %add3A_621 = arith.addf %sub3A_590, %sub3A_592 : vector<16xf32>
        %mul3A_622 = arith.mulf %add3A_620, %add3A_621 : vector<16xf32>
        %gather3A_623 = tpu.vector_load_idx %arg23[%select_n3A_588] : memref<1792xf32, #tpu.memory_space<vmem>>[vector<16xi32>], vector<16xf32>,
        %lt3A_624 = arith.cmpf olt, %mul3A_622, %gather3A_623 : vector<16xf32>
        %and3A_625 = arith.andi %and3A_619, %lt3A_624 : vector<16xi1>
        tpu.vector_store_idx %arg23[%select_n3A_588], %mul3A_622 masked %and3A_625 : memref<1792xf32, #tpu.memory_space<vmem>>[vector<16xi32>], vector<16xf32>, vector<16xi1>
        tpu.vector_store_idx %arg24[%select_n3A_588], %broadcast_in_dim3A_505 masked %and3A_625 : memref<1792xi32, #tpu.memory_space<vmem>>[vector<16xi32>], vector<16xi32>, vector<16xi1>
      }
      %scan3A_141 = arith.constant 64 : i32
    } else {
    }
    %lt3A_101 = arith.constant 13617 : i32
    %lt3A_102 = arith.cmpi slt, %mul3A_32, %lt3A_101 : i32
    %add3A_103 = arith.constant 1792 : i32
    %add3A_104 = arith.addi %mul3A_32, %add3A_103 : i32
    %gt3A_105 = arith.constant 13568 : i32
    %gt3A_106 = arith.cmpi sgt, %add3A_104, %gt3A_105 : i32
    %and3A_107 = arith.andi %lt3A_102, %gt3A_106 : i1
    %convert_element_type3A_108 = arith.extui %and3A_107 : i1 to i32
    %cond3A_109 = arith.constant 0 : i32
    %cond3A_110 = arith.cmpi ne, %convert_element_type3A_108, %cond3A_109 : i32
    scf.if %cond3A_110 {
      %scan3A = arith.constant 0 : i32
      %scan3A_137 = arith.constant 0 : i32
      %scan3A_138 = arith.constant 64 : i32
      %scan3A_139 = arith.addi %scan3A_137, %scan3A_138 : i32
      %scan3A_140 = arith.constant 4 : i32
      scf.for %scan3A_142 = %scan3A_137 to %scan3A_139 step %scan3A_140  : i32 {
        %broadcast_in_dim3A = vector.broadcast %scan3A_142 : i32 to vector<16xi32>
        %mul3A_143 = arith.constant 4 : i32
        %mul3A_144 = vector.broadcast %mul3A_143 : i32 to vector<16xi32>
        %mul3A_145 = arith.muli %broadcast_in_dim3A, %mul3A_144 : vector<16xi32>
        %gather3A = tpu.vector_load_idx %arg21[%mul3A_145] : memref<256xf32, #tpu.memory_space<vmem>>[vector<16xi32>], vector<16xf32>,
        %add3A_146 = arith.constant 1 : i32
        %add3A_147 = vector.broadcast %add3A_146 : i32 to vector<16xi32>
        %add3A_148 = arith.addi %mul3A_145, %add3A_147 : vector<16xi32>
        %gather3A_149 = tpu.vector_load_idx %arg21[%add3A_148] : memref<256xf32, #tpu.memory_space<vmem>>[vector<16xi32>], vector<16xf32>,
        %add3A_150 = arith.constant 2 : i32
        %add3A_151 = vector.broadcast %add3A_150 : i32 to vector<16xi32>
        %add3A_152 = arith.addi %mul3A_145, %add3A_151 : vector<16xi32>
        %gather3A_153 = tpu.vector_load_idx %arg21[%add3A_152] : memref<256xf32, #tpu.memory_space<vmem>>[vector<16xi32>], vector<16xf32>,
        %add3A_154 = arith.constant 3 : i32
        %add3A_155 = vector.broadcast %add3A_154 : i32 to vector<16xi32>
        %add3A_156 = arith.addi %mul3A_145, %add3A_155 : vector<16xi32>
        %gather3A_157 = tpu.vector_load_idx %arg21[%add3A_156] : memref<256xf32, #tpu.memory_space<vmem>>[vector<16xi32>], vector<16xf32>,
        %add3A_158 = arith.addf %gather3A, %gather3A_153 : vector<16xf32>
        %div3A_159 = arith.constant 2.000000e+00 : f32
        %div3A_160 = vector.broadcast %div3A_159 : f32 to vector<16xf32>
        %div3A_161 = arith.divf %add3A_158, %div3A_160 : vector<16xf32>
        %add3A_162 = arith.addf %gather3A_149, %gather3A_157 : vector<16xf32>
        %div3A_163 = arith.constant 2.000000e+00 : f32
        %div3A_164 = vector.broadcast %div3A_163 : f32 to vector<16xf32>
        %div3A_165 = arith.divf %add3A_162, %div3A_164 : vector<16xf32>
        %mul3A_166 = arith.constant 7.812500e-03 : f32
        %mul3A_167 = vector.broadcast %mul3A_166 : f32 to vector<16xf32>
        %mul3A_168 = arith.mulf %div3A_161, %mul3A_167 : vector<16xf32>
        %convert_element_type3A_169 = arith.fptosi %mul3A_168 : vector<16xf32> to vector<16xi32>
        %mul3A_170 = arith.constant 7.812500e-03 : f32
        %mul3A_171 = vector.broadcast %mul3A_170 : f32 to vector<16xf32>
        %mul3A_172 = arith.mulf %div3A_165, %mul3A_171 : vector<16xf32>
        %convert_element_type3A_173 = arith.fptosi %mul3A_172 : vector<16xf32> to vector<16xi32>
        %add3A_174 = arith.addi %convert_element_type3A_169, %sub3A_58 : vector<16xi32>
        %add3A_175 = arith.addi %convert_element_type3A_173, %sub3A_63 : vector<16xi32>
        %convert_element_type3A_176 = arith.sitofp %add3A_174 : vector<16xi32> to vector<16xf32>
        %add3A_177 = arith.constant 5.000000e-01 : f32
        %add3A_178 = vector.broadcast %add3A_177 : f32 to vector<16xf32>
        %add3A_179 = arith.addf %convert_element_type3A_176, %add3A_178 : vector<16xf32>
        %mul3A_180 = arith.constant 1.280000e+02 : f32
        %mul3A_181 = vector.broadcast %mul3A_180 : f32 to vector<16xf32>
        %mul3A_182 = arith.mulf %add3A_179, %mul3A_181 : vector<16xf32>
        %convert_element_type3A_183 = arith.sitofp %add3A_175 : vector<16xi32> to vector<16xf32>
        %add3A_184 = arith.constant 5.000000e-01 : f32
        %add3A_185 = vector.broadcast %add3A_184 : f32 to vector<16xf32>
        %add3A_186 = arith.addf %convert_element_type3A_183, %add3A_185 : vector<16xf32>
        %mul3A_187 = arith.constant 1.280000e+02 : f32
        %mul3A_188 = vector.broadcast %mul3A_187 : f32 to vector<16xf32>
        %mul3A_189 = arith.mulf %add3A_186, %mul3A_188 : vector<16xf32>
        %mul3A_190 = arith.constant 7 : i32
        %mul3A_191 = vector.broadcast %mul3A_190 : i32 to vector<16xi32>
        %mul3A_192 = arith.muli %add3A_175, %mul3A_191 : vector<16xi32>
        %add3A_193 = arith.addi %mul3A_192, %add3A_174 : vector<16xi32>
        %add3A_194 = arith.constant 13568 : i32
        %add3A_195 = vector.broadcast %add3A_194 : i32 to vector<16xi32>
        %add3A_196 = arith.addi %add3A_193, %add3A_195 : vector<16xi32>
        %sub3A_197 = vector.broadcast %mul3A_32 : i32 to vector<16xi32>
        %sub3A_198 = arith.subi %add3A_196, %sub3A_197 : vector<16xi32>
        %ge3A = arith.constant 0 : i32
        %ge3A_199 = vector.broadcast %ge3A : i32 to vector<16xi32>
        %ge3A_200 = arith.cmpi sge, %add3A_174, %ge3A_199 : vector<16xi32>
        %lt3A_201 = arith.constant 7 : i32
        %lt3A_202 = vector.broadcast %lt3A_201 : i32 to vector<16xi32>
        %lt3A_203 = arith.cmpi slt, %add3A_174, %lt3A_202 : vector<16xi32>
        %and3A_204 = arith.andi %ge3A_200, %lt3A_203 : vector<16xi1>
        %ge3A_205 = arith.constant 0 : i32
        %ge3A_206 = vector.broadcast %ge3A_205 : i32 to vector<16xi32>
        %ge3A_207 = arith.cmpi sge, %add3A_175, %ge3A_206 : vector<16xi32>
        %and3A_208 = arith.andi %and3A_204, %ge3A_207 : vector<16xi1>
        %lt3A_209 = arith.constant 7 : i32
        %lt3A_210 = vector.broadcast %lt3A_209 : i32 to vector<16xi32>
        %lt3A_211 = arith.cmpi slt, %add3A_175, %lt3A_210 : vector<16xi32>
        %and3A_212 = arith.andi %and3A_208, %lt3A_211 : vector<16xi1>
        %ge3A_213 = arith.constant 0 : i32
        %ge3A_214 = vector.broadcast %ge3A_213 : i32 to vector<16xi32>
        %ge3A_215 = arith.cmpi sge, %sub3A_198, %ge3A_214 : vector<16xi32>
        %and3A_216 = arith.andi %and3A_212, %ge3A_215 : vector<16xi1>
        %lt3A_217 = arith.constant 1792 : i32
        %lt3A_218 = vector.broadcast %lt3A_217 : i32 to vector<16xi32>
        %lt3A_219 = arith.cmpi slt, %sub3A_198, %lt3A_218 : vector<16xi32>
        %and3A_220 = arith.andi %and3A_216, %lt3A_219 : vector<16xi1>
        %jit3A_221 = arith.constant 0 : i32
        %broadcast_in_dim3A_222 = vector.broadcast %jit3A_221 : i32 to vector<16xi32>
        %select_n3A_223 = arith.select %and3A_220, %sub3A_198, %broadcast_in_dim3A_222 : vector<16xi1>, vector<16xi32>
        %sub3A_224 = arith.subf %mul3A_182, %gather3A : vector<16xf32>
        %sub3A_225 = arith.subf %mul3A_189, %gather3A_149 : vector<16xf32>
        %sub3A_226 = arith.subf %gather3A_153, %mul3A_182 : vector<16xf32>
        %sub3A_227 = arith.subf %gather3A_157, %mul3A_189 : vector<16xf32>
        %min3A = arith.minimumf %sub3A_224, %sub3A_225 : vector<16xf32>
        %min3A_228 = arith.minimumf %sub3A_226, %sub3A_227 : vector<16xf32>
        %min3A_229 = arith.minimumf %min3A, %min3A_228 : vector<16xf32>
        %max3A = arith.maximumf %sub3A_224, %sub3A_225 : vector<16xf32>
        %max3A_230 = arith.maximumf %sub3A_226, %sub3A_227 : vector<16xf32>
        %max3A_231 = arith.maximumf %max3A, %max3A_230 : vector<16xf32>
        %sub3A_232 = arith.subf %mul3A_182, %div3A_161 : vector<16xf32>
        %abs3A = math.absf %sub3A_232 : vector<16xf32>
        %sub3A_233 = arith.subf %mul3A_189, %div3A_165 : vector<16xf32>
        %abs3A_234 = math.absf %sub3A_233 : vector<16xf32>
        %max3A_235 = arith.maximumf %abs3A, %abs3A_234 : vector<16xf32>
        %sub3A_236 = arith.constant 5.120000e+02 : f32
        %sub3A_237 = vector.broadcast %sub3A_236 : f32 to vector<16xf32>
        %sub3A_238 = arith.subf %max3A_231, %sub3A_237 : vector<16xf32>
        %sub3A_239 = arith.constant 1.920000e+02 : f32
        %sub3A_240 = vector.broadcast %sub3A_239 : f32 to vector<16xf32>
        %sub3A_241 = arith.subf %sub3A_240, %max3A_235 : vector<16xf32>
        %min3A_242 = arith.minimumf %sub3A_238, %sub3A_241 : vector<16xf32>
        %min3A_243 = arith.minimumf %min3A_229, %min3A_242 : vector<16xf32>
        %gt3A_244 = arith.constant 0.000000e+00 : f32
        %gt3A_245 = vector.broadcast %gt3A_244 : f32 to vector<16xf32>
        %gt3A_246 = arith.cmpf ogt, %min3A_243, %gt3A_245 : vector<16xf32>
        %le3A = arith.constant 1.000000e+08 : f32
        %le3A_247 = vector.broadcast %le3A : f32 to vector<16xf32>
        %le3A_248 = arith.cmpf ole, %max3A_231, %le3A_247 : vector<16xf32>
        %and3A_249 = arith.andi %gt3A_246, %le3A_248 : vector<16xi1>
        %and3A_250 = arith.andi %and3A_249, %and3A_220 : vector<16xi1>
        %add3A_251 = arith.addf %sub3A_224, %sub3A_226 : vector<16xf32>
        %add3A_252 = arith.addf %sub3A_225, %sub3A_227 : vector<16xf32>
        %mul3A_253 = arith.mulf %add3A_251, %add3A_252 : vector<16xf32>
        %gather3A_254 = tpu.vector_load_idx %arg23[%select_n3A_223] : memref<1792xf32, #tpu.memory_space<vmem>>[vector<16xi32>], vector<16xf32>,
        %lt3A_255 = arith.cmpf olt, %mul3A_253, %gather3A_254 : vector<16xf32>
        %and3A_256 = arith.andi %and3A_250, %lt3A_255 : vector<16xi1>
        tpu.vector_store_idx %arg23[%select_n3A_223], %mul3A_253 masked %and3A_256 : memref<1792xf32, #tpu.memory_space<vmem>>[vector<16xi32>], vector<16xf32>, vector<16xi1>
        tpu.vector_store_idx %arg24[%select_n3A_223], %broadcast_in_dim3A masked %and3A_256 : memref<1792xi32, #tpu.memory_space<vmem>>[vector<16xi32>], vector<16xi32>, vector<16xi1>
        %scan3A_257 = arith.constant 1 : i32
        %scan3A_258 = arith.addi %scan3A_142, %scan3A_257 : i32
        %broadcast_in_dim3A_259 = vector.broadcast %scan3A_258 : i32 to vector<16xi32>
        %mul3A_260 = arith.constant 4 : i32
        %mul3A_261 = vector.broadcast %mul3A_260 : i32 to vector<16xi32>
        %mul3A_262 = arith.muli %broadcast_in_dim3A_259, %mul3A_261 : vector<16xi32>
        %gather3A_263 = tpu.vector_load_idx %arg21[%mul3A_262] : memref<256xf32, #tpu.memory_space<vmem>>[vector<16xi32>], vector<16xf32>,
        %add3A_264 = arith.constant 1 : i32
        %add3A_265 = vector.broadcast %add3A_264 : i32 to vector<16xi32>
        %add3A_266 = arith.addi %mul3A_262, %add3A_265 : vector<16xi32>
        %gather3A_267 = tpu.vector_load_idx %arg21[%add3A_266] : memref<256xf32, #tpu.memory_space<vmem>>[vector<16xi32>], vector<16xf32>,
        %add3A_268 = arith.constant 2 : i32
        %add3A_269 = vector.broadcast %add3A_268 : i32 to vector<16xi32>
        %add3A_270 = arith.addi %mul3A_262, %add3A_269 : vector<16xi32>
        %gather3A_271 = tpu.vector_load_idx %arg21[%add3A_270] : memref<256xf32, #tpu.memory_space<vmem>>[vector<16xi32>], vector<16xf32>,
        %add3A_272 = arith.constant 3 : i32
        %add3A_273 = vector.broadcast %add3A_272 : i32 to vector<16xi32>
        %add3A_274 = arith.addi %mul3A_262, %add3A_273 : vector<16xi32>
        %gather3A_275 = tpu.vector_load_idx %arg21[%add3A_274] : memref<256xf32, #tpu.memory_space<vmem>>[vector<16xi32>], vector<16xf32>,
        %add3A_276 = arith.addf %gather3A_263, %gather3A_271 : vector<16xf32>
        %div3A_277 = arith.constant 2.000000e+00 : f32
        %div3A_278 = vector.broadcast %div3A_277 : f32 to vector<16xf32>
        %div3A_279 = arith.divf %add3A_276, %div3A_278 : vector<16xf32>
        %add3A_280 = arith.addf %gather3A_267, %gather3A_275 : vector<16xf32>
        %div3A_281 = arith.constant 2.000000e+00 : f32
        %div3A_282 = vector.broadcast %div3A_281 : f32 to vector<16xf32>
        %div3A_283 = arith.divf %add3A_280, %div3A_282 : vector<16xf32>
        %mul3A_284 = arith.constant 7.812500e-03 : f32
        %mul3A_285 = vector.broadcast %mul3A_284 : f32 to vector<16xf32>
        %mul3A_286 = arith.mulf %div3A_279, %mul3A_285 : vector<16xf32>
        %convert_element_type3A_287 = arith.fptosi %mul3A_286 : vector<16xf32> to vector<16xi32>
        %mul3A_288 = arith.constant 7.812500e-03 : f32
        %mul3A_289 = vector.broadcast %mul3A_288 : f32 to vector<16xf32>
        %mul3A_290 = arith.mulf %div3A_283, %mul3A_289 : vector<16xf32>
        %convert_element_type3A_291 = arith.fptosi %mul3A_290 : vector<16xf32> to vector<16xi32>
        %add3A_292 = arith.addi %convert_element_type3A_287, %sub3A_58 : vector<16xi32>
        %add3A_293 = arith.addi %convert_element_type3A_291, %sub3A_63 : vector<16xi32>
        %convert_element_type3A_294 = arith.sitofp %add3A_292 : vector<16xi32> to vector<16xf32>
        %add3A_295 = arith.constant 5.000000e-01 : f32
        %add3A_296 = vector.broadcast %add3A_295 : f32 to vector<16xf32>
        %add3A_297 = arith.addf %convert_element_type3A_294, %add3A_296 : vector<16xf32>
        %mul3A_298 = arith.constant 1.280000e+02 : f32
        %mul3A_299 = vector.broadcast %mul3A_298 : f32 to vector<16xf32>
        %mul3A_300 = arith.mulf %add3A_297, %mul3A_299 : vector<16xf32>
        %convert_element_type3A_301 = arith.sitofp %add3A_293 : vector<16xi32> to vector<16xf32>
        %add3A_302 = arith.constant 5.000000e-01 : f32
        %add3A_303 = vector.broadcast %add3A_302 : f32 to vector<16xf32>
        %add3A_304 = arith.addf %convert_element_type3A_301, %add3A_303 : vector<16xf32>
        %mul3A_305 = arith.constant 1.280000e+02 : f32
        %mul3A_306 = vector.broadcast %mul3A_305 : f32 to vector<16xf32>
        %mul3A_307 = arith.mulf %add3A_304, %mul3A_306 : vector<16xf32>
        %mul3A_308 = arith.constant 7 : i32
        %mul3A_309 = vector.broadcast %mul3A_308 : i32 to vector<16xi32>
        %mul3A_310 = arith.muli %add3A_293, %mul3A_309 : vector<16xi32>
        %add3A_311 = arith.addi %mul3A_310, %add3A_292 : vector<16xi32>
        %add3A_312 = arith.constant 13568 : i32
        %add3A_313 = vector.broadcast %add3A_312 : i32 to vector<16xi32>
        %add3A_314 = arith.addi %add3A_311, %add3A_313 : vector<16xi32>
        %sub3A_315 = vector.broadcast %mul3A_32 : i32 to vector<16xi32>
        %sub3A_316 = arith.subi %add3A_314, %sub3A_315 : vector<16xi32>
        %ge3A_317 = arith.constant 0 : i32
        %ge3A_318 = vector.broadcast %ge3A_317 : i32 to vector<16xi32>
        %ge3A_319 = arith.cmpi sge, %add3A_292, %ge3A_318 : vector<16xi32>
        %lt3A_320 = arith.constant 7 : i32
        %lt3A_321 = vector.broadcast %lt3A_320 : i32 to vector<16xi32>
        %lt3A_322 = arith.cmpi slt, %add3A_292, %lt3A_321 : vector<16xi32>
        %and3A_323 = arith.andi %ge3A_319, %lt3A_322 : vector<16xi1>
        %ge3A_324 = arith.constant 0 : i32
        %ge3A_325 = vector.broadcast %ge3A_324 : i32 to vector<16xi32>
        %ge3A_326 = arith.cmpi sge, %add3A_293, %ge3A_325 : vector<16xi32>
        %and3A_327 = arith.andi %and3A_323, %ge3A_326 : vector<16xi1>
        %lt3A_328 = arith.constant 7 : i32
        %lt3A_329 = vector.broadcast %lt3A_328 : i32 to vector<16xi32>
        %lt3A_330 = arith.cmpi slt, %add3A_293, %lt3A_329 : vector<16xi32>
        %and3A_331 = arith.andi %and3A_327, %lt3A_330 : vector<16xi1>
        %ge3A_332 = arith.constant 0 : i32
        %ge3A_333 = vector.broadcast %ge3A_332 : i32 to vector<16xi32>
        %ge3A_334 = arith.cmpi sge, %sub3A_316, %ge3A_333 : vector<16xi32>
        %and3A_335 = arith.andi %and3A_331, %ge3A_334 : vector<16xi1>
        %lt3A_336 = arith.constant 1792 : i32
        %lt3A_337 = vector.broadcast %lt3A_336 : i32 to vector<16xi32>
        %lt3A_338 = arith.cmpi slt, %sub3A_316, %lt3A_337 : vector<16xi32>
        %and3A_339 = arith.andi %and3A_335, %lt3A_338 : vector<16xi1>
        %jit3A_340 = arith.constant 0 : i32
        %broadcast_in_dim3A_341 = vector.broadcast %jit3A_340 : i32 to vector<16xi32>
        %select_n3A_342 = arith.select %and3A_339, %sub3A_316, %broadcast_in_dim3A_341 : vector<16xi1>, vector<16xi32>
        %sub3A_343 = arith.subf %mul3A_300, %gather3A_263 : vector<16xf32>
        %sub3A_344 = arith.subf %mul3A_307, %gather3A_267 : vector<16xf32>
        %sub3A_345 = arith.subf %gather3A_271, %mul3A_300 : vector<16xf32>
        %sub3A_346 = arith.subf %gather3A_275, %mul3A_307 : vector<16xf32>
        %min3A_347 = arith.minimumf %sub3A_343, %sub3A_344 : vector<16xf32>
        %min3A_348 = arith.minimumf %sub3A_345, %sub3A_346 : vector<16xf32>
        %min3A_349 = arith.minimumf %min3A_347, %min3A_348 : vector<16xf32>
        %max3A_350 = arith.maximumf %sub3A_343, %sub3A_344 : vector<16xf32>
        %max3A_351 = arith.maximumf %sub3A_345, %sub3A_346 : vector<16xf32>
        %max3A_352 = arith.maximumf %max3A_350, %max3A_351 : vector<16xf32>
        %sub3A_353 = arith.subf %mul3A_300, %div3A_279 : vector<16xf32>
        %abs3A_354 = math.absf %sub3A_353 : vector<16xf32>
        %sub3A_355 = arith.subf %mul3A_307, %div3A_283 : vector<16xf32>
        %abs3A_356 = math.absf %sub3A_355 : vector<16xf32>
        %max3A_357 = arith.maximumf %abs3A_354, %abs3A_356 : vector<16xf32>
        %sub3A_358 = arith.constant 5.120000e+02 : f32
        %sub3A_359 = vector.broadcast %sub3A_358 : f32 to vector<16xf32>
        %sub3A_360 = arith.subf %max3A_352, %sub3A_359 : vector<16xf32>
        %sub3A_361 = arith.constant 1.920000e+02 : f32
        %sub3A_362 = vector.broadcast %sub3A_361 : f32 to vector<16xf32>
        %sub3A_363 = arith.subf %sub3A_362, %max3A_357 : vector<16xf32>
        %min3A_364 = arith.minimumf %sub3A_360, %sub3A_363 : vector<16xf32>
        %min3A_365 = arith.minimumf %min3A_349, %min3A_364 : vector<16xf32>
        %gt3A_366 = arith.constant 0.000000e+00 : f32
        %gt3A_367 = vector.broadcast %gt3A_366 : f32 to vector<16xf32>
        %gt3A_368 = arith.cmpf ogt, %min3A_365, %gt3A_367 : vector<16xf32>
        %le3A_369 = arith.constant 1.000000e+08 : f32
        %le3A_370 = vector.broadcast %le3A_369 : f32 to vector<16xf32>
        %le3A_371 = arith.cmpf ole, %max3A_352, %le3A_370 : vector<16xf32>
        %and3A_372 = arith.andi %gt3A_368, %le3A_371 : vector<16xi1>
        %and3A_373 = arith.andi %and3A_372, %and3A_339 : vector<16xi1>
        %add3A_374 = arith.addf %sub3A_343, %sub3A_345 : vector<16xf32>
        %add3A_375 = arith.addf %sub3A_344, %sub3A_346 : vector<16xf32>
        %mul3A_376 = arith.mulf %add3A_374, %add3A_375 : vector<16xf32>
        %gather3A_377 = tpu.vector_load_idx %arg23[%select_n3A_342] : memref<1792xf32, #tpu.memory_space<vmem>>[vector<16xi32>], vector<16xf32>,
        %lt3A_378 = arith.cmpf olt, %mul3A_376, %gather3A_377 : vector<16xf32>
        %and3A_379 = arith.andi %and3A_373, %lt3A_378 : vector<16xi1>
        tpu.vector_store_idx %arg23[%select_n3A_342], %mul3A_376 masked %and3A_379 : memref<1792xf32, #tpu.memory_space<vmem>>[vector<16xi32>], vector<16xf32>, vector<16xi1>
        tpu.vector_store_idx %arg24[%select_n3A_342], %broadcast_in_dim3A_259 masked %and3A_379 : memref<1792xi32, #tpu.memory_space<vmem>>[vector<16xi32>], vector<16xi32>, vector<16xi1>
        %scan3A_380 = arith.constant 2 : i32
        %scan3A_381 = arith.addi %scan3A_142, %scan3A_380 : i32
        %broadcast_in_dim3A_382 = vector.broadcast %scan3A_381 : i32 to vector<16xi32>
        %mul3A_383 = arith.constant 4 : i32
        %mul3A_384 = vector.broadcast %mul3A_383 : i32 to vector<16xi32>
        %mul3A_385 = arith.muli %broadcast_in_dim3A_382, %mul3A_384 : vector<16xi32>
        %gather3A_386 = tpu.vector_load_idx %arg21[%mul3A_385] : memref<256xf32, #tpu.memory_space<vmem>>[vector<16xi32>], vector<16xf32>,
        %add3A_387 = arith.constant 1 : i32
        %add3A_388 = vector.broadcast %add3A_387 : i32 to vector<16xi32>
        %add3A_389 = arith.addi %mul3A_385, %add3A_388 : vector<16xi32>
        %gather3A_390 = tpu.vector_load_idx %arg21[%add3A_389] : memref<256xf32, #tpu.memory_space<vmem>>[vector<16xi32>], vector<16xf32>,
        %add3A_391 = arith.constant 2 : i32
        %add3A_392 = vector.broadcast %add3A_391 : i32 to vector<16xi32>
        %add3A_393 = arith.addi %mul3A_385, %add3A_392 : vector<16xi32>
        %gather3A_394 = tpu.vector_load_idx %arg21[%add3A_393] : memref<256xf32, #tpu.memory_space<vmem>>[vector<16xi32>], vector<16xf32>,
        %add3A_395 = arith.constant 3 : i32
        %add3A_396 = vector.broadcast %add3A_395 : i32 to vector<16xi32>
        %add3A_397 = arith.addi %mul3A_385, %add3A_396 : vector<16xi32>
        %gather3A_398 = tpu.vector_load_idx %arg21[%add3A_397] : memref<256xf32, #tpu.memory_space<vmem>>[vector<16xi32>], vector<16xf32>,
        %add3A_399 = arith.addf %gather3A_386, %gather3A_394 : vector<16xf32>
        %div3A_400 = arith.constant 2.000000e+00 : f32
        %div3A_401 = vector.broadcast %div3A_400 : f32 to vector<16xf32>
        %div3A_402 = arith.divf %add3A_399, %div3A_401 : vector<16xf32>
        %add3A_403 = arith.addf %gather3A_390, %gather3A_398 : vector<16xf32>
        %div3A_404 = arith.constant 2.000000e+00 : f32
        %div3A_405 = vector.broadcast %div3A_404 : f32 to vector<16xf32>
        %div3A_406 = arith.divf %add3A_403, %div3A_405 : vector<16xf32>
        %mul3A_407 = arith.constant 7.812500e-03 : f32
        %mul3A_408 = vector.broadcast %mul3A_407 : f32 to vector<16xf32>
        %mul3A_409 = arith.mulf %div3A_402, %mul3A_408 : vector<16xf32>
        %convert_element_type3A_410 = arith.fptosi %mul3A_409 : vector<16xf32> to vector<16xi32>
        %mul3A_411 = arith.constant 7.812500e-03 : f32
        %mul3A_412 = vector.broadcast %mul3A_411 : f32 to vector<16xf32>
        %mul3A_413 = arith.mulf %div3A_406, %mul3A_412 : vector<16xf32>
        %convert_element_type3A_414 = arith.fptosi %mul3A_413 : vector<16xf32> to vector<16xi32>
        %add3A_415 = arith.addi %convert_element_type3A_410, %sub3A_58 : vector<16xi32>
        %add3A_416 = arith.addi %convert_element_type3A_414, %sub3A_63 : vector<16xi32>
        %convert_element_type3A_417 = arith.sitofp %add3A_415 : vector<16xi32> to vector<16xf32>
        %add3A_418 = arith.constant 5.000000e-01 : f32
        %add3A_419 = vector.broadcast %add3A_418 : f32 to vector<16xf32>
        %add3A_420 = arith.addf %convert_element_type3A_417, %add3A_419 : vector<16xf32>
        %mul3A_421 = arith.constant 1.280000e+02 : f32
        %mul3A_422 = vector.broadcast %mul3A_421 : f32 to vector<16xf32>
        %mul3A_423 = arith.mulf %add3A_420, %mul3A_422 : vector<16xf32>
        %convert_element_type3A_424 = arith.sitofp %add3A_416 : vector<16xi32> to vector<16xf32>
        %add3A_425 = arith.constant 5.000000e-01 : f32
        %add3A_426 = vector.broadcast %add3A_425 : f32 to vector<16xf32>
        %add3A_427 = arith.addf %convert_element_type3A_424, %add3A_426 : vector<16xf32>
        %mul3A_428 = arith.constant 1.280000e+02 : f32
        %mul3A_429 = vector.broadcast %mul3A_428 : f32 to vector<16xf32>
        %mul3A_430 = arith.mulf %add3A_427, %mul3A_429 : vector<16xf32>
        %mul3A_431 = arith.constant 7 : i32
        %mul3A_432 = vector.broadcast %mul3A_431 : i32 to vector<16xi32>
        %mul3A_433 = arith.muli %add3A_416, %mul3A_432 : vector<16xi32>
        %add3A_434 = arith.addi %mul3A_433, %add3A_415 : vector<16xi32>
        %add3A_435 = arith.constant 13568 : i32
        %add3A_436 = vector.broadcast %add3A_435 : i32 to vector<16xi32>
        %add3A_437 = arith.addi %add3A_434, %add3A_436 : vector<16xi32>
        %sub3A_438 = vector.broadcast %mul3A_32 : i32 to vector<16xi32>
        %sub3A_439 = arith.subi %add3A_437, %sub3A_438 : vector<16xi32>
        %ge3A_440 = arith.constant 0 : i32
        %ge3A_441 = vector.broadcast %ge3A_440 : i32 to vector<16xi32>
        %ge3A_442 = arith.cmpi sge, %add3A_415, %ge3A_441 : vector<16xi32>
        %lt3A_443 = arith.constant 7 : i32
        %lt3A_444 = vector.broadcast %lt3A_443 : i32 to vector<16xi32>
        %lt3A_445 = arith.cmpi slt, %add3A_415, %lt3A_444 : vector<16xi32>
        %and3A_446 = arith.andi %ge3A_442, %lt3A_445 : vector<16xi1>
        %ge3A_447 = arith.constant 0 : i32
        %ge3A_448 = vector.broadcast %ge3A_447 : i32 to vector<16xi32>
        %ge3A_449 = arith.cmpi sge, %add3A_416, %ge3A_448 : vector<16xi32>
        %and3A_450 = arith.andi %and3A_446, %ge3A_449 : vector<16xi1>
        %lt3A_451 = arith.constant 7 : i32
        %lt3A_452 = vector.broadcast %lt3A_451 : i32 to vector<16xi32>
        %lt3A_453 = arith.cmpi slt, %add3A_416, %lt3A_452 : vector<16xi32>
        %and3A_454 = arith.andi %and3A_450, %lt3A_453 : vector<16xi1>
        %ge3A_455 = arith.constant 0 : i32
        %ge3A_456 = vector.broadcast %ge3A_455 : i32 to vector<16xi32>
        %ge3A_457 = arith.cmpi sge, %sub3A_439, %ge3A_456 : vector<16xi32>
        %and3A_458 = arith.andi %and3A_454, %ge3A_457 : vector<16xi1>
        %lt3A_459 = arith.constant 1792 : i32
        %lt3A_460 = vector.broadcast %lt3A_459 : i32 to vector<16xi32>
        %lt3A_461 = arith.cmpi slt, %sub3A_439, %lt3A_460 : vector<16xi32>
        %and3A_462 = arith.andi %and3A_458, %lt3A_461 : vector<16xi1>
        %jit3A_463 = arith.constant 0 : i32
        %broadcast_in_dim3A_464 = vector.broadcast %jit3A_463 : i32 to vector<16xi32>
        %select_n3A_465 = arith.select %and3A_462, %sub3A_439, %broadcast_in_dim3A_464 : vector<16xi1>, vector<16xi32>
        %sub3A_466 = arith.subf %mul3A_423, %gather3A_386 : vector<16xf32>
        %sub3A_467 = arith.subf %mul3A_430, %gather3A_390 : vector<16xf32>
        %sub3A_468 = arith.subf %gather3A_394, %mul3A_423 : vector<16xf32>
        %sub3A_469 = arith.subf %gather3A_398, %mul3A_430 : vector<16xf32>
        %min3A_470 = arith.minimumf %sub3A_466, %sub3A_467 : vector<16xf32>
        %min3A_471 = arith.minimumf %sub3A_468, %sub3A_469 : vector<16xf32>
        %min3A_472 = arith.minimumf %min3A_470, %min3A_471 : vector<16xf32>
        %max3A_473 = arith.maximumf %sub3A_466, %sub3A_467 : vector<16xf32>
        %max3A_474 = arith.maximumf %sub3A_468, %sub3A_469 : vector<16xf32>
        %max3A_475 = arith.maximumf %max3A_473, %max3A_474 : vector<16xf32>
        %sub3A_476 = arith.subf %mul3A_423, %div3A_402 : vector<16xf32>
        %abs3A_477 = math.absf %sub3A_476 : vector<16xf32>
        %sub3A_478 = arith.subf %mul3A_430, %div3A_406 : vector<16xf32>
        %abs3A_479 = math.absf %sub3A_478 : vector<16xf32>
        %max3A_480 = arith.maximumf %abs3A_477, %abs3A_479 : vector<16xf32>
        %sub3A_481 = arith.constant 5.120000e+02 : f32
        %sub3A_482 = vector.broadcast %sub3A_481 : f32 to vector<16xf32>
        %sub3A_483 = arith.subf %max3A_475, %sub3A_482 : vector<16xf32>
        %sub3A_484 = arith.constant 1.920000e+02 : f32
        %sub3A_485 = vector.broadcast %sub3A_484 : f32 to vector<16xf32>
        %sub3A_486 = arith.subf %sub3A_485, %max3A_480 : vector<16xf32>
        %min3A_487 = arith.minimumf %sub3A_483, %sub3A_486 : vector<16xf32>
        %min3A_488 = arith.minimumf %min3A_472, %min3A_487 : vector<16xf32>
        %gt3A_489 = arith.constant 0.000000e+00 : f32
        %gt3A_490 = vector.broadcast %gt3A_489 : f32 to vector<16xf32>
        %gt3A_491 = arith.cmpf ogt, %min3A_488, %gt3A_490 : vector<16xf32>
        %le3A_492 = arith.constant 1.000000e+08 : f32
        %le3A_493 = vector.broadcast %le3A_492 : f32 to vector<16xf32>
        %le3A_494 = arith.cmpf ole, %max3A_475, %le3A_493 : vector<16xf32>
        %and3A_495 = arith.andi %gt3A_491, %le3A_494 : vector<16xi1>
        %and3A_496 = arith.andi %and3A_495, %and3A_462 : vector<16xi1>
        %add3A_497 = arith.addf %sub3A_466, %sub3A_468 : vector<16xf32>
        %add3A_498 = arith.addf %sub3A_467, %sub3A_469 : vector<16xf32>
        %mul3A_499 = arith.mulf %add3A_497, %add3A_498 : vector<16xf32>
        %gather3A_500 = tpu.vector_load_idx %arg23[%select_n3A_465] : memref<1792xf32, #tpu.memory_space<vmem>>[vector<16xi32>], vector<16xf32>,
        %lt3A_501 = arith.cmpf olt, %mul3A_499, %gather3A_500 : vector<16xf32>
        %and3A_502 = arith.andi %and3A_496, %lt3A_501 : vector<16xi1>
        tpu.vector_store_idx %arg23[%select_n3A_465], %mul3A_499 masked %and3A_502 : memref<1792xf32, #tpu.memory_space<vmem>>[vector<16xi32>], vector<16xf32>, vector<16xi1>
        tpu.vector_store_idx %arg24[%select_n3A_465], %broadcast_in_dim3A_382 masked %and3A_502 : memref<1792xi32, #tpu.memory_space<vmem>>[vector<16xi32>], vector<16xi32>, vector<16xi1>
        %scan3A_503 = arith.constant 3 : i32
        %scan3A_504 = arith.addi %scan3A_142, %scan3A_503 : i32
        %broadcast_in_dim3A_505 = vector.broadcast %scan3A_504 : i32 to vector<16xi32>
        %mul3A_506 = arith.constant 4 : i32
        %mul3A_507 = vector.broadcast %mul3A_506 : i32 to vector<16xi32>
        %mul3A_508 = arith.muli %broadcast_in_dim3A_505, %mul3A_507 : vector<16xi32>
        %gather3A_509 = tpu.vector_load_idx %arg21[%mul3A_508] : memref<256xf32, #tpu.memory_space<vmem>>[vector<16xi32>], vector<16xf32>,
        %add3A_510 = arith.constant 1 : i32
        %add3A_511 = vector.broadcast %add3A_510 : i32 to vector<16xi32>
        %add3A_512 = arith.addi %mul3A_508, %add3A_511 : vector<16xi32>
        %gather3A_513 = tpu.vector_load_idx %arg21[%add3A_512] : memref<256xf32, #tpu.memory_space<vmem>>[vector<16xi32>], vector<16xf32>,
        %add3A_514 = arith.constant 2 : i32
        %add3A_515 = vector.broadcast %add3A_514 : i32 to vector<16xi32>
        %add3A_516 = arith.addi %mul3A_508, %add3A_515 : vector<16xi32>
        %gather3A_517 = tpu.vector_load_idx %arg21[%add3A_516] : memref<256xf32, #tpu.memory_space<vmem>>[vector<16xi32>], vector<16xf32>,
        %add3A_518 = arith.constant 3 : i32
        %add3A_519 = vector.broadcast %add3A_518 : i32 to vector<16xi32>
        %add3A_520 = arith.addi %mul3A_508, %add3A_519 : vector<16xi32>
        %gather3A_521 = tpu.vector_load_idx %arg21[%add3A_520] : memref<256xf32, #tpu.memory_space<vmem>>[vector<16xi32>], vector<16xf32>,
        %add3A_522 = arith.addf %gather3A_509, %gather3A_517 : vector<16xf32>
        %div3A_523 = arith.constant 2.000000e+00 : f32
        %div3A_524 = vector.broadcast %div3A_523 : f32 to vector<16xf32>
        %div3A_525 = arith.divf %add3A_522, %div3A_524 : vector<16xf32>
        %add3A_526 = arith.addf %gather3A_513, %gather3A_521 : vector<16xf32>
        %div3A_527 = arith.constant 2.000000e+00 : f32
        %div3A_528 = vector.broadcast %div3A_527 : f32 to vector<16xf32>
        %div3A_529 = arith.divf %add3A_526, %div3A_528 : vector<16xf32>
        %mul3A_530 = arith.constant 7.812500e-03 : f32
        %mul3A_531 = vector.broadcast %mul3A_530 : f32 to vector<16xf32>
        %mul3A_532 = arith.mulf %div3A_525, %mul3A_531 : vector<16xf32>
        %convert_element_type3A_533 = arith.fptosi %mul3A_532 : vector<16xf32> to vector<16xi32>
        %mul3A_534 = arith.constant 7.812500e-03 : f32
        %mul3A_535 = vector.broadcast %mul3A_534 : f32 to vector<16xf32>
        %mul3A_536 = arith.mulf %div3A_529, %mul3A_535 : vector<16xf32>
        %convert_element_type3A_537 = arith.fptosi %mul3A_536 : vector<16xf32> to vector<16xi32>
        %add3A_538 = arith.addi %convert_element_type3A_533, %sub3A_58 : vector<16xi32>
        %add3A_539 = arith.addi %convert_element_type3A_537, %sub3A_63 : vector<16xi32>
        %convert_element_type3A_540 = arith.sitofp %add3A_538 : vector<16xi32> to vector<16xf32>
        %add3A_541 = arith.constant 5.000000e-01 : f32
        %add3A_542 = vector.broadcast %add3A_541 : f32 to vector<16xf32>
        %add3A_543 = arith.addf %convert_element_type3A_540, %add3A_542 : vector<16xf32>
        %mul3A_544 = arith.constant 1.280000e+02 : f32
        %mul3A_545 = vector.broadcast %mul3A_544 : f32 to vector<16xf32>
        %mul3A_546 = arith.mulf %add3A_543, %mul3A_545 : vector<16xf32>
        %convert_element_type3A_547 = arith.sitofp %add3A_539 : vector<16xi32> to vector<16xf32>
        %add3A_548 = arith.constant 5.000000e-01 : f32
        %add3A_549 = vector.broadcast %add3A_548 : f32 to vector<16xf32>
        %add3A_550 = arith.addf %convert_element_type3A_547, %add3A_549 : vector<16xf32>
        %mul3A_551 = arith.constant 1.280000e+02 : f32
        %mul3A_552 = vector.broadcast %mul3A_551 : f32 to vector<16xf32>
        %mul3A_553 = arith.mulf %add3A_550, %mul3A_552 : vector<16xf32>
        %mul3A_554 = arith.constant 7 : i32
        %mul3A_555 = vector.broadcast %mul3A_554 : i32 to vector<16xi32>
        %mul3A_556 = arith.muli %add3A_539, %mul3A_555 : vector<16xi32>
        %add3A_557 = arith.addi %mul3A_556, %add3A_538 : vector<16xi32>
        %add3A_558 = arith.constant 13568 : i32
        %add3A_559 = vector.broadcast %add3A_558 : i32 to vector<16xi32>
        %add3A_560 = arith.addi %add3A_557, %add3A_559 : vector<16xi32>
        %sub3A_561 = vector.broadcast %mul3A_32 : i32 to vector<16xi32>
        %sub3A_562 = arith.subi %add3A_560, %sub3A_561 : vector<16xi32>
        %ge3A_563 = arith.constant 0 : i32
        %ge3A_564 = vector.broadcast %ge3A_563 : i32 to vector<16xi32>
        %ge3A_565 = arith.cmpi sge, %add3A_538, %ge3A_564 : vector<16xi32>
        %lt3A_566 = arith.constant 7 : i32
        %lt3A_567 = vector.broadcast %lt3A_566 : i32 to vector<16xi32>
        %lt3A_568 = arith.cmpi slt, %add3A_538, %lt3A_567 : vector<16xi32>
        %and3A_569 = arith.andi %ge3A_565, %lt3A_568 : vector<16xi1>
        %ge3A_570 = arith.constant 0 : i32
        %ge3A_571 = vector.broadcast %ge3A_570 : i32 to vector<16xi32>
        %ge3A_572 = arith.cmpi sge, %add3A_539, %ge3A_571 : vector<16xi32>
        %and3A_573 = arith.andi %and3A_569, %ge3A_572 : vector<16xi1>
        %lt3A_574 = arith.constant 7 : i32
        %lt3A_575 = vector.broadcast %lt3A_574 : i32 to vector<16xi32>
        %lt3A_576 = arith.cmpi slt, %add3A_539, %lt3A_575 : vector<16xi32>
        %and3A_577 = arith.andi %and3A_573, %lt3A_576 : vector<16xi1>
        %ge3A_578 = arith.constant 0 : i32
        %ge3A_579 = vector.broadcast %ge3A_578 : i32 to vector<16xi32>
        %ge3A_580 = arith.cmpi sge, %sub3A_562, %ge3A_579 : vector<16xi32>
        %and3A_581 = arith.andi %and3A_577, %ge3A_580 : vector<16xi1>
        %lt3A_582 = arith.constant 1792 : i32
        %lt3A_583 = vector.broadcast %lt3A_582 : i32 to vector<16xi32>
        %lt3A_584 = arith.cmpi slt, %sub3A_562, %lt3A_583 : vector<16xi32>
        %and3A_585 = arith.andi %and3A_581, %lt3A_584 : vector<16xi1>
        %jit3A_586 = arith.constant 0 : i32
        %broadcast_in_dim3A_587 = vector.broadcast %jit3A_586 : i32 to vector<16xi32>
        %select_n3A_588 = arith.select %and3A_585, %sub3A_562, %broadcast_in_dim3A_587 : vector<16xi1>, vector<16xi32>
        %sub3A_589 = arith.subf %mul3A_546, %gather3A_509 : vector<16xf32>
        %sub3A_590 = arith.subf %mul3A_553, %gather3A_513 : vector<16xf32>
        %sub3A_591 = arith.subf %gather3A_517, %mul3A_546 : vector<16xf32>
        %sub3A_592 = arith.subf %gather3A_521, %mul3A_553 : vector<16xf32>
        %min3A_593 = arith.minimumf %sub3A_589, %sub3A_590 : vector<16xf32>
        %min3A_594 = arith.minimumf %sub3A_591, %sub3A_592 : vector<16xf32>
        %min3A_595 = arith.minimumf %min3A_593, %min3A_594 : vector<16xf32>
        %max3A_596 = arith.maximumf %sub3A_589, %sub3A_590 : vector<16xf32>
        %max3A_597 = arith.maximumf %sub3A_591, %sub3A_592 : vector<16xf32>
        %max3A_598 = arith.maximumf %max3A_596, %max3A_597 : vector<16xf32>
        %sub3A_599 = arith.subf %mul3A_546, %div3A_525 : vector<16xf32>
        %abs3A_600 = math.absf %sub3A_599 : vector<16xf32>
        %sub3A_601 = arith.subf %mul3A_553, %div3A_529 : vector<16xf32>
        %abs3A_602 = math.absf %sub3A_601 : vector<16xf32>
        %max3A_603 = arith.maximumf %abs3A_600, %abs3A_602 : vector<16xf32>
        %sub3A_604 = arith.constant 5.120000e+02 : f32
        %sub3A_605 = vector.broadcast %sub3A_604 : f32 to vector<16xf32>
        %sub3A_606 = arith.subf %max3A_598, %sub3A_605 : vector<16xf32>
        %sub3A_607 = arith.constant 1.920000e+02 : f32
        %sub3A_608 = vector.broadcast %sub3A_607 : f32 to vector<16xf32>
        %sub3A_609 = arith.subf %sub3A_608, %max3A_603 : vector<16xf32>
        %min3A_610 = arith.minimumf %sub3A_606, %sub3A_609 : vector<16xf32>
        %min3A_611 = arith.minimumf %min3A_595, %min3A_610 : vector<16xf32>
        %gt3A_612 = arith.constant 0.000000e+00 : f32
        %gt3A_613 = vector.broadcast %gt3A_612 : f32 to vector<16xf32>
        %gt3A_614 = arith.cmpf ogt, %min3A_611, %gt3A_613 : vector<16xf32>
        %le3A_615 = arith.constant 1.000000e+08 : f32
        %le3A_616 = vector.broadcast %le3A_615 : f32 to vector<16xf32>
        %le3A_617 = arith.cmpf ole, %max3A_598, %le3A_616 : vector<16xf32>
        %and3A_618 = arith.andi %gt3A_614, %le3A_617 : vector<16xi1>
        %and3A_619 = arith.andi %and3A_618, %and3A_585 : vector<16xi1>
        %add3A_620 = arith.addf %sub3A_589, %sub3A_591 : vector<16xf32>
        %add3A_621 = arith.addf %sub3A_590, %sub3A_592 : vector<16xf32>
        %mul3A_622 = arith.mulf %add3A_620, %add3A_621 : vector<16xf32>
        %gather3A_623 = tpu.vector_load_idx %arg23[%select_n3A_588] : memref<1792xf32, #tpu.memory_space<vmem>>[vector<16xi32>], vector<16xf32>,
        %lt3A_624 = arith.cmpf olt, %mul3A_622, %gather3A_623 : vector<16xf32>
        %and3A_625 = arith.andi %and3A_619, %lt3A_624 : vector<16xi1>
        tpu.vector_store_idx %arg23[%select_n3A_588], %mul3A_622 masked %and3A_625 : memref<1792xf32, #tpu.memory_space<vmem>>[vector<16xi32>], vector<16xf32>, vector<16xi1>
        tpu.vector_store_idx %arg24[%select_n3A_588], %broadcast_in_dim3A_505 masked %and3A_625 : memref<1792xi32, #tpu.memory_space<vmem>>[vector<16xi32>], vector<16xi32>, vector<16xi1>
      }
      %scan3A_141 = arith.constant 64 : i32
    } else {
    }
    %dma_wait3A_111 = tpu.memref_slice %arg2[%mul3A_34] : memref<44800xf32, #tpu.memory_space<hbm>> -> memref<5376xf32, #tpu.memory_space<hbm>>
    %dma_wait3A_112 = tpu.memref_slice %arg2[%mul3A_34] : memref<44800xf32, #tpu.memory_space<hbm>> -> memref<5376xf32, #tpu.memory_space<hbm>>
    tpu.wait_dma2 semaphore(%arg29 : memref<!tpu.dma_semaphore, #tpu.memory_space<semaphore_mem>>) src(%dma_wait3A_112 : memref<5376xf32, #tpu.memory_space<hbm>>) dst(%arg20 : memref<5376xf32, #tpu.memory_space<vmem>>)
    %dma_wait3A_113 = tpu.memref_slice %arg4[%mul3A_41] : memref<256xi32, #tpu.memory_space<hbm>> -> memref<64xi32, #tpu.memory_space<hbm>>
    %dma_wait3A_114 = tpu.memref_slice %arg4[%mul3A_41] : memref<256xi32, #tpu.memory_space<hbm>> -> memref<64xi32, #tpu.memory_space<hbm>>
    tpu.wait_dma2 semaphore(%arg29 : memref<!tpu.dma_semaphore, #tpu.memory_space<semaphore_mem>>) src(%dma_wait3A_114 : memref<64xi32, #tpu.memory_space<hbm>>) dst(%arg22 : memref<64xi32, #tpu.memory_space<vmem>>)
    %parallel_loop3A = arith.constant 0 : i32
    %parallel_loop3A_115 = arith.constant 112 : i32
    %parallel_loop3A_116 = arith.constant 1 : i32
    scf.for %parallel_loop3A_137 = %parallel_loop3A to %parallel_loop3A_115 step %parallel_loop3A_116  : i32 {
      %parallel_loop3A_138 = arith.constant 48 : i32
      %parallel_loop3A_139 = arith.muli %parallel_loop3A_137, %parallel_loop3A_138 : i32
      %parallel_loop3A_140 = arith.constant 16 : i32
      %parallel_loop3A_141 = arith.muli %parallel_loop3A_137, %parallel_loop3A_140 : i32
      %parallel_loop3A_142 = arith.index_cast %parallel_loop3A_139 : i32 to index
      %parallel_loop3A_143 = tpu.vector_load %arg20[%parallel_loop3A_142] {strides = array<i32>} : memref<5376xf32, #tpu.memory_space<vmem>>, vector<16xf32>,
      %parallel_loop3A_144 = arith.constant 16 : i32
      %parallel_loop3A_145 = arith.addi %parallel_loop3A_139, %parallel_loop3A_144 : i32
      %parallel_loop3A_146 = arith.index_cast %parallel_loop3A_145 : i32 to index
      %parallel_loop3A_147 = tpu.vector_load %arg20[%parallel_loop3A_146] {strides = array<i32>} : memref<5376xf32, #tpu.memory_space<vmem>>, vector<16xf32>,
      %parallel_loop3A_148 = arith.constant 32 : i32
      %parallel_loop3A_149 = arith.addi %parallel_loop3A_139, %parallel_loop3A_148 : i32
      %parallel_loop3A_150 = arith.index_cast %parallel_loop3A_149 : i32 to index
      %parallel_loop3A_151 = tpu.vector_load %arg20[%parallel_loop3A_150] {strides = array<i32>} : memref<5376xf32, #tpu.memory_space<vmem>>, vector<16xf32>,
      %parallel_loop3A_152 = arith.index_cast %parallel_loop3A_141 : i32 to index
      %parallel_loop3A_153 = tpu.vector_load %arg23[%parallel_loop3A_152] {strides = array<i32>} : memref<1792xf32, #tpu.memory_space<vmem>>, vector<16xf32>,
      %parallel_loop3A_154 = arith.constant 1.000000e+08 : f32
      %parallel_loop3A_155 = vector.broadcast %parallel_loop3A_154 : f32 to vector<16xf32>
      %parallel_loop3A_156 = arith.cmpf oge, %parallel_loop3A_153, %parallel_loop3A_155 : vector<16xf32>
      %parallel_loop3A_157 = arith.index_cast %parallel_loop3A_141 : i32 to index
      %parallel_loop3A_158 = tpu.vector_load %arg24[%parallel_loop3A_157] {strides = array<i32>} : memref<1792xi32, #tpu.memory_space<vmem>>, vector<16xi32>,
      %parallel_loop3A_159 = arith.constant 0 : i32
      %parallel_loop3A_160 = vector.broadcast %parallel_loop3A_159 : i32 to vector<16xi32>
      %parallel_loop3A_161 = arith.select %parallel_loop3A_156, %parallel_loop3A_160, %parallel_loop3A_158 : vector<16xi1>, vector<16xi32>
      %parallel_loop3A_162 = arith.constant 4 : i32
      %parallel_loop3A_163 = vector.broadcast %parallel_loop3A_162 : i32 to vector<16xi32>
      %parallel_loop3A_164 = arith.muli %parallel_loop3A_161, %parallel_loop3A_163 : vector<16xi32>
      %parallel_loop3A_165 = tpu.vector_load_idx %arg21[%parallel_loop3A_164] : memref<256xf32, #tpu.memory_space<vmem>>[vector<16xi32>], vector<16xf32>,
      %parallel_loop3A_166 = arith.constant 1 : i32
      %parallel_loop3A_167 = vector.broadcast %parallel_loop3A_166 : i32 to vector<16xi32>
      %parallel_loop3A_168 = arith.addi %parallel_loop3A_164, %parallel_loop3A_167 : vector<16xi32>
      %parallel_loop3A_169 = tpu.vector_load_idx %arg21[%parallel_loop3A_168] : memref<256xf32, #tpu.memory_space<vmem>>[vector<16xi32>], vector<16xf32>,
      %parallel_loop3A_170 = arith.constant 2 : i32
      %parallel_loop3A_171 = vector.broadcast %parallel_loop3A_170 : i32 to vector<16xi32>
      %parallel_loop3A_172 = arith.addi %parallel_loop3A_164, %parallel_loop3A_171 : vector<16xi32>
      %parallel_loop3A_173 = tpu.vector_load_idx %arg21[%parallel_loop3A_172] : memref<256xf32, #tpu.memory_space<vmem>>[vector<16xi32>], vector<16xf32>,
      %parallel_loop3A_174 = arith.constant 3 : i32
      %parallel_loop3A_175 = vector.broadcast %parallel_loop3A_174 : i32 to vector<16xi32>
      %parallel_loop3A_176 = arith.addi %parallel_loop3A_164, %parallel_loop3A_175 : vector<16xi32>
      %parallel_loop3A_177 = tpu.vector_load_idx %arg21[%parallel_loop3A_176] : memref<256xf32, #tpu.memory_space<vmem>>[vector<16xi32>], vector<16xf32>,
      %parallel_loop3A_178 = tpu.vector_load_idx %arg22[%parallel_loop3A_161] : memref<64xi32, #tpu.memory_space<vmem>>[vector<16xi32>], vector<16xi32>,
      %parallel_loop3A_179 = arith.subf %parallel_loop3A_143, %parallel_loop3A_165 : vector<16xf32>
      %parallel_loop3A_180 = arith.mulf %parallel_loop3A_179, %parallel_loop3A_151 : vector<16xf32>
      %parallel_loop3A_181 = arith.subf %parallel_loop3A_147, %parallel_loop3A_169 : vector<16xf32>
      %parallel_loop3A_182 = arith.mulf %parallel_loop3A_181, %parallel_loop3A_151 : vector<16xf32>
      %parallel_loop3A_183 = arith.subf %parallel_loop3A_173, %parallel_loop3A_143 : vector<16xf32>
      %parallel_loop3A_184 = arith.mulf %parallel_loop3A_183, %parallel_loop3A_151 : vector<16xf32>
      %parallel_loop3A_185 = arith.subf %parallel_loop3A_177, %parallel_loop3A_147 : vector<16xf32>
      %parallel_loop3A_186 = arith.mulf %parallel_loop3A_185, %parallel_loop3A_151 : vector<16xf32>
      %parallel_loop3A_187 = arith.minimumf %parallel_loop3A_180, %parallel_loop3A_184 : vector<16xf32>
      %parallel_loop3A_188 = arith.maximumf %parallel_loop3A_180, %parallel_loop3A_184 : vector<16xf32>
      %parallel_loop3A_189 = arith.minimumf %parallel_loop3A_182, %parallel_loop3A_186 : vector<16xf32>
      %parallel_loop3A_190 = arith.maximumf %parallel_loop3A_182, %parallel_loop3A_186 : vector<16xf32>
      %parallel_loop3A_191 = arith.mulf %parallel_loop3A_187, %parallel_loop3A_189 : vector<16xf32>
      %parallel_loop3A_192 = arith.constant 0.000000e+00 : f32
      %parallel_loop3A_193 = vector.broadcast %parallel_loop3A_192 : f32 to vector<16xf32>
      %parallel_loop3A_194 = arith.maximumf %parallel_loop3A_191, %parallel_loop3A_193 : vector<16xf32>
      %parallel_loop3A_195 = arith.mulf %parallel_loop3A_188, %parallel_loop3A_190 : vector<16xf32>
      %parallel_loop3A_196 = arith.constant 9.99999993E-9 : f32
      %parallel_loop3A_197 = vector.broadcast %parallel_loop3A_196 : f32 to vector<16xf32>
      %parallel_loop3A_198 = arith.maximumf %parallel_loop3A_195, %parallel_loop3A_197 : vector<16xf32>
      %parallel_loop3A_199 = arith.divf %parallel_loop3A_194, %parallel_loop3A_198 : vector<16xf32>
      %parallel_loop3A_200 = arith.constant 9.99999996E-13 : f32
      %parallel_loop3A_201 = vector.broadcast %parallel_loop3A_200 : f32 to vector<16xf32>
      %parallel_loop3A_202 = arith.addf %parallel_loop3A_199, %parallel_loop3A_201 : vector<16xf32>
      %parallel_loop3A_203 = tpu.bitcast %parallel_loop3A_202 : vector<16xf32> -> vector<16xi32>
      %parallel_loop3A_204 = arith.constant 1 : i32
      %parallel_loop3A_205 = vector.broadcast %parallel_loop3A_204 : i32 to vector<16xi32>
      %parallel_loop3A_206 = arith.shrsi %parallel_loop3A_203, %parallel_loop3A_205 : vector<16xi32>
      %parallel_loop3A_207 = arith.constant 532487669 : i32
      %parallel_loop3A_208 = vector.broadcast %parallel_loop3A_207 : i32 to vector<16xi32>
      %parallel_loop3A_209 = arith.addi %parallel_loop3A_206, %parallel_loop3A_208 : vector<16xi32>
      %parallel_loop3A_210 = tpu.bitcast %parallel_loop3A_209 : vector<16xi32> -> vector<16xf32>
      %parallel_loop3A_211 = arith.divf %parallel_loop3A_202, %parallel_loop3A_210 : vector<16xf32>
      %parallel_loop3A_212 = arith.addf %parallel_loop3A_210, %parallel_loop3A_211 : vector<16xf32>
      %parallel_loop3A_213 = arith.constant 5.000000e-01 : f32
      %parallel_loop3A_214 = vector.broadcast %parallel_loop3A_213 : f32 to vector<16xf32>
      %parallel_loop3A_215 = arith.mulf %parallel_loop3A_214, %parallel_loop3A_212 : vector<16xf32>
      %parallel_loop3A_216 = arith.divf %parallel_loop3A_202, %parallel_loop3A_215 : vector<16xf32>
      %parallel_loop3A_217 = arith.addf %parallel_loop3A_215, %parallel_loop3A_216 : vector<16xf32>
      %parallel_loop3A_218 = arith.constant 5.000000e-01 : f32
      %parallel_loop3A_219 = vector.broadcast %parallel_loop3A_218 : f32 to vector<16xf32>
      %parallel_loop3A_220 = arith.mulf %parallel_loop3A_219, %parallel_loop3A_217 : vector<16xf32>
      %parallel_loop3A_221 = arith.divf %parallel_loop3A_202, %parallel_loop3A_220 : vector<16xf32>
      %parallel_loop3A_222 = arith.addf %parallel_loop3A_220, %parallel_loop3A_221 : vector<16xf32>
      %parallel_loop3A_223 = arith.constant 5.000000e-01 : f32
      %parallel_loop3A_224 = vector.broadcast %parallel_loop3A_223 : f32 to vector<16xf32>
      %parallel_loop3A_225 = arith.mulf %parallel_loop3A_224, %parallel_loop3A_222 : vector<16xf32>
      %parallel_loop3A_226 = arith.constant 0 : i32
      %parallel_loop3A_227 = vector.broadcast %parallel_loop3A_226 : i32 to vector<16xi32>
      %parallel_loop3A_228 = arith.select %parallel_loop3A_156, %parallel_loop3A_227, %parallel_loop3A_178 : vector<16xi1>, vector<16xi32>
      %parallel_loop3A_229 = arith.index_cast %parallel_loop3A_141 : i32 to index
      %parallel_loop3A_230 = tpu.vector_load %arg25[%parallel_loop3A_229] {strides = array<i32>} : memref<1792xi32, #tpu.memory_space<vmem>>, vector<16xi32>,
      tpu.vector_store %arg25[%parallel_loop3A_229], %parallel_loop3A_228 {strides = array<i32>} : memref<1792xi32, #tpu.memory_space<vmem>>, vector<16xi32>,
      %parallel_loop3A_231 = arith.constant -1.000000e+00 : f32
      %parallel_loop3A_232 = vector.broadcast %parallel_loop3A_231 : f32 to vector<16xf32>
      %parallel_loop3A_233 = arith.select %parallel_loop3A_156, %parallel_loop3A_232, %parallel_loop3A_225 : vector<16xi1>, vector<16xf32>
      %parallel_loop3A_234 = arith.index_cast %parallel_loop3A_141 : i32 to index
      %parallel_loop3A_235 = tpu.vector_load %arg27[%parallel_loop3A_234] {strides = array<i32>} : memref<1792xf32, #tpu.memory_space<vmem>>, vector<16xf32>,
      tpu.vector_store %arg27[%parallel_loop3A_234], %parallel_loop3A_233 {strides = array<i32>} : memref<1792xf32, #tpu.memory_space<vmem>>, vector<16xf32>,
      %parallel_loop3A_236 = arith.constant 3 : i32
      %parallel_loop3A_237 = arith.shrsi %parallel_loop3A_137, %parallel_loop3A_236 : i32
      %parallel_loop3A_238 = arith.constant 512 : i32
      %parallel_loop3A_239 = arith.muli %parallel_loop3A_237, %parallel_loop3A_238 : i32
      %parallel_loop3A_240 = arith.constant 7 : i32
      %parallel_loop3A_241 = arith.andi %parallel_loop3A_137, %parallel_loop3A_240 : i32
      %parallel_loop3A_242 = arith.constant 4 : i32
      %parallel_loop3A_243 = arith.shli %parallel_loop3A_241, %parallel_loop3A_242 : i32
      %parallel_loop3A_244 = arith.addi %parallel_loop3A_239, %parallel_loop3A_243 : i32
      %parallel_loop3A_245 = arith.constant -1.000000e+00 : f32
      %parallel_loop3A_246 = vector.broadcast %parallel_loop3A_245 : f32 to vector<16xf32>
      %parallel_loop3A_247 = arith.select %parallel_loop3A_156, %parallel_loop3A_246, %parallel_loop3A_180 : vector<16xi1>, vector<16xf32>
      %parallel_loop3A_248 = arith.index_cast %parallel_loop3A_244 : i32 to index
      %parallel_loop3A_249 = tpu.vector_load %arg26[%parallel_loop3A_248] {strides = array<i32>} : memref<7168xf32, #tpu.memory_space<vmem>>, vector<16xf32>,
      tpu.vector_store %arg26[%parallel_loop3A_248], %parallel_loop3A_247 {strides = array<i32>} : memref<7168xf32, #tpu.memory_space<vmem>>, vector<16xf32>,
      %parallel_loop3A_250 = arith.constant -1.000000e+00 : f32
      %parallel_loop3A_251 = vector.broadcast %parallel_loop3A_250 : f32 to vector<16xf32>
      %parallel_loop3A_252 = arith.select %parallel_loop3A_156, %parallel_loop3A_251, %parallel_loop3A_182 : vector<16xi1>, vector<16xf32>
      %parallel_loop3A_253 = arith.constant 128 : i32
      %parallel_loop3A_254 = arith.addi %parallel_loop3A_244, %parallel_loop3A_253 : i32
      %parallel_loop3A_255 = arith.index_cast %parallel_loop3A_254 : i32 to index
      %parallel_loop3A_256 = tpu.vector_load %arg26[%parallel_loop3A_255] {strides = array<i32>} : memref<7168xf32, #tpu.memory_space<vmem>>, vector<16xf32>,
      tpu.vector_store %arg26[%parallel_loop3A_255], %parallel_loop3A_252 {strides = array<i32>} : memref<7168xf32, #tpu.memory_space<vmem>>, vector<16xf32>,
      %parallel_loop3A_257 = arith.constant -1.000000e+00 : f32
      %parallel_loop3A_258 = vector.broadcast %parallel_loop3A_257 : f32 to vector<16xf32>
      %parallel_loop3A_259 = arith.select %parallel_loop3A_156, %parallel_loop3A_258, %parallel_loop3A_184 : vector<16xi1>, vector<16xf32>
      %parallel_loop3A_260 = arith.constant 256 : i32
      %parallel_loop3A_261 = arith.addi %parallel_loop3A_244, %parallel_loop3A_260 : i32
      %parallel_loop3A_262 = arith.index_cast %parallel_loop3A_261 : i32 to index
      %parallel_loop3A_263 = tpu.vector_load %arg26[%parallel_loop3A_262] {strides = array<i32>} : memref<7168xf32, #tpu.memory_space<vmem>>, vector<16xf32>,
      tpu.vector_store %arg26[%parallel_loop3A_262], %parallel_loop3A_259 {strides = array<i32>} : memref<7168xf32, #tpu.memory_space<vmem>>, vector<16xf32>,
      %parallel_loop3A_264 = arith.constant -1.000000e+00 : f32
      %parallel_loop3A_265 = vector.broadcast %parallel_loop3A_264 : f32 to vector<16xf32>
      %parallel_loop3A_266 = arith.select %parallel_loop3A_156, %parallel_loop3A_265, %parallel_loop3A_186 : vector<16xi1>, vector<16xf32>
      %parallel_loop3A_267 = arith.constant 384 : i32
      %parallel_loop3A_268 = arith.addi %parallel_loop3A_244, %parallel_loop3A_267 : i32
      %parallel_loop3A_269 = arith.index_cast %parallel_loop3A_268 : i32 to index
      %parallel_loop3A_270 = tpu.vector_load %arg26[%parallel_loop3A_269] {strides = array<i32>} : memref<7168xf32, #tpu.memory_space<vmem>>, vector<16xf32>,
      tpu.vector_store %arg26[%parallel_loop3A_269], %parallel_loop3A_266 {strides = array<i32>} : memref<7168xf32, #tpu.memory_space<vmem>>, vector<16xf32>,
    } {sc.loop_unroll_factor = 4 : i64, sc.parallel_access}
    %lt3A_117 = arith.constant 5 : i32
    %lt3A_118 = arith.cmpi slt, %select_n3A_30, %lt3A_117 : i32
    %convert_element_type3A_119 = arith.extui %lt3A_118 : i1 to i32
    %cond3A_120 = arith.constant 0 : i32
    %cond3A_121 = arith.cmpi ne, %convert_element_type3A_119, %cond3A_120 : i32
    scf.if %cond3A_121 {
      %mul3A_137 = arith.constant 14 : i32
      %mul3A_138 = arith.muli %select_n3A_30, %mul3A_137 : i32
      %mul3A_139 = arith.constant 79 : i32
      %mul3A_140 = arith.muli %select_n3A_9, %mul3A_139 : i32
      %add3A_141 = arith.addi %mul3A_140, %mul3A_138 : i32
      %mul3A_142 = arith.constant 128 : i32
      %mul3A_143 = arith.muli %add3A_141, %mul3A_142 : i32
      %dma_start3A_144 = arith.constant 0 : i32
      %dma_start3A_145 = tpu.memref_slice %arg25[%dma_start3A_144] : memref<1792xi32, #tpu.memory_space<vmem>> -> memref<1792xi32, #tpu.memory_space<vmem>>
      %dma_start3A_146 = tpu.memref_slice %arg5[%mul3A_143] : memref<40448xi32, #tpu.memory_space<hbm>> -> memref<1792xi32, #tpu.memory_space<hbm>>
      %dma_start3A_147 = tpu.memref_slice %arg5[%mul3A_143] : memref<40448xi32, #tpu.memory_space<hbm>> -> memref<1792xi32, #tpu.memory_space<hbm>>
      %dma_start3A_148 = arith.constant 0 : i32
      %dma_start3A_149 = tpu.memref_slice %arg25[%dma_start3A_148] : memref<1792xi32, #tpu.memory_space<vmem>> -> memref<1792xi32, #tpu.memory_space<vmem>>
      tpu.enqueue_dma source(%dma_start3A_149 : memref<1792xi32, #tpu.memory_space<vmem>>) target(%dma_start3A_147 : memref<1792xi32, #tpu.memory_space<hbm>>) target_semaphore(%arg30 : memref<!tpu.dma_semaphore, #tpu.memory_space<semaphore_mem>>)
      %mul3A_150 = arith.constant 79 : i32
      %mul3A_151 = arith.muli %select_n3A_9, %mul3A_150 : i32
      %add3A_152 = arith.addi %mul3A_151, %mul3A_138 : i32
      %mul3A_153 = arith.constant 512 : i32
      %mul3A_154 = arith.muli %add3A_152, %mul3A_153 : i32
      %dma_start3A_155 = arith.constant 0 : i32
      %dma_start3A_156 = tpu.memref_slice %arg26[%dma_start3A_155] : memref<7168xf32, #tpu.memory_space<vmem>> -> memref<7168xf32, #tpu.memory_space<vmem>>
      %dma_start3A_157 = tpu.memref_slice %arg10[%mul3A_154] : memref<161792xf32, #tpu.memory_space<hbm>> -> memref<7168xf32, #tpu.memory_space<hbm>>
      %dma_start3A_158 = tpu.memref_slice %arg10[%mul3A_154] : memref<161792xf32, #tpu.memory_space<hbm>> -> memref<7168xf32, #tpu.memory_space<hbm>>
      %dma_start3A_159 = arith.constant 0 : i32
      %dma_start3A_160 = tpu.memref_slice %arg26[%dma_start3A_159] : memref<7168xf32, #tpu.memory_space<vmem>> -> memref<7168xf32, #tpu.memory_space<vmem>>
      tpu.enqueue_dma source(%dma_start3A_160 : memref<7168xf32, #tpu.memory_space<vmem>>) target(%dma_start3A_158 : memref<7168xf32, #tpu.memory_space<hbm>>) target_semaphore(%arg30 : memref<!tpu.dma_semaphore, #tpu.memory_space<semaphore_mem>>)
      %mul3A_161 = arith.constant 79 : i32
      %mul3A_162 = arith.muli %select_n3A_9, %mul3A_161 : i32
      %add3A_163 = arith.addi %mul3A_162, %mul3A_138 : i32
      %mul3A_164 = arith.constant 128 : i32
      %mul3A_165 = arith.muli %add3A_163, %mul3A_164 : i32
      %dma_start3A_166 = arith.constant 0 : i32
      %dma_start3A_167 = tpu.memref_slice %arg27[%dma_start3A_166] : memref<1792xf32, #tpu.memory_space<vmem>> -> memref<1792xf32, #tpu.memory_space<vmem>>
      %dma_start3A_168 = tpu.memref_slice %arg15[%mul3A_165] : memref<40448xf32, #tpu.memory_space<hbm>> -> memref<1792xf32, #tpu.memory_space<hbm>>
      %dma_start3A_169 = tpu.memref_slice %arg15[%mul3A_165] : memref<40448xf32, #tpu.memory_space<hbm>> -> memref<1792xf32, #tpu.memory_space<hbm>>
      %dma_start3A_170 = arith.constant 0 : i32
      %dma_start3A_171 = tpu.memref_slice %arg27[%dma_start3A_170] : memref<1792xf32, #tpu.memory_space<vmem>> -> memref<1792xf32, #tpu.memory_space<vmem>>
      tpu.enqueue_dma source(%dma_start3A_171 : memref<1792xf32, #tpu.memory_space<vmem>>) target(%dma_start3A_169 : memref<1792xf32, #tpu.memory_space<hbm>>) target_semaphore(%arg30 : memref<!tpu.dma_semaphore, #tpu.memory_space<semaphore_mem>>)
      %dma_wait3A_172 = arith.constant 0 : i32
      %dma_wait3A_173 = tpu.memref_slice %arg25[%dma_wait3A_172] : memref<1792xi32, #tpu.memory_space<vmem>> -> memref<1792xi32, #tpu.memory_space<vmem>>
      %dma_wait3A_174 = tpu.memref_slice %arg5[%mul3A_143] : memref<40448xi32, #tpu.memory_space<hbm>> -> memref<1792xi32, #tpu.memory_space<hbm>>
      %dma_wait3A_175 = tpu.memref_slice %arg5[%mul3A_143] : memref<40448xi32, #tpu.memory_space<hbm>> -> memref<1792xi32, #tpu.memory_space<hbm>>
      %dma_wait3A_176 = arith.constant 0 : i32
      %dma_wait3A_177 = tpu.memref_slice %arg25[%dma_wait3A_176] : memref<1792xi32, #tpu.memory_space<vmem>> -> memref<1792xi32, #tpu.memory_space<vmem>>
      tpu.wait_dma2 semaphore(%arg30 : memref<!tpu.dma_semaphore, #tpu.memory_space<semaphore_mem>>) src(%dma_wait3A_177 : memref<1792xi32, #tpu.memory_space<vmem>>) dst(%dma_wait3A_175 : memref<1792xi32, #tpu.memory_space<hbm>>)
      %dma_wait3A_178 = arith.constant 0 : i32
      %dma_wait3A_179 = tpu.memref_slice %arg26[%dma_wait3A_178] : memref<7168xf32, #tpu.memory_space<vmem>> -> memref<7168xf32, #tpu.memory_space<vmem>>
      %dma_wait3A_180 = tpu.memref_slice %arg10[%mul3A_154] : memref<161792xf32, #tpu.memory_space<hbm>> -> memref<7168xf32, #tpu.memory_space<hbm>>
      %dma_wait3A_181 = tpu.memref_slice %arg10[%mul3A_154] : memref<161792xf32, #tpu.memory_space<hbm>> -> memref<7168xf32, #tpu.memory_space<hbm>>
      %dma_wait3A_182 = arith.constant 0 : i32
      %dma_wait3A_183 = tpu.memref_slice %arg26[%dma_wait3A_182] : memref<7168xf32, #tpu.memory_space<vmem>> -> memref<7168xf32, #tpu.memory_space<vmem>>
      tpu.wait_dma2 semaphore(%arg30 : memref<!tpu.dma_semaphore, #tpu.memory_space<semaphore_mem>>) src(%dma_wait3A_183 : memref<7168xf32, #tpu.memory_space<vmem>>) dst(%dma_wait3A_181 : memref<7168xf32, #tpu.memory_space<hbm>>)
      %dma_wait3A_184 = arith.constant 0 : i32
      %dma_wait3A_185 = tpu.memref_slice %arg27[%dma_wait3A_184] : memref<1792xf32, #tpu.memory_space<vmem>> -> memref<1792xf32, #tpu.memory_space<vmem>>
      %dma_wait3A_186 = tpu.memref_slice %arg15[%mul3A_165] : memref<40448xf32, #tpu.memory_space<hbm>> -> memref<1792xf32, #tpu.memory_space<hbm>>
      %dma_wait3A_187 = tpu.memref_slice %arg15[%mul3A_165] : memref<40448xf32, #tpu.memory_space<hbm>> -> memref<1792xf32, #tpu.memory_space<hbm>>
      %dma_wait3A_188 = arith.constant 0 : i32
      %dma_wait3A_189 = tpu.memref_slice %arg27[%dma_wait3A_188] : memref<1792xf32, #tpu.memory_space<vmem>> -> memref<1792xf32, #tpu.memory_space<vmem>>
      tpu.wait_dma2 semaphore(%arg30 : memref<!tpu.dma_semaphore, #tpu.memory_space<semaphore_mem>>) src(%dma_wait3A_189 : memref<1792xf32, #tpu.memory_space<vmem>>) dst(%dma_wait3A_187 : memref<1792xf32, #tpu.memory_space<hbm>>)
    } else {
    }
    %eq3A_122 = arith.constant 5 : i32
    %eq3A_123 = arith.cmpi eq, %select_n3A_30, %eq3A_122 : i32
    %convert_element_type3A_124 = arith.extui %eq3A_123 : i1 to i32
    %cond3A_125 = arith.constant 0 : i32
    %cond3A_126 = arith.cmpi ne, %convert_element_type3A_124, %cond3A_125 : i32
    scf.if %cond3A_126 {
      %mul3A_137 = arith.constant 79 : i32
      %mul3A_138 = arith.muli %select_n3A_9, %mul3A_137 : i32
      %add3A_139 = arith.constant 70 : i32
      %add3A_140 = arith.addi %mul3A_138, %add3A_139 : i32
      %mul3A_141 = arith.constant 128 : i32
      %mul3A_142 = arith.muli %add3A_140, %mul3A_141 : i32
      %dma_start3A_143 = arith.constant 0 : i32
      %dma_start3A_144 = tpu.memref_slice %arg25[%dma_start3A_143] : memref<1792xi32, #tpu.memory_space<vmem>> -> memref<1152xi32, #tpu.memory_space<vmem>>
      %dma_start3A_145 = tpu.memref_slice %arg5[%mul3A_142] : memref<40448xi32, #tpu.memory_space<hbm>> -> memref<1152xi32, #tpu.memory_space<hbm>>
      %dma_start3A_146 = tpu.memref_slice %arg5[%mul3A_142] : memref<40448xi32, #tpu.memory_space<hbm>> -> memref<1152xi32, #tpu.memory_space<hbm>>
      %dma_start3A_147 = arith.constant 0 : i32
      %dma_start3A_148 = tpu.memref_slice %arg25[%dma_start3A_147] : memref<1792xi32, #tpu.memory_space<vmem>> -> memref<1152xi32, #tpu.memory_space<vmem>>
      tpu.enqueue_dma source(%dma_start3A_148 : memref<1152xi32, #tpu.memory_space<vmem>>) target(%dma_start3A_146 : memref<1152xi32, #tpu.memory_space<hbm>>) target_semaphore(%arg30 : memref<!tpu.dma_semaphore, #tpu.memory_space<semaphore_mem>>)
      %mul3A_149 = arith.constant 79 : i32
      %mul3A_150 = arith.muli %select_n3A_9, %mul3A_149 : i32
      %add3A_151 = arith.constant 70 : i32
      %add3A_152 = arith.addi %mul3A_150, %add3A_151 : i32
      %mul3A_153 = arith.constant 512 : i32
      %mul3A_154 = arith.muli %add3A_152, %mul3A_153 : i32
      %dma_start3A_155 = arith.constant 0 : i32
      %dma_start3A_156 = tpu.memref_slice %arg26[%dma_start3A_155] : memref<7168xf32, #tpu.memory_space<vmem>> -> memref<4608xf32, #tpu.memory_space<vmem>>
      %dma_start3A_157 = tpu.memref_slice %arg10[%mul3A_154] : memref<161792xf32, #tpu.memory_space<hbm>> -> memref<4608xf32, #tpu.memory_space<hbm>>
      %dma_start3A_158 = tpu.memref_slice %arg10[%mul3A_154] : memref<161792xf32, #tpu.memory_space<hbm>> -> memref<4608xf32, #tpu.memory_space<hbm>>
      %dma_start3A_159 = arith.constant 0 : i32
      %dma_start3A_160 = tpu.memref_slice %arg26[%dma_start3A_159] : memref<7168xf32, #tpu.memory_space<vmem>> -> memref<4608xf32, #tpu.memory_space<vmem>>
      tpu.enqueue_dma source(%dma_start3A_160 : memref<4608xf32, #tpu.memory_space<vmem>>) target(%dma_start3A_158 : memref<4608xf32, #tpu.memory_space<hbm>>) target_semaphore(%arg30 : memref<!tpu.dma_semaphore, #tpu.memory_space<semaphore_mem>>)
      %mul3A_161 = arith.constant 79 : i32
      %mul3A_162 = arith.muli %select_n3A_9, %mul3A_161 : i32
      %add3A_163 = arith.constant 70 : i32
      %add3A_164 = arith.addi %mul3A_162, %add3A_163 : i32
      %mul3A_165 = arith.constant 128 : i32
      %mul3A_166 = arith.muli %add3A_164, %mul3A_165 : i32
      %dma_start3A_167 = arith.constant 0 : i32
      %dma_start3A_168 = tpu.memref_slice %arg27[%dma_start3A_167] : memref<1792xf32, #tpu.memory_space<vmem>> -> memref<1152xf32, #tpu.memory_space<vmem>>
      %dma_start3A_169 = tpu.memref_slice %arg15[%mul3A_166] : memref<40448xf32, #tpu.memory_space<hbm>> -> memref<1152xf32, #tpu.memory_space<hbm>>
      %dma_start3A_170 = tpu.memref_slice %arg15[%mul3A_166] : memref<40448xf32, #tpu.memory_space<hbm>> -> memref<1152xf32, #tpu.memory_space<hbm>>
      %dma_start3A_171 = arith.constant 0 : i32
      %dma_start3A_172 = tpu.memref_slice %arg27[%dma_start3A_171] : memref<1792xf32, #tpu.memory_space<vmem>> -> memref<1152xf32, #tpu.memory_space<vmem>>
      tpu.enqueue_dma source(%dma_start3A_172 : memref<1152xf32, #tpu.memory_space<vmem>>) target(%dma_start3A_170 : memref<1152xf32, #tpu.memory_space<hbm>>) target_semaphore(%arg30 : memref<!tpu.dma_semaphore, #tpu.memory_space<semaphore_mem>>)
      %dma_wait3A_173 = arith.constant 0 : i32
      %dma_wait3A_174 = tpu.memref_slice %arg25[%dma_wait3A_173] : memref<1792xi32, #tpu.memory_space<vmem>> -> memref<1152xi32, #tpu.memory_space<vmem>>
      %dma_wait3A_175 = tpu.memref_slice %arg5[%mul3A_142] : memref<40448xi32, #tpu.memory_space<hbm>> -> memref<1152xi32, #tpu.memory_space<hbm>>
      %dma_wait3A_176 = tpu.memref_slice %arg5[%mul3A_142] : memref<40448xi32, #tpu.memory_space<hbm>> -> memref<1152xi32, #tpu.memory_space<hbm>>
      %dma_wait3A_177 = arith.constant 0 : i32
      %dma_wait3A_178 = tpu.memref_slice %arg25[%dma_wait3A_177] : memref<1792xi32, #tpu.memory_space<vmem>> -> memref<1152xi32, #tpu.memory_space<vmem>>
      tpu.wait_dma2 semaphore(%arg30 : memref<!tpu.dma_semaphore, #tpu.memory_space<semaphore_mem>>) src(%dma_wait3A_178 : memref<1152xi32, #tpu.memory_space<vmem>>) dst(%dma_wait3A_176 : memref<1152xi32, #tpu.memory_space<hbm>>)
      %dma_wait3A_179 = arith.constant 0 : i32
      %dma_wait3A_180 = tpu.memref_slice %arg26[%dma_wait3A_179] : memref<7168xf32, #tpu.memory_space<vmem>> -> memref<4608xf32, #tpu.memory_space<vmem>>
      %dma_wait3A_181 = tpu.memref_slice %arg10[%mul3A_154] : memref<161792xf32, #tpu.memory_space<hbm>> -> memref<4608xf32, #tpu.memory_space<hbm>>
      %dma_wait3A_182 = tpu.memref_slice %arg10[%mul3A_154] : memref<161792xf32, #tpu.memory_space<hbm>> -> memref<4608xf32, #tpu.memory_space<hbm>>
      %dma_wait3A_183 = arith.constant 0 : i32
      %dma_wait3A_184 = tpu.memref_slice %arg26[%dma_wait3A_183] : memref<7168xf32, #tpu.memory_space<vmem>> -> memref<4608xf32, #tpu.memory_space<vmem>>
      tpu.wait_dma2 semaphore(%arg30 : memref<!tpu.dma_semaphore, #tpu.memory_space<semaphore_mem>>) src(%dma_wait3A_184 : memref<4608xf32, #tpu.memory_space<vmem>>) dst(%dma_wait3A_182 : memref<4608xf32, #tpu.memory_space<hbm>>)
      %dma_wait3A_185 = arith.constant 0 : i32
      %dma_wait3A_186 = tpu.memref_slice %arg27[%dma_wait3A_185] : memref<1792xf32, #tpu.memory_space<vmem>> -> memref<1152xf32, #tpu.memory_space<vmem>>
      %dma_wait3A_187 = tpu.memref_slice %arg15[%mul3A_166] : memref<40448xf32, #tpu.memory_space<hbm>> -> memref<1152xf32, #tpu.memory_space<hbm>>
      %dma_wait3A_188 = tpu.memref_slice %arg15[%mul3A_166] : memref<40448xf32, #tpu.memory_space<hbm>> -> memref<1152xf32, #tpu.memory_space<hbm>>
      %dma_wait3A_189 = arith.constant 0 : i32
      %dma_wait3A_190 = tpu.memref_slice %arg27[%dma_wait3A_189] : memref<1792xf32, #tpu.memory_space<vmem>> -> memref<1152xf32, #tpu.memory_space<vmem>>
      tpu.wait_dma2 semaphore(%arg30 : memref<!tpu.dma_semaphore, #tpu.memory_space<semaphore_mem>>) src(%dma_wait3A_190 : memref<1152xf32, #tpu.memory_space<vmem>>) dst(%dma_wait3A_188 : memref<1152xf32, #tpu.memory_space<hbm>>)
      %mul3A_191 = arith.constant 20 : i32
      %mul3A_192 = arith.muli %select_n3A_9, %mul3A_191 : i32
      %add3A_193 = arith.constant 0 : i32
      %add3A_194 = arith.addi %mul3A_192, %add3A_193 : i32
      %mul3A_195 = arith.constant 128 : i32
      %mul3A_196 = arith.muli %add3A_194, %mul3A_195 : i32
      %dma_start3A_197 = arith.constant 1152 : i32
      %dma_start3A_198 = tpu.memref_slice %arg25[%dma_start3A_197] : memref<1792xi32, #tpu.memory_space<vmem>> -> memref<640xi32, #tpu.memory_space<vmem>>
      %dma_start3A_199 = tpu.memref_slice %arg6[%mul3A_196] : memref<10240xi32, #tpu.memory_space<hbm>> -> memref<640xi32, #tpu.memory_space<hbm>>
      %dma_start3A_200 = tpu.memref_slice %arg6[%mul3A_196] : memref<10240xi32, #tpu.memory_space<hbm>> -> memref<640xi32, #tpu.memory_space<hbm>>
      %dma_start3A_201 = arith.constant 1152 : i32
      %dma_start3A_202 = tpu.memref_slice %arg25[%dma_start3A_201] : memref<1792xi32, #tpu.memory_space<vmem>> -> memref<640xi32, #tpu.memory_space<vmem>>
      tpu.enqueue_dma source(%dma_start3A_202 : memref<640xi32, #tpu.memory_space<vmem>>) target(%dma_start3A_200 : memref<640xi32, #tpu.memory_space<hbm>>) target_semaphore(%arg30 : memref<!tpu.dma_semaphore, #tpu.memory_space<semaphore_mem>>)
      %mul3A_203 = arith.constant 20 : i32
      %mul3A_204 = arith.muli %select_n3A_9, %mul3A_203 : i32
      %add3A_205 = arith.constant 0 : i32
      %add3A_206 = arith.addi %mul3A_204, %add3A_205 : i32
      %mul3A_207 = arith.constant 512 : i32
      %mul3A_208 = arith.muli %add3A_206, %mul3A_207 : i32
      %dma_start3A_209 = arith.constant 4608 : i32
      %dma_start3A_210 = tpu.memref_slice %arg26[%dma_start3A_209] : memref<7168xf32, #tpu.memory_space<vmem>> -> memref<2560xf32, #tpu.memory_space<vmem>>
      %dma_start3A_211 = tpu.memref_slice %arg11[%mul3A_208] : memref<40960xf32, #tpu.memory_space<hbm>> -> memref<2560xf32, #tpu.memory_space<hbm>>
      %dma_start3A_212 = tpu.memref_slice %arg11[%mul3A_208] : memref<40960xf32, #tpu.memory_space<hbm>> -> memref<2560xf32, #tpu.memory_space<hbm>>
      %dma_start3A_213 = arith.constant 4608 : i32
      %dma_start3A_214 = tpu.memref_slice %arg26[%dma_start3A_213] : memref<7168xf32, #tpu.memory_space<vmem>> -> memref<2560xf32, #tpu.memory_space<vmem>>
      tpu.enqueue_dma source(%dma_start3A_214 : memref<2560xf32, #tpu.memory_space<vmem>>) target(%dma_start3A_212 : memref<2560xf32, #tpu.memory_space<hbm>>) target_semaphore(%arg30 : memref<!tpu.dma_semaphore, #tpu.memory_space<semaphore_mem>>)
      %mul3A_215 = arith.constant 20 : i32
      %mul3A_216 = arith.muli %select_n3A_9, %mul3A_215 : i32
      %add3A_217 = arith.constant 0 : i32
      %add3A_218 = arith.addi %mul3A_216, %add3A_217 : i32
      %mul3A_219 = arith.constant 128 : i32
      %mul3A_220 = arith.muli %add3A_218, %mul3A_219 : i32
      %dma_start3A_221 = arith.constant 1152 : i32
      %dma_start3A_222 = tpu.memref_slice %arg27[%dma_start3A_221] : memref<1792xf32, #tpu.memory_space<vmem>> -> memref<640xf32, #tpu.memory_space<vmem>>
      %dma_start3A_223 = tpu.memref_slice %arg16[%mul3A_220] : memref<10240xf32, #tpu.memory_space<hbm>> -> memref<640xf32, #tpu.memory_space<hbm>>
      %dma_start3A_224 = tpu.memref_slice %arg16[%mul3A_220] : memref<10240xf32, #tpu.memory_space<hbm>> -> memref<640xf32, #tpu.memory_space<hbm>>
      %dma_start3A_225 = arith.constant 1152 : i32
      %dma_start3A_226 = tpu.memref_slice %arg27[%dma_start3A_225] : memref<1792xf32, #tpu.memory_space<vmem>> -> memref<640xf32, #tpu.memory_space<vmem>>
      tpu.enqueue_dma source(%dma_start3A_226 : memref<640xf32, #tpu.memory_space<vmem>>) target(%dma_start3A_224 : memref<640xf32, #tpu.memory_space<hbm>>) target_semaphore(%arg30 : memref<!tpu.dma_semaphore, #tpu.memory_space<semaphore_mem>>)
      %dma_wait3A_227 = arith.constant 1152 : i32
      %dma_wait3A_228 = tpu.memref_slice %arg25[%dma_wait3A_227] : memref<1792xi32, #tpu.memory_space<vmem>> -> memref<640xi32, #tpu.memory_space<vmem>>
      %dma_wait3A_229 = tpu.memref_slice %arg6[%mul3A_196] : memref<10240xi32, #tpu.memory_space<hbm>> -> memref<640xi32, #tpu.memory_space<hbm>>
      %dma_wait3A_230 = tpu.memref_slice %arg6[%mul3A_196] : memref<10240xi32, #tpu.memory_space<hbm>> -> memref<640xi32, #tpu.memory_space<hbm>>
      %dma_wait3A_231 = arith.constant 1152 : i32
      %dma_wait3A_232 = tpu.memref_slice %arg25[%dma_wait3A_231] : memref<1792xi32, #tpu.memory_space<vmem>> -> memref<640xi32, #tpu.memory_space<vmem>>
      tpu.wait_dma2 semaphore(%arg30 : memref<!tpu.dma_semaphore, #tpu.memory_space<semaphore_mem>>) src(%dma_wait3A_232 : memref<640xi32, #tpu.memory_space<vmem>>) dst(%dma_wait3A_230 : memref<640xi32, #tpu.memory_space<hbm>>)
      %dma_wait3A_233 = arith.constant 4608 : i32
      %dma_wait3A_234 = tpu.memref_slice %arg26[%dma_wait3A_233] : memref<7168xf32, #tpu.memory_space<vmem>> -> memref<2560xf32, #tpu.memory_space<vmem>>
      %dma_wait3A_235 = tpu.memref_slice %arg11[%mul3A_208] : memref<40960xf32, #tpu.memory_space<hbm>> -> memref<2560xf32, #tpu.memory_space<hbm>>
      %dma_wait3A_236 = tpu.memref_slice %arg11[%mul3A_208] : memref<40960xf32, #tpu.memory_space<hbm>> -> memref<2560xf32, #tpu.memory_space<hbm>>
      %dma_wait3A_237 = arith.constant 4608 : i32
      %dma_wait3A_238 = tpu.memref_slice %arg26[%dma_wait3A_237] : memref<7168xf32, #tpu.memory_space<vmem>> -> memref<2560xf32, #tpu.memory_space<vmem>>
      tpu.wait_dma2 semaphore(%arg30 : memref<!tpu.dma_semaphore, #tpu.memory_space<semaphore_mem>>) src(%dma_wait3A_238 : memref<2560xf32, #tpu.memory_space<vmem>>) dst(%dma_wait3A_236 : memref<2560xf32, #tpu.memory_space<hbm>>)
      %dma_wait3A_239 = arith.constant 1152 : i32
      %dma_wait3A_240 = tpu.memref_slice %arg27[%dma_wait3A_239] : memref<1792xf32, #tpu.memory_space<vmem>> -> memref<640xf32, #tpu.memory_space<vmem>>
      %dma_wait3A_241 = tpu.memref_slice %arg16[%mul3A_220] : memref<10240xf32, #tpu.memory_space<hbm>> -> memref<640xf32, #tpu.memory_space<hbm>>
      %dma_wait3A_242 = tpu.memref_slice %arg16[%mul3A_220] : memref<10240xf32, #tpu.memory_space<hbm>> -> memref<640xf32, #tpu.memory_space<hbm>>
      %dma_wait3A_243 = arith.constant 1152 : i32
      %dma_wait3A_244 = tpu.memref_slice %arg27[%dma_wait3A_243] : memref<1792xf32, #tpu.memory_space<vmem>> -> memref<640xf32, #tpu.memory_space<vmem>>
      tpu.wait_dma2 semaphore(%arg30 : memref<!tpu.dma_semaphore, #tpu.memory_space<semaphore_mem>>) src(%dma_wait3A_244 : memref<640xf32, #tpu.memory_space<vmem>>) dst(%dma_wait3A_242 : memref<640xf32, #tpu.memory_space<hbm>>)
    } else {
    }
    %eq3A_127 = arith.constant 6 : i32
    %eq3A_128 = arith.cmpi eq, %select_n3A_30, %eq3A_127 : i32
    %convert_element_type3A_129 = arith.extui %eq3A_128 : i1 to i32
    %cond3A_130 = arith.constant 0 : i32
    %cond3A_131 = arith.cmpi ne, %convert_element_type3A_129, %cond3A_130 : i32
    scf.if %cond3A_131 {
      %mul3A_137 = arith.constant 20 : i32
      %mul3A_138 = arith.muli %select_n3A_9, %mul3A_137 : i32
      %add3A_139 = arith.constant 5 : i32
      %add3A_140 = arith.addi %mul3A_138, %add3A_139 : i32
      %mul3A_141 = arith.constant 128 : i32
      %mul3A_142 = arith.muli %add3A_140, %mul3A_141 : i32
      %dma_start3A_143 = arith.constant 0 : i32
      %dma_start3A_144 = tpu.memref_slice %arg25[%dma_start3A_143] : memref<1792xi32, #tpu.memory_space<vmem>> -> memref<1792xi32, #tpu.memory_space<vmem>>
      %dma_start3A_145 = tpu.memref_slice %arg6[%mul3A_142] : memref<10240xi32, #tpu.memory_space<hbm>> -> memref<1792xi32, #tpu.memory_space<hbm>>
      %dma_start3A_146 = tpu.memref_slice %arg6[%mul3A_142] : memref<10240xi32, #tpu.memory_space<hbm>> -> memref<1792xi32, #tpu.memory_space<hbm>>
      %dma_start3A_147 = arith.constant 0 : i32
      %dma_start3A_148 = tpu.memref_slice %arg25[%dma_start3A_147] : memref<1792xi32, #tpu.memory_space<vmem>> -> memref<1792xi32, #tpu.memory_space<vmem>>
      tpu.enqueue_dma source(%dma_start3A_148 : memref<1792xi32, #tpu.memory_space<vmem>>) target(%dma_start3A_146 : memref<1792xi32, #tpu.memory_space<hbm>>) target_semaphore(%arg30 : memref<!tpu.dma_semaphore, #tpu.memory_space<semaphore_mem>>)
      %mul3A_149 = arith.constant 20 : i32
      %mul3A_150 = arith.muli %select_n3A_9, %mul3A_149 : i32
      %add3A_151 = arith.constant 5 : i32
      %add3A_152 = arith.addi %mul3A_150, %add3A_151 : i32
      %mul3A_153 = arith.constant 512 : i32
      %mul3A_154 = arith.muli %add3A_152, %mul3A_153 : i32
      %dma_start3A_155 = arith.constant 0 : i32
      %dma_start3A_156 = tpu.memref_slice %arg26[%dma_start3A_155] : memref<7168xf32, #tpu.memory_space<vmem>> -> memref<7168xf32, #tpu.memory_space<vmem>>
      %dma_start3A_157 = tpu.memref_slice %arg11[%mul3A_154] : memref<40960xf32, #tpu.memory_space<hbm>> -> memref<7168xf32, #tpu.memory_space<hbm>>
      %dma_start3A_158 = tpu.memref_slice %arg11[%mul3A_154] : memref<40960xf32, #tpu.memory_space<hbm>> -> memref<7168xf32, #tpu.memory_space<hbm>>
      %dma_start3A_159 = arith.constant 0 : i32
      %dma_start3A_160 = tpu.memref_slice %arg26[%dma_start3A_159] : memref<7168xf32, #tpu.memory_space<vmem>> -> memref<7168xf32, #tpu.memory_space<vmem>>
      tpu.enqueue_dma source(%dma_start3A_160 : memref<7168xf32, #tpu.memory_space<vmem>>) target(%dma_start3A_158 : memref<7168xf32, #tpu.memory_space<hbm>>) target_semaphore(%arg30 : memref<!tpu.dma_semaphore, #tpu.memory_space<semaphore_mem>>)
      %mul3A_161 = arith.constant 20 : i32
      %mul3A_162 = arith.muli %select_n3A_9, %mul3A_161 : i32
      %add3A_163 = arith.constant 5 : i32
      %add3A_164 = arith.addi %mul3A_162, %add3A_163 : i32
      %mul3A_165 = arith.constant 128 : i32
      %mul3A_166 = arith.muli %add3A_164, %mul3A_165 : i32
      %dma_start3A_167 = arith.constant 0 : i32
      %dma_start3A_168 = tpu.memref_slice %arg27[%dma_start3A_167] : memref<1792xf32, #tpu.memory_space<vmem>> -> memref<1792xf32, #tpu.memory_space<vmem>>
      %dma_start3A_169 = tpu.memref_slice %arg16[%mul3A_166] : memref<10240xf32, #tpu.memory_space<hbm>> -> memref<1792xf32, #tpu.memory_space<hbm>>
      %dma_start3A_170 = tpu.memref_slice %arg16[%mul3A_166] : memref<10240xf32, #tpu.memory_space<hbm>> -> memref<1792xf32, #tpu.memory_space<hbm>>
      %dma_start3A_171 = arith.constant 0 : i32
      %dma_start3A_172 = tpu.memref_slice %arg27[%dma_start3A_171] : memref<1792xf32, #tpu.memory_space<vmem>> -> memref<1792xf32, #tpu.memory_space<vmem>>
      tpu.enqueue_dma source(%dma_start3A_172 : memref<1792xf32, #tpu.memory_space<vmem>>) target(%dma_start3A_170 : memref<1792xf32, #tpu.memory_space<hbm>>) target_semaphore(%arg30 : memref<!tpu.dma_semaphore, #tpu.memory_space<semaphore_mem>>)
      %dma_wait3A_173 = arith.constant 0 : i32
      %dma_wait3A_174 = tpu.memref_slice %arg25[%dma_wait3A_173] : memref<1792xi32, #tpu.memory_space<vmem>> -> memref<1792xi32, #tpu.memory_space<vmem>>
      %dma_wait3A_175 = tpu.memref_slice %arg6[%mul3A_142] : memref<10240xi32, #tpu.memory_space<hbm>> -> memref<1792xi32, #tpu.memory_space<hbm>>
      %dma_wait3A_176 = tpu.memref_slice %arg6[%mul3A_142] : memref<10240xi32, #tpu.memory_space<hbm>> -> memref<1792xi32, #tpu.memory_space<hbm>>
      %dma_wait3A_177 = arith.constant 0 : i32
      %dma_wait3A_178 = tpu.memref_slice %arg25[%dma_wait3A_177] : memref<1792xi32, #tpu.memory_space<vmem>> -> memref<1792xi32, #tpu.memory_space<vmem>>
      tpu.wait_dma2 semaphore(%arg30 : memref<!tpu.dma_semaphore, #tpu.memory_space<semaphore_mem>>) src(%dma_wait3A_178 : memref<1792xi32, #tpu.memory_space<vmem>>) dst(%dma_wait3A_176 : memref<1792xi32, #tpu.memory_space<hbm>>)
      %dma_wait3A_179 = arith.constant 0 : i32
      %dma_wait3A_180 = tpu.memref_slice %arg26[%dma_wait3A_179] : memref<7168xf32, #tpu.memory_space<vmem>> -> memref<7168xf32, #tpu.memory_space<vmem>>
      %dma_wait3A_181 = tpu.memref_slice %arg11[%mul3A_154] : memref<40960xf32, #tpu.memory_space<hbm>> -> memref<7168xf32, #tpu.memory_space<hbm>>
      %dma_wait3A_182 = tpu.memref_slice %arg11[%mul3A_154] : memref<40960xf32, #tpu.memory_space<hbm>> -> memref<7168xf32, #tpu.memory_space<hbm>>
      %dma_wait3A_183 = arith.constant 0 : i32
      %dma_wait3A_184 = tpu.memref_slice %arg26[%dma_wait3A_183] : memref<7168xf32, #tpu.memory_space<vmem>> -> memref<7168xf32, #tpu.memory_space<vmem>>
      tpu.wait_dma2 semaphore(%arg30 : memref<!tpu.dma_semaphore, #tpu.memory_space<semaphore_mem>>) src(%dma_wait3A_184 : memref<7168xf32, #tpu.memory_space<vmem>>) dst(%dma_wait3A_182 : memref<7168xf32, #tpu.memory_space<hbm>>)
      %dma_wait3A_185 = arith.constant 0 : i32
      %dma_wait3A_186 = tpu.memref_slice %arg27[%dma_wait3A_185] : memref<1792xf32, #tpu.memory_space<vmem>> -> memref<1792xf32, #tpu.memory_space<vmem>>
      %dma_wait3A_187 = tpu.memref_slice %arg16[%mul3A_166] : memref<10240xf32, #tpu.memory_space<hbm>> -> memref<1792xf32, #tpu.memory_space<hbm>>
      %dma_wait3A_188 = tpu.memref_slice %arg16[%mul3A_166] : memref<10240xf32, #tpu.memory_space<hbm>> -> memref<1792xf32, #tpu.memory_space<hbm>>
      %dma_wait3A_189 = arith.constant 0 : i32
      %dma_wait3A_190 = tpu.memref_slice %arg27[%dma_wait3A_189] : memref<1792xf32, #tpu.memory_space<vmem>> -> memref<1792xf32, #tpu.memory_space<vmem>>
      tpu.wait_dma2 semaphore(%arg30 : memref<!tpu.dma_semaphore, #tpu.memory_space<semaphore_mem>>) src(%dma_wait3A_190 : memref<1792xf32, #tpu.memory_space<vmem>>) dst(%dma_wait3A_188 : memref<1792xf32, #tpu.memory_space<hbm>>)
    } else {
    }
    %eq3A_132 = arith.constant 7 : i32
    %eq3A_133 = arith.cmpi eq, %select_n3A_30, %eq3A_132 : i32
    %convert_element_type3A_134 = arith.extui %eq3A_133 : i1 to i32
    %cond3A_135 = arith.constant 0 : i32
    %cond3A_136 = arith.cmpi ne, %convert_element_type3A_134, %cond3A_135 : i32
    scf.if %cond3A_136 {
      %mul3A_137 = arith.constant 20 : i32
      %mul3A_138 = arith.muli %select_n3A_9, %mul3A_137 : i32
      %add3A_139 = arith.constant 19 : i32
      %add3A_140 = arith.addi %mul3A_138, %add3A_139 : i32
      %mul3A_141 = arith.constant 128 : i32
      %mul3A_142 = arith.muli %add3A_140, %mul3A_141 : i32
      %dma_start3A_143 = arith.constant 0 : i32
      %dma_start3A_144 = tpu.memref_slice %arg25[%dma_start3A_143] : memref<1792xi32, #tpu.memory_space<vmem>> -> memref<128xi32, #tpu.memory_space<vmem>>
      %dma_start3A_145 = tpu.memref_slice %arg6[%mul3A_142] : memref<10240xi32, #tpu.memory_space<hbm>> -> memref<128xi32, #tpu.memory_space<hbm>>
      %dma_start3A_146 = tpu.memref_slice %arg6[%mul3A_142] : memref<10240xi32, #tpu.memory_space<hbm>> -> memref<128xi32, #tpu.memory_space<hbm>>
      %dma_start3A_147 = arith.constant 0 : i32
      %dma_start3A_148 = tpu.memref_slice %arg25[%dma_start3A_147] : memref<1792xi32, #tpu.memory_space<vmem>> -> memref<128xi32, #tpu.memory_space<vmem>>
      tpu.enqueue_dma source(%dma_start3A_148 : memref<128xi32, #tpu.memory_space<vmem>>) target(%dma_start3A_146 : memref<128xi32, #tpu.memory_space<hbm>>) target_semaphore(%arg30 : memref<!tpu.dma_semaphore, #tpu.memory_space<semaphore_mem>>)
      %mul3A_149 = arith.constant 20 : i32
      %mul3A_150 = arith.muli %select_n3A_9, %mul3A_149 : i32
      %add3A_151 = arith.constant 19 : i32
      %add3A_152 = arith.addi %mul3A_150, %add3A_151 : i32
      %mul3A_153 = arith.constant 512 : i32
      %mul3A_154 = arith.muli %add3A_152, %mul3A_153 : i32
      %dma_start3A_155 = arith.constant 0 : i32
      %dma_start3A_156 = tpu.memref_slice %arg26[%dma_start3A_155] : memref<7168xf32, #tpu.memory_space<vmem>> -> memref<512xf32, #tpu.memory_space<vmem>>
      %dma_start3A_157 = tpu.memref_slice %arg11[%mul3A_154] : memref<40960xf32, #tpu.memory_space<hbm>> -> memref<512xf32, #tpu.memory_space<hbm>>
      %dma_start3A_158 = tpu.memref_slice %arg11[%mul3A_154] : memref<40960xf32, #tpu.memory_space<hbm>> -> memref<512xf32, #tpu.memory_space<hbm>>
      %dma_start3A_159 = arith.constant 0 : i32
      %dma_start3A_160 = tpu.memref_slice %arg26[%dma_start3A_159] : memref<7168xf32, #tpu.memory_space<vmem>> -> memref<512xf32, #tpu.memory_space<vmem>>
      tpu.enqueue_dma source(%dma_start3A_160 : memref<512xf32, #tpu.memory_space<vmem>>) target(%dma_start3A_158 : memref<512xf32, #tpu.memory_space<hbm>>) target_semaphore(%arg30 : memref<!tpu.dma_semaphore, #tpu.memory_space<semaphore_mem>>)
      %mul3A_161 = arith.constant 20 : i32
      %mul3A_162 = arith.muli %select_n3A_9, %mul3A_161 : i32
      %add3A_163 = arith.constant 19 : i32
      %add3A_164 = arith.addi %mul3A_162, %add3A_163 : i32
      %mul3A_165 = arith.constant 128 : i32
      %mul3A_166 = arith.muli %add3A_164, %mul3A_165 : i32
      %dma_start3A_167 = arith.constant 0 : i32
      %dma_start3A_168 = tpu.memref_slice %arg27[%dma_start3A_167] : memref<1792xf32, #tpu.memory_space<vmem>> -> memref<128xf32, #tpu.memory_space<vmem>>
      %dma_start3A_169 = tpu.memref_slice %arg16[%mul3A_166] : memref<10240xf32, #tpu.memory_space<hbm>> -> memref<128xf32, #tpu.memory_space<hbm>>
      %dma_start3A_170 = tpu.memref_slice %arg16[%mul3A_166] : memref<10240xf32, #tpu.memory_space<hbm>> -> memref<128xf32, #tpu.memory_space<hbm>>
      %dma_start3A_171 = arith.constant 0 : i32
      %dma_start3A_172 = tpu.memref_slice %arg27[%dma_start3A_171] : memref<1792xf32, #tpu.memory_space<vmem>> -> memref<128xf32, #tpu.memory_space<vmem>>
      tpu.enqueue_dma source(%dma_start3A_172 : memref<128xf32, #tpu.memory_space<vmem>>) target(%dma_start3A_170 : memref<128xf32, #tpu.memory_space<hbm>>) target_semaphore(%arg30 : memref<!tpu.dma_semaphore, #tpu.memory_space<semaphore_mem>>)
      %dma_wait3A_173 = arith.constant 0 : i32
      %dma_wait3A_174 = tpu.memref_slice %arg25[%dma_wait3A_173] : memref<1792xi32, #tpu.memory_space<vmem>> -> memref<128xi32, #tpu.memory_space<vmem>>
      %dma_wait3A_175 = tpu.memref_slice %arg6[%mul3A_142] : memref<10240xi32, #tpu.memory_space<hbm>> -> memref<128xi32, #tpu.memory_space<hbm>>
      %dma_wait3A_176 = tpu.memref_slice %arg6[%mul3A_142] : memref<10240xi32, #tpu.memory_space<hbm>> -> memref<128xi32, #tpu.memory_space<hbm>>
      %dma_wait3A_177 = arith.constant 0 : i32
      %dma_wait3A_178 = tpu.memref_slice %arg25[%dma_wait3A_177] : memref<1792xi32, #tpu.memory_space<vmem>> -> memref<128xi32, #tpu.memory_space<vmem>>
      tpu.wait_dma2 semaphore(%arg30 : memref<!tpu.dma_semaphore, #tpu.memory_space<semaphore_mem>>) src(%dma_wait3A_178 : memref<128xi32, #tpu.memory_space<vmem>>) dst(%dma_wait3A_176 : memref<128xi32, #tpu.memory_space<hbm>>)
      %dma_wait3A_179 = arith.constant 0 : i32
      %dma_wait3A_180 = tpu.memref_slice %arg26[%dma_wait3A_179] : memref<7168xf32, #tpu.memory_space<vmem>> -> memref<512xf32, #tpu.memory_space<vmem>>
      %dma_wait3A_181 = tpu.memref_slice %arg11[%mul3A_154] : memref<40960xf32, #tpu.memory_space<hbm>> -> memref<512xf32, #tpu.memory_space<hbm>>
      %dma_wait3A_182 = tpu.memref_slice %arg11[%mul3A_154] : memref<40960xf32, #tpu.memory_space<hbm>> -> memref<512xf32, #tpu.memory_space<hbm>>
      %dma_wait3A_183 = arith.constant 0 : i32
      %dma_wait3A_184 = tpu.memref_slice %arg26[%dma_wait3A_183] : memref<7168xf32, #tpu.memory_space<vmem>> -> memref<512xf32, #tpu.memory_space<vmem>>
      tpu.wait_dma2 semaphore(%arg30 : memref<!tpu.dma_semaphore, #tpu.memory_space<semaphore_mem>>) src(%dma_wait3A_184 : memref<512xf32, #tpu.memory_space<vmem>>) dst(%dma_wait3A_182 : memref<512xf32, #tpu.memory_space<hbm>>)
      %dma_wait3A_185 = arith.constant 0 : i32
      %dma_wait3A_186 = tpu.memref_slice %arg27[%dma_wait3A_185] : memref<1792xf32, #tpu.memory_space<vmem>> -> memref<128xf32, #tpu.memory_space<vmem>>
      %dma_wait3A_187 = tpu.memref_slice %arg16[%mul3A_166] : memref<10240xf32, #tpu.memory_space<hbm>> -> memref<128xf32, #tpu.memory_space<hbm>>
      %dma_wait3A_188 = tpu.memref_slice %arg16[%mul3A_166] : memref<10240xf32, #tpu.memory_space<hbm>> -> memref<128xf32, #tpu.memory_space<hbm>>
      %dma_wait3A_189 = arith.constant 0 : i32
      %dma_wait3A_190 = tpu.memref_slice %arg27[%dma_wait3A_189] : memref<1792xf32, #tpu.memory_space<vmem>> -> memref<128xf32, #tpu.memory_space<vmem>>
      tpu.wait_dma2 semaphore(%arg30 : memref<!tpu.dma_semaphore, #tpu.memory_space<semaphore_mem>>) src(%dma_wait3A_190 : memref<128xf32, #tpu.memory_space<vmem>>) dst(%dma_wait3A_188 : memref<128xf32, #tpu.memory_space<hbm>>)
      %mul3A_191 = arith.constant 5 : i32
      %mul3A_192 = arith.muli %select_n3A_9, %mul3A_191 : i32
      %add3A_193 = arith.constant 0 : i32
      %add3A_194 = arith.addi %mul3A_192, %add3A_193 : i32
      %mul3A_195 = arith.constant 128 : i32
      %mul3A_196 = arith.muli %add3A_194, %mul3A_195 : i32
      %dma_start3A_197 = arith.constant 128 : i32
      %dma_start3A_198 = tpu.memref_slice %arg25[%dma_start3A_197] : memref<1792xi32, #tpu.memory_space<vmem>> -> memref<640xi32, #tpu.memory_space<vmem>>
      %dma_start3A_199 = tpu.memref_slice %arg7[%mul3A_196] : memref<2560xi32, #tpu.memory_space<hbm>> -> memref<640xi32, #tpu.memory_space<hbm>>
      %dma_start3A_200 = tpu.memref_slice %arg7[%mul3A_196] : memref<2560xi32, #tpu.memory_space<hbm>> -> memref<640xi32, #tpu.memory_space<hbm>>
      %dma_start3A_201 = arith.constant 128 : i32
      %dma_start3A_202 = tpu.memref_slice %arg25[%dma_start3A_201] : memref<1792xi32, #tpu.memory_space<vmem>> -> memref<640xi32, #tpu.memory_space<vmem>>
      tpu.enqueue_dma source(%dma_start3A_202 : memref<640xi32, #tpu.memory_space<vmem>>) target(%dma_start3A_200 : memref<640xi32, #tpu.memory_space<hbm>>) target_semaphore(%arg30 : memref<!tpu.dma_semaphore, #tpu.memory_space<semaphore_mem>>)
      %mul3A_203 = arith.constant 5 : i32
      %mul3A_204 = arith.muli %select_n3A_9, %mul3A_203 : i32
      %add3A_205 = arith.constant 0 : i32
      %add3A_206 = arith.addi %mul3A_204, %add3A_205 : i32
      %mul3A_207 = arith.constant 512 : i32
      %mul3A_208 = arith.muli %add3A_206, %mul3A_207 : i32
      %dma_start3A_209 = arith.constant 512 : i32
      %dma_start3A_210 = tpu.memref_slice %arg26[%dma_start3A_209] : memref<7168xf32, #tpu.memory_space<vmem>> -> memref<2560xf32, #tpu.memory_space<vmem>>
      %dma_start3A_211 = tpu.memref_slice %arg12[%mul3A_208] : memref<10240xf32, #tpu.memory_space<hbm>> -> memref<2560xf32, #tpu.memory_space<hbm>>
      %dma_start3A_212 = tpu.memref_slice %arg12[%mul3A_208] : memref<10240xf32, #tpu.memory_space<hbm>> -> memref<2560xf32, #tpu.memory_space<hbm>>
      %dma_start3A_213 = arith.constant 512 : i32
      %dma_start3A_214 = tpu.memref_slice %arg26[%dma_start3A_213] : memref<7168xf32, #tpu.memory_space<vmem>> -> memref<2560xf32, #tpu.memory_space<vmem>>
      tpu.enqueue_dma source(%dma_start3A_214 : memref<2560xf32, #tpu.memory_space<vmem>>) target(%dma_start3A_212 : memref<2560xf32, #tpu.memory_space<hbm>>) target_semaphore(%arg30 : memref<!tpu.dma_semaphore, #tpu.memory_space<semaphore_mem>>)
      %mul3A_215 = arith.constant 5 : i32
      %mul3A_216 = arith.muli %select_n3A_9, %mul3A_215 : i32
      %add3A_217 = arith.constant 0 : i32
      %add3A_218 = arith.addi %mul3A_216, %add3A_217 : i32
      %mul3A_219 = arith.constant 128 : i32
      %mul3A_220 = arith.muli %add3A_218, %mul3A_219 : i32
      %dma_start3A_221 = arith.constant 128 : i32
      %dma_start3A_222 = tpu.memref_slice %arg27[%dma_start3A_221] : memref<1792xf32, #tpu.memory_space<vmem>> -> memref<640xf32, #tpu.memory_space<vmem>>
      %dma_start3A_223 = tpu.memref_slice %arg17[%mul3A_220] : memref<2560xf32, #tpu.memory_space<hbm>> -> memref<640xf32, #tpu.memory_space<hbm>>
      %dma_start3A_224 = tpu.memref_slice %arg17[%mul3A_220] : memref<2560xf32, #tpu.memory_space<hbm>> -> memref<640xf32, #tpu.memory_space<hbm>>
      %dma_start3A_225 = arith.constant 128 : i32
      %dma_start3A_226 = tpu.memref_slice %arg27[%dma_start3A_225] : memref<1792xf32, #tpu.memory_space<vmem>> -> memref<640xf32, #tpu.memory_space<vmem>>
      tpu.enqueue_dma source(%dma_start3A_226 : memref<640xf32, #tpu.memory_space<vmem>>) target(%dma_start3A_224 : memref<640xf32, #tpu.memory_space<hbm>>) target_semaphore(%arg30 : memref<!tpu.dma_semaphore, #tpu.memory_space<semaphore_mem>>)
      %dma_wait3A_227 = arith.constant 128 : i32
      %dma_wait3A_228 = tpu.memref_slice %arg25[%dma_wait3A_227] : memref<1792xi32, #tpu.memory_space<vmem>> -> memref<640xi32, #tpu.memory_space<vmem>>
      %dma_wait3A_229 = tpu.memref_slice %arg7[%mul3A_196] : memref<2560xi32, #tpu.memory_space<hbm>> -> memref<640xi32, #tpu.memory_space<hbm>>
      %dma_wait3A_230 = tpu.memref_slice %arg7[%mul3A_196] : memref<2560xi32, #tpu.memory_space<hbm>> -> memref<640xi32, #tpu.memory_space<hbm>>
      %dma_wait3A_231 = arith.constant 128 : i32
      %dma_wait3A_232 = tpu.memref_slice %arg25[%dma_wait3A_231] : memref<1792xi32, #tpu.memory_space<vmem>> -> memref<640xi32, #tpu.memory_space<vmem>>
      tpu.wait_dma2 semaphore(%arg30 : memref<!tpu.dma_semaphore, #tpu.memory_space<semaphore_mem>>) src(%dma_wait3A_232 : memref<640xi32, #tpu.memory_space<vmem>>) dst(%dma_wait3A_230 : memref<640xi32, #tpu.memory_space<hbm>>)
      %dma_wait3A_233 = arith.constant 512 : i32
      %dma_wait3A_234 = tpu.memref_slice %arg26[%dma_wait3A_233] : memref<7168xf32, #tpu.memory_space<vmem>> -> memref<2560xf32, #tpu.memory_space<vmem>>
      %dma_wait3A_235 = tpu.memref_slice %arg12[%mul3A_208] : memref<10240xf32, #tpu.memory_space<hbm>> -> memref<2560xf32, #tpu.memory_space<hbm>>
      %dma_wait3A_236 = tpu.memref_slice %arg12[%mul3A_208] : memref<10240xf32, #tpu.memory_space<hbm>> -> memref<2560xf32, #tpu.memory_space<hbm>>
      %dma_wait3A_237 = arith.constant 512 : i32
      %dma_wait3A_238 = tpu.memref_slice %arg26[%dma_wait3A_237] : memref<7168xf32, #tpu.memory_space<vmem>> -> memref<2560xf32, #tpu.memory_space<vmem>>
      tpu.wait_dma2 semaphore(%arg30 : memref<!tpu.dma_semaphore, #tpu.memory_space<semaphore_mem>>) src(%dma_wait3A_238 : memref<2560xf32, #tpu.memory_space<vmem>>) dst(%dma_wait3A_236 : memref<2560xf32, #tpu.memory_space<hbm>>)
      %dma_wait3A_239 = arith.constant 128 : i32
      %dma_wait3A_240 = tpu.memref_slice %arg27[%dma_wait3A_239] : memref<1792xf32, #tpu.memory_space<vmem>> -> memref<640xf32, #tpu.memory_space<vmem>>
      %dma_wait3A_241 = tpu.memref_slice %arg17[%mul3A_220] : memref<2560xf32, #tpu.memory_space<hbm>> -> memref<640xf32, #tpu.memory_space<hbm>>
      %dma_wait3A_242 = tpu.memref_slice %arg17[%mul3A_220] : memref<2560xf32, #tpu.memory_space<hbm>> -> memref<640xf32, #tpu.memory_space<hbm>>
      %dma_wait3A_243 = arith.constant 128 : i32
      %dma_wait3A_244 = tpu.memref_slice %arg27[%dma_wait3A_243] : memref<1792xf32, #tpu.memory_space<vmem>> -> memref<640xf32, #tpu.memory_space<vmem>>
      tpu.wait_dma2 semaphore(%arg30 : memref<!tpu.dma_semaphore, #tpu.memory_space<semaphore_mem>>) src(%dma_wait3A_244 : memref<640xf32, #tpu.memory_space<vmem>>) dst(%dma_wait3A_242 : memref<640xf32, #tpu.memory_space<hbm>>)
      %mul3A_245 = arith.constant 2 : i32
      %mul3A_246 = arith.muli %select_n3A_9, %mul3A_245 : i32
      %add3A_247 = arith.constant 0 : i32
      %add3A_248 = arith.addi %mul3A_246, %add3A_247 : i32
      %mul3A_249 = arith.constant 128 : i32
      %mul3A_250 = arith.muli %add3A_248, %mul3A_249 : i32
      %dma_start3A_251 = arith.constant 768 : i32
      %dma_start3A_252 = tpu.memref_slice %arg25[%dma_start3A_251] : memref<1792xi32, #tpu.memory_space<vmem>> -> memref<256xi32, #tpu.memory_space<vmem>>
      %dma_start3A_253 = tpu.memref_slice %arg8[%mul3A_250] : memref<1024xi32, #tpu.memory_space<hbm>> -> memref<256xi32, #tpu.memory_space<hbm>>
      %dma_start3A_254 = tpu.memref_slice %arg8[%mul3A_250] : memref<1024xi32, #tpu.memory_space<hbm>> -> memref<256xi32, #tpu.memory_space<hbm>>
      %dma_start3A_255 = arith.constant 768 : i32
      %dma_start3A_256 = tpu.memref_slice %arg25[%dma_start3A_255] : memref<1792xi32, #tpu.memory_space<vmem>> -> memref<256xi32, #tpu.memory_space<vmem>>
      tpu.enqueue_dma source(%dma_start3A_256 : memref<256xi32, #tpu.memory_space<vmem>>) target(%dma_start3A_254 : memref<256xi32, #tpu.memory_space<hbm>>) target_semaphore(%arg30 : memref<!tpu.dma_semaphore, #tpu.memory_space<semaphore_mem>>)
      %mul3A_257 = arith.constant 2 : i32
      %mul3A_258 = arith.muli %select_n3A_9, %mul3A_257 : i32
      %add3A_259 = arith.constant 0 : i32
      %add3A_260 = arith.addi %mul3A_258, %add3A_259 : i32
      %mul3A_261 = arith.constant 512 : i32
      %mul3A_262 = arith.muli %add3A_260, %mul3A_261 : i32
      %dma_start3A_263 = arith.constant 3072 : i32
      %dma_start3A_264 = tpu.memref_slice %arg26[%dma_start3A_263] : memref<7168xf32, #tpu.memory_space<vmem>> -> memref<1024xf32, #tpu.memory_space<vmem>>
      %dma_start3A_265 = tpu.memref_slice %arg13[%mul3A_262] : memref<4096xf32, #tpu.memory_space<hbm>> -> memref<1024xf32, #tpu.memory_space<hbm>>
      %dma_start3A_266 = tpu.memref_slice %arg13[%mul3A_262] : memref<4096xf32, #tpu.memory_space<hbm>> -> memref<1024xf32, #tpu.memory_space<hbm>>
      %dma_start3A_267 = arith.constant 3072 : i32
      %dma_start3A_268 = tpu.memref_slice %arg26[%dma_start3A_267] : memref<7168xf32, #tpu.memory_space<vmem>> -> memref<1024xf32, #tpu.memory_space<vmem>>
      tpu.enqueue_dma source(%dma_start3A_268 : memref<1024xf32, #tpu.memory_space<vmem>>) target(%dma_start3A_266 : memref<1024xf32, #tpu.memory_space<hbm>>) target_semaphore(%arg30 : memref<!tpu.dma_semaphore, #tpu.memory_space<semaphore_mem>>)
      %mul3A_269 = arith.constant 2 : i32
      %mul3A_270 = arith.muli %select_n3A_9, %mul3A_269 : i32
      %add3A_271 = arith.constant 0 : i32
      %add3A_272 = arith.addi %mul3A_270, %add3A_271 : i32
      %mul3A_273 = arith.constant 128 : i32
      %mul3A_274 = arith.muli %add3A_272, %mul3A_273 : i32
      %dma_start3A_275 = arith.constant 768 : i32
      %dma_start3A_276 = tpu.memref_slice %arg27[%dma_start3A_275] : memref<1792xf32, #tpu.memory_space<vmem>> -> memref<256xf32, #tpu.memory_space<vmem>>
      %dma_start3A_277 = tpu.memref_slice %arg18[%mul3A_274] : memref<1024xf32, #tpu.memory_space<hbm>> -> memref<256xf32, #tpu.memory_space<hbm>>
      %dma_start3A_278 = tpu.memref_slice %arg18[%mul3A_274] : memref<1024xf32, #tpu.memory_space<hbm>> -> memref<256xf32, #tpu.memory_space<hbm>>
      %dma_start3A_279 = arith.constant 768 : i32
      %dma_start3A_280 = tpu.memref_slice %arg27[%dma_start3A_279] : memref<1792xf32, #tpu.memory_space<vmem>> -> memref<256xf32, #tpu.memory_space<vmem>>
      tpu.enqueue_dma source(%dma_start3A_280 : memref<256xf32, #tpu.memory_space<vmem>>) target(%dma_start3A_278 : memref<256xf32, #tpu.memory_space<hbm>>) target_semaphore(%arg30 : memref<!tpu.dma_semaphore, #tpu.memory_space<semaphore_mem>>)
      %dma_wait3A_281 = arith.constant 768 : i32
      %dma_wait3A_282 = tpu.memref_slice %arg25[%dma_wait3A_281] : memref<1792xi32, #tpu.memory_space<vmem>> -> memref<256xi32, #tpu.memory_space<vmem>>
      %dma_wait3A_283 = tpu.memref_slice %arg8[%mul3A_250] : memref<1024xi32, #tpu.memory_space<hbm>> -> memref<256xi32, #tpu.memory_space<hbm>>
      %dma_wait3A_284 = tpu.memref_slice %arg8[%mul3A_250] : memref<1024xi32, #tpu.memory_space<hbm>> -> memref<256xi32, #tpu.memory_space<hbm>>
      %dma_wait3A_285 = arith.constant 768 : i32
      %dma_wait3A_286 = tpu.memref_slice %arg25[%dma_wait3A_285] : memref<1792xi32, #tpu.memory_space<vmem>> -> memref<256xi32, #tpu.memory_space<vmem>>
      tpu.wait_dma2 semaphore(%arg30 : memref<!tpu.dma_semaphore, #tpu.memory_space<semaphore_mem>>) src(%dma_wait3A_286 : memref<256xi32, #tpu.memory_space<vmem>>) dst(%dma_wait3A_284 : memref<256xi32, #tpu.memory_space<hbm>>)
      %dma_wait3A_287 = arith.constant 3072 : i32
      %dma_wait3A_288 = tpu.memref_slice %arg26[%dma_wait3A_287] : memref<7168xf32, #tpu.memory_space<vmem>> -> memref<1024xf32, #tpu.memory_space<vmem>>
      %dma_wait3A_289 = tpu.memref_slice %arg13[%mul3A_262] : memref<4096xf32, #tpu.memory_space<hbm>> -> memref<1024xf32, #tpu.memory_space<hbm>>
      %dma_wait3A_290 = tpu.memref_slice %arg13[%mul3A_262] : memref<4096xf32, #tpu.memory_space<hbm>> -> memref<1024xf32, #tpu.memory_space<hbm>>
      %dma_wait3A_291 = arith.constant 3072 : i32
      %dma_wait3A_292 = tpu.memref_slice %arg26[%dma_wait3A_291] : memref<7168xf32, #tpu.memory_space<vmem>> -> memref<1024xf32, #tpu.memory_space<vmem>>
      tpu.wait_dma2 semaphore(%arg30 : memref<!tpu.dma_semaphore, #tpu.memory_space<semaphore_mem>>) src(%dma_wait3A_292 : memref<1024xf32, #tpu.memory_space<vmem>>) dst(%dma_wait3A_290 : memref<1024xf32, #tpu.memory_space<hbm>>)
      %dma_wait3A_293 = arith.constant 768 : i32
      %dma_wait3A_294 = tpu.memref_slice %arg27[%dma_wait3A_293] : memref<1792xf32, #tpu.memory_space<vmem>> -> memref<256xf32, #tpu.memory_space<vmem>>
      %dma_wait3A_295 = tpu.memref_slice %arg18[%mul3A_274] : memref<1024xf32, #tpu.memory_space<hbm>> -> memref<256xf32, #tpu.memory_space<hbm>>
      %dma_wait3A_296 = tpu.memref_slice %arg18[%mul3A_274] : memref<1024xf32, #tpu.memory_space<hbm>> -> memref<256xf32, #tpu.memory_space<hbm>>
      %dma_wait3A_297 = arith.constant 768 : i32
      %dma_wait3A_298 = tpu.memref_slice %arg27[%dma_wait3A_297] : memref<1792xf32, #tpu.memory_space<vmem>> -> memref<256xf32, #tpu.memory_space<vmem>>
      tpu.wait_dma2 semaphore(%arg30 : memref<!tpu.dma_semaphore, #tpu.memory_space<semaphore_mem>>) src(%dma_wait3A_298 : memref<256xf32, #tpu.memory_space<vmem>>) dst(%dma_wait3A_296 : memref<256xf32, #tpu.memory_space<hbm>>)
      %mul3A_299 = arith.constant 1 : i32
      %mul3A_300 = arith.muli %select_n3A_9, %mul3A_299 : i32
      %add3A_301 = arith.constant 0 : i32
      %add3A_302 = arith.addi %mul3A_300, %add3A_301 : i32
      %mul3A_303 = arith.constant 128 : i32
      %mul3A_304 = arith.muli %add3A_302, %mul3A_303 : i32
      %dma_start3A_305 = arith.constant 1024 : i32
      %dma_start3A_306 = tpu.memref_slice %arg25[%dma_start3A_305] : memref<1792xi32, #tpu.memory_space<vmem>> -> memref<128xi32, #tpu.memory_space<vmem>>
      %dma_start3A_307 = tpu.memref_slice %arg9[%mul3A_304] : memref<512xi32, #tpu.memory_space<hbm>> -> memref<128xi32, #tpu.memory_space<hbm>>
      %dma_start3A_308 = tpu.memref_slice %arg9[%mul3A_304] : memref<512xi32, #tpu.memory_space<hbm>> -> memref<128xi32, #tpu.memory_space<hbm>>
      %dma_start3A_309 = arith.constant 1024 : i32
      %dma_start3A_310 = tpu.memref_slice %arg25[%dma_start3A_309] : memref<1792xi32, #tpu.memory_space<vmem>> -> memref<128xi32, #tpu.memory_space<vmem>>
      tpu.enqueue_dma source(%dma_start3A_310 : memref<128xi32, #tpu.memory_space<vmem>>) target(%dma_start3A_308 : memref<128xi32, #tpu.memory_space<hbm>>) target_semaphore(%arg30 : memref<!tpu.dma_semaphore, #tpu.memory_space<semaphore_mem>>)
      %mul3A_311 = arith.constant 1 : i32
      %mul3A_312 = arith.muli %select_n3A_9, %mul3A_311 : i32
      %add3A_313 = arith.constant 0 : i32
      %add3A_314 = arith.addi %mul3A_312, %add3A_313 : i32
      %mul3A_315 = arith.constant 512 : i32
      %mul3A_316 = arith.muli %add3A_314, %mul3A_315 : i32
      %dma_start3A_317 = arith.constant 4096 : i32
      %dma_start3A_318 = tpu.memref_slice %arg26[%dma_start3A_317] : memref<7168xf32, #tpu.memory_space<vmem>> -> memref<512xf32, #tpu.memory_space<vmem>>
      %dma_start3A_319 = tpu.memref_slice %arg14[%mul3A_316] : memref<2048xf32, #tpu.memory_space<hbm>> -> memref<512xf32, #tpu.memory_space<hbm>>
      %dma_start3A_320 = tpu.memref_slice %arg14[%mul3A_316] : memref<2048xf32, #tpu.memory_space<hbm>> -> memref<512xf32, #tpu.memory_space<hbm>>
      %dma_start3A_321 = arith.constant 4096 : i32
      %dma_start3A_322 = tpu.memref_slice %arg26[%dma_start3A_321] : memref<7168xf32, #tpu.memory_space<vmem>> -> memref<512xf32, #tpu.memory_space<vmem>>
      tpu.enqueue_dma source(%dma_start3A_322 : memref<512xf32, #tpu.memory_space<vmem>>) target(%dma_start3A_320 : memref<512xf32, #tpu.memory_space<hbm>>) target_semaphore(%arg30 : memref<!tpu.dma_semaphore, #tpu.memory_space<semaphore_mem>>)
      %mul3A_323 = arith.constant 1 : i32
      %mul3A_324 = arith.muli %select_n3A_9, %mul3A_323 : i32
      %add3A_325 = arith.constant 0 : i32
      %add3A_326 = arith.addi %mul3A_324, %add3A_325 : i32
      %mul3A_327 = arith.constant 128 : i32
      %mul3A_328 = arith.muli %add3A_326, %mul3A_327 : i32
      %dma_start3A_329 = arith.constant 1024 : i32
      %dma_start3A_330 = tpu.memref_slice %arg27[%dma_start3A_329] : memref<1792xf32, #tpu.memory_space<vmem>> -> memref<128xf32, #tpu.memory_space<vmem>>
      %dma_start3A_331 = tpu.memref_slice %arg19[%mul3A_328] : memref<512xf32, #tpu.memory_space<hbm>> -> memref<128xf32, #tpu.memory_space<hbm>>
      %dma_start3A_332 = tpu.memref_slice %arg19[%mul3A_328] : memref<512xf32, #tpu.memory_space<hbm>> -> memref<128xf32, #tpu.memory_space<hbm>>
      %dma_start3A_333 = arith.constant 1024 : i32
      %dma_start3A_334 = tpu.memref_slice %arg27[%dma_start3A_333] : memref<1792xf32, #tpu.memory_space<vmem>> -> memref<128xf32, #tpu.memory_space<vmem>>
      tpu.enqueue_dma source(%dma_start3A_334 : memref<128xf32, #tpu.memory_space<vmem>>) target(%dma_start3A_332 : memref<128xf32, #tpu.memory_space<hbm>>) target_semaphore(%arg30 : memref<!tpu.dma_semaphore, #tpu.memory_space<semaphore_mem>>)
      %dma_wait3A_335 = arith.constant 1024 : i32
      %dma_wait3A_336 = tpu.memref_slice %arg25[%dma_wait3A_335] : memref<1792xi32, #tpu.memory_space<vmem>> -> memref<128xi32, #tpu.memory_space<vmem>>
      %dma_wait3A_337 = tpu.memref_slice %arg9[%mul3A_304] : memref<512xi32, #tpu.memory_space<hbm>> -> memref<128xi32, #tpu.memory_space<hbm>>
      %dma_wait3A_338 = tpu.memref_slice %arg9[%mul3A_304] : memref<512xi32, #tpu.memory_space<hbm>> -> memref<128xi32, #tpu.memory_space<hbm>>
      %dma_wait3A_339 = arith.constant 1024 : i32
      %dma_wait3A_340 = tpu.memref_slice %arg25[%dma_wait3A_339] : memref<1792xi32, #tpu.memory_space<vmem>> -> memref<128xi32, #tpu.memory_space<vmem>>
      tpu.wait_dma2 semaphore(%arg30 : memref<!tpu.dma_semaphore, #tpu.memory_space<semaphore_mem>>) src(%dma_wait3A_340 : memref<128xi32, #tpu.memory_space<vmem>>) dst(%dma_wait3A_338 : memref<128xi32, #tpu.memory_space<hbm>>)
      %dma_wait3A_341 = arith.constant 4096 : i32
      %dma_wait3A_342 = tpu.memref_slice %arg26[%dma_wait3A_341] : memref<7168xf32, #tpu.memory_space<vmem>> -> memref<512xf32, #tpu.memory_space<vmem>>
      %dma_wait3A_343 = tpu.memref_slice %arg14[%mul3A_316] : memref<2048xf32, #tpu.memory_space<hbm>> -> memref<512xf32, #tpu.memory_space<hbm>>
      %dma_wait3A_344 = tpu.memref_slice %arg14[%mul3A_316] : memref<2048xf32, #tpu.memory_space<hbm>> -> memref<512xf32, #tpu.memory_space<hbm>>
      %dma_wait3A_345 = arith.constant 4096 : i32
      %dma_wait3A_346 = tpu.memref_slice %arg26[%dma_wait3A_345] : memref<7168xf32, #tpu.memory_space<vmem>> -> memref<512xf32, #tpu.memory_space<vmem>>
      tpu.wait_dma2 semaphore(%arg30 : memref<!tpu.dma_semaphore, #tpu.memory_space<semaphore_mem>>) src(%dma_wait3A_346 : memref<512xf32, #tpu.memory_space<vmem>>) dst(%dma_wait3A_344 : memref<512xf32, #tpu.memory_space<hbm>>)
      %dma_wait3A_347 = arith.constant 1024 : i32
      %dma_wait3A_348 = tpu.memref_slice %arg27[%dma_wait3A_347] : memref<1792xf32, #tpu.memory_space<vmem>> -> memref<128xf32, #tpu.memory_space<vmem>>
      %dma_wait3A_349 = tpu.memref_slice %arg19[%mul3A_328] : memref<512xf32, #tpu.memory_space<hbm>> -> memref<128xf32, #tpu.memory_space<hbm>>
      %dma_wait3A_350 = tpu.memref_slice %arg19[%mul3A_328] : memref<512xf32, #tpu.memory_space<hbm>> -> memref<128xf32, #tpu.memory_space<hbm>>
      %dma_wait3A_351 = arith.constant 1024 : i32
      %dma_wait3A_352 = tpu.memref_slice %arg27[%dma_wait3A_351] : memref<1792xf32, #tpu.memory_space<vmem>> -> memref<128xf32, #tpu.memory_space<vmem>>
      tpu.wait_dma2 semaphore(%arg30 : memref<!tpu.dma_semaphore, #tpu.memory_space<semaphore_mem>>) src(%dma_wait3A_352 : memref<128xf32, #tpu.memory_space<vmem>>) dst(%dma_wait3A_350 : memref<128xf32, #tpu.memory_space<hbm>>)
    } else {
    }
    return
  }
}

</mosaic_0001>

<sc_bundles>
// kernel: kernel.3.cloned.1.call-start
scs
__scs_entry_jumppad:
0x0: {  	(pc) =	sbr.rel $0x88, $3  }
0x1: {  	(tag) =	ssettag $0x0;
	lr =	simm.s32 $0x1  }
0x2: {  	[smem:$0x3F9F] =	sst lr;
	_ =	strace $0xD0000000  }
0x3: {  	_ = 	snop  }
0x4: {  	_ = 	snop  }
0x5: {  	_ = 	snop  }
0x6: {  	_ = 	snop  }
0x7: {  	_ = 	snop  }
__scs_overlays_trampoline_lowered:
0x8: {  	[smem:$0x3FAE] =	sst s0  }
0x9: {  	[smem:$0x3FAF] =	sst s1  }
0xa: {  	[smem:$0x3FB0] =	sst s2  }
0xb: {  	[smem:$0x3FB1] =	sst s3  }
0xc: {  	[smem:$0x3FB2] =	sst s4  }
0xd: {  	[smem:$0x3FB3] =	sst s5  }
0xe: {  	[smem:$0x3FB4] =	sst s6  }
0xf: {  	[smem:$0x3FB5] =	sst s7  }
0x10: {  	[smem:$0x3FB6] =	sst s8  }
0x11: {  	[smem:$0x3FB7] =	sst s9;
	s0 =	simm.s32 @!p0 $0x0  }
0x12: {  	s1 =	sld [smem:$0x3F9D];
	s0 =	simm.s32 @p0 $0x1  }
0x13: {  	[smem:$0x3FB8] =	sst s0;
	s0 =	simm.s32 @!p1 $0x0  }
0x14: {  	s2 =	sld [smem:$0x3F9C];
	s0 =	simm.s32 @p1 $0x1  }
0x15: {  	[smem:$0x3FB9] =	sst s0;
	s0 =	simm.s32 @!p2 $0x0  }
0x16: {  	s3 =	sld [smem:$0x3FDB];
	s0 =	simm.s32 @p2 $0x1  }
0x17: {  	s4 =	simm.s32 $0x1BF5;
	[smem:$0x3FBB] =	sst s0  }
0x18: {  	s0 =	sld [smem:$0x3F9E];
	_ =	swait.ge [sflag:s4], $0x0  }
0x19: {  	s7 =	sld [smem:$0x3F9F]  }
0x1a: {  	s8 =	sadd.s32 $0xFFFFE003, lr  }
0x1b: {  	s9 =	sadd.s32 $0xFFFFFEF7, lr;
	s5 =	simm.s32 $0xFFFFFFFF;
	p2 =	slt.u32 s8, $0xFFFFF086  }
0x1c: {  	p1 =	slt.u32 s9, $0xF7A;
	s5 =	simm.s32 @!p2 $0x0  }
0x1d: {  	s5 =	simm.s32 @p1 $0x1;
	p0 =	seq.s32 s7, s2  }
0x1e: {  	s7 =	smul.u32 @!p0 $0xF7A, s2;
	p2 =	seq.s32 @!p0 s5, $0x0  }
0x1f: {  	s9 =	smul.u32 $0xF7A, s1;
	s8 =	simm.s32 @!p0 $0x1BF5;
	p2 =	por !p2, p0  }
0x20: {  	[sflag:s8] =	ssyncset.s32 @!p0 $0xFFFFF086;
	s6 =	sadd.s32 @!p0 s3, s7;
	s7 =	simm.s32 @!p0 $0x108  }
0x21: {  	s3 =	sadd.s32 s3, s9;
	s6 =	sadd.s32 @!p0 $0x88, s6;
	s7 =	simm.s32 @p2 $0x1082  }
0x22: {  	[simem:s7], [sflag:s8] =	dma.local @!p0 [hbm:s6], $0xF7A  }
0x23: {  	s9 =	sor.u32 $0xD0000000, s2;
	s6 =	simm.s32 $0x108;
	_ =	swait.ge @!p0 [sflag:s8], $0x0  }
0x24: {  	s3 =	sadd.s32 $0x88, s3;
	s6 =	simm.s32 @!p1 $0x1082;
	[sflag:s4] =	ssyncset.s32 $0xFFFFF086  }
0x25: {  	[simem:s6], [sflag:s4] =	dma.local [hbm:s3], $0xF7A  }
0x26: {  	[smem:$0x3F9F] =	sst s1;
	(tag) =	ssettag s2;
	_ =	strace s9  }
0x27: {  	s1 =	sld [smem:$0x3FAF]  }
0x28: {  	s2 =	sld [smem:$0x3FB0]  }
0x29: {  	s4 =	sld [smem:$0x3FB2]  }
0x2a: {  	p0 =	seq.s32 s5, $0x0;
	s5 =	sld [smem:$0x3FB3]  }
0x2b: {  	s6 =	sld [smem:$0x3FB4]  }
0x2c: {  	s7 =	sld [smem:$0x3FB5]  }
0x2d: {  	s3 =	simm.s32 $0x108;
	s8 =	sld [smem:$0x3FB6]  }
0x2e: {  	s3 =	simm.s32 @!p0 $0x1082;
	s9 =	sld [smem:$0x3FB7]  }
0x2f: {  	lr =	sadd.s32 s0, s3;
	s0 =	sld [smem:$0x3FAE]  }
0x30: {  	s3 =	sld [smem:$0x3FB1]  }
0x31: {  	[smem:$0x3FBA] =	sst s10  }
0x32: {  	s10 =	sld [smem:$0x3FB8];
	_ =	sdelay $0x3  }
0x33: {  	p0 =	seq.s32 s10, $0x1;
	s10 =	sld [smem:$0x3FBA];
	_ =	sdelay $0x3  }
0x34: {  	[smem:$0x3FBA] =	sst s10  }
0x35: {  	s10 =	sld [smem:$0x3FB9];
	_ =	sdelay $0x3  }
0x36: {  	p1 =	seq.s32 s10, $0x1;
	s10 =	sld [smem:$0x3FBA];
	_ =	sdelay $0x3  }
0x37: {  	[smem:$0x3FBA] =	sst s10  }
0x38: {  	s10 =	sld [smem:$0x3FBB]  }
0x39: {  	_ = 	snop;
	(pc) =	sbr.ind lr, $3  }
0x3a: {  	_ = 	snop  }
0x3b: {  	_ = 	snop  }
0x3c: {  	p2 =	seq.s32 s10, $0x1;
	s10 =	sld [smem:$0x3FBA]  }
0x3d: {  	_ =	shalt  }
0x3e: {  	_ =	shalt  }
0x3f: {  	_ =	shalt  }
0x40: {  	_ =	shalt  }
0x41: {  	_ =	shalt  }
0x42: {  	_ =	shalt  }
0x43: {  	_ =	shalt  }
0x44: {  	_ =	shalt  }
0x45: {  	_ =	shalt  }
0x46: {  	_ =	shalt  }
0x47: {  	_ =	shalt  }
0x48: {  	_ =	shalt  }
0x49: {  	_ =	shalt  }
0x4a: {  	_ =	shalt  }
0x4b: {  	_ =	shalt  }
0x4c: {  	_ =	shalt  }
0x4d: {  	_ =	shalt  }
0x4e: {  	_ =	shalt  }
0x4f: {  	_ =	shalt  }
0x50: {  	_ =	shalt  }
0x51: {  	_ =	shalt  }
0x52: {  	_ =	shalt  }
0x53: {  	_ =	shalt  }
0x54: {  	_ =	shalt  }
0x55: {  	_ =	shalt  }
0x56: {  	_ =	shalt  }
0x57: {  	_ =	shalt  }
0x58: {  	_ =	shalt  }
0x59: {  	_ =	shalt  }
0x5a: {  	_ =	shalt  }
0x5b: {  	_ =	shalt  }
0x5c: {  	_ =	shalt  }
0x5d: {  	_ =	shalt  }
0x5e: {  	_ =	shalt  }
0x5f: {  	_ =	shalt  }
0x60: {  	_ =	shalt  }
0x61: {  	_ =	shalt  }
0x62: {  	_ =	shalt  }
0x63: {  	_ =	shalt  }
0x64: {  	_ =	shalt  }
0x65: {  	_ =	shalt  }
0x66: {  	_ =	shalt  }
0x67: {  	_ =	shalt  }
0x68: {  	_ =	shalt  }
0x69: {  	_ =	shalt  }
0x6a: {  	_ =	shalt  }
0x6b: {  	_ =	shalt  }
0x6c: {  	_ =	shalt  }
0x6d: {  	_ =	shalt  }
0x6e: {  	_ =	shalt  }
0x6f: {  	_ =	shalt  }
0x70: {  	_ =	shalt  }
0x71: {  	_ =	shalt  }
0x72: {  	_ =	shalt  }
0x73: {  	_ =	shalt  }
0x74: {  	_ =	shalt  }
0x75: {  	_ =	shalt  }
0x76: {  	_ =	shalt  }
0x77: {  	_ =	shalt  }
0x78: {  	_ =	shalt  }
0x79: {  	_ =	shalt  }
0x7a: {  	_ =	shalt  }
0x7b: {  	_ =	shalt  }
0x7c: {  	_ =	shalt  }
0x7d: {  	_ =	shalt  }
0x7e: {  	_ =	shalt  }
0x7f: {  	_ =	shalt  }
0x80: {  	_ =	shalt  }
0x81: {  	_ =	shalt  }
0x82: {  	_ =	shalt  }
0x83: {  	_ =	shalt  }
0x84: {  	_ =	shalt  }
0x85: {  	_ =	shalt  }
0x86: {  	_ =	shalt  }
0x87: {  	_ =	shalt  }
.Lfunc_end0:
.L_simem_size_0:
called_computation_lowered:
.L_overlay_start_0:
0x88: {  	s2 =	sld [smem:$0x3FD9]  }
0x89: {  	s3 =	sld [smem:$0x3FFE];
	_ =	sdelay $0x1  }
0x8a: {  	s1 =	srdreg.scid  }
0x8b: {  	s0 =	sand.u32 $0x1, s1  }
0x8c: {  	s23 =	sshll.u32 s0, $0xA;
	s2 =	sadd.s32 s3, s2  }
0x8d: {  	s2 =	sadd.s32 s2, s23  }
0x8e: {  	[smem:$0x3FC6] =	sst s2  }
0x8f: {  	_ = 	snop  }
0x90: {  	s9 =	sld [smem:$0x3FD0];
	_ =	sdelay $0x2  }
0x91: {  	s14 =	simm.s32 $0xA;
	s10 =	simm.s32 $0x10  }
0x92: {  	[smem:s10], [sflag:s14] =	dma.local [hbm:s9], $0x1  }
0x93: {  	_ =	swait.eq [sflag:s14], $0x1  }
0x94: {  	s2 =	sld [smem:$0x11]  }
0x95: {  	s7 =	sld [smem:$0x12]  }
0x96: {  	s3 =	sld [smem:$0x13]  }
0x97: {  	s4 =	sld [smem:$0x14]  }
0x98: {  	s5 =	sld [smem:$0x15];
	[sflag:s14] =	ssyncset.done $0x0  }
0x99: {  	s6 =	sld [smem:$0x16];
	[sflag:s14] =	ssyncadd.s32 $0xFFFFFFFF  }
0x9a: {  	s9 =	sadd.s32 $0x1, s9;
	s8 =	sld [smem:$0x17]  }
0x9b: {  	[smem:s10], [sflag:s14] =	dma.local [hbm:s9], $0x1  }
0x9c: {  	_ =	swait.eq [sflag:s14], $0x1  }
0x9d: {  	s9 =	sld [smem:$0x10]  }
0x9e: {  	s10 =	sld [smem:$0x11]  }
0x9f: {  	s13 =	sld [smem:$0x12]  }
0xa0: {  	s11 =	sld [smem:$0x13]  }
0xa1: {  	s15 =	sld [smem:$0x14];
	[sflag:s14] =	ssyncset.done $0x0  }
0xa2: {  	s12 =	sld [smem:$0x15];
	[sflag:s14] =	ssyncadd.s32 $0xFFFFFFFF  }
0xa3: {  	s16 =	sld [smem:$0x16];
	(tm) =	ssettm $0x1  }
0xa4: {  	s24 =	sld [smem:$0x3FFB];
	_ =	sdelay $0x3  }
0xa5: {  	_ =	strace s24  }
0xa6: {  	s14 =	sld [smem:$0x3FFC];
	_ =	sdelay $0x3  }
0xa7: {  	_ =	strace s14  }
0xa8: {  	s14 =	sld [smem:$0x3FFD];
	_ =	sdelay $0x3  }
0xa9: {  	_ =	strace s14  }
0xaa: {  	_ =	strace $0x8FFFFFFF  }
0xab: {  	s25 =	sld [smem:$0x3FDB];
	_ =	sdelay $0x1  }
0xac: {  	s17 =	simm.s32 $_scs_section_size  }
0xad: {  	s18 =	simm.s32 $_size__tile_task_arg_handler_lowered;
	s19 =	simm.s32 $_tile_task_arg_handler_lowered  }
0xae: {  	s29 =	simm.s32 $0x1BFF;
	s28 =	sshll.u32 s19, $0x1;
	s17 =	sadd.s32 s17, s25  }
0xaf: {  	s20 =	simm.s32 $0x60;
	s26 =	sshll.u32 s18, $0x1;
	s18 =	sadd.s32 s28, s17  }
0xb0: {  	[timem:s20], [sflag:s29] =	dma.local [hbm:s18], s26  }
0xb1: {  	_ =	swait.ge [sflag:s29], s26  }
0xb2: {  	s30 =	simm.s32 $_tile_overlayer_lowered;
	s14 =	ssub.s32 $0x0, s26;
	[sflag:s29] =	ssyncset.done $0x0  }
0xb3: {  	s31 =	simm.s32 $_size__tile_overlayer_lowered;
	s18 =	sshll.u32 s30, $0x1;
	[sflag:s29] =	ssyncadd.s32 s14  }
0xb4: {  	s21 =	simm.s32 $0x0;
	s18 =	sadd.s32 s18, s17;
	s14 =	sshll.u32 s31, $0x1  }
0xb5: {  	[timem:s21], [sflag:s29] =	dma.local [hbm:s18], s14  }
0xb6: {  	_ =	swait.ge [sflag:s29], s14  }
0xb7: {  	s22 =	ssub.s32 $0x0, s14;
	[sflag:s29] =	ssyncset.done $0x0  }
0xb8: {  	[sflag:s29] =	ssyncadd.s32 s22;
	_ =	sdelay $0x1  }
0xb9: {  	s23 =	simm.s32 $0x1B8B  }
0xba: {  	_ =	swait.ge [sflag:s23], $0x1  }
0xbb: {  	[sflag:s23] =	ssyncset.done $0x0  }
0xbc: {  	s25 =	simm.s32 $0x1B8E;
	s24 =	sld [smem:$0x3FFE];
	[sflag:s23] =	ssyncadd.s32 $0xFFFFFFFF  }
0xbd: {  	s26 =	simm.s32 $execute0_lowered;
	[smem:$0x3FD2] =	sst s25  }
0xbe: {  	s19 =	sshll.u32 s26, $0x1;
	_ =	strace $0x80000046;
	[dreg:$0x1] =	wrdreg $0xFFFFFFFF  }
0xbf: {  	s28 =	simm.s32 $_size_execute0_lowered;
	s17 =	sadd.s32 s17, s19;
	[dreg:$0x0] =	wrdreg $0x0  }
0xc0: {  	s19 =	sshll.u32 s28, $0x1;
	[dreg:$0x2] =	wrdreg s17  }
0xc1: {  	[dreg:$0x3] =	wrdreg s19  }
0xc2: {  	[dreg:$0x4] =	wrdreg $0xC0  }
0xc3: {  	_ =	task [dreg:s21], $0x5FFFF  }
0xc4: {  	[dreg:$0x1] =	wrdreg $0xFFFFFFFF  }
0xc5: {  	[dreg:$0x0] =	wrdreg $0x30  }
0xc6: {  	[dreg:$0x2] =	wrdreg $0x0  }
0xc7: {  	[dreg:$0x3] =	wrdreg s16  }
0xc8: {  	[dreg:$0x4] =	wrdreg $0x9  }
0xc9: {  	_ =	task [dreg:s21], $0x5FFFF  }
0xca: {  	[dreg:$0x1] =	wrdreg $0xFFFFFFFF  }
0xcb: {  	[dreg:$0x0] =	wrdreg $0x60  }
0xcc: {  	[dreg:$0x2] =	wrdreg s24  }
0xcd: {  	[dreg:$0x3] =	wrdreg s15  }
0xce: {  	[dreg:$0x4] =	wrdreg s7  }
0xcf: {  	[dreg:$0x5] =	wrdreg s2  }
0xd0: {  	[dreg:$0x6] =	wrdreg s13  }
0xd1: {  	[dreg:$0x7] =	wrdreg s3  }
0xd2: {  	[dreg:$0x8] =	wrdreg s4  }
0xd3: {  	[dreg:$0x9] =	wrdreg s5  }
0xd4: {  	[dreg:$0xa] =	wrdreg s6  }
0xd5: {  	[dreg:$0xb] =	wrdreg s8  }
0xd6: {  	[dreg:$0xc] =	wrdreg s9  }
0xd7: {  	[dreg:$0xd] =	wrdreg s10  }
0xd8: {  	[dreg:$0xe] =	wrdreg s11  }
0xd9: {  	[dreg:$0xf] =	wrdreg s12  }
0xda: {  	_ =	task.clear_ibuf [dreg:s21], $0x10FFFF;
	_ =	strace $0x90000046  }
0xdb: {  	s29 =	simm.s32 $0x9;
	_ =	strace $0x80000048  }
0xdc: {  	_ =	swait.ge [sflag:s29], $0x1  }
0xdd: {  	[sflag:s29] =	ssyncadd.s32 $0xFFFFFFFF  }
0xde: {  	_ =	strace $0x90000048  }
0xdf: {  	_ =	sfence  }
0xe0: {  	s30 =	sld [smem:$0x0];
	_ =	sdelay $0x2  }
0xe1: {  	s31 =	sshll.u32 s1, $0xD;
	s1 =	sshrl.u32 s1, $0x2  }
0xe2: {  	s3 =	sand.u32 $0x4000, s31;
	s1 =	sadd.s32 s1, s30  }
0xe3: {  	s0 =	sor.u32 s3, s0;
	s1 =	sshll.u32 s1, $0x11  }
0xe4: {  	s0 =	sor.u32 s1, s0  }
0xe5: {  	s0 =	sadd.s32 $0x8F2B, s0  }
0xe6: {  	[sflag:s0] =	ssyncadd.remote.s32 $0x1  }
0xe7: {  	_ =	sfence.sel $0xFFFF  }
0xe8: {  	[dreg:$0x0] =	wrdreg $0xFFFFFFFF;
	(pc) =	sbr.abs _section_cstart, $3  }
0xe9: {  	[dreg:$0x1] =	wrdreg $0xFFFFFFFF  }
0xea: {  	_ =	task.clear_ibuf [dreg:s21], $0x2FFFF;
	_ =	strace $0x9FFFFFFF  }
0xeb: {  	(tm) =	ssettm $0x7FFFFFFF  }
tec
_tile_task_arg_handler_lowered:
.L_overlay_start_1:
0x0: {  	(tag) =	ssettag $0x1  }
0x1: {  	s0 =	rddreg [dreg:$0x0]  }
0x2: {  	s1 =	rddreg [dreg:$0x1]  }
0x3: {  	s2 =	rddreg [dreg:$0x2]  }
0x4: {  	s3 =	rddreg [dreg:$0x3]  }
0x5: {  	s4 =	rddreg [dreg:$0x4]  }
0x6: {  	s5 =	rddreg [dreg:$0x5]  }
0x7: {  	s6 =	rddreg [dreg:$0x6]  }
0x8: {  	s7 =	rddreg [dreg:$0x7]  }
0x9: {  	s8 =	rddreg [dreg:$0x8]  }
0xa: {  	s9 =	rddreg [dreg:$0x9]  }
0xb: {  	s10 =	rddreg [dreg:$0xa]  }
0xc: {  	s11 =	rddreg [dreg:$0xb]  }
0xd: {  	s12 =	rddreg [dreg:$0xc]  }
0xe: {  	s13 =	rddreg [dreg:$0xd]  }
0xf: {  	[smem:s0] =	sst s1  }
0x10: {  	[smem:s0+$0x1] =	sst s2  }
0x11: {  	[smem:s0+$0x2] =	sst s3  }
0x12: {  	[smem:s0+$0x3] =	sst s4  }
0x13: {  	[smem:s0+$0x4] =	sst s5  }
0x14: {  	[smem:s0+$0x5] =	sst s6  }
0x15: {  	[smem:s0+$0x6] =	sst s7  }
0x16: {  	[smem:s0+$0x7] =	sst s8  }
0x17: {  	[smem:s0+$0x8] =	sst s9  }
0x18: {  	[smem:s0+$0x9] =	sst s10  }
0x19: {  	[smem:s0+$0xA] =	sst s11  }
0x1a: {  	[smem:s0+$0xB] =	sst s12  }
0x1b: {  	[smem:s0+$0xC] =	sst s13;
	_ =	shalt  }
.Lfunc_end2:
execute0_lowered:
.L_overlay_start_2:
0x1c: {  	(tag) =	ssettag $0x2  }
0x1d: {  	s0 =	rddreg [dreg:$0x0]  }
0x1e: {  	s3 =	rddreg [dreg:$0x1]  }
0x1f: {  	s4 =	rddreg [dreg:$0x2]  }
0x20: {  	s5 =	rddreg [dreg:$0x5]  }
0x21: {  	s6 =	rddreg [dreg:$0x6]  }
0x22: {  	s7 =	rddreg [dreg:$0x7]  }
0x23: {  	s8 =	rddreg [dreg:$0x8]  }
0x24: {  	s9 =	rddreg [dreg:$0xa]  }
0x25: {  	s10 =	rddreg [dreg:$0xb]  }
0x26: {  	s11 =	rddreg [dreg:$0xd];
	s1 =	simm.s32 $0x0;
	s21 =	stileid.u32  }
0x27: {  	s2 =	srdreg.scid;
	[smem:$0x7FF] =	sst s1;
	s13 =	sshll.u32 s21, $0x1  }
0x28: {  	s1 =	sshrl.u32 s21, $0x1;
	s2 =	sand.u32 $0x1, s2;
	s13 =	sand.u32 $0x2, s13  }
0x29: {  	s15 =	sadd.s32 $0x2600, s0;
	s12 =	sld [smem:$0x0];
	s13 =	sor.u32 s2, s13  }
0x2a: {  	s14 =	smul.u32 $0xE, s1;
	s2 =	ssub.s32 $0x2, s2;
	s29 =	sshll.u32 s13, $0x5  }
0x2b: {  	s16 =	sshrl.u32 s2, $0x1;
	s17 =	smul.u32 $0x4F, s13;
	s3 =	sadd.s32 s3, s29  }
0x2c: {  	s30 =	sshll.u32 s13, $0x3;
	s5 =	sadd.s32 s5, s29;
	[dreg:$0xe] =	wrdreg s3  }
0x2d: {  	s24 =	sshll.u32 s13, $0x4;
	s23 =	sadd.s32 s11, s29;
	[dreg:$0x13] =	wrdreg s5  }
0x2e: {  	s20 =	smul.u32 $0x14, s13;
	s6 =	sadd.s32 s6, s24;
	[dreg:$0x15] =	wrdreg s23  }
0x2f: {  	s2 =	ssub.s32 s2, s16;
	s16 =	smul.u32 $0x140, s13;
	[dreg:$0x17] =	wrdreg s6  }
0x30: {  	s14 =	sadd.s32 s14, s17;
	s26 =	sadd.s32 $0x46, s17;
	s17 =	rddreg [dreg:$0xc]  }
0x31: {  	s3 =	sadd.s32 s4, s30;
	s5 =	sadd.s32 s12, s24;
	s24 =	sld [smem:$0x1]  }
0x32: {  	s28 =	sadd.s32 $0x5, s20;
	s19 =	sshll.u32 s14, $0x4;
	[dreg:$0xf] =	wrdreg s3  }
0x33: {  	s3 =	sadd.s32 $0x13, s20;
	[dreg:$0x18] =	wrdreg s5;
	s29 =	sshll.u32 s26, $0x6  }
0x34: {  	s6 =	sshll.u32 s26, $0x4;
	s20 =	rddreg [dreg:$0x9];
	s26 =	sadd.s32 s17, s16  }
0x35: {  	s14 =	sshll.u32 s14, $0x6;
	s31 =	sadd.s32 s15, s19;
	[smem:$0x7F6] =	sst s26  }
0x36: {  	s18 =	sadd.s32 $0x3C00, s0;
	s4 =	sadd.s32 s7, s14;
	[dreg:$0x10] =	wrdreg s31  }
0x37: {  	s30 =	smul.u32 $0x500, s13;
	s14 =	sadd.s32 s18, s19;
	[dreg:$0x11] =	wrdreg s4  }
0x38: {  	s7 =	sadd.s32 s7, s29;
	[dreg:$0x12] =	wrdreg s14  }
0x39: {  	s12 =	sadd.s32 s8, s30;
	[dreg:$0x19] =	wrdreg s7  }
0x3a: {  	[dreg:$0x1e] =	wrdreg s12  }
0x3b: {  	s5 =	sadd.s32 s20, s16;
	s14 =	rddreg [dreg:$0x3]  }
0x3c: {  	s19 =	sshll.u32 s13, $0x7;
	[smem:$0x7F1] =	sst s5  }
0x3d: {  	s4 =	sadd.s32 s9, s19;
	[smem:$0x7F4] =	sst s24  }
0x3e: {  	s22 =	sshll.u32 s13, $0x6;
	s31 =	sadd.s32 s15, s6;
	[dreg:$0x14] =	wrdreg s4  }
0x3f: {  	s25 =	sshll.u32 s3, $0x6;
	s6 =	sadd.s32 s18, s6;
	[dreg:$0x1a] =	wrdreg s31  }
0x40: {  	s3 =	sshll.u32 s3, $0x4;
	s4 =	sadd.s32 s10, s22;
	[dreg:$0x1b] =	wrdreg s6  }
0x41: {  	s18 =	sadd.s32 s14, s3;
	[dreg:$0x16] =	wrdreg s4  }
0x42: {  	s19 =	sshll.u32 s28, $0x4;
	s3 =	sadd.s32 s17, s3;
	[dreg:$0x1f] =	wrdreg s18  }
0x43: {  	s23 =	sadd.s32 s14, s19;
	[smem:$0x7F0] =	sst s3  }
0x44: {  	s10 =	sshll.u32 s28, $0x6;
	s4 =	sadd.s32 s8, s25;
	[smem:$0x7F2] =	sst s23  }
0x45: {  	s11 =	sadd.s32 s8, s10;
	[dreg:$0x1c] =	wrdreg s4  }
0x46: {  	p3 =	sgt.u32 s21, $0xB;
	s3 =	sadd.s32 s17, s19;
	[dreg:$0x1d] =	wrdreg s11  }
0x47: {  	p4 =	slt.u32 s21, $0xA;
	[smem:$0x7F3] =	sst s3;
	s4 =	sadd.s32 s14, s16  }
0x48: {  	p5 =	sgt.u32 s21, $0x9;
	p0 =	sne.s32 s1, $0x7;
	[smem:$0x7F5] =	sst s4  }
0x49: {  	v0 =	vimm.f32 $2.000000000e+00;
	p1 =	seq.s32 s1, $0x7;
	s22 =	rddreg [dreg:$0x4];
	_ =	strace $0x80000047  }
0x4a: {  	p2 =	seq.s32 s1, $0x6;
	s15 =	smul.u32 $0x50, s13;
	s5 =	simm.s32 @!p0 $0x0;
	(erf) = vrcp.f32 v0  }
0x4b: {  	s7 =	simm.s32 $0x1600;
	s5 =	simm.s32 @p0 $0x1;
	p0 =	sne.s32 @!p2 s1, $0x5  }
0x4c: {  	s31 =	smax.u32 s2, $0x1;
	s25 =	smul.u32 $0x2A0, s1;
	s28 =	sadd.s32 s22, s15  }
0x4d: {  	s29 =	sadd.s32 s15, s0;
	s1 =	smul.u32 $0xFFFFF900, s1;
	[smem:$0x7F7] =	sst s28  }
0x4e: {  	s3 =	sadd.s32 s25, s0;
	s0 =	sadd.s32 $0x2500, s0;
	[smem:$0x7F8] =	sst s5  }
.Ltmp0:
0x4f: {  	s30 =	sadd.s32 $0x3A00, s29;
	[smem:$0x7FA] =	sst s0;
	v0 =	vmov s1;
	(pc) =	sbr.rel .LBB3_1-.Ltmp0, $4  }
0x50: {  	v4 =	vlaneseq.u32;
	s2 =	simm.s32 $0x0;
	p6 =	por p0, p2;
	[smem:$0x7FB] =	sst s30;
	v2 =	vadd.s32 $0x3180, v0;
	[tilespmem:$0x1FFC0] =	vst v0  }
0x51: {  	s3 =	sadd.s32 $0x1000, s3;
	[smem:$0x7FC] =	sst s31;
	s0 =	simm.s32 @!p4 $0x0;
	v3 =	vadd.s32 $0x3400, v0;
	[tilespmem:$0x1FFD0] =	vst v2  }
0x52: {  	v6 =	vand.u32 $0x3, v4;
	v7 =	vshrl.u32 v4, $0x2;
	s4 =	simm.s32 $0x1680;
	[smem:$0x7F9] =	sst s3;
	s0 =	simm.s32 @p4 $0x1;
	v5 =	vadd.s32 $0x3500, v0;
	[tilespmem:$0x1FFE0] =	vst v3  }
0x53: {  	v6 =	vadd.s32 $0xFFFFFFFE, v6;
	v7 =	vadd.s32 $0xFFFFFFFE, v7;
	s5 =	simm.s32 $0x1D80;
	[smem:$0x7FD] =	sst s0;
	s0 =	simm.s32 $0x1500;
	v1 =	vadd.s32 $0x2780, v0;
	[tilespmem:$0x1FFF0] =	vst v5;
	v4 =	vpop (erf)  }
.LBB3_14:
0x54: {  	s2 =	rddreg [dreg:$0x1f]  }
0x55: {  	s1 =	simm.s32 $0x0;
	s3 =	simm.s32 $0x2480;
	s9 =	rddreg [dreg:$0x1c]  }
0x56: {  	[hbm4b:s2+s1] =	stream.linear.scatter [tilespmem:s3], [sflag:$0x3], $0x80, $0x38;
	[tilespmem:$0x4E80] =	vst v63  }
0x57: {  	s10 =	simm.s32 $0x2B80;
	s11 =	sld [smem:$0x7F0]  }
0x58: {  	[hbm4b:s9+s1] =	stream.linear.scatter [tilespmem:s10], [sflag:$0x3], $0x200, $0x38;
	[tilespmem:$0x4E80] =	vst v63  }
0x59: {  	s12 =	simm.s32 $0x4780;
	s13 =	simm.s32 $0x3  }
0x5a: {  	[hbm4b:s11+s1] =	stream.linear.scatter [tilespmem:s12], [sflag:$0x3], $0x80, $0x38;
	[tilespmem:$0x4E80] =	vst v63  }
0x5b: {  	_ =	swait.ge [sflag:s13], $0x80  }
0x5c: {  	[sflag:s13] =	ssyncset.done $0x0  }
0x5d: {  	[sflag:s13] =	ssyncadd.s32 $0xFFFFFF80  }
0x5e: {  	_ =	swait.ge [sflag:s13], $0x200  }
0x5f: {  	[sflag:s13] =	ssyncset.done $0x0  }
0x60: {  	[sflag:s13] =	ssyncadd.s32 $0xFFFFFE00  }
0x61: {  	_ =	swait.ge [sflag:s13], $0x80  }
0x62: {  	s14 =	sld [smem:$0x7F7]  }
0x63: {  	[sflag:s13] =	ssyncset.done $0x0  }
0x64: {  	s4 =	simm.s32 $0x2500;
	s15 =	sld [smem:$0x7F1];
	[sflag:s13] =	ssyncadd.s32 $0xFFFFFF80  }
0x65: {  	[hbm4b:s14+s1] =	stream.linear.scatter [tilespmem:s4], [sflag:$0x3], $0x280, $0x38;
	[tilespmem:$0x4E80] =	vst v63  }
0x66: {  	s16 =	simm.s32 $0x2D80;
	s17 =	sld [smem:$0x7FB]  }
0x67: {  	[hbm4b:s15+s1] =	stream.linear.scatter [tilespmem:s16], [sflag:$0x3], $0xA00, $0x38;
	[tilespmem:$0x4E80] =	vst v63  }
0x68: {  	s18 =	simm.s32 $0x4800  }
0x69: {  	[hbm4b:s17+s1] =	stream.linear.scatter [tilespmem:s18], [sflag:$0x3], $0x280, $0x38;
	[tilespmem:$0x4E80] =	vst v63  }
0x6a: {  	_ =	swait.ge [sflag:s13], $0x280  }
0x6b: {  	[sflag:s13] =	ssyncset.done $0x0  }
0x6c: {  	[sflag:s13] =	ssyncadd.s32 $0xFFFFFD80  }
0x6d: {  	_ =	swait.ge [sflag:s13], $0xA00  }
0x6e: {  	[sflag:s13] =	ssyncset.done $0x0  }
0x6f: {  	[sflag:s13] =	ssyncadd.s32 $0xFFFFF600  }
0x70: {  	_ =	swait.ge [sflag:s13], $0x280  }
0x71: {  	[sflag:s13] =	ssyncset.done $0x0  }
0x72: {  	s20 =	simm.s32 $0x2780;
	s19 =	rddreg [dreg:$0x13];
	[sflag:s13] =	ssyncadd.s32 $0xFFFFFD80  }
0x73: {  	[hbm4b:s19+s1] =	stream.linear.scatter [tilespmem:s20], [sflag:$0x3], $0x100, $0x38;
	[tilespmem:$0x4E80] =	vst v63  }
0x74: {  	s22 =	simm.s32 $0x3780;
	s21 =	rddreg [dreg:$0x14]  }
0x75: {  	[hbm4b:s21+s1] =	stream.linear.scatter [tilespmem:s22], [sflag:$0x3], $0x400, $0x38;
	[tilespmem:$0x4E80] =	vst v63  }
0x76: {  	s24 =	simm.s32 $0x4A80;
	s23 =	rddreg [dreg:$0x15]  }
0x77: {  	[hbm4b:s23+s1] =	stream.linear.scatter [tilespmem:s24], [sflag:$0x3], $0x100, $0x38;
	[tilespmem:$0x4E80] =	vst v63  }
0x78: {  	_ =	swait.ge [sflag:s13], $0x100  }
0x79: {  	[sflag:s13] =	ssyncset.done $0x0  }
0x7a: {  	[sflag:s13] =	ssyncadd.s32 $0xFFFFFF00  }
0x7b: {  	_ =	swait.ge [sflag:s13], $0x400  }
0x7c: {  	[sflag:s13] =	ssyncset.done $0x0  }
0x7d: {  	[sflag:s13] =	ssyncadd.s32 $0xFFFFFC00  }
0x7e: {  	_ =	swait.ge [sflag:s13], $0x100  }
0x7f: {  	[sflag:s13] =	ssyncset.done $0x0  }
0x80: {  	s26 =	simm.s32 $0x2880;
	s25 =	rddreg [dreg:$0x17];
	[sflag:s13] =	ssyncadd.s32 $0xFFFFFF00  }
0x81: {  	[hbm4b:s25+s1] =	stream.linear.scatter [tilespmem:s26], [sflag:$0x3], $0x80, $0x38;
	[tilespmem:$0x4E80] =	vst v63  }
0x82: {  	s29 =	simm.s32 $0x3B80;
	s28 =	rddreg [dreg:$0x16]  }
0x83: {  	[hbm4b:s28+s1] =	stream.linear.scatter [tilespmem:s29], [sflag:$0x3], $0x200, $0x38;
	[tilespmem:$0x4E80] =	vst v63  }
0x84: {  	s31 =	simm.s32 $0x4B80;
	s30 =	rddreg [dreg:$0x18]  }
0x85: {  	[hbm4b:s30+s1] =	stream.linear.scatter [tilespmem:s31], [sflag:$0x3], $0x80, $0x38;
	[tilespmem:$0x4E80] =	vst v63  }
0x86: {  	_ =	swait.ge [sflag:s13], $0x80  }
0x87: {  	[sflag:s13] =	ssyncset.done $0x0  }
0x88: {  	[sflag:s13] =	ssyncadd.s32 $0xFFFFFF80  }
0x89: {  	_ =	swait.ge [sflag:s13], $0x200  }
0x8a: {  	[sflag:s13] =	ssyncset.done $0x0  }
0x8b: {  	[sflag:s13] =	ssyncadd.s32 $0xFFFFFE00  }
0x8c: {  	_ =	swait.ge [sflag:s13], $0x80  }
0x8d: {  	v0 =	vld [tilespmem:$0x1FFC0]  }
0x8e: {  	v2 =	vld [tilespmem:$0x1FFD0]  }
0x8f: {  	s5 =	simm.s32 $0x1D80;
	[sflag:s13] =	ssyncset.done $0x0;
	v3 =	vld [tilespmem:$0x1FFE0]  }
0x90: {  	s4 =	simm.s32 $0x1680;
	v5 =	vld [tilespmem:$0x1FFF0];
	s2 =	sld [smem:$0x7EF];
	[sflag:s13] =	ssyncadd.s32 $0xFFFFFF80  }
.LBB3_15:
0x91: {  	s1 =	sld [smem:$0x7FC];
	_ =	sdelay $0x1  }
0x92: {  	s2 =	sadd.s32 $0x1, s2  }
0x93: {  	p0 =	sne.s32 s2, s1  }
.Ltmp1:
0x94: {  	_ = 	snop;
	(pc) =	sbr.rel @!p0 .LBB3_16-.Ltmp1, $1  }
0x95: {  	_ =	sdelay $0x3  }
.LBB3_1:
0x96: {  	s26 =	sld [smem:$0x7F9];
	_ =	sdelay $0x1  }
0x97: {  	s1 =	simm.s32 $0x0;
	s28 =	rddreg [dreg:$0xe]  }
0x98: {  	[tilespmem:s1], [sflag:$0x2] =	stream.linear.gather [hbm4b:s26+s1], $0x1500, $0x38;
	[tilespmem:$0x4E80] =	vst v63  }
0x99: {  	s29 =	rddreg [dreg:$0xf]  }
0x9a: {  	[tilespmem:s0], [sflag:$0x1] =	stream.linear.gather [hbm4b:s28+s1], $0x100, $0x38;
	[tilespmem:$0x4E80] =	vst v63  }
0x9b: {  	s30 =	sld [smem:$0x7FA]  }
0x9c: {  	[tilespmem:s7], [sflag:$0x2] =	stream.linear.gather [hbm4b:s29+s1], $0x40, $0x38;
	[tilespmem:$0x4E80] =	vst v63  }
0x9d: {  	[smem:$0x7EF] =	sst s2;
	s31 =	simm.s32 $0x1  }
0x9e: {  	[tilespmem:s4], [sflag:$0x1] =	stream.linear.gather [hbm4b:s30+s1], $0x700, $0x38;
	[tilespmem:$0x4E80] =	vst v63  }
0x9f: {  	_ =	swait.ge [sflag:s31], $0x100  }
.Ltmp2:
0xa0: {  	[sflag:s31] =	ssyncset.done $0x0;
	(pc) =	sbr.rel @p3 .LBB3_4-.Ltmp2, $4  }
0xa1: {  	[sflag:s31] =	ssyncadd.s32 $0xFFFFFF00  }
0xa2: {  	_ =	swait.ge [sflag:s31], $0x700  }
0xa3: {  	[sflag:s31] =	ssyncset.done $0x0  }
0xa4: {  	s2 =	simm.s32 $0x0;
	[sflag:s31] =	ssyncadd.s32 $0xFFFFF900  }
.LBB3_2:
0xa5: {  	v8 =	vmov s2  }
0xa6: {  	v9 =	vshll.u32 v8, $0x2  }
0xa7: {  	v10 =	vor.u32 $0x1, v9  }
0xa8: {  	v11 =	vor.u32 $0x2, v9  }
0xa9: {  	v12 =	vor.u32 $0x3, v9;
	_ =	sdelay $0x1  }
0xaa: {  	v9 =	vld.idx.msk [tilespmem:v9+s0+$0x0], $0xffff  }
0xab: {  	v10 =	vld.idx.msk [tilespmem:v10+s0+$0x0], $0xffff  }
0xac: {  	v11 =	vld.idx.msk [tilespmem:v11+s0+$0x0], $0xffff  }
0xad: {  	v12 =	vld.idx.msk [tilespmem:v12+s0+$0x0], $0xffff;
	_ =	sdelay $0x4  }
0xae: {  	v13 =	vadd.f32 v11, v9;
	v14 =	vadd.f32 v12, v10;
	_ =	sdelay $0x1  }
0xaf: {  	v13 =	vmul.f32 v13, v4;
	v14 =	vmul.f32 v14, v4;
	_ =	sdelay $0x1  }
0xb0: {  	v15 =	vmul.f32 $1.250000000e-01, v13;
	v16 =	vmul.f32 $1.250000000e-01, v14;
	_ =	sdelay $0x1  }
0xb1: {  	v15 =	vtrunc.f32 v15;
	v16 =	vtrunc.f32 v16  }
0xb2: {  	v15 =	vcvt.f32.s32 v15;
	v16 =	vcvt.f32.s32 v16;
	_ =	sdelay $0x1  }
0xb3: {  	v15 =	vadd.s32 v6, v15;
	v16 =	vadd.s32 v7, v16  }
0xb4: {  	v17 =	vcvt.s32.f32 v15;
	v18 =	vcvt.s32.f32 v16;
	_ =	sdelay $0x1  }
0xb5: {  	v19 =	vmul.u32 $0x64, v16;
	v17 =	vadd.f32 $5.000000000e-01, v17;
	v18 =	vadd.f32 $5.000000000e-01, v18  }
0xb6: {  	v20 =	vadd.s32 v0, v15;
	vm0 =	vlt.u32 v15, $0x64;
	vm1 =	vlt.u32 v16, $0x64  }
0xb7: {  	v19 =	vadd.s32 v19, v20;
	v17 =	vmul.f32 $8.000000000e+00, v17;
	v18 =	vmul.f32 $8.000000000e+00, v18  }
0xb8: {  	vm0 =	vmand vm0, vm1;
	vm7 =	vlt.u32 v19, $0x700  }
0xb9: {  	vm0 =	vmand vm0, vm7;
	v9 =	vsub.f32 v17, v9;
	v10 =	vsub.f32 v18, v10  }
0xba: {  	v33 =	vnsel vm0, $0x0, v19;
	v11 =	vsub.f32 v11, v17;
	v12 =	vsub.f32 v12, v18  }
0xbb: {  	v13 =	vsub.f32 v17, v13;
	v14 =	vsub.f32 v18, v14  }
0xbc: {  	v34 =	vmax.f32 v9, v10  }
0xbd: {  	v35 =	vmax.f32 v11, v12;
	v13 =	vand.u32 $0x7FFFFFFF, v13;
	v14 =	vand.u32 $0x7FFFFFFF, v14  }
0xbe: {  	v16 =	vmax.f32 v34, v35;
	v13 =	vmax.f32 v13, v14  }
0xbf: {  	v36 =	vmin.f32 v9, v10;
	v17 =	vadd.f32 $1.000000000e+00, v16;
	v13 =	vsub.f32 $1.200000000e+01, v13;
	v37 =	vld.idx.msk [tilespmem:v33+s4+$0x0], $0xffff  }
0xc0: {  	v38 =	vmin.f32 v11, v12;
	v9 =	vadd.f32 v11, v9;
	v10 =	vadd.f32 v12, v10  }
0xc1: {  	v39 =	vmin.f32 v36, v38;
	v40 =	vmin.f32 v17, v13  }
0xc2: {  	v9 =	vmul.f32 v10, v9;
	v11 =	vmin.f32 v39, v40  }
0xc3: {  	vm2 =	vle.f32 v16, $6.400000000e+01;
	vm8 =	vgt.f32 v11, $0.0e+00  }
0xc4: {  	vm1 =	vmand vm2, vm8;
	vm9 =	vlt.f32 v9, v37  }
0xc5: {  	vm1 =	vmand vm9, vm1  }
0xc6: {  	vm0 =	vmand vm0, vm1  }
0xc7: {  	s1 =	sadd.s32 $0x1, s2  }
0xc8: {  	v41 =	vmov s1  }
0xc9: {  	v42 =	vshll.u32 v41, $0x2  }
0xca: {  	v43 =	vor.u32 $0x1, v42  }
0xcb: {  	v44 =	vor.u32 $0x2, v42  }
0xcc: {  	v45 =	vor.u32 $0x3, v42;
	[tilespmem:v33+s4+$0x0] =	vst.idx.msk vm0, v9  }
0xcd: {  	[tilespmem:v33+s5+$0x0] =	vst.idx.msk vm0, v8  }
0xce: {  	v8 =	vld.idx.msk [tilespmem:v42+s0+$0x0], $0xffff  }
0xcf: {  	v46 =	vld.idx.msk [tilespmem:v43+s0+$0x0], $0xffff  }
0xd0: {  	v47 =	vld.idx.msk [tilespmem:v44+s0+$0x0], $0xffff  }
0xd1: {  	v9 =	vld.idx.msk [tilespmem:v45+s0+$0x0], $0xffff;
	_ =	sdelay $0x4  }
0xd2: {  	v13 =	vadd.f32 v47, v8;
	v48 =	vadd.f32 v9, v46;
	_ =	sdelay $0x1  }
0xd3: {  	v13 =	vmul.f32 v13, v4;
	v14 =	vmul.f32 v48, v4;
	_ =	sdelay $0x1  }
0xd4: {  	v49 =	vmul.f32 $1.250000000e-01, v13;
	v50 =	vmul.f32 $1.250000000e-01, v14;
	_ =	sdelay $0x1  }
0xd5: {  	v15 =	vtrunc.f32 v49;
	v16 =	vtrunc.f32 v50  }
0xd6: {  	v15 =	vcvt.f32.s32 v15;
	v16 =	vcvt.f32.s32 v16;
	_ =	sdelay $0x1  }
0xd7: {  	v15 =	vadd.s32 v6, v15;
	v16 =	vadd.s32 v7, v16  }
0xd8: {  	v51 =	vcvt.s32.f32 v15;
	v52 =	vcvt.s32.f32 v16;
	_ =	sdelay $0x1  }
0xd9: {  	v53 =	vmul.u32 $0x64, v16;
	v17 =	vadd.f32 $5.000000000e-01, v51;
	v18 =	vadd.f32 $5.000000000e-01, v52  }
0xda: {  	v54 =	vadd.s32 v0, v15;
	vm10 =	vlt.u32 v15, $0x64;
	vm11 =	vlt.u32 v16, $0x64  }
0xdb: {  	v19 =	vadd.s32 v53, v54;
	v17 =	vmul.f32 $8.000000000e+00, v17;
	v18 =	vmul.f32 $8.000000000e+00, v18  }
0xdc: {  	vm0 =	vmand vm10, vm11;
	vm12 =	vlt.u32 v19, $0x700  }
0xdd: {  	vm0 =	vmand vm0, vm12;
	v8 =	vsub.f32 v17, v8;
	v11 =	vsub.f32 v18, v46  }
0xde: {  	v55 =	vnsel vm0, $0x0, v19;
	v12 =	vsub.f32 v47, v17;
	v9 =	vsub.f32 v9, v18  }
0xdf: {  	v13 =	vsub.f32 v17, v13;
	v14 =	vsub.f32 v18, v14  }
0xe0: {  	v56 =	vmax.f32 v8, v11  }
0xe1: {  	v57 =	vmax.f32 v12, v9;
	v13 =	vand.u32 $0x7FFFFFFF, v13;
	v14 =	vand.u32 $0x7FFFFFFF, v14  }
0xe2: {  	v16 =	vmax.f32 v56, v57;
	v13 =	vmax.f32 v13, v14  }
0xe3: {  	v58 =	vmin.f32 v8, v11;
	v17 =	vadd.f32 $1.000000000e+00, v16;
	v13 =	vsub.f32 $1.200000000e+01, v13;
	v59 =	vld.idx.msk [tilespmem:v55+s4+$0x0], $0xffff  }
0xe4: {  	v60 =	vmin.f32 v12, v9;
	v8 =	vadd.f32 v12, v8;
	v9 =	vadd.f32 v9, v11  }
0xe5: {  	v61 =	vmin.f32 v58, v60;
	v62 =	vmin.f32 v17, v13  }
0xe6: {  	v8 =	vmul.f32 v9, v8;
	v11 =	vmin.f32 v61, v62  }
0xe7: {  	vm14 =	vle.f32 v16, $6.400000000e+01;
	vm13 =	vgt.f32 v11, $0.0e+00  }
0xe8: {  	vm1 =	vmand vm14, vm13;
	vm15 =	vlt.f32 v8, v59  }
0xe9: {  	vm1 =	vmand vm15, vm1  }
0xea: {  	vm0 =	vmand vm0, vm1  }
0xeb: {  	s30 =	sadd.s32 $0x2, s2  }
0xec: {  	v63 =	vmov s30  }
0xed: {  	v23 =	vshll.u32 v63, $0x2  }
0xee: {  	v24 =	vor.u32 $0x1, v23  }
0xef: {  	v25 =	vor.u32 $0x2, v23  }
0xf0: {  	[tilespmem:v55+s4+$0x0] =	vst.idx.msk vm0, v8;
	v8 =	vor.u32 $0x3, v23  }
0xf1: {  	[tilespmem:v55+s5+$0x0] =	vst.idx.msk vm0, v41  }
0xf2: {  	v10 =	vld.idx.msk [tilespmem:v23+s0+$0x0], $0xffff  }
0xf3: {  	v26 =	vld.idx.msk [tilespmem:v24+s0+$0x0], $0xffff  }
0xf4: {  	v27 =	vld.idx.msk [tilespmem:v25+s0+$0x0], $0xffff  }
0xf5: {  	v8 =	vld.idx.msk [tilespmem:v8+s0+$0x0], $0xffff;
	_ =	sdelay $0x3  }
0xf6: {  	v13 =	vadd.f32 v27, v10  }
0xf7: {  	v28 =	vadd.f32 v8, v26  }
0xf8: {  	v13 =	vmul.f32 v13, v4  }
0xf9: {  	v14 =	vmul.f32 v28, v4  }
0xfa: {  	v29 =	vmul.f32 $1.250000000e-01, v13  }
0xfb: {  	v30 =	vmul.f32 $1.250000000e-01, v14  }
0xfc: {  	v15 =	vtrunc.f32 v29  }
0xfd: {  	v15 =	vcvt.f32.s32 v15;
	v16 =	vtrunc.f32 v30  }
0xfe: {  	v16 =	vcvt.f32.s32 v16  }
0xff: {  	v15 =	vadd.s32 v6, v15  }
0x100: {  	v31 =	vcvt.s32.f32 v15;
	v16 =	vadd.s32 v7, v16  }
0x101: {  	v32 =	vcvt.s32.f32 v16  }
0x102: {  	v17 =	vadd.f32 $5.000000000e-01, v31;
	v33 =	vmul.u32 $0x64, v16  }
0x103: {  	v34 =	vadd.s32 v0, v15;
	vm4 =	vlt.u32 v15, $0x64;
	v18 =	vadd.f32 $5.000000000e-01, v32  }
0x104: {  	vm5 =	vlt.u32 v16, $0x64;
	v17 =	vmul.f32 $8.000000000e+00, v17;
	v19 =	vadd.s32 v33, v34  }
0x105: {  	vm0 =	vmand vm4, vm5;
	vm6 =	vlt.u32 v19, $0x700;
	v18 =	vmul.f32 $8.000000000e+00, v18  }
0x106: {  	v10 =	vsub.f32 v17, v10;
	v12 =	vsub.f32 v27, v17;
	vm0 =	vmand vm0, vm6  }
0x107: {  	v13 =	vsub.f32 v17, v13;
	v35 =	vnsel vm0, $0x0, v19;
	v11 =	vsub.f32 v18, v26  }
0x108: {  	v8 =	vsub.f32 v8, v18;
	v14 =	vsub.f32 v18, v14  }
0x109: {  	v13 =	vand.u32 $0x7FFFFFFF, v13  }
0x10a: {  	v36 =	vmax.f32 v10, v11;
	v37 =	vmax.f32 v12, v8;
	v14 =	vand.u32 $0x7FFFFFFF, v14  }
0x10b: {  	v16 =	vmax.f32 v36, v37;
	v13 =	vmax.f32 v13, v14  }
0x10c: {  	v38 =	vmin.f32 v10, v11;
	v17 =	vadd.f32 $1.000000000e+00, v16;
	v13 =	vsub.f32 $1.200000000e+01, v13;
	v39 =	vld.idx.msk [tilespmem:v35+s4+$0x0], $0xffff  }
0x10d: {  	v40 =	vmin.f32 v12, v8;
	v10 =	vadd.f32 v12, v10;
	v8 =	vadd.f32 v8, v11  }
0x10e: {  	v41 =	vmin.f32 v38, v40;
	v42 =	vmin.f32 v17, v13  }
0x10f: {  	v8 =	vmul.f32 v8, v10;
	v11 =	vmin.f32 v41, v42  }
0x110: {  	vm8 =	vle.f32 v16, $6.400000000e+01;
	vm7 =	vgt.f32 v11, $0.0e+00  }
0x111: {  	vm1 =	vmand vm8, vm7;
	vm9 =	vlt.f32 v8, v39  }
0x112: {  	vm1 =	vmand vm9, vm1  }
0x113: {  	vm0 =	vmand vm0, vm1  }
0x114: {  	s31 =	sadd.s32 $0x3, s2  }
0x115: {  	v43 =	vmov s31  }
0x116: {  	v44 =	vshll.u32 v43, $0x2  }
0x117: {  	v45 =	vor.u32 $0x1, v44  }
0x118: {  	v46 =	vor.u32 $0x2, v44  }
0x119: {  	[tilespmem:v35+s4+$0x0] =	vst.idx.msk vm0, v8;
	v8 =	vor.u32 $0x3, v44  }
0x11a: {  	[tilespmem:v35+s5+$0x0] =	vst.idx.msk vm0, v63  }
0x11b: {  	v9 =	vld.idx.msk [tilespmem:v44+s0+$0x0], $0xffff  }
0x11c: {  	v47 =	vld.idx.msk [tilespmem:v45+s0+$0x0], $0xffff  }
0x11d: {  	v48 =	vld.idx.msk [tilespmem:v46+s0+$0x0], $0xffff  }
0x11e: {  	v8 =	vld.idx.msk [tilespmem:v8+s0+$0x0], $0xffff;
	_ =	sdelay $0x3  }
0x11f: {  	v13 =	vadd.f32 v48, v9  }
0x120: {  	v49 =	vadd.f32 v8, v47  }
0x121: {  	v13 =	vmul.f32 v13, v4  }
0x122: {  	v14 =	vmul.f32 v49, v4  }
0x123: {  	v50 =	vmul.f32 $1.250000000e-01, v13  }
0x124: {  	v51 =	vmul.f32 $1.250000000e-01, v14  }
0x125: {  	v15 =	vtrunc.f32 v50  }
0x126: {  	v15 =	vcvt.f32.s32 v15;
	v16 =	vtrunc.f32 v51  }
0x127: {  	v16 =	vcvt.f32.s32 v16  }
0x128: {  	v15 =	vadd.s32 v6, v15  }
0x129: {  	v52 =	vcvt.s32.f32 v15;
	v16 =	vadd.s32 v7, v16  }
0x12a: {  	v53 =	vcvt.s32.f32 v16  }
0x12b: {  	v17 =	vadd.f32 $5.000000000e-01, v52;
	v54 =	vmul.u32 $0x64, v16  }
0x12c: {  	v55 =	vadd.s32 v0, v15;
	vm10 =	vlt.u32 v15, $0x64;
	v18 =	vadd.f32 $5.000000000e-01, v53  }
0x12d: {  	vm11 =	vlt.u32 v16, $0x64;
	v17 =	vmul.f32 $8.000000000e+00, v17;
	v19 =	vadd.s32 v54, v55  }
0x12e: {  	vm0 =	vmand vm10, vm11;
	vm12 =	vlt.u32 v19, $0x700;
	v18 =	vmul.f32 $8.000000000e+00, v18  }
0x12f: {  	v9 =	vsub.f32 v17, v9;
	v12 =	vsub.f32 v48, v17;
	vm0 =	vmand vm0, vm12  }
0x130: {  	v13 =	vsub.f32 v17, v13;
	v56 =	vnsel vm0, $0x0, v19;
	v11 =	vsub.f32 v18, v47  }
0x131: {  	v8 =	vsub.f32 v8, v18;
	v14 =	vsub.f32 v18, v14  }
0x132: {  	v13 =	vand.u32 $0x7FFFFFFF, v13  }
0x133: {  	v57 =	vmax.f32 v9, v11;
	v58 =	vmax.f32 v12, v8;
	v14 =	vand.u32 $0x7FFFFFFF, v14  }
0x134: {  	v16 =	vmax.f32 v57, v58;
	v13 =	vmax.f32 v13, v14  }
0x135: {  	v59 =	vmin.f32 v9, v11;
	v17 =	vadd.f32 $1.000000000e+00, v16;
	v13 =	vsub.f32 $1.200000000e+01, v13;
	v60 =	vld.idx.msk [tilespmem:v56+s4+$0x0], $0xffff  }
0x136: {  	v61 =	vmin.f32 v12, v8;
	v9 =	vadd.f32 v12, v9;
	v8 =	vadd.f32 v8, v11  }
0x137: {  	v62 =	vmin.f32 v59, v61;
	v63 =	vmin.f32 v17, v13  }
0x138: {  	v8 =	vmul.f32 v8, v9;
	v11 =	vmin.f32 v62, v63  }
0x139: {  	vm14 =	vle.f32 v16, $6.400000000e+01;
	vm13 =	vgt.f32 v11, $0.0e+00  }
0x13a: {  	vm1 =	vmand vm14, vm13;
	vm15 =	vlt.f32 v8, v60  }
0x13b: {  	vm1 =	vmand vm15, vm1  }
0x13c: {  	vm0 =	vmand vm0, vm1;
	_ =	sdelay $0x1  }
0x13d: {  	p0 =	slt.u32 s2, $0x3C  }
.Ltmp3:
0x13e: {  	_ = 	snop;
	(pc) =	sbr.rel @p0 .LBB3_2-.Ltmp3, $3  }
0x13f: {  	_ =	sdelay $0x1  }
0x140: {  	[tilespmem:v56+s4+$0x0] =	vst.idx.msk vm0, v8  }
0x141: {  	s2 =	sadd.s32 $0x4, s2;
	[tilespmem:v56+s5+$0x0] =	vst.idx.msk vm0, v43  }
0x142: {  	s1 =	sld [smem:$0x7FD];
	_ =	sdelay $0x2  }
0x143: {  	p0 =	seq.s32 s1, $0x1  }
.Ltmp4:
0x144: {  	_ = 	snop;
	(pc) =	sbr.rel @p0 .LBB3_6-.Ltmp4, $1  }
0x145: {  	_ =	sdelay $0x3  }
.LBB3_4:
0x146: {  	s2 =	simm.s32 $0x0  }
.LBB3_5:
0x147: {  	v8 =	vmov s2  }
0x148: {  	v9 =	vshll.u32 v8, $0x2  }
0x149: {  	v10 =	vor.u32 $0x1, v9  }
0x14a: {  	v11 =	vor.u32 $0x2, v9  }
0x14b: {  	v12 =	vor.u32 $0x3, v9;
	_ =	sdelay $0x1  }
0x14c: {  	v9 =	vld.idx.msk [tilespmem:v9+s0+$0x0], $0xffff  }
0x14d: {  	v10 =	vld.idx.msk [tilespmem:v10+s0+$0x0], $0xffff  }
0x14e: {  	v11 =	vld.idx.msk [tilespmem:v11+s0+$0x0], $0xffff  }
0x14f: {  	v12 =	vld.idx.msk [tilespmem:v12+s0+$0x0], $0xffff;
	_ =	sdelay $0x4  }
0x150: {  	v13 =	vadd.f32 v11, v9;
	v14 =	vadd.f32 v12, v10;
	_ =	sdelay $0x1  }
0x151: {  	v13 =	vmul.f32 v13, v4;
	v14 =	vmul.f32 v14, v4;
	_ =	sdelay $0x1  }
0x152: {  	v15 =	vmul.f32 $6.250000000e-02, v13;
	v16 =	vmul.f32 $6.250000000e-02, v14;
	_ =	sdelay $0x1  }
0x153: {  	v15 =	vtrunc.f32 v15;
	v16 =	vtrunc.f32 v16  }
0x154: {  	v15 =	vcvt.f32.s32 v15;
	v16 =	vcvt.f32.s32 v16;
	_ =	sdelay $0x1  }
0x155: {  	v15 =	vadd.s32 v6, v15;
	v16 =	vadd.s32 v7, v16  }
0x156: {  	v17 =	vcvt.s32.f32 v15;
	v18 =	vcvt.s32.f32 v16;
	_ =	sdelay $0x1  }
0x157: {  	v19 =	vmul.u32 $0x32, v16;
	v17 =	vadd.f32 $5.000000000e-01, v17;
	v18 =	vadd.f32 $5.000000000e-01, v18  }
0x158: {  	v20 =	vadd.s32 v15, v1;
	vm0 =	vlt.u32 v15, $0x32;
	vm1 =	vlt.u32 v16, $0x32  }
0x159: {  	v19 =	vadd.s32 v19, v20;
	v17 =	vmul.f32 $1.600000000e+01, v17;
	v18 =	vmul.f32 $1.600000000e+01, v18  }
0x15a: {  	vm0 =	vmand vm0, vm1;
	vm7 =	vlt.u32 v19, $0x700  }
0x15b: {  	vm0 =	vmand vm0, vm7;
	v9 =	vsub.f32 v17, v9;
	v10 =	vsub.f32 v18, v10  }
0x15c: {  	v33 =	vnsel vm0, $0x0, v19;
	v11 =	vsub.f32 v11, v17;
	v12 =	vsub.f32 v12, v18  }
0x15d: {  	v13 =	vsub.f32 v17, v13;
	v14 =	vsub.f32 v18, v14  }
0x15e: {  	v34 =	vmax.f32 v9, v10  }
0x15f: {  	v35 =	vmax.f32 v11, v12;
	v13 =	vand.u32 $0x7FFFFFFF, v13;
	v14 =	vand.u32 $0x7FFFFFFF, v14  }
0x160: {  	v16 =	vmax.f32 v34, v35;
	v13 =	vmax.f32 v13, v14  }
0x161: {  	v36 =	vmin.f32 v9, v10;
	v17 =	vadd.f32 $-6.400000000e+01, v16;
	v13 =	vsub.f32 $2.400000000e+01, v13;
	v37 =	vld.idx.msk [tilespmem:v33+s4+$0x0], $0xffff  }
0x162: {  	v38 =	vmin.f32 v11, v12;
	v9 =	vadd.f32 v11, v9;
	v10 =	vadd.f32 v12, v10  }
0x163: {  	v39 =	vmin.f32 v36, v38;
	v40 =	vmin.f32 v17, v13  }
0x164: {  	v9 =	vmul.f32 v10, v9;
	v11 =	vmin.f32 v39, v40  }
0x165: {  	vm2 =	vle.f32 v16, $1.280000000e+02;
	vm8 =	vgt.f32 v11, $0.0e+00  }
0x166: {  	vm1 =	vmand vm2, vm8;
	vm9 =	vlt.f32 v9, v37  }
0x167: {  	vm1 =	vmand vm9, vm1  }
0x168: {  	vm0 =	vmand vm0, vm1  }
0x169: {  	s1 =	sadd.s32 $0x1, s2  }
0x16a: {  	v41 =	vmov s1  }
0x16b: {  	v42 =	vshll.u32 v41, $0x2  }
0x16c: {  	v43 =	vor.u32 $0x1, v42  }
0x16d: {  	v44 =	vor.u32 $0x2, v42  }
0x16e: {  	v45 =	vor.u32 $0x3, v42;
	[tilespmem:v33+s4+$0x0] =	vst.idx.msk vm0, v9  }
0x16f: {  	[tilespmem:v33+s5+$0x0] =	vst.idx.msk vm0, v8  }
0x170: {  	v8 =	vld.idx.msk [tilespmem:v42+s0+$0x0], $0xffff  }
0x171: {  	v46 =	vld.idx.msk [tilespmem:v43+s0+$0x0], $0xffff  }
0x172: {  	v47 =	vld.idx.msk [tilespmem:v44+s0+$0x0], $0xffff  }
0x173: {  	v9 =	vld.idx.msk [tilespmem:v45+s0+$0x0], $0xffff;
	_ =	sdelay $0x4  }
0x174: {  	v13 =	vadd.f32 v47, v8;
	v48 =	vadd.f32 v9, v46;
	_ =	sdelay $0x1  }
0x175: {  	v13 =	vmul.f32 v13, v4;
	v14 =	vmul.f32 v48, v4;
	_ =	sdelay $0x1  }
0x176: {  	v49 =	vmul.f32 $6.250000000e-02, v13;
	v50 =	vmul.f32 $6.250000000e-02, v14;
	_ =	sdelay $0x1  }
0x177: {  	v15 =	vtrunc.f32 v49;
	v16 =	vtrunc.f32 v50  }
0x178: {  	v15 =	vcvt.f32.s32 v15;
	v16 =	vcvt.f32.s32 v16;
	_ =	sdelay $0x1  }
0x179: {  	v15 =	vadd.s32 v6, v15;
	v16 =	vadd.s32 v7, v16  }
0x17a: {  	v51 =	vcvt.s32.f32 v15;
	v52 =	vcvt.s32.f32 v16;
	_ =	sdelay $0x1  }
0x17b: {  	v53 =	vmul.u32 $0x32, v16;
	v17 =	vadd.f32 $5.000000000e-01, v51;
	v18 =	vadd.f32 $5.000000000e-01, v52  }
0x17c: {  	v54 =	vadd.s32 v15, v1;
	vm10 =	vlt.u32 v15, $0x32;
	vm11 =	vlt.u32 v16, $0x32  }
0x17d: {  	v19 =	vadd.s32 v53, v54;
	v17 =	vmul.f32 $1.600000000e+01, v17;
	v18 =	vmul.f32 $1.600000000e+01, v18  }
0x17e: {  	vm0 =	vmand vm10, vm11;
	vm12 =	vlt.u32 v19, $0x700  }
0x17f: {  	vm0 =	vmand vm0, vm12;
	v8 =	vsub.f32 v17, v8;
	v11 =	vsub.f32 v18, v46  }
0x180: {  	v55 =	vnsel vm0, $0x0, v19;
	v12 =	vsub.f32 v47, v17;
	v9 =	vsub.f32 v9, v18  }
0x181: {  	v13 =	vsub.f32 v17, v13;
	v14 =	vsub.f32 v18, v14  }
0x182: {  	v56 =	vmax.f32 v8, v11  }
0x183: {  	v57 =	vmax.f32 v12, v9;
	v13 =	vand.u32 $0x7FFFFFFF, v13;
	v14 =	vand.u32 $0x7FFFFFFF, v14  }
0x184: {  	v16 =	vmax.f32 v56, v57;
	v13 =	vmax.f32 v13, v14  }
0x185: {  	v58 =	vmin.f32 v8, v11;
	v17 =	vadd.f32 $-6.400000000e+01, v16;
	v13 =	vsub.f32 $2.400000000e+01, v13;
	v59 =	vld.idx.msk [tilespmem:v55+s4+$0x0], $0xffff  }
0x186: {  	v60 =	vmin.f32 v12, v9;
	v8 =	vadd.f32 v12, v8;
	v9 =	vadd.f32 v9, v11  }
0x187: {  	v61 =	vmin.f32 v58, v60;
	v62 =	vmin.f32 v17, v13  }
0x188: {  	v8 =	vmul.f32 v9, v8;
	v11 =	vmin.f32 v61, v62  }
0x189: {  	vm14 =	vle.f32 v16, $1.280000000e+02;
	vm13 =	vgt.f32 v11, $0.0e+00  }
0x18a: {  	vm1 =	vmand vm14, vm13;
	vm15 =	vlt.f32 v8, v59  }
0x18b: {  	vm1 =	vmand vm15, vm1  }
0x18c: {  	vm0 =	vmand vm0, vm1  }
0x18d: {  	s30 =	sadd.s32 $0x2, s2  }
0x18e: {  	v63 =	vmov s30  }
0x18f: {  	v23 =	vshll.u32 v63, $0x2  }
0x190: {  	v24 =	vor.u32 $0x1, v23  }
0x191: {  	v25 =	vor.u32 $0x2, v23  }
0x192: {  	[tilespmem:v55+s4+$0x0] =	vst.idx.msk vm0, v8;
	v8 =	vor.u32 $0x3, v23  }
0x193: {  	[tilespmem:v55+s5+$0x0] =	vst.idx.msk vm0, v41  }
0x194: {  	v10 =	vld.idx.msk [tilespmem:v23+s0+$0x0], $0xffff  }
0x195: {  	v26 =	vld.idx.msk [tilespmem:v24+s0+$0x0], $0xffff  }
0x196: {  	v27 =	vld.idx.msk [tilespmem:v25+s0+$0x0], $0xffff  }
0x197: {  	v8 =	vld.idx.msk [tilespmem:v8+s0+$0x0], $0xffff;
	_ =	sdelay $0x3  }
0x198: {  	v13 =	vadd.f32 v27, v10  }
0x199: {  	v28 =	vadd.f32 v8, v26  }
0x19a: {  	v13 =	vmul.f32 v13, v4  }
0x19b: {  	v14 =	vmul.f32 v28, v4  }
0x19c: {  	v29 =	vmul.f32 $6.250000000e-02, v13  }
0x19d: {  	v30 =	vmul.f32 $6.250000000e-02, v14  }
0x19e: {  	v15 =	vtrunc.f32 v29  }
0x19f: {  	v15 =	vcvt.f32.s32 v15;
	v16 =	vtrunc.f32 v30  }
0x1a0: {  	v16 =	vcvt.f32.s32 v16  }
0x1a1: {  	v15 =	vadd.s32 v6, v15  }
0x1a2: {  	v31 =	vcvt.s32.f32 v15;
	v16 =	vadd.s32 v7, v16  }
0x1a3: {  	v32 =	vcvt.s32.f32 v16  }
0x1a4: {  	v17 =	vadd.f32 $5.000000000e-01, v31;
	v33 =	vmul.u32 $0x32, v16  }
0x1a5: {  	v34 =	vadd.s32 v15, v1;
	vm4 =	vlt.u32 v15, $0x32;
	v18 =	vadd.f32 $5.000000000e-01, v32  }
0x1a6: {  	vm5 =	vlt.u32 v16, $0x32;
	v17 =	vmul.f32 $1.600000000e+01, v17;
	v19 =	vadd.s32 v33, v34  }
0x1a7: {  	vm0 =	vmand vm4, vm5;
	vm6 =	vlt.u32 v19, $0x700;
	v18 =	vmul.f32 $1.600000000e+01, v18  }
0x1a8: {  	v10 =	vsub.f32 v17, v10;
	v12 =	vsub.f32 v27, v17;
	vm0 =	vmand vm0, vm6  }
0x1a9: {  	v13 =	vsub.f32 v17, v13;
	v35 =	vnsel vm0, $0x0, v19;
	v11 =	vsub.f32 v18, v26  }
0x1aa: {  	v8 =	vsub.f32 v8, v18;
	v14 =	vsub.f32 v18, v14  }
0x1ab: {  	v13 =	vand.u32 $0x7FFFFFFF, v13  }
0x1ac: {  	v36 =	vmax.f32 v10, v11;
	v37 =	vmax.f32 v12, v8;
	v14 =	vand.u32 $0x7FFFFFFF, v14  }
0x1ad: {  	v16 =	vmax.f32 v36, v37;
	v13 =	vmax.f32 v13, v14  }
0x1ae: {  	v38 =	vmin.f32 v10, v11;
	v17 =	vadd.f32 $-6.400000000e+01, v16;
	v13 =	vsub.f32 $2.400000000e+01, v13;
	v39 =	vld.idx.msk [tilespmem:v35+s4+$0x0], $0xffff  }
0x1af: {  	v40 =	vmin.f32 v12, v8;
	v10 =	vadd.f32 v12, v10;
	v8 =	vadd.f32 v8, v11  }
0x1b0: {  	v41 =	vmin.f32 v38, v40;
	v42 =	vmin.f32 v17, v13  }
0x1b1: {  	v8 =	vmul.f32 v8, v10;
	v11 =	vmin.f32 v41, v42  }
0x1b2: {  	vm8 =	vle.f32 v16, $1.280000000e+02;
	vm7 =	vgt.f32 v11, $0.0e+00  }
0x1b3: {  	vm1 =	vmand vm8, vm7;
	vm9 =	vlt.f32 v8, v39  }
0x1b4: {  	vm1 =	vmand vm9, vm1  }
0x1b5: {  	vm0 =	vmand vm0, vm1  }
0x1b6: {  	s31 =	sadd.s32 $0x3, s2  }
0x1b7: {  	v43 =	vmov s31  }
0x1b8: {  	v44 =	vshll.u32 v43, $0x2  }
0x1b9: {  	v45 =	vor.u32 $0x1, v44  }
0x1ba: {  	v46 =	vor.u32 $0x2, v44  }
0x1bb: {  	[tilespmem:v35+s4+$0x0] =	vst.idx.msk vm0, v8;
	v8 =	vor.u32 $0x3, v44  }
0x1bc: {  	[tilespmem:v35+s5+$0x0] =	vst.idx.msk vm0, v63  }
0x1bd: {  	v9 =	vld.idx.msk [tilespmem:v44+s0+$0x0], $0xffff  }
0x1be: {  	v47 =	vld.idx.msk [tilespmem:v45+s0+$0x0], $0xffff  }
0x1bf: {  	v48 =	vld.idx.msk [tilespmem:v46+s0+$0x0], $0xffff  }
0x1c0: {  	v8 =	vld.idx.msk [tilespmem:v8+s0+$0x0], $0xffff;
	_ =	sdelay $0x3  }
0x1c1: {  	v13 =	vadd.f32 v48, v9  }
0x1c2: {  	v49 =	vadd.f32 v8, v47  }
0x1c3: {  	v13 =	vmul.f32 v13, v4  }
0x1c4: {  	v14 =	vmul.f32 v49, v4  }
0x1c5: {  	v50 =	vmul.f32 $6.250000000e-02, v13  }
0x1c6: {  	v51 =	vmul.f32 $6.250000000e-02, v14  }
0x1c7: {  	v15 =	vtrunc.f32 v50  }
0x1c8: {  	v15 =	vcvt.f32.s32 v15;
	v16 =	vtrunc.f32 v51  }
0x1c9: {  	v16 =	vcvt.f32.s32 v16  }
0x1ca: {  	v15 =	vadd.s32 v6, v15  }
0x1cb: {  	v52 =	vcvt.s32.f32 v15;
	v16 =	vadd.s32 v7, v16  }
0x1cc: {  	v53 =	vcvt.s32.f32 v16  }
0x1cd: {  	v17 =	vadd.f32 $5.000000000e-01, v52;
	v54 =	vmul.u32 $0x32, v16  }
0x1ce: {  	v55 =	vadd.s32 v15, v1;
	vm10 =	vlt.u32 v15, $0x32;
	v18 =	vadd.f32 $5.000000000e-01, v53  }
0x1cf: {  	vm11 =	vlt.u32 v16, $0x32;
	v17 =	vmul.f32 $1.600000000e+01, v17;
	v19 =	vadd.s32 v54, v55  }
0x1d0: {  	vm0 =	vmand vm10, vm11;
	vm12 =	vlt.u32 v19, $0x700;
	v18 =	vmul.f32 $1.600000000e+01, v18  }
0x1d1: {  	v9 =	vsub.f32 v17, v9;
	v12 =	vsub.f32 v48, v17;
	vm0 =	vmand vm0, vm12  }
0x1d2: {  	v13 =	vsub.f32 v17, v13;
	v56 =	vnsel vm0, $0x0, v19;
	v11 =	vsub.f32 v18, v47  }
0x1d3: {  	v8 =	vsub.f32 v8, v18;
	v14 =	vsub.f32 v18, v14  }
0x1d4: {  	v13 =	vand.u32 $0x7FFFFFFF, v13  }
0x1d5: {  	v57 =	vmax.f32 v9, v11;
	v58 =	vmax.f32 v12, v8;
	v14 =	vand.u32 $0x7FFFFFFF, v14  }
0x1d6: {  	v16 =	vmax.f32 v57, v58;
	v13 =	vmax.f32 v13, v14  }
0x1d7: {  	v59 =	vmin.f32 v9, v11;
	v17 =	vadd.f32 $-6.400000000e+01, v16;
	v13 =	vsub.f32 $2.400000000e+01, v13;
	v60 =	vld.idx.msk [tilespmem:v56+s4+$0x0], $0xffff  }
0x1d8: {  	v61 =	vmin.f32 v12, v8;
	v9 =	vadd.f32 v12, v9;
	v8 =	vadd.f32 v8, v11  }
0x1d9: {  	v62 =	vmin.f32 v59, v61;
	v63 =	vmin.f32 v17, v13  }
0x1da: {  	v8 =	vmul.f32 v8, v9;
	v11 =	vmin.f32 v62, v63  }
0x1db: {  	vm14 =	vle.f32 v16, $1.280000000e+02;
	vm13 =	vgt.f32 v11, $0.0e+00  }
0x1dc: {  	vm1 =	vmand vm14, vm13;
	vm15 =	vlt.f32 v8, v60  }
0x1dd: {  	vm1 =	vmand vm15, vm1  }
0x1de: {  	vm0 =	vmand vm0, vm1;
	_ =	sdelay $0x1  }
0x1df: {  	p0 =	slt.u32 s2, $0x3C  }
.Ltmp5:
0x1e0: {  	_ = 	snop;
	(pc) =	sbr.rel @p0 .LBB3_5-.Ltmp5, $3  }
0x1e1: {  	_ =	sdelay $0x1  }
0x1e2: {  	[tilespmem:v56+s4+$0x0] =	vst.idx.msk vm0, v8  }
0x1e3: {  	s2 =	sadd.s32 $0x4, s2;
	[tilespmem:v56+s5+$0x0] =	vst.idx.msk vm0, v43  }
.LBB3_6:
0x1e4: {  	s1 =	sld [smem:$0x7F8];
	_ =	sdelay $0x2  }
0x1e5: {  	p0 =	seq.s32 s1, $0x1  }
.Ltmp6:
0x1e6: {  	_ = 	snop;
	(pc) =	sbr.rel @p0 .LBB3_10-.Ltmp6, $2  }
0x1e7: {  	_ =	sdelay $0x2  }
0x1e8: {  	s2 =	simm.s32 $0x0;
	s3 =	simm.s32 $0x0  }
.LBB3_7:
0x1e9: {  	v8 =	vmov s3  }
0x1ea: {  	v9 =	vshll.u32 v8, $0x2  }
0x1eb: {  	v10 =	vor.u32 $0x1, v9  }
0x1ec: {  	v11 =	vor.u32 $0x2, v9  }
0x1ed: {  	v12 =	vor.u32 $0x3, v9;
	_ =	sdelay $0x1  }
0x1ee: {  	v9 =	vld.idx.msk [tilespmem:v9+s0+$0x0], $0xffff  }
0x1ef: {  	v10 =	vld.idx.msk [tilespmem:v10+s0+$0x0], $0xffff  }
0x1f0: {  	v11 =	vld.idx.msk [tilespmem:v11+s0+$0x0], $0xffff  }
0x1f1: {  	v12 =	vld.idx.msk [tilespmem:v12+s0+$0x0], $0xffff;
	_ =	sdelay $0x4  }
0x1f2: {  	v13 =	vadd.f32 v11, v9;
	v14 =	vadd.f32 v12, v10;
	_ =	sdelay $0x1  }
0x1f3: {  	v13 =	vmul.f32 v13, v4;
	v14 =	vmul.f32 v14, v4;
	_ =	sdelay $0x1  }
0x1f4: {  	v15 =	vmul.f32 $3.125000000e-02, v13;
	v16 =	vmul.f32 $3.125000000e-02, v14;
	_ =	sdelay $0x1  }
0x1f5: {  	v15 =	vtrunc.f32 v15;
	v16 =	vtrunc.f32 v16  }
0x1f6: {  	v15 =	vcvt.f32.s32 v15;
	v16 =	vcvt.f32.s32 v16;
	_ =	sdelay $0x1  }
0x1f7: {  	v15 =	vadd.s32 v6, v15;
	v16 =	vadd.s32 v7, v16  }
0x1f8: {  	v17 =	vcvt.s32.f32 v15;
	v18 =	vcvt.s32.f32 v16;
	_ =	sdelay $0x1  }
0x1f9: {  	v19 =	vmul.u32 $0x19, v16;
	v17 =	vadd.f32 $5.000000000e-01, v17;
	v18 =	vadd.f32 $5.000000000e-01, v18  }
0x1fa: {  	v20 =	vadd.s32 v15, v2;
	vm0 =	vlt.u32 v15, $0x19;
	vm1 =	vlt.u32 v16, $0x19  }
0x1fb: {  	v19 =	vadd.s32 v19, v20;
	v17 =	vmul.f32 $3.200000000e+01, v17;
	v18 =	vmul.f32 $3.200000000e+01, v18  }
0x1fc: {  	vm0 =	vmand vm0, vm1;
	vm7 =	vlt.u32 v19, $0x700  }
0x1fd: {  	vm0 =	vmand vm0, vm7;
	v9 =	vsub.f32 v17, v9;
	v10 =	vsub.f32 v18, v10  }
0x1fe: {  	v33 =	vnsel vm0, $0x0, v19;
	v11 =	vsub.f32 v11, v17;
	v12 =	vsub.f32 v12, v18  }
0x1ff: {  	v13 =	vsub.f32 v17, v13;
	v14 =	vsub.f32 v18, v14  }
0x200: {  	v34 =	vmax.f32 v9, v10  }
0x201: {  	v35 =	vmax.f32 v11, v12;
	v13 =	vand.u32 $0x7FFFFFFF, v13;
	v14 =	vand.u32 $0x7FFFFFFF, v14  }
0x202: {  	v16 =	vmax.f32 v34, v35;
	v13 =	vmax.f32 v13, v14  }
0x203: {  	v36 =	vmin.f32 v9, v10;
	v17 =	vadd.f32 $-1.280000000e+02, v16;
	v13 =	vsub.f32 $4.800000000e+01, v13;
	v37 =	vld.idx.msk [tilespmem:v33+s4+$0x0], $0xffff  }
0x204: {  	v38 =	vmin.f32 v11, v12;
	v9 =	vadd.f32 v11, v9;
	v10 =	vadd.f32 v12, v10  }
0x205: {  	v39 =	vmin.f32 v36, v38;
	v40 =	vmin.f32 v17, v13  }
0x206: {  	v9 =	vmul.f32 v10, v9;
	v11 =	vmin.f32 v39, v40  }
0x207: {  	vm2 =	vle.f32 v16, $2.560000000e+02;
	vm8 =	vgt.f32 v11, $0.0e+00  }
0x208: {  	vm1 =	vmand vm2, vm8;
	vm9 =	vlt.f32 v9, v37  }
0x209: {  	vm1 =	vmand vm9, vm1  }
0x20a: {  	vm0 =	vmand vm0, vm1  }
0x20b: {  	s1 =	sadd.s32 $0x1, s3  }
0x20c: {  	v41 =	vmov s1  }
0x20d: {  	v42 =	vshll.u32 v41, $0x2  }
0x20e: {  	v43 =	vor.u32 $0x1, v42  }
0x20f: {  	v44 =	vor.u32 $0x2, v42  }
0x210: {  	v45 =	vor.u32 $0x3, v42;
	[tilespmem:v33+s4+$0x0] =	vst.idx.msk vm0, v9  }
0x211: {  	[tilespmem:v33+s5+$0x0] =	vst.idx.msk vm0, v8  }
0x212: {  	v8 =	vld.idx.msk [tilespmem:v42+s0+$0x0], $0xffff  }
0x213: {  	v46 =	vld.idx.msk [tilespmem:v43+s0+$0x0], $0xffff  }
0x214: {  	v47 =	vld.idx.msk [tilespmem:v44+s0+$0x0], $0xffff  }
0x215: {  	v9 =	vld.idx.msk [tilespmem:v45+s0+$0x0], $0xffff;
	_ =	sdelay $0x4  }
0x216: {  	v13 =	vadd.f32 v47, v8;
	v48 =	vadd.f32 v9, v46;
	_ =	sdelay $0x1  }
0x217: {  	v13 =	vmul.f32 v13, v4;
	v14 =	vmul.f32 v48, v4;
	_ =	sdelay $0x1  }
0x218: {  	v49 =	vmul.f32 $3.125000000e-02, v13;
	v50 =	vmul.f32 $3.125000000e-02, v14;
	_ =	sdelay $0x1  }
0x219: {  	v15 =	vtrunc.f32 v49;
	v16 =	vtrunc.f32 v50  }
0x21a: {  	v15 =	vcvt.f32.s32 v15;
	v16 =	vcvt.f32.s32 v16;
	_ =	sdelay $0x1  }
0x21b: {  	v15 =	vadd.s32 v6, v15;
	v16 =	vadd.s32 v7, v16  }
0x21c: {  	v51 =	vcvt.s32.f32 v15;
	v52 =	vcvt.s32.f32 v16;
	_ =	sdelay $0x1  }
0x21d: {  	v53 =	vmul.u32 $0x19, v16;
	v17 =	vadd.f32 $5.000000000e-01, v51;
	v18 =	vadd.f32 $5.000000000e-01, v52  }
0x21e: {  	v54 =	vadd.s32 v15, v2;
	vm10 =	vlt.u32 v15, $0x19;
	vm11 =	vlt.u32 v16, $0x19  }
0x21f: {  	v19 =	vadd.s32 v53, v54;
	v17 =	vmul.f32 $3.200000000e+01, v17;
	v18 =	vmul.f32 $3.200000000e+01, v18  }
0x220: {  	vm0 =	vmand vm10, vm11;
	vm12 =	vlt.u32 v19, $0x700  }
0x221: {  	vm0 =	vmand vm0, vm12;
	v8 =	vsub.f32 v17, v8;
	v11 =	vsub.f32 v18, v46  }
0x222: {  	v55 =	vnsel vm0, $0x0, v19;
	v12 =	vsub.f32 v47, v17;
	v9 =	vsub.f32 v9, v18  }
0x223: {  	v13 =	vsub.f32 v17, v13;
	v14 =	vsub.f32 v18, v14  }
0x224: {  	v56 =	vmax.f32 v8, v11  }
0x225: {  	v57 =	vmax.f32 v12, v9;
	v13 =	vand.u32 $0x7FFFFFFF, v13;
	v14 =	vand.u32 $0x7FFFFFFF, v14  }
0x226: {  	v16 =	vmax.f32 v56, v57;
	v13 =	vmax.f32 v13, v14  }
0x227: {  	v58 =	vmin.f32 v8, v11;
	v17 =	vadd.f32 $-1.280000000e+02, v16;
	v13 =	vsub.f32 $4.800000000e+01, v13;
	v59 =	vld.idx.msk [tilespmem:v55+s4+$0x0], $0xffff  }
0x228: {  	v60 =	vmin.f32 v12, v9;
	v8 =	vadd.f32 v12, v8;
	v9 =	vadd.f32 v9, v11  }
0x229: {  	v61 =	vmin.f32 v58, v60;
	v62 =	vmin.f32 v17, v13  }
0x22a: {  	v8 =	vmul.f32 v9, v8;
	v11 =	vmin.f32 v61, v62  }
0x22b: {  	vm14 =	vle.f32 v16, $2.560000000e+02;
	vm13 =	vgt.f32 v11, $0.0e+00  }
0x22c: {  	vm1 =	vmand vm14, vm13;
	vm15 =	vlt.f32 v8, v59  }
0x22d: {  	vm1 =	vmand vm15, vm1  }
0x22e: {  	vm0 =	vmand vm0, vm1  }
0x22f: {  	s30 =	sadd.s32 $0x2, s3  }
0x230: {  	v63 =	vmov s30  }
0x231: {  	v23 =	vshll.u32 v63, $0x2  }
0x232: {  	v24 =	vor.u32 $0x1, v23  }
0x233: {  	v25 =	vor.u32 $0x2, v23  }
0x234: {  	[tilespmem:v55+s4+$0x0] =	vst.idx.msk vm0, v8;
	v8 =	vor.u32 $0x3, v23  }
0x235: {  	[tilespmem:v55+s5+$0x0] =	vst.idx.msk vm0, v41  }
0x236: {  	v10 =	vld.idx.msk [tilespmem:v23+s0+$0x0], $0xffff  }
0x237: {  	v26 =	vld.idx.msk [tilespmem:v24+s0+$0x0], $0xffff  }
0x238: {  	v27 =	vld.idx.msk [tilespmem:v25+s0+$0x0], $0xffff  }
0x239: {  	v8 =	vld.idx.msk [tilespmem:v8+s0+$0x0], $0xffff;
	_ =	sdelay $0x3  }
0x23a: {  	v13 =	vadd.f32 v27, v10  }
0x23b: {  	v28 =	vadd.f32 v8, v26  }
0x23c: {  	v13 =	vmul.f32 v13, v4  }
0x23d: {  	v14 =	vmul.f32 v28, v4  }
0x23e: {  	v29 =	vmul.f32 $3.125000000e-02, v13  }
0x23f: {  	v30 =	vmul.f32 $3.125000000e-02, v14  }
0x240: {  	v15 =	vtrunc.f32 v29  }
0x241: {  	v15 =	vcvt.f32.s32 v15;
	v16 =	vtrunc.f32 v30  }
0x242: {  	v16 =	vcvt.f32.s32 v16  }
0x243: {  	v15 =	vadd.s32 v6, v15  }
0x244: {  	v31 =	vcvt.s32.f32 v15;
	v16 =	vadd.s32 v7, v16  }
0x245: {  	v32 =	vcvt.s32.f32 v16  }
0x246: {  	v17 =	vadd.f32 $5.000000000e-01, v31;
	v33 =	vmul.u32 $0x19, v16  }
0x247: {  	v34 =	vadd.s32 v15, v2;
	vm4 =	vlt.u32 v15, $0x19;
	v18 =	vadd.f32 $5.000000000e-01, v32  }
0x248: {  	vm5 =	vlt.u32 v16, $0x19;
	v17 =	vmul.f32 $3.200000000e+01, v17;
	v19 =	vadd.s32 v33, v34  }
0x249: {  	vm0 =	vmand vm4, vm5;
	vm6 =	vlt.u32 v19, $0x700;
	v18 =	vmul.f32 $3.200000000e+01, v18  }
0x24a: {  	v10 =	vsub.f32 v17, v10;
	v12 =	vsub.f32 v27, v17;
	vm0 =	vmand vm0, vm6  }
0x24b: {  	v13 =	vsub.f32 v17, v13;
	v35 =	vnsel vm0, $0x0, v19;
	v11 =	vsub.f32 v18, v26  }
0x24c: {  	v8 =	vsub.f32 v8, v18;
	v14 =	vsub.f32 v18, v14  }
0x24d: {  	v13 =	vand.u32 $0x7FFFFFFF, v13  }
0x24e: {  	v36 =	vmax.f32 v10, v11;
	v37 =	vmax.f32 v12, v8;
	v14 =	vand.u32 $0x7FFFFFFF, v14  }
0x24f: {  	v16 =	vmax.f32 v36, v37;
	v13 =	vmax.f32 v13, v14  }
0x250: {  	v38 =	vmin.f32 v10, v11;
	v17 =	vadd.f32 $-1.280000000e+02, v16;
	v13 =	vsub.f32 $4.800000000e+01, v13;
	v39 =	vld.idx.msk [tilespmem:v35+s4+$0x0], $0xffff  }
0x251: {  	v40 =	vmin.f32 v12, v8;
	v10 =	vadd.f32 v12, v10;
	v8 =	vadd.f32 v8, v11  }
0x252: {  	v41 =	vmin.f32 v38, v40;
	v42 =	vmin.f32 v17, v13  }
0x253: {  	v8 =	vmul.f32 v8, v10;
	v11 =	vmin.f32 v41, v42  }
0x254: {  	vm8 =	vle.f32 v16, $2.560000000e+02;
	vm7 =	vgt.f32 v11, $0.0e+00  }
0x255: {  	vm1 =	vmand vm8, vm7;
	vm9 =	vlt.f32 v8, v39  }
0x256: {  	vm1 =	vmand vm9, vm1  }
0x257: {  	vm0 =	vmand vm0, vm1  }
0x258: {  	s31 =	sadd.s32 $0x3, s3  }
0x259: {  	v43 =	vmov s31  }
0x25a: {  	v44 =	vshll.u32 v43, $0x2  }
0x25b: {  	v45 =	vor.u32 $0x1, v44  }
0x25c: {  	v46 =	vor.u32 $0x2, v44  }
0x25d: {  	[tilespmem:v35+s4+$0x0] =	vst.idx.msk vm0, v8;
	v8 =	vor.u32 $0x3, v44  }
0x25e: {  	[tilespmem:v35+s5+$0x0] =	vst.idx.msk vm0, v63  }
0x25f: {  	v9 =	vld.idx.msk [tilespmem:v44+s0+$0x0], $0xffff  }
0x260: {  	v47 =	vld.idx.msk [tilespmem:v45+s0+$0x0], $0xffff  }
0x261: {  	v48 =	vld.idx.msk [tilespmem:v46+s0+$0x0], $0xffff  }
0x262: {  	v8 =	vld.idx.msk [tilespmem:v8+s0+$0x0], $0xffff;
	_ =	sdelay $0x3  }
0x263: {  	v13 =	vadd.f32 v48, v9  }
0x264: {  	v49 =	vadd.f32 v8, v47  }
0x265: {  	v13 =	vmul.f32 v13, v4  }
0x266: {  	v14 =	vmul.f32 v49, v4  }
0x267: {  	v50 =	vmul.f32 $3.125000000e-02, v13  }
0x268: {  	v51 =	vmul.f32 $3.125000000e-02, v14  }
0x269: {  	v15 =	vtrunc.f32 v50  }
0x26a: {  	v15 =	vcvt.f32.s32 v15;
	v16 =	vtrunc.f32 v51  }
0x26b: {  	v16 =	vcvt.f32.s32 v16  }
0x26c: {  	v15 =	vadd.s32 v6, v15  }
0x26d: {  	v52 =	vcvt.s32.f32 v15;
	v16 =	vadd.s32 v7, v16  }
0x26e: {  	v53 =	vcvt.s32.f32 v16  }
0x26f: {  	v17 =	vadd.f32 $5.000000000e-01, v52;
	v54 =	vmul.u32 $0x19, v16  }
0x270: {  	v55 =	vadd.s32 v15, v2;
	vm10 =	vlt.u32 v15, $0x19;
	v18 =	vadd.f32 $5.000000000e-01, v53  }
0x271: {  	vm11 =	vlt.u32 v16, $0x19;
	v17 =	vmul.f32 $3.200000000e+01, v17;
	v19 =	vadd.s32 v54, v55  }
0x272: {  	vm0 =	vmand vm10, vm11;
	vm12 =	vlt.u32 v19, $0x700;
	v18 =	vmul.f32 $3.200000000e+01, v18  }
0x273: {  	v9 =	vsub.f32 v17, v9;
	v12 =	vsub.f32 v48, v17;
	vm0 =	vmand vm0, vm12  }
0x274: {  	v13 =	vsub.f32 v17, v13;
	v56 =	vnsel vm0, $0x0, v19;
	v11 =	vsub.f32 v18, v47  }
0x275: {  	v8 =	vsub.f32 v8, v18;
	v14 =	vsub.f32 v18, v14  }
0x276: {  	v13 =	vand.u32 $0x7FFFFFFF, v13  }
0x277: {  	v57 =	vmax.f32 v9, v11;
	v58 =	vmax.f32 v12, v8;
	v14 =	vand.u32 $0x7FFFFFFF, v14  }
0x278: {  	v16 =	vmax.f32 v57, v58;
	v13 =	vmax.f32 v13, v14  }
0x279: {  	v59 =	vmin.f32 v9, v11;
	v17 =	vadd.f32 $-1.280000000e+02, v16;
	v13 =	vsub.f32 $4.800000000e+01, v13;
	v60 =	vld.idx.msk [tilespmem:v56+s4+$0x0], $0xffff  }
0x27a: {  	v61 =	vmin.f32 v12, v8;
	v9 =	vadd.f32 v12, v9;
	v8 =	vadd.f32 v8, v11  }
0x27b: {  	v62 =	vmin.f32 v59, v61;
	v63 =	vmin.f32 v17, v13  }
0x27c: {  	v8 =	vmul.f32 v8, v9;
	v11 =	vmin.f32 v62, v63  }
0x27d: {  	vm14 =	vle.f32 v16, $2.560000000e+02;
	vm13 =	vgt.f32 v11, $0.0e+00  }
0x27e: {  	vm1 =	vmand vm14, vm13;
	vm15 =	vlt.f32 v8, v60  }
0x27f: {  	vm1 =	vmand vm15, vm1  }
0x280: {  	vm0 =	vmand vm0, vm1;
	_ =	sdelay $0x1  }
0x281: {  	p0 =	slt.u32 s3, $0x3C  }
.Ltmp7:
0x282: {  	_ = 	snop;
	(pc) =	sbr.rel @p0 .LBB3_7-.Ltmp7, $3  }
0x283: {  	_ =	sdelay $0x1  }
0x284: {  	[tilespmem:v56+s4+$0x0] =	vst.idx.msk vm0, v8  }
0x285: {  	s3 =	sadd.s32 $0x4, s3;
	[tilespmem:v56+s5+$0x0] =	vst.idx.msk vm0, v43  }
.LBB3_8:
0x286: {  	v8 =	vmov s2  }
0x287: {  	v9 =	vshll.u32 v8, $0x2  }
0x288: {  	v10 =	vor.u32 $0x1, v9  }
0x289: {  	v11 =	vor.u32 $0x2, v9  }
0x28a: {  	v12 =	vor.u32 $0x3, v9;
	_ =	sdelay $0x1  }
0x28b: {  	v9 =	vld.idx.msk [tilespmem:v9+s0+$0x0], $0xffff  }
0x28c: {  	v10 =	vld.idx.msk [tilespmem:v10+s0+$0x0], $0xffff  }
0x28d: {  	v11 =	vld.idx.msk [tilespmem:v11+s0+$0x0], $0xffff  }
0x28e: {  	v12 =	vld.idx.msk [tilespmem:v12+s0+$0x0], $0xffff;
	_ =	sdelay $0x4  }
0x28f: {  	v13 =	vadd.f32 v11, v9;
	v14 =	vadd.f32 v12, v10;
	_ =	sdelay $0x1  }
0x290: {  	v13 =	vmul.f32 v13, v4;
	v14 =	vmul.f32 v14, v4;
	_ =	sdelay $0x1  }
0x291: {  	v15 =	vmul.f32 $1.562500000e-02, v13;
	v16 =	vmul.f32 $1.562500000e-02, v14;
	_ =	sdelay $0x1  }
0x292: {  	v15 =	vtrunc.f32 v15;
	v16 =	vtrunc.f32 v16  }
0x293: {  	v15 =	vcvt.f32.s32 v15;
	v16 =	vcvt.f32.s32 v16;
	_ =	sdelay $0x1  }
0x294: {  	v15 =	vadd.s32 v6, v15;
	v16 =	vadd.s32 v7, v16  }
0x295: {  	v17 =	vcvt.s32.f32 v15;
	v18 =	vcvt.s32.f32 v16;
	_ =	sdelay $0x1  }
0x296: {  	v19 =	vmul.u32 $0xD, v16;
	v17 =	vadd.f32 $5.000000000e-01, v17;
	v18 =	vadd.f32 $5.000000000e-01, v18  }
0x297: {  	v20 =	vadd.s32 v15, v3;
	vm0 =	vlt.u32 v15, $0xD;
	vm1 =	vlt.u32 v16, $0xD  }
0x298: {  	v19 =	vadd.s32 v19, v20;
	v17 =	vmul.f32 $6.400000000e+01, v17;
	v18 =	vmul.f32 $6.400000000e+01, v18  }
0x299: {  	vm0 =	vmand vm0, vm1;
	vm7 =	vlt.u32 v19, $0x700  }
0x29a: {  	vm0 =	vmand vm0, vm7;
	v9 =	vsub.f32 v17, v9;
	v10 =	vsub.f32 v18, v10  }
0x29b: {  	v33 =	vnsel vm0, $0x0, v19;
	v11 =	vsub.f32 v11, v17;
	v12 =	vsub.f32 v12, v18  }
0x29c: {  	v13 =	vsub.f32 v17, v13;
	v14 =	vsub.f32 v18, v14  }
0x29d: {  	v34 =	vmax.f32 v9, v10  }
0x29e: {  	v35 =	vmax.f32 v11, v12;
	v13 =	vand.u32 $0x7FFFFFFF, v13;
	v14 =	vand.u32 $0x7FFFFFFF, v14  }
0x29f: {  	v16 =	vmax.f32 v34, v35;
	v13 =	vmax.f32 v13, v14  }
0x2a0: {  	v36 =	vmin.f32 v9, v10;
	v17 =	vadd.f32 $-2.560000000e+02, v16;
	v13 =	vsub.f32 $9.600000000e+01, v13;
	v37 =	vld.idx.msk [tilespmem:v33+s4+$0x0], $0xffff  }
0x2a1: {  	v38 =	vmin.f32 v11, v12;
	v9 =	vadd.f32 v11, v9;
	v10 =	vadd.f32 v12, v10  }
0x2a2: {  	v39 =	vmin.f32 v36, v38;
	v40 =	vmin.f32 v17, v13  }
0x2a3: {  	v9 =	vmul.f32 v10, v9;
	v11 =	vmin.f32 v39, v40  }
0x2a4: {  	vm2 =	vle.f32 v16, $5.120000000e+02;
	vm8 =	vgt.f32 v11, $0.0e+00  }
0x2a5: {  	vm1 =	vmand vm2, vm8;
	vm9 =	vlt.f32 v9, v37  }
0x2a6: {  	vm1 =	vmand vm9, vm1  }
0x2a7: {  	vm0 =	vmand vm0, vm1  }
0x2a8: {  	s1 =	sadd.s32 $0x1, s2  }
0x2a9: {  	v41 =	vmov s1  }
0x2aa: {  	v42 =	vshll.u32 v41, $0x2  }
0x2ab: {  	v43 =	vor.u32 $0x1, v42  }
0x2ac: {  	v44 =	vor.u32 $0x2, v42  }
0x2ad: {  	v45 =	vor.u32 $0x3, v42;
	[tilespmem:v33+s4+$0x0] =	vst.idx.msk vm0, v9  }
0x2ae: {  	[tilespmem:v33+s5+$0x0] =	vst.idx.msk vm0, v8  }
0x2af: {  	v8 =	vld.idx.msk [tilespmem:v42+s0+$0x0], $0xffff  }
0x2b0: {  	v46 =	vld.idx.msk [tilespmem:v43+s0+$0x0], $0xffff  }
0x2b1: {  	v47 =	vld.idx.msk [tilespmem:v44+s0+$0x0], $0xffff  }
0x2b2: {  	v9 =	vld.idx.msk [tilespmem:v45+s0+$0x0], $0xffff;
	_ =	sdelay $0x4  }
0x2b3: {  	v13 =	vadd.f32 v47, v8;
	v48 =	vadd.f32 v9, v46;
	_ =	sdelay $0x1  }
0x2b4: {  	v13 =	vmul.f32 v13, v4;
	v14 =	vmul.f32 v48, v4;
	_ =	sdelay $0x1  }
0x2b5: {  	v49 =	vmul.f32 $1.562500000e-02, v13;
	v50 =	vmul.f32 $1.562500000e-02, v14;
	_ =	sdelay $0x1  }
0x2b6: {  	v15 =	vtrunc.f32 v49;
	v16 =	vtrunc.f32 v50  }
0x2b7: {  	v15 =	vcvt.f32.s32 v15;
	v16 =	vcvt.f32.s32 v16;
	_ =	sdelay $0x1  }
0x2b8: {  	v15 =	vadd.s32 v6, v15;
	v16 =	vadd.s32 v7, v16  }
0x2b9: {  	v51 =	vcvt.s32.f32 v15;
	v52 =	vcvt.s32.f32 v16;
	_ =	sdelay $0x1  }
0x2ba: {  	v53 =	vmul.u32 $0xD, v16;
	v17 =	vadd.f32 $5.000000000e-01, v51;
	v18 =	vadd.f32 $5.000000000e-01, v52  }
0x2bb: {  	v54 =	vadd.s32 v15, v3;
	vm10 =	vlt.u32 v15, $0xD;
	vm11 =	vlt.u32 v16, $0xD  }
0x2bc: {  	v19 =	vadd.s32 v53, v54;
	v17 =	vmul.f32 $6.400000000e+01, v17;
	v18 =	vmul.f32 $6.400000000e+01, v18  }
0x2bd: {  	vm0 =	vmand vm10, vm11;
	vm12 =	vlt.u32 v19, $0x700  }
0x2be: {  	vm0 =	vmand vm0, vm12;
	v8 =	vsub.f32 v17, v8;
	v11 =	vsub.f32 v18, v46  }
0x2bf: {  	v55 =	vnsel vm0, $0x0, v19;
	v12 =	vsub.f32 v47, v17;
	v9 =	vsub.f32 v9, v18  }
0x2c0: {  	v13 =	vsub.f32 v17, v13;
	v14 =	vsub.f32 v18, v14  }
0x2c1: {  	v56 =	vmax.f32 v8, v11  }
0x2c2: {  	v57 =	vmax.f32 v12, v9;
	v13 =	vand.u32 $0x7FFFFFFF, v13;
	v14 =	vand.u32 $0x7FFFFFFF, v14  }
0x2c3: {  	v16 =	vmax.f32 v56, v57;
	v13 =	vmax.f32 v13, v14  }
0x2c4: {  	v58 =	vmin.f32 v8, v11;
	v17 =	vadd.f32 $-2.560000000e+02, v16;
	v13 =	vsub.f32 $9.600000000e+01, v13;
	v59 =	vld.idx.msk [tilespmem:v55+s4+$0x0], $0xffff  }
0x2c5: {  	v60 =	vmin.f32 v12, v9;
	v8 =	vadd.f32 v12, v8;
	v9 =	vadd.f32 v9, v11  }
0x2c6: {  	v61 =	vmin.f32 v58, v60;
	v62 =	vmin.f32 v17, v13  }
0x2c7: {  	v8 =	vmul.f32 v9, v8;
	v11 =	vmin.f32 v61, v62  }
0x2c8: {  	vm14 =	vle.f32 v16, $5.120000000e+02;
	vm13 =	vgt.f32 v11, $0.0e+00  }
0x2c9: {  	vm1 =	vmand vm14, vm13;
	vm15 =	vlt.f32 v8, v59  }
0x2ca: {  	vm1 =	vmand vm15, vm1  }
0x2cb: {  	vm0 =	vmand vm0, vm1  }
0x2cc: {  	s30 =	sadd.s32 $0x2, s2  }
0x2cd: {  	v63 =	vmov s30  }
0x2ce: {  	v23 =	vshll.u32 v63, $0x2  }
0x2cf: {  	v24 =	vor.u32 $0x1, v23  }
0x2d0: {  	v25 =	vor.u32 $0x2, v23  }
0x2d1: {  	[tilespmem:v55+s4+$0x0] =	vst.idx.msk vm0, v8;
	v8 =	vor.u32 $0x3, v23  }
0x2d2: {  	[tilespmem:v55+s5+$0x0] =	vst.idx.msk vm0, v41  }
0x2d3: {  	v10 =	vld.idx.msk [tilespmem:v23+s0+$0x0], $0xffff  }
0x2d4: {  	v26 =	vld.idx.msk [tilespmem:v24+s0+$0x0], $0xffff  }
0x2d5: {  	v27 =	vld.idx.msk [tilespmem:v25+s0+$0x0], $0xffff  }
0x2d6: {  	v8 =	vld.idx.msk [tilespmem:v8+s0+$0x0], $0xffff;
	_ =	sdelay $0x3  }
0x2d7: {  	v13 =	vadd.f32 v27, v10  }
0x2d8: {  	v28 =	vadd.f32 v8, v26  }
0x2d9: {  	v13 =	vmul.f32 v13, v4  }
0x2da: {  	v14 =	vmul.f32 v28, v4  }
0x2db: {  	v29 =	vmul.f32 $1.562500000e-02, v13  }
0x2dc: {  	v30 =	vmul.f32 $1.562500000e-02, v14  }
0x2dd: {  	v15 =	vtrunc.f32 v29  }
0x2de: {  	v15 =	vcvt.f32.s32 v15;
	v16 =	vtrunc.f32 v30  }
0x2df: {  	v16 =	vcvt.f32.s32 v16  }
0x2e0: {  	v15 =	vadd.s32 v6, v15  }
0x2e1: {  	v31 =	vcvt.s32.f32 v15;
	v16 =	vadd.s32 v7, v16  }
0x2e2: {  	v32 =	vcvt.s32.f32 v16  }
0x2e3: {  	v17 =	vadd.f32 $5.000000000e-01, v31;
	v33 =	vmul.u32 $0xD, v16  }
0x2e4: {  	v34 =	vadd.s32 v15, v3;
	vm4 =	vlt.u32 v15, $0xD;
	v18 =	vadd.f32 $5.000000000e-01, v32  }
0x2e5: {  	vm5 =	vlt.u32 v16, $0xD;
	v17 =	vmul.f32 $6.400000000e+01, v17;
	v19 =	vadd.s32 v33, v34  }
0x2e6: {  	vm0 =	vmand vm4, vm5;
	vm6 =	vlt.u32 v19, $0x700;
	v18 =	vmul.f32 $6.400000000e+01, v18  }
0x2e7: {  	v10 =	vsub.f32 v17, v10;
	v12 =	vsub.f32 v27, v17;
	vm0 =	vmand vm0, vm6  }
0x2e8: {  	v13 =	vsub.f32 v17, v13;
	v35 =	vnsel vm0, $0x0, v19;
	v11 =	vsub.f32 v18, v26  }
0x2e9: {  	v8 =	vsub.f32 v8, v18;
	v14 =	vsub.f32 v18, v14  }
0x2ea: {  	v13 =	vand.u32 $0x7FFFFFFF, v13  }
0x2eb: {  	v36 =	vmax.f32 v10, v11;
	v37 =	vmax.f32 v12, v8;
	v14 =	vand.u32 $0x7FFFFFFF, v14  }
0x2ec: {  	v16 =	vmax.f32 v36, v37;
	v13 =	vmax.f32 v13, v14  }
0x2ed: {  	v38 =	vmin.f32 v10, v11;
	v17 =	vadd.f32 $-2.560000000e+02, v16;
	v13 =	vsub.f32 $9.600000000e+01, v13;
	v39 =	vld.idx.msk [tilespmem:v35+s4+$0x0], $0xffff  }
0x2ee: {  	v40 =	vmin.f32 v12, v8;
	v10 =	vadd.f32 v12, v10;
	v8 =	vadd.f32 v8, v11  }
0x2ef: {  	v41 =	vmin.f32 v38, v40;
	v42 =	vmin.f32 v17, v13  }
0x2f0: {  	v8 =	vmul.f32 v8, v10;
	v11 =	vmin.f32 v41, v42  }
0x2f1: {  	vm8 =	vle.f32 v16, $5.120000000e+02;
	vm7 =	vgt.f32 v11, $0.0e+00  }
0x2f2: {  	vm1 =	vmand vm8, vm7;
	vm9 =	vlt.f32 v8, v39  }
0x2f3: {  	vm1 =	vmand vm9, vm1  }
0x2f4: {  	vm0 =	vmand vm0, vm1  }
0x2f5: {  	s31 =	sadd.s32 $0x3, s2  }
0x2f6: {  	v43 =	vmov s31  }
0x2f7: {  	v44 =	vshll.u32 v43, $0x2  }
0x2f8: {  	v45 =	vor.u32 $0x1, v44  }
0x2f9: {  	v46 =	vor.u32 $0x2, v44  }
0x2fa: {  	[tilespmem:v35+s4+$0x0] =	vst.idx.msk vm0, v8;
	v8 =	vor.u32 $0x3, v44  }
0x2fb: {  	[tilespmem:v35+s5+$0x0] =	vst.idx.msk vm0, v63  }
0x2fc: {  	v9 =	vld.idx.msk [tilespmem:v44+s0+$0x0], $0xffff  }
0x2fd: {  	v47 =	vld.idx.msk [tilespmem:v45+s0+$0x0], $0xffff  }
0x2fe: {  	v48 =	vld.idx.msk [tilespmem:v46+s0+$0x0], $0xffff  }
0x2ff: {  	v8 =	vld.idx.msk [tilespmem:v8+s0+$0x0], $0xffff;
	_ =	sdelay $0x3  }
0x300: {  	v13 =	vadd.f32 v48, v9  }
0x301: {  	v49 =	vadd.f32 v8, v47  }
0x302: {  	v13 =	vmul.f32 v13, v4  }
0x303: {  	v14 =	vmul.f32 v49, v4  }
0x304: {  	v50 =	vmul.f32 $1.562500000e-02, v13  }
0x305: {  	v51 =	vmul.f32 $1.562500000e-02, v14  }
0x306: {  	v15 =	vtrunc.f32 v50  }
0x307: {  	v15 =	vcvt.f32.s32 v15;
	v16 =	vtrunc.f32 v51  }
0x308: {  	v16 =	vcvt.f32.s32 v16  }
0x309: {  	v15 =	vadd.s32 v6, v15  }
0x30a: {  	v52 =	vcvt.s32.f32 v15;
	v16 =	vadd.s32 v7, v16  }
0x30b: {  	v53 =	vcvt.s32.f32 v16  }
0x30c: {  	v17 =	vadd.f32 $5.000000000e-01, v52;
	v54 =	vmul.u32 $0xD, v16  }
0x30d: {  	v55 =	vadd.s32 v15, v3;
	vm10 =	vlt.u32 v15, $0xD;
	v18 =	vadd.f32 $5.000000000e-01, v53  }
0x30e: {  	vm11 =	vlt.u32 v16, $0xD;
	v17 =	vmul.f32 $6.400000000e+01, v17;
	v19 =	vadd.s32 v54, v55  }
0x30f: {  	vm0 =	vmand vm10, vm11;
	vm12 =	vlt.u32 v19, $0x700;
	v18 =	vmul.f32 $6.400000000e+01, v18  }
0x310: {  	v9 =	vsub.f32 v17, v9;
	v12 =	vsub.f32 v48, v17;
	vm0 =	vmand vm0, vm12  }
0x311: {  	v13 =	vsub.f32 v17, v13;
	v56 =	vnsel vm0, $0x0, v19;
	v11 =	vsub.f32 v18, v47  }
0x312: {  	v8 =	vsub.f32 v8, v18;
	v14 =	vsub.f32 v18, v14  }
0x313: {  	v13 =	vand.u32 $0x7FFFFFFF, v13  }
0x314: {  	v57 =	vmax.f32 v9, v11;
	v58 =	vmax.f32 v12, v8;
	v14 =	vand.u32 $0x7FFFFFFF, v14  }
0x315: {  	v16 =	vmax.f32 v57, v58;
	v13 =	vmax.f32 v13, v14  }
0x316: {  	v59 =	vmin.f32 v9, v11;
	v17 =	vadd.f32 $-2.560000000e+02, v16;
	v13 =	vsub.f32 $9.600000000e+01, v13;
	v60 =	vld.idx.msk [tilespmem:v56+s4+$0x0], $0xffff  }
0x317: {  	v61 =	vmin.f32 v12, v8;
	v9 =	vadd.f32 v12, v9;
	v8 =	vadd.f32 v8, v11  }
0x318: {  	v62 =	vmin.f32 v59, v61;
	v63 =	vmin.f32 v17, v13  }
0x319: {  	v8 =	vmul.f32 v8, v9;
	v11 =	vmin.f32 v62, v63  }
0x31a: {  	vm14 =	vle.f32 v16, $5.120000000e+02;
	vm13 =	vgt.f32 v11, $0.0e+00  }
0x31b: {  	vm1 =	vmand vm14, vm13;
	vm15 =	vlt.f32 v8, v60  }
0x31c: {  	vm1 =	vmand vm15, vm1  }
0x31d: {  	vm0 =	vmand vm0, vm1;
	_ =	sdelay $0x1  }
0x31e: {  	p0 =	slt.u32 s2, $0x3C  }
.Ltmp8:
0x31f: {  	_ = 	snop;
	(pc) =	sbr.rel @p0 .LBB3_8-.Ltmp8, $3  }
0x320: {  	_ =	sdelay $0x1  }
0x321: {  	[tilespmem:v56+s4+$0x0] =	vst.idx.msk vm0, v8  }
0x322: {  	s2 =	sadd.s32 $0x4, s2;
	s3 =	simm.s32 $0x0;
	[tilespmem:v56+s5+$0x0] =	vst.idx.msk vm0, v43  }
.LBB3_9:
0x323: {  	v8 =	vmov s3  }
0x324: {  	v9 =	vshll.u32 v8, $0x2  }
0x325: {  	v10 =	vor.u32 $0x1, v9  }
0x326: {  	v11 =	vor.u32 $0x2, v9  }
0x327: {  	v12 =	vor.u32 $0x3, v9;
	_ =	sdelay $0x1  }
0x328: {  	v9 =	vld.idx.msk [tilespmem:v9+s0+$0x0], $0xffff  }
0x329: {  	v10 =	vld.idx.msk [tilespmem:v10+s0+$0x0], $0xffff  }
0x32a: {  	v11 =	vld.idx.msk [tilespmem:v11+s0+$0x0], $0xffff  }
0x32b: {  	v12 =	vld.idx.msk [tilespmem:v12+s0+$0x0], $0xffff;
	_ =	sdelay $0x4  }
0x32c: {  	v13 =	vadd.f32 v11, v9;
	v14 =	vadd.f32 v12, v10;
	_ =	sdelay $0x1  }
0x32d: {  	v13 =	vmul.f32 v13, v4;
	v14 =	vmul.f32 v14, v4;
	_ =	sdelay $0x1  }
0x32e: {  	v15 =	vmul.f32 $7.812500000e-03, v13;
	v16 =	vmul.f32 $7.812500000e-03, v14;
	_ =	sdelay $0x1  }
0x32f: {  	v15 =	vtrunc.f32 v15;
	v16 =	vtrunc.f32 v16  }
0x330: {  	v15 =	vcvt.f32.s32 v15;
	v16 =	vcvt.f32.s32 v16;
	_ =	sdelay $0x1  }
0x331: {  	v15 =	vadd.s32 v6, v15;
	v16 =	vadd.s32 v7, v16  }
0x332: {  	v17 =	vcvt.s32.f32 v15;
	v18 =	vcvt.s32.f32 v16;
	_ =	sdelay $0x1  }
0x333: {  	v19 =	vmul.u32 $0x7, v16;
	v17 =	vadd.f32 $5.000000000e-01, v17;
	v18 =	vadd.f32 $5.000000000e-01, v18  }
0x334: {  	v20 =	vadd.s32 v15, v5;
	vm0 =	vlt.u32 v15, $0x7;
	vm1 =	vlt.u32 v16, $0x7  }
0x335: {  	v19 =	vadd.s32 v19, v20;
	v17 =	vmul.f32 $1.280000000e+02, v17;
	v18 =	vmul.f32 $1.280000000e+02, v18  }
0x336: {  	vm0 =	vmand vm0, vm1;
	vm7 =	vlt.u32 v19, $0x700  }
0x337: {  	vm0 =	vmand vm0, vm7;
	v9 =	vsub.f32 v17, v9;
	v10 =	vsub.f32 v18, v10  }
0x338: {  	v33 =	vnsel vm0, $0x0, v19;
	v11 =	vsub.f32 v11, v17;
	v12 =	vsub.f32 v12, v18  }
0x339: {  	v13 =	vsub.f32 v17, v13;
	v14 =	vsub.f32 v18, v14  }
0x33a: {  	v34 =	vmax.f32 v9, v10  }
0x33b: {  	v35 =	vmax.f32 v11, v12;
	v13 =	vand.u32 $0x7FFFFFFF, v13;
	v14 =	vand.u32 $0x7FFFFFFF, v14  }
0x33c: {  	v16 =	vmax.f32 v34, v35;
	v13 =	vmax.f32 v13, v14  }
0x33d: {  	v36 =	vmin.f32 v9, v10;
	v17 =	vadd.f32 $-5.120000000e+02, v16;
	v13 =	vsub.f32 $1.920000000e+02, v13;
	v37 =	vld.idx.msk [tilespmem:v33+s4+$0x0], $0xffff  }
0x33e: {  	v38 =	vmin.f32 v11, v12;
	v9 =	vadd.f32 v11, v9;
	v10 =	vadd.f32 v12, v10  }
0x33f: {  	v39 =	vmin.f32 v36, v38;
	v40 =	vmin.f32 v17, v13  }
0x340: {  	v9 =	vmul.f32 v10, v9;
	v11 =	vmin.f32 v39, v40  }
0x341: {  	vm2 =	vle.f32 v16, $1.000000000e+08;
	vm8 =	vgt.f32 v11, $0.0e+00  }
0x342: {  	vm1 =	vmand vm2, vm8;
	vm9 =	vlt.f32 v9, v37  }
0x343: {  	vm1 =	vmand vm9, vm1  }
0x344: {  	vm0 =	vmand vm0, vm1  }
0x345: {  	s1 =	sadd.s32 $0x1, s3  }
0x346: {  	v41 =	vmov s1  }
0x347: {  	v42 =	vshll.u32 v41, $0x2  }
0x348: {  	v43 =	vor.u32 $0x1, v42  }
0x349: {  	v44 =	vor.u32 $0x2, v42  }
0x34a: {  	v45 =	vor.u32 $0x3, v42;
	[tilespmem:v33+s4+$0x0] =	vst.idx.msk vm0, v9  }
0x34b: {  	[tilespmem:v33+s5+$0x0] =	vst.idx.msk vm0, v8  }
0x34c: {  	v8 =	vld.idx.msk [tilespmem:v42+s0+$0x0], $0xffff  }
0x34d: {  	v46 =	vld.idx.msk [tilespmem:v43+s0+$0x0], $0xffff  }
0x34e: {  	v47 =	vld.idx.msk [tilespmem:v44+s0+$0x0], $0xffff  }
0x34f: {  	v9 =	vld.idx.msk [tilespmem:v45+s0+$0x0], $0xffff;
	_ =	sdelay $0x4  }
0x350: {  	v13 =	vadd.f32 v47, v8;
	v48 =	vadd.f32 v9, v46;
	_ =	sdelay $0x1  }
0x351: {  	v13 =	vmul.f32 v13, v4;
	v14 =	vmul.f32 v48, v4;
	_ =	sdelay $0x1  }
0x352: {  	v49 =	vmul.f32 $7.812500000e-03, v13;
	v50 =	vmul.f32 $7.812500000e-03, v14;
	_ =	sdelay $0x1  }
0x353: {  	v15 =	vtrunc.f32 v49;
	v16 =	vtrunc.f32 v50  }
0x354: {  	v15 =	vcvt.f32.s32 v15;
	v16 =	vcvt.f32.s32 v16;
	_ =	sdelay $0x1  }
0x355: {  	v15 =	vadd.s32 v6, v15;
	v16 =	vadd.s32 v7, v16  }
0x356: {  	v51 =	vcvt.s32.f32 v15;
	v52 =	vcvt.s32.f32 v16;
	_ =	sdelay $0x1  }
0x357: {  	v53 =	vmul.u32 $0x7, v16;
	v17 =	vadd.f32 $5.000000000e-01, v51;
	v18 =	vadd.f32 $5.000000000e-01, v52  }
0x358: {  	v54 =	vadd.s32 v15, v5;
	vm10 =	vlt.u32 v15, $0x7;
	vm11 =	vlt.u32 v16, $0x7  }
0x359: {  	v19 =	vadd.s32 v53, v54;
	v17 =	vmul.f32 $1.280000000e+02, v17;
	v18 =	vmul.f32 $1.280000000e+02, v18  }
0x35a: {  	vm0 =	vmand vm10, vm11;
	vm12 =	vlt.u32 v19, $0x700  }
0x35b: {  	vm0 =	vmand vm0, vm12;
	v8 =	vsub.f32 v17, v8;
	v11 =	vsub.f32 v18, v46  }
0x35c: {  	v55 =	vnsel vm0, $0x0, v19;
	v12 =	vsub.f32 v47, v17;
	v9 =	vsub.f32 v9, v18  }
0x35d: {  	v13 =	vsub.f32 v17, v13;
	v14 =	vsub.f32 v18, v14  }
0x35e: {  	v56 =	vmax.f32 v8, v11  }
0x35f: {  	v57 =	vmax.f32 v12, v9;
	v13 =	vand.u32 $0x7FFFFFFF, v13;
	v14 =	vand.u32 $0x7FFFFFFF, v14  }
0x360: {  	v16 =	vmax.f32 v56, v57;
	v13 =	vmax.f32 v13, v14  }
0x361: {  	v58 =	vmin.f32 v8, v11;
	v17 =	vadd.f32 $-5.120000000e+02, v16;
	v13 =	vsub.f32 $1.920000000e+02, v13;
	v59 =	vld.idx.msk [tilespmem:v55+s4+$0x0], $0xffff  }
0x362: {  	v60 =	vmin.f32 v12, v9;
	v8 =	vadd.f32 v12, v8;
	v9 =	vadd.f32 v9, v11  }
0x363: {  	v61 =	vmin.f32 v58, v60;
	v62 =	vmin.f32 v17, v13  }
0x364: {  	v8 =	vmul.f32 v9, v8;
	v11 =	vmin.f32 v61, v62  }
0x365: {  	vm14 =	vle.f32 v16, $1.000000000e+08;
	vm13 =	vgt.f32 v11, $0.0e+00  }
0x366: {  	vm1 =	vmand vm14, vm13;
	vm15 =	vlt.f32 v8, v59  }
0x367: {  	vm1 =	vmand vm15, vm1  }
0x368: {  	vm0 =	vmand vm0, vm1  }
0x369: {  	s30 =	sadd.s32 $0x2, s3  }
0x36a: {  	v63 =	vmov s30  }
0x36b: {  	v23 =	vshll.u32 v63, $0x2  }
0x36c: {  	v24 =	vor.u32 $0x1, v23  }
0x36d: {  	v25 =	vor.u32 $0x2, v23  }
0x36e: {  	[tilespmem:v55+s4+$0x0] =	vst.idx.msk vm0, v8;
	v8 =	vor.u32 $0x3, v23  }
0x36f: {  	[tilespmem:v55+s5+$0x0] =	vst.idx.msk vm0, v41  }
0x370: {  	v10 =	vld.idx.msk [tilespmem:v23+s0+$0x0], $0xffff  }
0x371: {  	v26 =	vld.idx.msk [tilespmem:v24+s0+$0x0], $0xffff  }
0x372: {  	v27 =	vld.idx.msk [tilespmem:v25+s0+$0x0], $0xffff  }
0x373: {  	v8 =	vld.idx.msk [tilespmem:v8+s0+$0x0], $0xffff;
	_ =	sdelay $0x3  }
0x374: {  	v13 =	vadd.f32 v27, v10  }
0x375: {  	v28 =	vadd.f32 v8, v26  }
0x376: {  	v13 =	vmul.f32 v13, v4  }
0x377: {  	v14 =	vmul.f32 v28, v4  }
0x378: {  	v29 =	vmul.f32 $7.812500000e-03, v13  }
0x379: {  	v30 =	vmul.f32 $7.812500000e-03, v14  }
0x37a: {  	v15 =	vtrunc.f32 v29  }
0x37b: {  	v15 =	vcvt.f32.s32 v15;
	v16 =	vtrunc.f32 v30  }
0x37c: {  	v16 =	vcvt.f32.s32 v16  }
0x37d: {  	v15 =	vadd.s32 v6, v15  }
0x37e: {  	v31 =	vcvt.s32.f32 v15;
	v16 =	vadd.s32 v7, v16  }
0x37f: {  	v32 =	vcvt.s32.f32 v16  }
0x380: {  	v17 =	vadd.f32 $5.000000000e-01, v31;
	v33 =	vmul.u32 $0x7, v16  }
0x381: {  	v34 =	vadd.s32 v15, v5;
	vm4 =	vlt.u32 v15, $0x7;
	v18 =	vadd.f32 $5.000000000e-01, v32  }
0x382: {  	vm5 =	vlt.u32 v16, $0x7;
	v17 =	vmul.f32 $1.280000000e+02, v17;
	v19 =	vadd.s32 v33, v34  }
0x383: {  	vm0 =	vmand vm4, vm5;
	vm6 =	vlt.u32 v19, $0x700;
	v18 =	vmul.f32 $1.280000000e+02, v18  }
0x384: {  	v10 =	vsub.f32 v17, v10;
	v12 =	vsub.f32 v27, v17;
	vm0 =	vmand vm0, vm6  }
0x385: {  	v13 =	vsub.f32 v17, v13;
	v35 =	vnsel vm0, $0x0, v19;
	v11 =	vsub.f32 v18, v26  }
0x386: {  	v8 =	vsub.f32 v8, v18;
	v14 =	vsub.f32 v18, v14  }
0x387: {  	v13 =	vand.u32 $0x7FFFFFFF, v13  }
0x388: {  	v36 =	vmax.f32 v10, v11;
	v37 =	vmax.f32 v12, v8;
	v14 =	vand.u32 $0x7FFFFFFF, v14  }
0x389: {  	v16 =	vmax.f32 v36, v37;
	v13 =	vmax.f32 v13, v14  }
0x38a: {  	v38 =	vmin.f32 v10, v11;
	v17 =	vadd.f32 $-5.120000000e+02, v16;
	v13 =	vsub.f32 $1.920000000e+02, v13;
	v39 =	vld.idx.msk [tilespmem:v35+s4+$0x0], $0xffff  }
0x38b: {  	v40 =	vmin.f32 v12, v8;
	v10 =	vadd.f32 v12, v10;
	v8 =	vadd.f32 v8, v11  }
0x38c: {  	v41 =	vmin.f32 v38, v40;
	v42 =	vmin.f32 v17, v13  }
0x38d: {  	v8 =	vmul.f32 v8, v10;
	v11 =	vmin.f32 v41, v42  }
0x38e: {  	vm8 =	vle.f32 v16, $1.000000000e+08;
	vm7 =	vgt.f32 v11, $0.0e+00  }
0x38f: {  	vm1 =	vmand vm8, vm7;
	vm9 =	vlt.f32 v8, v39  }
0x390: {  	vm1 =	vmand vm9, vm1  }
0x391: {  	vm0 =	vmand vm0, vm1  }
0x392: {  	s31 =	sadd.s32 $0x3, s3  }
0x393: {  	v43 =	vmov s31  }
0x394: {  	v44 =	vshll.u32 v43, $0x2  }
0x395: {  	v45 =	vor.u32 $0x1, v44  }
0x396: {  	v46 =	vor.u32 $0x2, v44  }
0x397: {  	[tilespmem:v35+s4+$0x0] =	vst.idx.msk vm0, v8;
	v8 =	vor.u32 $0x3, v44  }
0x398: {  	[tilespmem:v35+s5+$0x0] =	vst.idx.msk vm0, v63  }
0x399: {  	v9 =	vld.idx.msk [tilespmem:v44+s0+$0x0], $0xffff  }
0x39a: {  	v47 =	vld.idx.msk [tilespmem:v45+s0+$0x0], $0xffff  }
0x39b: {  	v48 =	vld.idx.msk [tilespmem:v46+s0+$0x0], $0xffff  }
0x39c: {  	v8 =	vld.idx.msk [tilespmem:v8+s0+$0x0], $0xffff;
	_ =	sdelay $0x3  }
0x39d: {  	v13 =	vadd.f32 v48, v9  }
0x39e: {  	v49 =	vadd.f32 v8, v47  }
0x39f: {  	v13 =	vmul.f32 v13, v4  }
0x3a0: {  	v14 =	vmul.f32 v49, v4  }
0x3a1: {  	v50 =	vmul.f32 $7.812500000e-03, v13  }
0x3a2: {  	v51 =	vmul.f32 $7.812500000e-03, v14  }
0x3a3: {  	v15 =	vtrunc.f32 v50  }
0x3a4: {  	v15 =	vcvt.f32.s32 v15;
	v16 =	vtrunc.f32 v51  }
0x3a5: {  	v16 =	vcvt.f32.s32 v16  }
0x3a6: {  	v15 =	vadd.s32 v6, v15  }
0x3a7: {  	v52 =	vcvt.s32.f32 v15;
	v16 =	vadd.s32 v7, v16  }
0x3a8: {  	v53 =	vcvt.s32.f32 v16  }
0x3a9: {  	v17 =	vadd.f32 $5.000000000e-01, v52;
	v54 =	vmul.u32 $0x7, v16  }
0x3aa: {  	v55 =	vadd.s32 v15, v5;
	vm10 =	vlt.u32 v15, $0x7;
	v18 =	vadd.f32 $5.000000000e-01, v53  }
0x3ab: {  	vm11 =	vlt.u32 v16, $0x7;
	v17 =	vmul.f32 $1.280000000e+02, v17;
	v19 =	vadd.s32 v54, v55  }
0x3ac: {  	vm0 =	vmand vm10, vm11;
	vm12 =	vlt.u32 v19, $0x700;
	v18 =	vmul.f32 $1.280000000e+02, v18  }
0x3ad: {  	v9 =	vsub.f32 v17, v9;
	v12 =	vsub.f32 v48, v17;
	vm0 =	vmand vm0, vm12  }
0x3ae: {  	v13 =	vsub.f32 v17, v13;
	v56 =	vnsel vm0, $0x0, v19;
	v11 =	vsub.f32 v18, v47  }
0x3af: {  	v8 =	vsub.f32 v8, v18;
	v14 =	vsub.f32 v18, v14  }
0x3b0: {  	v13 =	vand.u32 $0x7FFFFFFF, v13  }
0x3b1: {  	v57 =	vmax.f32 v9, v11;
	v58 =	vmax.f32 v12, v8;
	v14 =	vand.u32 $0x7FFFFFFF, v14  }
0x3b2: {  	v16 =	vmax.f32 v57, v58;
	v13 =	vmax.f32 v13, v14  }
0x3b3: {  	v59 =	vmin.f32 v9, v11;
	v17 =	vadd.f32 $-5.120000000e+02, v16;
	v13 =	vsub.f32 $1.920000000e+02, v13;
	v60 =	vld.idx.msk [tilespmem:v56+s4+$0x0], $0xffff  }
0x3b4: {  	v61 =	vmin.f32 v12, v8;
	v9 =	vadd.f32 v12, v9;
	v8 =	vadd.f32 v8, v11  }
0x3b5: {  	v62 =	vmin.f32 v59, v61;
	v63 =	vmin.f32 v17, v13  }
0x3b6: {  	v8 =	vmul.f32 v8, v9;
	v11 =	vmin.f32 v62, v63  }
0x3b7: {  	vm14 =	vle.f32 v16, $1.000000000e+08;
	vm13 =	vgt.f32 v11, $0.0e+00  }
0x3b8: {  	vm1 =	vmand vm14, vm13;
	vm15 =	vlt.f32 v8, v60  }
0x3b9: {  	vm1 =	vmand vm15, vm1  }
0x3ba: {  	vm0 =	vmand vm0, vm1;
	_ =	sdelay $0x1  }
0x3bb: {  	p0 =	slt.u32 s3, $0x3C  }
.Ltmp9:
0x3bc: {  	_ = 	snop;
	(pc) =	sbr.rel @p0 .LBB3_9-.Ltmp9, $3  }
0x3bd: {  	_ =	sdelay $0x1  }
0x3be: {  	[tilespmem:v56+s4+$0x0] =	vst.idx.msk vm0, v8  }
0x3bf: {  	s3 =	sadd.s32 $0x4, s3;
	[tilespmem:v56+s5+$0x0] =	vst.idx.msk vm0, v43  }
.LBB3_10:
0x3c0: {  	s1 =	simm.s32 $0x2  }
0x3c1: {  	_ =	swait.ge [sflag:s1], $0x1500  }
0x3c2: {  	[sflag:s1] =	ssyncset.done $0x0  }
0x3c3: {  	[sflag:s1] =	ssyncadd.s32 $0xFFFFEB00  }
0x3c4: {  	_ =	swait.ge [sflag:s1], $0x40  }
0x3c5: {  	[sflag:s1] =	ssyncset.done $0x0  }
0x3c6: {  	s12 =	simm.s32 $0x60;
	[sflag:s1] =	ssyncadd.s32 $0xFFFFFFC0  }
0x3c7: {  	v8 =	vld [tilespmem:s12+$0xFFFFFFA0]  }
0x3c8: {  	v9 =	vld [tilespmem:s12+$0xFFFFFFD0]  }
0x3c9: {  	v10 =	vld [tilespmem:s12+$0x30]  }
0x3ca: {  	v11 =	vld [tilespmem:s12+$0x10]  }
0x3cb: {  	s19 =	simm.s32 $0x0;
	v12 =	vld [tilespmem:s12+$0xFFFFFFB0]  }
0x3cc: {  	v14 =	vld [tilespmem:s19+$0x1D90]  }
0x3cd: {  	v15 =	vld [tilespmem:s19+$0x1690]  }
0x3ce: {  	v16 =	vld [tilespmem:s19+$0x16B0]  }
0x3cf: {  	v17 =	vld [tilespmem:s19+$0x1DB0]  }
0x3d0: {  	v18 =	vld [tilespmem:s19+$0x16A0]  }
0x3d1: {  	v19 =	vld [tilespmem:s19+$0x1DA0]  }
0x3d2: {  	v13 =	vld [tilespmem:s12+$0x50]  }
0x3d3: {  	v20 =	vld [tilespmem:s19+$0x1680];
	vm4 =	vge.f32 v15, $1.000000000e+08  }
0x3d4: {  	v22 =	vld [tilespmem:s12+$0x20];
	vm2 =	vge.f32 v16, $1.000000000e+08;
	v14 =	vsel vm4, $0x0, v14  }
0x3d5: {  	v23 =	vld [tilespmem:s12+$0xFFFFFFF0];
	vm5 =	vge.f32 v18, $1.000000000e+08;
	v17 =	vsel vm2, $0x0, v17;
	v21 =	vshll.u32 v14, $0x2  }
0x3d6: {  	v15 =	vld [tilespmem:s19+$0x1D80];
	v19 =	vsel vm5, $0x0, v19;
	v18 =	vshll.u32 v17, $0x2  }
0x3d7: {  	v25 =	vld [tilespmem:s12+$0x0];
	v26 =	vshll.u32 v19, $0x2  }
0x3d8: {  	v27 =	vld [tilespmem:s12+$0xFFFFFFE0];
	v24 =	vor.u32 $0x1, v21  }
0x3d9: {  	v16 =	vld [tilespmem:s12+$0x40];
	v28 =	vor.u32 $0x2, v18  }
0x3da: {  	vm7 =	vge.f32 v20, $1.000000000e+08;
	v29 =	vor.u32 $0x3, v21;
	v30 =	vld.idx.msk [tilespmem:v21+s0+$0x0], $0xffff  }
0x3db: {  	v20 =	vor.u32 $0x3, v18;
	v15 =	vsel vm7, $0x0, v15;
	v31 =	vld.idx.msk [tilespmem:v18+s0+$0x0], $0xffff  }
0x3dc: {  	v32 =	vshll.u32 v15, $0x2;
	v33 =	vld.idx.msk [tilespmem:v26+s0+$0x0], $0xffff  }
0x3dd: {  	v21 =	vor.u32 $0x2, v21;
	v24 =	vld.idx.msk [tilespmem:v24+s0+$0x0], $0xffff  }
0x3de: {  	v34 =	vor.u32 $0x3, v32;
	v28 =	vld.idx.msk [tilespmem:v28+s0+$0x0], $0xffff  }
0x3df: {  	v36 =	vor.u32 $0x2, v26;
	v29 =	vld.idx.msk [tilespmem:v29+s0+$0x0], $0xffff  }
0x3e0: {  	v35 =	vor.u32 $0x2, v32;
	v20 =	vld.idx.msk [tilespmem:v20+s0+$0x0], $0xffff  }
0x3e1: {  	v37 =	vor.u32 $0x1, v26;
	v38 =	vor.u32 $0x1, v32;
	v32 =	vld.idx.msk [tilespmem:v32+s0+$0x0], $0xffff  }
0x3e2: {  	v21 =	vld.idx.msk [tilespmem:v21+s0+$0x0], $0xffff  }
0x3e3: {  	v34 =	vld.idx.msk [tilespmem:v34+s0+$0x0], $0xffff  }
0x3e4: {  	v18 =	vor.u32 $0x1, v18;
	v31 =	vsub.f32 v10, v31;
	v10 =	vsub.f32 v28, v10;
	v28 =	vld.idx.msk [tilespmem:v36+s0+$0x0], $0xffff  }
0x3e5: {  	v26 =	vor.u32 $0x3, v26;
	v35 =	vld.idx.msk [tilespmem:v35+s0+$0x0], $0xffff;
	v30 =	vsub.f32 v9, v30  }
0x3e6: {  	v57 =	vmul.f32 v31, v13;
	v31 =	vld.idx.msk [tilespmem:v37+s0+$0x0], $0xffff;
	v58 =	vmul.f32 v10, v13;
	v10 =	vsub.f32 v27, v24  }
0x3e7: {  	v24 =	vld.idx.msk [tilespmem:v38+s0+$0x0], $0xffff;
	v9 =	vsub.f32 v21, v9  }
0x3e8: {  	v39 =	vmul.f32 v30, v23;
	v21 =	vsub.f32 v29, v27;
	v45 =	vmul.f32 v10, v23;
	v10 =	vld [tilespmem:s12+$0xFFFFFFC0]  }
0x3e9: {  	v27 =	vsub.f32 v25, v33;
	v25 =	vsub.f32 v28, v25;
	v40 =	vmul.f32 v9, v23;
	v9 =	vld.idx.msk [tilespmem:v18+s0+$0x0], $0xffff  }
0x3ea: {  	v18 =	vsub.f32 v20, v16;
	v44 =	vmul.f32 v21, v23;
	v20 =	vsub.f32 v8, v32;
	v21 =	vld.idx.msk [tilespmem:v26+s0+$0x0], $0xffff  }
0x3eb: {  	v23 =	vsub.f32 v34, v12;
	v28 =	vsub.f32 v11, v31  }
0x3ec: {  	v8 =	vsub.f32 v35, v8;
	v26 =	vmax.f32 v39, v40;
	v29 =	vmax.f32 v45, v44  }
0x3ed: {  	v59 =	vmul.f32 v27, v22;
	v12 =	vsub.f32 v12, v24;
	v26 =	vmul.f32 v29, v26  }
0x3ee: {  	v20 =	vmul.f32 v20, v10;
	v35 =	vmul.f32 v8, v10;
	v9 =	vsub.f32 v16, v9  }
0x3ef: {  	v16 =	vmul.f32 v23, v10;
	v11 =	vsub.f32 v21, v11;
	v23 =	vmul.f32 v12, v10  }
0x3f0: {  	v12 =	vmul.f32 v18, v13;
	v18 =	vmul.f32 v9, v13  }
0x3f1: {  	v10 =	vmul.f32 v11, v22;
	v11 =	vmax.f32 v20, v35;
	v13 =	vmax.f32 v23, v16  }
0x3f2: {  	v14 =	vld.idx.msk [tilespmem:v14+s7+$0x0], $0xffff;
	v25 =	vmul.f32 v25, v22;
	v8 =	vmax.f32 v26, $9.999999930e-09;
	v11 =	vmul.f32 v13, v11  }
0x3f3: {  	(erf) = vrcp.f32 v8;
	v9 =	vld.idx.msk [tilespmem:v17+s7+$0x0], $0xffff;
	v17 =	vmax.f32 v57, v58;
	v13 =	vmax.f32 v18, v12  }
0x3f4: {  	v27 =	vmul.f32 v28, v22;
	v8 =	vmul.f32 v13, v17;
	v11 =	vmax.f32 v11, $9.999999930e-09  }
0x3f5: {  	v15 =	vld.idx.msk [tilespmem:v15+s7+$0x0], $0xffff;
	(erf) = vrcp.f32 v11  }
0x3f6: {  	v13 =	vmax.f32 v59, v25;
	v17 =	vld.idx.msk [tilespmem:v19+s7+$0x0], $0xffff;
	v19 =	vmax.f32 v27, v10;
	v8 =	vmax.f32 v8, $9.999999930e-09  }
0x3f7: {  	v11 =	vmul.f32 v19, v13;
	(erf) = vrcp.f32 v8  }
0x3f8: {  	s20 =	simm.s32 $0x40;
	v43 =	vsel vm4, $0x0, v14;
	v14 =	vmin.f32 v23, v16;
	v38 =	vsel vm2, $0x0, v9  }
0x3f9: {  	v49 =	vld [tilespmem:s20+$0x1680];
	v9 =	vmin.f32 v45, v44;
	v8 =	vmax.f32 v11, $9.999999930e-09;
	v11 =	vmin.f32 v39, v40  }
0x3fa: {  	(erf) = vrcp.f32 v8;
	v8 =	vmul.f32 v9, v11;
	v9 =	vmin.f32 v20, v35  }
0x3fb: {  	v50 =	vld [tilespmem:s20+$0x1D80];
	v5 =	vsel vm7, $0x0, v15;
	v15 =	vmin.f32 v18, v12;
	v14 =	vmul.f32 v14, v9  }
0x3fc: {  	v13 =	vmin.f32 v57, v58;
	v61 =	vsel vm5, $0x0, v17;
	v17 =	vpop (erf);
	v8 =	vmax.f32 v8, $0.0e+00  }
0x3fd: {  	v13 =	vmul.f32 v15, v13;
	v15 =	vmul.f32 v17, v8;
	v17 =	vmax.f32 v14, $0.0e+00  }
0x3fe: {  	vm3 =	vge.f32 v49, $1.000000000e+08;
	v11 =	vmin.f32 v27, v10;
	v8 =	vsel vm5, $0xBF800000, v10;
	v19 =	vpop (erf)  }
0x3ff: {  	v10 =	vmin.f32 v59, v25;
	v14 =	vadd.f32 $9.999999960e-13, v15;
	v15 =	vmul.f32 v19, v17  }
0x400: {  	v50 =	vsel vm3, $0x0, v50;
	v13 =	vmax.f32 v13, $0.0e+00;
	v10 =	vmul.f32 v11, v10;
	v17 =	vpop (erf)  }
0x401: {  	v11 =	vmul.f32 v17, v13  }
0x402: {  	v62 =	vld [tilespmem:s20+$0x16B0];
	v9 =	vsel vm5, $0xBF800000, v27;
	v10 =	vmax.f32 v10, $0.0e+00;
	v26 =	vadd.f32 $9.999999960e-13, v15  }
0x403: {  	v51 =	vld [tilespmem:s20+$0x16A0];
	v13 =	vsel vm7, $0xBF800000, v16;
	v16 =	vshra.s32 v14, $0x1;
	v15 =	vpop (erf);
	v27 =	vadd.f32 $9.999999960e-13, v11  }
0x404: {  	v63 =	vld [tilespmem:s20+$0x1DA0];
	v46 =	vadd.s32 $0x1FBD1DF5, v16;
	v11 =	vmul.f32 v15, v10;
	v15 =	vshra.s32 v26, $0x1  }
0x405: {  	s3 =	simm.s32 $0x120;
	v42 =	vld.idx.msk [tilespmem:v50+s7+$0x0], $0xffff;
	(erf) = vrcp.f32 v46;
	v47 =	vadd.s32 $0x1FBD1DF5, v15;
	v15 =	vshra.s32 v27, $0x1  }
0x406: {  	v36 =	vld [tilespmem:s3+$0x40];
	v48 =	vadd.s32 $0x1FBD1DF5, v15;
	(erf) = vrcp.f32 v47  }
0x407: {  	v19 =	vld [tilespmem:s20+$0x1DB0];
	v22 =	vadd.f32 $9.999999960e-13, v11;
	(erf) = vrcp.f32 v48  }
0x408: {  	v30 =	vld [tilespmem:s3+$0x50]  }
0x409: {  	v15 =	vld [tilespmem:s20+$0x1690];
	v17 =	vshra.s32 v22, $0x1  }
0x40a: {  	vm1 =	vge.f32 v62, $1.000000000e+08;
	vm6 =	vmmov vm2;
	v16 =	vld [tilespmem:s20+$0x1D90];
	v54 =	vadd.s32 $0x1FBD1DF5, v17  }
0x40b: {  	v37 =	vld [tilespmem:s3+$0x0];
	v21 =	vsel vm7, $0xBF800000, v20;
	v24 =	vsel vm7, $0xBF800000, v23;
	(erf) = vrcp.f32 v54  }
0x40c: {  	v33 =	vld [tilespmem:s3+$0x30];
	v23 =	vsel vm7, $0xBF800000, v35;
	v12 =	vsel vm2, $0xBF800000, v12;
	v34 =	vsel vm1, $0x0, v19  }
0x40d: {  	v32 =	vld [tilespmem:s3+$0xFFFFFFD0];
	v20 =	vsel vm2, $0xBF800000, v18;
	v18 =	vsel vm2, $0xBF800000, v58;
	v10 =	vsel vm5, $0xBF800000, v59  }
0x40e: {  	v31 =	vld [tilespmem:s3+$0xFFFFFFB0];
	v56 =	vshll.u32 v34, $0x2;
	v11 =	vsel vm5, $0xBF800000, v25;
	vm0 =	vge.f32 v15, $1.000000000e+08;
	v59 =	vpop (erf)  }
0x40f: {  	v28 =	vld [tilespmem:s3+$0xFFFFFFA0];
	v25 =	vsel vm2, $0xBF800000, v57;
	vm2 =	vge.f32 v51, $1.000000000e+08;
	v52 =	vsel vm0, $0x0, v16;
	v53 =	vpop (erf)  }
0x410: {  	v29 =	vld [tilespmem:s3+$0x10];
	v0 =	vor.u32 $0x3, v56;
	v17 =	vsel vm4, $0xBF800000, v45;
	v62 =	vpop (erf);
	v51 =	vmul.f32 v53, v26  }
0x411: {  	v45 =	vsel vm2, $0x0, v63;
	v58 =	vld.idx.msk [tilespmem:v34+s7+$0x0], $0xffff;
	v16 =	vsel vm4, $0xBF800000, v44;
	v53 =	vmul.f32 v62, v27  }
0x412: {  	v35 =	vld [tilespmem:s3+$0x20];
	v44 =	vshll.u32 v52, $0x2;
	v60 =	vmul.f32 v59, v14;
	v47 =	vadd.f32 v47, v51  }
0x413: {  	p0 =	por $0x0, $0x0;
	s28 =	simm.s32 $0x0;
	v19 =	vsel vm4, $0xBF800000, v39;
	v39 =	vld [tilespmem:s3+$0xFFFFFFE0];
	v49 =	vshll.u32 v45, $0x2;
	v48 =	vadd.f32 v48, v53  }
0x414: {  	s5 =	simm.s32 $0x4;
	s16 =	simm.s32 $0x20;
	s18 =	simm.s32 $0x10;
	v15 =	vsel vm4, $0xBF800000, v40;
	v46 =	vadd.f32 v46, v60;
	v62 =	vld.idx.msk [tilespmem:v52+s7+$0x0], $0xffff;
	v63 =	vpop (erf);
	v52 =	vmul.f32 $5.000000000e-01, v47  }
0x415: {  	s22 =	simm.s32 $0x100;
	s29 =	simm.s32 $0x4;
	s6 =	simm.s32 $0x120;
	v40 =	vld [tilespmem:s3+$0xFFFFFFF0];
	v57 =	vor.u32 $0x1, v44;
	v60 =	vmul.f32 v63, v22;
	v51 =	vmul.f32 $5.000000000e-01, v48  }
0x416: {  	s2 =	sand.u32 $0x1E00, s28;
	s13 =	sand.u32 $0x7, s28;
	s15 =	sand.u32 $0x3, s28;
	[tilespmem:s19+$0x24B0] =	vst v38;
	v38 =	vsel vm1, $0x0, v58;
	v58 =	vld.idx.msk [tilespmem:v0+s0+$0x0], $0xffff;
	v34 =	vmul.f32 $5.000000000e-01, v46;
	(erf) = vrcp.f32 v52  }
0x417: {  	s23 =	sand.u32 $0x60, s16;
	s25 =	sand.u32 $0x50, s18;
	s1 =	simm.s32 $0x1;
	v59 =	vor.u32 $0x2, v56;
	v41 =	vld.idx.msk [tilespmem:v44+s0+$0x0], $0xffff;
	v48 =	vadd.f32 v54, v60;
	(erf) = vrcp.f32 v51  }
0x418: {  	p4 =	por !p0, !p0;
	s21 =	sand.u32 $0x1E00, s22;
	s1 =	simm.s32 @!p0 $0x0;
	v55 =	vor.u32 $0x2, v44;
	v2 =	vor.u32 $0x3, v44;
	v44 =	vld.idx.msk [tilespmem:v45+s7+$0x0], $0xffff;
	(erf) = vrcp.f32 v34  }
0x419: {  	s30 =	sand.u32 $0x7, s29;
	s14 =	sadd.s32 $0x2B80, s2;
	s1 =	sshll.u32 s1, $0x6;
	v3 =	vshll.u32 v50, $0x2;
	v63 =	vld.idx.msk [tilespmem:v56+s0+$0x0], $0xffff;
	v48 =	vmul.f32 $5.000000000e-01, v48  }
0x41a: {  	s4 =	sshll.u32 s15, $0x5;
	s17 =	sadd.s32 $0x0, s1;
	s1 =	sshll.u32 s13, $0x4;
	v42 =	vsel vm3, $0x0, v42;
	[tilespmem:s19+$0x2490] =	vst v43;
	v43 =	vor.u32 $0x2, v3;
	v53 =	vld.idx.msk [tilespmem:v57+s0+$0x0], $0xffff  }
0x41b: {  	s2 =	simm.s32 $0x30;
	s15 =	sadd.s32 $0x0, s1;
	s1 =	simm.s32 $0x1;
	vm7 =	vmmov vm7;
	v57 =	vor.u32 $0x3, v3;
	v60 =	vld.idx.msk [tilespmem:v49+s0+$0x0], $0xffff;
	(erf) = vrcp.f32 v48  }
0x41c: {  	s31 =	sadd.s32 $0x2B80, s21;
	s4 =	sadd.s32 $0x0, s4;
	s1 =	simm.s32 @!p4 $0x0;
	vm5 =	vmmov vm5;
	vm4 =	vmmov vm4;
	v46 =	vor.u32 $0x1, v56;
	v59 =	vld.idx.msk [tilespmem:v59+s0+$0x0], $0xffff  }
0x41d: {  	s18 =	sadd.s32 $0x20, s4;
	s4 =	simm.s32 $0x0;
	s1 =	sshll.u32 s1, $0x6;
	[tilespmem:s19+$0x24A0] =	vst v61;
	v45 =	vor.u32 $0x1, v49;
	v61 =	vld.idx.msk [tilespmem:v2+s0+$0x0], $0xffff;
	v47 =	vor.u32 $0x1, v3;
	v54 =	vor.u32 $0x2, v49  }
0x41e: {  	s13 =	simm.s32 $0x2;
	s24 =	sadd.s32 $0x30, s15;
	s26 =	sadd.s32 $0x100, s1;
	[tilespmem:s19+$0x2480] =	vst v5;
	v50 =	vsel vm0, $0x0, v62;
	v62 =	vld.idx.msk [tilespmem:v3+s0+$0x0], $0xffff;
	v56 =	vsub.f32 v32, v41;
	v41 =	vsub.f32 v33, v63  }
.LBB3_11:
0x41f: {  	s5 =	sadd.s32 $0x4, s5;
	s1 =	sand.u32 $0x3, s13;
	v0 =	vld.idx.msk [tilespmem:v55+s0+$0x0], $0xffff;
	v2 =	vsel vm2, $0x0, v44;
	s28 =	sadd.s32 $0x40, s28;
	v3 =	vpop (erf)  }
0x420: {  	v49 =	vor.u32 $0x3, v49;
	p0 =	slt.u32 s5, $0x6C;
	s9 =	sshll.u32 s1, $0x5;
	v55 =	vld.idx.msk [tilespmem:v57+s0+$0x0], $0xffff;
	[tilespmem:s20+$0x2490] =	vst v50;
	s1 =	sadd.s32 $0x20, s28;
	v50 =	vsub.f32 v37, v60;
	v3 =	vmul.f32 v3, v26;
	v57 =	vpop (erf)  }
0x421: {  	s11 =	sshll.u32 s30, $0x4;
	v44 =	vmul.f32 v41, v30;
	s3 =	sadd.s32 $0xC0, s3;
	v33 =	vsub.f32 v59, v33;
	v60 =	vld.idx.msk [tilespmem:v43+s0+$0x0], $0xffff;
	s1 =	sand.u32 $0x60, s1;
	v43 =	vmul.f32 v57, v27;
	v41 =	vpop (erf)  }
0x422: {  	s30 =	sadd.s32 s22, s11;
	s11 =	sadd.s32 $0x10, s28;
	s12 =	sadd.s32 $0x30, s28;
	v5 =	vsub.f32 v61, v39;
	v57 =	vld [tilespmem:s3+$0xFFFFFFA0];
	v3 =	vadd.f32 v3, v52;
	v52 =	vmul.f32 v41, v14  }
0x423: {  	s21 =	sadd.s32 s22, s9;
	s11 =	sand.u32 $0x50, s11;
	s9 =	sadd.s32 $0x30, s30;
	v41 =	vmul.f32 v33, v30;
	v33 =	vsub.f32 v58, v36;
	v54 =	vld.idx.msk [tilespmem:v54+s0+$0x0], $0xffff;
	v51 =	vadd.f32 v43, v51  }
0x424: {  	v53 =	vsub.f32 v39, v53;
	s21 =	sadd.s32 $0x20, s21;
	v58 =	vsub.f32 v28, v62;
	v39 =	vmul.f32 v5, v40;
	v45 =	vld.idx.msk [tilespmem:v45+s0+$0x0], $0xffff;
	v59 =	vpop (erf)  }
0x425: {  	v43 =	vmul.f32 v56, v40;
	v0 =	vsub.f32 v0, v32;
	v3 =	vmul.f32 $5.000000000e-01, v3;
	v49 =	vld.idx.msk [tilespmem:v49+s0+$0x0], $0xffff  }
0x426: {  	v32 =	vmul.f32 v53, v40;
	v55 =	vsub.f32 v55, v31;
	[tilespmem:s20+$0x24A0] =	vst v2;
	v2 =	vmul.f32 $5.000000000e-01, v51  }
0x427: {  	v51 =	vsub.f32 v60, v28;
	v40 =	vmul.f32 v0, v40;
	v0 =	vmul.f32 v59, v22;
	v47 =	vld.idx.msk [tilespmem:v47+s0+$0x0], $0xffff  }
0x428: {  	v50 =	vmul.f32 v50, v35;
	v53 =	vmin.f32 v32, v39;
	v28 =	vmovc v57;
	v46 =	vld.idx.msk [tilespmem:v46+s0+$0x0], $0xffff;
	(erf) = vrcp.f32 v2  }
0x429: {  	v59 =	vmax.f32 v32, v39;
	v57 =	vmax.f32 v43, v40;
	v37 =	vsub.f32 v54, v37;
	v56 =	vld [tilespmem:s6+$0xFFFFFFC0];
	[tilespmem:s20+$0x24B0] =	vst v38;
	s6 =	smov.u32 s3  }
0x42a: {  	v38 =	vmin.f32 v43, v40;
	v45 =	vsub.f32 v29, v45;
	[tilespmem:s20+$0x2480] =	vst v42;
	v42 =	vmul.f32 v59, v57  }
0x42b: {  	v54 =	vmul.f32 v37, v35;
	v29 =	vsub.f32 v49, v29;
	(erf) = vrcp.f32 v3  }
0x42c: {  	v38 =	vmul.f32 v53, v38;
	v45 =	vmul.f32 v45, v35;
	v37 =	vmax.f32 v42, $9.999999930e-09  }
0x42d: {  	v0 =	vadd.f32 v0, v48;
	v31 =	vsub.f32 v31, v47;
	v29 =	vmul.f32 v29, v35  }
0x42e: {  	v34 =	vadd.f32 v52, v34;
	v36 =	vsub.f32 v36, v46;
	v35 =	vmul.f32 v58, v56  }
0x42f: {  	v42 =	vmax.f32 v50, v54;
	v46 =	vmax.f32 v45, v29;
	(erf) = vrcp.f32 v37  }
0x430: {  	v47 =	vmin.f32 v45, v29;
	v37 =	vmul.f32 v46, v42;
	v42 =	vmul.f32 $5.000000000e-01, v34  }
0x431: {  	v33 =	vmul.f32 v33, v30;
	v46 =	vmul.f32 v55, v56;
	v34 =	vsel vm2, $0xBF800000, v45;
	v45 =	vpop (erf)  }
0x432: {  	v31 =	vmul.f32 v31, v56;
	v48 =	vmul.f32 v51, v56;
	v49 =	vmax.f32 v37, $9.999999930e-09  }
0x433: {  	v51 =	vmax.f32 v44, v41;
	v30 =	vmul.f32 v36, v30;
	v36 =	vmin.f32 v44, v41  }
0x434: {  	v52 =	vmin.f32 v35, v48;
	v37 =	vmax.f32 v35, v48;
	v53 =	vmax.f32 v31, v46;
	v55 =	vpop (erf)  }
0x435: {  	v0 =	vmul.f32 $5.000000000e-01, v0;
	v56 =	vmax.f32 v30, v33;
	v53 =	vmul.f32 v53, v37  }
0x436: {  	v57 =	vmin.f32 v31, v46;
	v37 =	vsel vm2, $0xBF800000, v29;
	v29 =	vmul.f32 v56, v51  }
0x437: {  	v51 =	vmul.f32 v57, v52;
	v52 =	vmax.f32 v53, $9.999999930e-09;
	v53 =	vmin.f32 v30, v33  }
0x438: {  	v29 =	vmax.f32 v29, $9.999999930e-09;
	v53 =	vmul.f32 v53, v36;
	(erf) = vrcp.f32 v52;
	v36 =	vpop (erf)  }
0x439: {  	v26 =	vmul.f32 v55, v26;
	v52 =	vmin.f32 v50, v54;
	(erf) = vrcp.f32 v29  }
0x43a: {  	v27 =	vmul.f32 v45, v27;
	v29 =	vmax.f32 v38, $0.0e+00;
	(erf) = vrcp.f32 v49  }
0x43b: {  	v3 =	vadd.f32 v26, v3;
	v29 =	vmul.f32 v36, v29;
	(erf) = vrcp.f32 v0  }
0x43c: {  	v45 =	vsel vm3, $0xBF800000, v35;
	v2 =	vadd.f32 v27, v2;
	(erf) = vrcp.f32 v42  }
0x43d: {  	v46 =	vsel vm3, $0xBF800000, v46;
	v35 =	vsel vm2, $0xBF800000, v50;
	v29 =	vadd.f32 $9.999999960e-13, v29  }
0x43e: {  	v26 =	vmul.f32 v47, v52;
	v3 =	vmul.f32 $5.000000000e-01, v3;
	v36 =	vsel vm1, $0xBF800000, v33  }
0x43f: {  	v2 =	vmul.f32 $5.000000000e-01, v2;
	v38 =	vsel vm2, $0xBF800000, v54;
	v33 =	vsel vm1, $0xBF800000, v44  }
0x440: {  	s16 =	sand.u32 $0x40, s4;
	s4 =	smov.u32 s28;
	v31 =	vsel vm3, $0xBF800000, v31;
	v47 =	vsel vm1, $0xBF800000, v30;
	v3 =	vsel vm7, $0xBF800000, v3  }
0x441: {  	s16 =	sor.u32 s16, s14;
	v27 =	vmax.f32 v51, $0.0e+00;
	v2 =	vsel vm6, $0xBF800000, v2;
	v30 =	vsel vm3, $0xBF800000, v48;
	v44 =	vpop (erf);
	[tilespmem:s19+$0x4780] =	vst v3  }
0x442: {  	s10 =	sand.u32 $0x70, s2;
	s2 =	smov.u32 s12;
	v5 =	vmax.f32 v53, $0.0e+00;
	v3 =	vmul.f32 v44, v27;
	v27 =	vshra.s32 v29, $0x1;
	v48 =	vpop (erf);
	[tilespmem:s16+$0x0] =	vst v21  }
0x443: {  	s12 =	sor.u32 s10, s14;
	v49 =	vsel vm0, $0xBF800000, v32;
	v50 =	vmax.f32 v26, $0.0e+00;
	v32 =	vmul.f32 v48, v5;
	v44 =	vpop (erf);
	[tilespmem:s19+$0x47B0] =	vst v2  }
0x444: {  	v2 =	vadd.s32 $0x1FBD1DF5, v27;
	v26 =	vadd.f32 $9.999999960e-13, v3;
	v3 =	vmul.f32 v44, v50;
	[tilespmem:s12+$0x0] =	vst v25;
	v21 =	vpop (erf)  }
0x445: {  	s10 =	sor.u32 $0x100, s17;
	v27 =	vadd.f32 $9.999999960e-13, v32;
	(erf) = vrcp.f32 v2;
	[tilespmem:s16+$0x80] =	vst v24;
	v48 =	vmul.f32 v21, v22;
	v21 =	vpop (erf)  }
0x446: {  	v5 =	vshra.s32 v26, $0x1;
	v22 =	vadd.f32 $9.999999960e-13, v3;
	[tilespmem:s10+$0x2B80] =	vst v23;
	s10 =	sor.u32 $0x180, s17;
	v3 =	vmul.f32 v21, v14;
	v21 =	vmovc v45;
	v14 =	vmovc v29;
	s17 =	smov.u32 s26  }
0x447: {  	v25 =	vmovc v33;
	v32 =	vld [tilespmem:s3+$0xFFFFFFD0];
	v45 =	vadd.s32 $0x1FBD1DF5, v5;
	v5 =	vshra.s32 v27, $0x1;
	[tilespmem:s10+$0x2B80] =	vst v13;
	v0 =	vadd.f32 v48, v0;
	v13 =	vmovc v46  }
0x448: {  	p4 =	por !p4, !p4;
	v24 =	vmovc v31;
	v23 =	vmovc v30;
	s10 =	simm.s32 $0x1;
	v33 =	vld [tilespmem:s3+$0x30];
	v44 =	vshra.s32 v22, $0x1;
	v46 =	vadd.s32 $0x1FBD1DF5, v5;
	(erf) = vrcp.f32 v45  }
0x449: {  	s10 =	simm.s32 @!p4 $0x0;
	v29 =	vld [tilespmem:s3+$0x10];
	v44 =	vadd.s32 $0x1FBD1DF5, v44;
	(erf) = vrcp.f32 v46;
	v0 =	vmul.f32 $5.000000000e-01, v0  }
0x44a: {  	s22 =	sadd.s32 $0x100, s22;
	v41 =	vsel vm1, $0xBF800000, v41;
	v3 =	vadd.f32 v3, v42;
	s10 =	sshll.u32 s10, $0x6;
	v31 =	vld [tilespmem:s3+$0xFFFFFFB0];
	(erf) = vrcp.f32 v44  }
0x44b: {  	s8 =	sand.u32 $0x1E00, s22;
	s16 =	sshra.s32 s22, $0x2;
	v42 =	vsel vm0, $0xBF800000, v43;
	v43 =	vsel vm0, $0xBF800000, v40;
	s26 =	sadd.s32 s10, s22;
	v30 =	vld [tilespmem:s3+$0x50];
	v0 =	vsel vm5, $0xBF800000, v0  }
0x44c: {  	s8 =	sadd.s32 $0x2B80, s8;
	vm6 =	vmmov vm1;
	v48 =	vsel vm0, $0xBF800000, v39;
	v3 =	vmul.f32 $5.000000000e-01, v3;
	v40 =	vld [tilespmem:s16+$0x1D90];
	[tilespmem:s12+$0x80] =	vst v20;
	v20 =	vmovc v47  }
0x44d: {  	vm7 =	vmmov vm3;
	s10 =	sor.u32 s23, s14;
	s23 =	smov.u32 s1;
	vm5 =	vmmov vm2;
	v39 =	vld [tilespmem:s16+$0x1DB0];
	[tilespmem:s19+$0x47A0] =	vst v0  }
0x44e: {  	v3 =	vsel vm4, $0xBF800000, v3;
	vm4 =	vmmov vm0;
	v0 =	vld [tilespmem:s16+$0x16B0];
	v47 =	vpop (erf);
	[tilespmem:s10+$0x80] =	vst v9;
	v9 =	vmov v34  }
0x44f: {  	s1 =	sor.u32 $0x100, s24;
	v50 =	vld [tilespmem:s16+$0x1690];
	v5 =	vmul.f32 v47, v14;
	[tilespmem:s19+$0x4790] =	vst v3;
	s19 =	smov.u32 s20;
	s20 =	smov.u32 s16  }
0x450: {  	s12 =	sor.u32 s25, s14;
	s25 =	smov.u32 s11;
	s14 =	smov.u32 s31;
	v3 =	vld [tilespmem:s20+$0x1680];
	[tilespmem:s1+$0x2B80] =	vst v18;
	v18 =	vmov v41  }
0x451: {  	s31 =	smov.u32 s8;
	s1 =	sor.u32 $0x180, s24;
	s24 =	smov.u32 s9;
	v41 =	vld [tilespmem:s20+$0x1D80];
	v5 =	vadd.f32 v2, v5;
	v34 =	vpop (erf);
	[tilespmem:s12+$0x80] =	vst v17;
	v17 =	vmov v49  }
0x452: {  	v47 =	vld [tilespmem:s20+$0x16A0];
	v49 =	vmul.f32 v34, v26;
	v51 =	vpop (erf);
	[tilespmem:s1+$0x2B80] =	vst v12;
	v12 =	vmov v36  }
0x453: {  	v52 =	vld [tilespmem:s20+$0x1DA0];
	vm1 =	vge.f32 v0, $1.000000000e+08;
	v34 =	vmul.f32 $5.000000000e-01, v5;
	v0 =	vmul.f32 v51, v27;
	v2 =	vpop (erf);
	[tilespmem:s12+$0x0] =	vst v19  }
0x454: {  	s8 =	sor.u32 $0x100, s18;
	s1 =	sadd.s32 $0x10, s15;
	s15 =	smov.u32 s30;
	v19 =	vmovc v42;
	vm0 =	vge.f32 v50, $1.000000000e+08;
	v36 =	vld [tilespmem:s3+$0x40];
	v50 =	vsel vm1, $0x0, v39;
	v51 =	vadd.f32 v45, v49;
	[tilespmem:s10+$0x0] =	vst v10;
	v10 =	vmovc v35  }
0x455: {  	s9 =	sor.u32 $0x100, s1;
	vm3 =	vge.f32 v3, $1.000000000e+08;
	v3 =	vsel vm0, $0x0, v40;
	v35 =	vld [tilespmem:s3+$0x20];
	v0 =	vadd.f32 v46, v0;
	[tilespmem:s8+$0x2B80] =	vst v11;
	s8 =	sor.u32 $0x180, s18;
	v11 =	vmovc v38;
	s18 =	smov.u32 s21  }
0x456: {  	s1 =	sor.u32 $0x180, s1;
	v2 =	vmul.f32 v2, v22;
	v38 =	vsel vm3, $0x0, v41;
	v40 =	vld [tilespmem:s3+$0xFFFFFFF0];
	v41 =	vshll.u32 v3, $0x2;
	[tilespmem:s8+$0x2B80] =	vst v8;
	v8 =	vmovc v37  }
0x457: {  	v42 =	vshll.u32 v50, $0x2;
	v55 =	vor.u32 $0x2, v41;
	v37 =	vld [tilespmem:s3+$0x0];
	vm2 =	vge.f32 v47, $1.000000000e+08;
	[tilespmem:s9+$0x2B80] =	vst v15;
	v15 =	vmovc v43  }
0x458: {  	v53 =	vor.u32 $0x1, v41;
	v58 =	vor.u32 $0x3, v41;
	v39 =	vld [tilespmem:s3+$0xFFFFFFE0];
	v56 =	vsel vm2, $0x0, v52;
	[tilespmem:s1+$0x2B80] =	vst v16;
	v16 =	vmovc v48  }
0x459: {  	v59 =	vor.u32 $0x2, v42;
	v62 =	vor.u32 $0x3, v42;
	v49 =	vshll.u32 v56, $0x2;
	v48 =	vld.idx.msk [tilespmem:v50+s7+$0x0], $0xffff  }
0x45a: {  	v63 =	vshll.u32 v38, $0x2;
	v52 =	vmul.f32 $5.000000000e-01, v51;
	v3 =	vld.idx.msk [tilespmem:v3+s7+$0x0], $0xffff;
	v45 =	vor.u32 $0x1, v49  }
0x45b: {  	v46 =	vor.u32 $0x1, v42;
	v47 =	vor.u32 $0x1, v63;
	v51 =	vmul.f32 $5.000000000e-01, v0;
	v41 =	vld.idx.msk [tilespmem:v41+s0+$0x0], $0xffff  }
0x45c: {  	v43 =	vor.u32 $0x2, v63;
	v57 =	vor.u32 $0x3, v63;
	v0 =	vld.idx.msk [tilespmem:v38+s7+$0x0], $0xffff;
	(erf) = vrcp.f32 v52  }
0x45d: {  	v2 =	vadd.f32 v44, v2;
	v54 =	vor.u32 $0x2, v49;
	v5 =	vld.idx.msk [tilespmem:v42+s0+$0x0], $0xffff;
	(erf) = vrcp.f32 v51  }
0x45e: {  	v44 =	vld.idx.msk [tilespmem:v56+s7+$0x0], $0xffff;
	(erf) = vrcp.f32 v34  }
0x45f: {  	v38 =	vsel vm1, $0x0, v48;
	v48 =	vmul.f32 $5.000000000e-01, v2;
	v53 =	vld.idx.msk [tilespmem:v53+s0+$0x0], $0xffff  }
.Ltmp10:
0x460: {  	v50 =	vsel vm0, $0x0, v3;
	v60 =	vld.idx.msk [tilespmem:v49+s0+$0x0], $0xffff;
	(pc) =	sbr.rel @p0 .LBB3_11-.Ltmp10, $4  }
0x461: {  	v56 =	vsub.f32 v32, v41;
	v59 =	vld.idx.msk [tilespmem:v59+s0+$0x0], $0xffff;
	(erf) = vrcp.f32 v48  }
0x462: {  	v42 =	vsel vm3, $0x0, v0;
	v61 =	vld.idx.msk [tilespmem:v58+s0+$0x0], $0xffff  }
0x463: {  	s29 =	sadd.s32 $0x4, s29;
	v41 =	vsub.f32 v33, v5;
	v58 =	vld.idx.msk [tilespmem:v62+s0+$0x0], $0xffff  }
0x464: {  	s13 =	sadd.s32 $0x2, s13;
	s30 =	sand.u32 $0x7, s29;
	v62 =	vld.idx.msk [tilespmem:v63+s0+$0x0], $0xffff  }
0x465: {  	_ =	sdelay $0x3  }
0x466: {  	v0 =	vld.idx.msk [tilespmem:v55+s0+$0x0], $0xffff  }
0x467: {  	v2 =	vpop (erf);
	v3 =	vld.idx.msk [tilespmem:v57+s0+$0x0], $0xffff  }
0x468: {  	v5 =	vor.u32 $0x3, v49;
	v55 =	vsub.f32 v37, v60;
	v63 =	vld.idx.msk [tilespmem:v43+s0+$0x0], $0xffff;
	v2 =	vmul.f32 v2, v26  }
0x469: {  	v47 =	vld.idx.msk [tilespmem:v47+s0+$0x0], $0xffff;
	v43 =	vmul.f32 v41, v30;
	v53 =	vsub.f32 v39, v53;
	v60 =	vpop (erf);
	v33 =	vsub.f32 v59, v33  }
0x46a: {  	v46 =	vld.idx.msk [tilespmem:v46+s0+$0x0], $0xffff;
	v49 =	vmul.f32 v60, v27;
	v60 =	vsub.f32 v61, v39;
	v2 =	vadd.f32 v2, v52  }
0x46b: {  	v39 =	vmul.f32 v56, v40;
	v52 =	vsub.f32 v58, v36;
	v61 =	vsub.f32 v28, v62;
	v62 =	vld [tilespmem:s6+$0xFFFFFFC0]  }
0x46c: {  	v41 =	vmul.f32 v33, v30;
	v49 =	vadd.f32 v49, v51;
	v33 =	vmul.f32 v60, v40  }
0x46d: {  	v0 =	vsub.f32 v0, v32;
	v2 =	vmul.f32 $5.000000000e-01, v2;
	v3 =	vsub.f32 v3, v31  }
0x46e: {  	v32 =	vmul.f32 v53, v40;
	v63 =	vsub.f32 v63, v28;
	v56 =	vmul.f32 $5.000000000e-01, v49  }
0x46f: {  	v28 =	vmul.f32 v0, v40;
	v0 =	vsub.f32 v31, v47;
	v31 =	vmul.f32 v52, v30  }
0x470: {  	v57 =	vsub.f32 v36, v46;
	v49 =	vmul.f32 v61, v62;
	v40 =	vmul.f32 v3, v62  }
0x471: {  	v60 =	vmax.f32 v32, v33;
	v3 =	vld.idx.msk [tilespmem:v54+s0+$0x0], $0xffff;
	v47 =	vmul.f32 v0, v62;
	v46 =	vmul.f32 v63, v62  }
0x472: {  	(erf) = vrcp.f32 v56;
	v59 =	vmax.f32 v39, v28;
	v0 =	vld.idx.msk [tilespmem:v45+s0+$0x0], $0xffff;
	v45 =	vmul.f32 v57, v30  }
0x473: {  	v5 =	vld.idx.msk [tilespmem:v5+s0+$0x0], $0xffff;
	v61 =	vmul.f32 v60, v59;
	v62 =	vmax.f32 v49, v46;
	v63 =	vmax.f32 v47, v40  }
0x474: {  	v57 =	vmax.f32 v43, v41;
	v58 =	vmax.f32 v45, v31;
	v36 =	vmul.f32 v63, v62  }
0x475: {  	v52 =	vpop (erf);
	(erf) = vrcp.f32 v2;
	v30 =	vmax.f32 v61, $9.999999930e-09;
	v51 =	vmul.f32 v58, v57  }
0x476: {  	(erf) = vrcp.f32 v30;
	v61 =	vmax.f32 v36, $9.999999930e-09  }
0x477: {  	v3 =	vsub.f32 v3, v37;
	v62 =	vmax.f32 v51, $9.999999930e-09;
	(erf) = vrcp.f32 v61  }
0x478: {  	v5 =	vsub.f32 v5, v29;
	v63 =	vmin.f32 v32, v33;
	(erf) = vrcp.f32 v62  }
0x479: {  	v59 =	vpop (erf);
	v0 =	vsub.f32 v29, v0;
	v36 =	vmul.f32 v55, v35;
	v29 =	vmul.f32 v3, v35  }
0x47a: {  	v57 =	vmin.f32 v49, v46;
	v58 =	vmin.f32 v47, v40;
	v60 =	vmul.f32 v59, v22  }
0x47b: {  	v30 =	vmul.f32 v5, v35;
	v37 =	vmul.f32 v0, v35;
	v54 =	vmax.f32 v36, v29  }
0x47c: {  	v59 =	vmin.f32 v43, v41;
	v51 =	vmul.f32 v58, v57;
	v3 =	vmin.f32 v39, v28  }
0x47d: {  	v5 =	vadd.f32 v60, v48;
	v3 =	vmul.f32 v63, v3;
	v48 =	vpop (erf);
	v55 =	vmax.f32 v37, v30  }
0x47e: {  	v60 =	vmin.f32 v45, v31;
	v0 =	vmul.f32 v52, v14;
	v35 =	vmul.f32 v55, v54;
	v54 =	vpop (erf)  }
0x47f: {  	v61 =	vmul.f32 v60, v59;
	v51 =	vmax.f32 v51, $0.0e+00;
	v3 =	vmax.f32 v3, $0.0e+00;
	v62 =	vpop (erf)  }
0x480: {  	v5 =	vmul.f32 $5.000000000e-01, v5;
	v0 =	vadd.f32 v0, v34;
	v3 =	vmul.f32 v62, v3;
	v63 =	vpop (erf)  }
0x481: {  	v58 =	vmax.f32 v61, $0.0e+00;
	v35 =	vmax.f32 v35, $9.999999930e-09;
	v57 =	vmul.f32 v63, v51;
	v59 =	vpop (erf)  }
0x482: {  	(erf) = vrcp.f32 v35;
	v34 =	vadd.f32 $9.999999960e-13, v3;
	v3 =	vmul.f32 v59, v58  }
0x483: {  	v0 =	vmul.f32 $5.000000000e-01, v0;
	v35 =	vadd.f32 $9.999999960e-13, v57  }
0x484: {  	(erf) = vrcp.f32 v5;
	v60 =	vshra.s32 v34, $0x1;
	v3 =	vadd.f32 $9.999999960e-13, v3  }
0x485: {  	(erf) = vrcp.f32 v0;
	v52 =	vadd.s32 $0x1FBD1DF5, v60;
	v61 =	vshra.s32 v35, $0x1  }
0x486: {  	(erf) = vrcp.f32 v52;
	v53 =	vadd.s32 $0x1FBD1DF5, v61;
	v62 =	vshra.s32 v3, $0x1  }
0x487: {  	v55 =	vadd.s32 $0x1FBD1DF5, v62;
	(erf) = vrcp.f32 v53  }
0x488: {  	v51 =	vmin.f32 v37, v30;
	v63 =	vmin.f32 v36, v29;
	(erf) = vrcp.f32 v55  }
0x489: {  	v51 =	vmul.f32 v51, v63;
	_ =	sdelay $0x1  }
0x48a: {  	v51 =	vmax.f32 v51, $0.0e+00;
	v60 =	vpop (erf)  }
0x48b: {  	v51 =	vmul.f32 v60, v51  }
0x48c: {  	v57 =	vpop (erf)  }
0x48d: {  	v58 =	vpop (erf);
	v51 =	vadd.f32 $9.999999960e-13, v51  }
0x48e: {  	v60 =	vpop (erf)  }
0x48f: {  	v59 =	vshra.s32 v51, $0x1;
	v61 =	vpop (erf)  }
0x490: {  	v59 =	vadd.s32 $0x1FBD1DF5, v59;
	v61 =	vmul.f32 v61, v35;
	v62 =	vpop (erf)  }
0x491: {  	(erf) = vrcp.f32 v59;
	v62 =	vmul.f32 v62, v3  }
0x492: {  	v53 =	vadd.f32 v53, v61  }
0x493: {  	v55 =	vadd.f32 v55, v62  }
0x494: {  	v53 =	vmul.f32 $5.000000000e-01, v53  }
0x495: {  	v55 =	vmul.f32 $5.000000000e-01, v55  }
0x496: {  	(erf) = vrcp.f32 v53  }
0x497: {  	(erf) = vrcp.f32 v55;
	_ =	sdelay $0x1  }
0x498: {  	v60 =	vmul.f32 v60, v34  }
0x499: {  	v61 =	vpop (erf)  }
0x49a: {  	v52 =	vadd.f32 v52, v60;
	v61 =	vmul.f32 v61, v51;
	_ =	sdelay $0x1  }
0x49b: {  	v52 =	vmul.f32 $5.000000000e-01, v52;
	v59 =	vadd.f32 v59, v61;
	v61 =	vmul.f32 v54, v26;
	_ =	sdelay $0x1  }
0x49c: {  	(erf) = vrcp.f32 v52;
	v2 =	vadd.f32 v61, v2;
	v62 =	vpop (erf)  }
0x49d: {  	v63 =	vmul.f32 v48, v27;
	v54 =	vmul.f32 $5.000000000e-01, v59;
	v48 =	vpop (erf)  }
0x49e: {  	v2 =	vmul.f32 $5.000000000e-01, v2;
	v26 =	vmul.f32 v48, v3  }
0x49f: {  	[tilespmem:s20+$0x2490] =	vst v50;
	v27 =	vadd.f32 v63, v56;
	(erf) = vrcp.f32 v54;
	v50 =	vmul.f32 v62, v35  }
0x4a0: {  	v26 =	vadd.f32 v26, v55  }
0x4a1: {  	[tilespmem:s20+$0x24B0] =	vst v38;
	v27 =	vmul.f32 $5.000000000e-01, v27;
	v2 =	vsel vm7, $0xBF800000, v2;
	v53 =	vadd.f32 v50, v53  }
0x4a2: {  	[tilespmem:s19+$0x4780] =	vst v2;
	v2 =	vmul.f32 v57, v22;
	v55 =	vmul.f32 $5.000000000e-01, v26  }
0x4a3: {  	v44 =	vsel vm2, $0x0, v44;
	[tilespmem:s20+$0x2480] =	vst v42;
	v57 =	vmul.f32 $5.000000000e-01, v53  }
0x4a4: {  	s2 =	sand.u32 $0x70, s2;
	[tilespmem:s20+$0x24A0] =	vst v44;
	v56 =	vsel vm6, $0xBF800000, v27;
	v2 =	vadd.f32 v2, v5;
	(erf) = vrcp.f32 v55  }
0x4a5: {  	s2 =	sor.u32 s2, s14;
	[tilespmem:s19+$0x47B0] =	vst v56;
	v59 =	vpop (erf);
	(erf) = vrcp.f32 v57  }
0x4a6: {  	[tilespmem:s2+$0x0] =	vst v25;
	v5 =	vmul.f32 v58, v14;
	v2 =	vmul.f32 $5.000000000e-01, v2  }
0x4a7: {  	s5 =	sor.u32 $0x100, s24;
	[tilespmem:s2+$0x80] =	vst v20;
	v61 =	vmul.f32 v59, v34  }
0x4a8: {  	[tilespmem:s5+$0x2B80] =	vst v18;
	v0 =	vadd.f32 v5, v0;
	v2 =	vsel vm5, $0xBF800000, v2;
	v60 =	vpop (erf)  }
0x4a9: {  	s1 =	sand.u32 $0x40, s4;
	s6 =	sor.u32 $0x180, s24;
	[tilespmem:s19+$0x47A0] =	vst v2;
	v2 =	vadd.f32 v61, v52;
	v5 =	vmul.f32 v60, v51  }
0x4aa: {  	s1 =	sor.u32 s1, s14;
	[tilespmem:s6+$0x2B80] =	vst v12;
	v0 =	vmul.f32 $5.000000000e-01, v0  }
0x4ab: {  	[tilespmem:s1+$0x0] =	vst v21;
	v5 =	vadd.f32 v5, v54  }
0x4ac: {  	[tilespmem:s1+$0x80] =	vst v24;
	v0 =	vsel vm4, $0xBF800000, v0  }
0x4ad: {  	s29 =	sor.u32 $0x100, s17;
	[tilespmem:s19+$0x4790] =	vst v0;
	v0 =	vmul.f32 $5.000000000e-01, v2;
	v5 =	vmul.f32 $5.000000000e-01, v5;
	v2 =	vpop (erf)  }
0x4ae: {  	s4 =	sor.u32 s23, s14;
	[tilespmem:s29+$0x2B80] =	vst v23;
	v62 =	vpop (erf)  }
0x4af: {  	s3 =	sor.u32 $0x180, s17;
	[tilespmem:s4+$0x80] =	vst v9;
	(erf) = vrcp.f32 v5;
	v9 =	vmul.f32 v62, v35  }
0x4b0: {  	[tilespmem:s3+$0x2B80] =	vst v13  }
0x4b1: {  	s8 =	sor.u32 $0x100, s18;
	[tilespmem:s4+$0x0] =	vst v10;
	(erf) = vrcp.f32 v0;
	v2 =	vmul.f32 v2, v3;
	v3 =	vadd.f32 v9, v57  }
0x4b2: {  	s3 =	sor.u32 s25, s14;
	[tilespmem:s8+$0x2B80] =	vst v11  }
0x4b3: {  	[tilespmem:s3+$0x80] =	vst v17;
	v2 =	vadd.f32 v2, v55;
	v3 =	vmul.f32 $5.000000000e-01, v3  }
0x4b4: {  	s9 =	sadd.s32 $0x10, s15;
	s10 =	sor.u32 $0x180, s18;
	vm12 =	vmmov vm3;
	[tilespmem:s3+$0x0] =	vst v19  }
0x4b5: {  	s11 =	sor.u32 $0x100, s9;
	[tilespmem:s10+$0x2B80] =	vst v8;
	v2 =	vmul.f32 $5.000000000e-01, v2;
	v3 =	vsel vm12, $0xBF800000, v3  }
0x4b6: {  	vm13 =	vmmov vm1;
	s2 =	sor.u32 $0x180, s9;
	[tilespmem:s11+$0x2B80] =	vst v15  }
0x4b7: {  	s12 =	sadd.s32 $0x40, s28;
	[tilespmem:s2+$0x2B80] =	vst v16;
	v2 =	vsel vm13, $0xBF800000, v2  }
0x4b8: {  	s14 =	sand.u32 $0x40, s12;
	[tilespmem:s20+$0x4780] =	vst v3;
	v3 =	vpop (erf)  }
0x4b9: {  	s15 =	sadd.s32 $0x30, s12;
	v8 =	vsel vm3, $0xBF800000, v49;
	s2 =	sor.u32 s14, s31;
	[tilespmem:s20+$0x47B0] =	vst v2;
	v3 =	vmul.f32 v3, v51  }
0x4ba: {  	v63 =	vsel vm3, $0xBF800000, v47;
	s3 =	sand.u32 $0x70, s15;
	[tilespmem:s2+$0x0] =	vst v8;
	v2 =	vpop (erf)  }
0x4bb: {  	s3 =	sor.u32 s3, s31;
	v8 =	vsel vm1, $0xBF800000, v43;
	[tilespmem:s2+$0x80] =	vst v63;
	v2 =	vmul.f32 v2, v34;
	v3 =	vadd.f32 v3, v5  }
0x4bc: {  	s16 =	sor.u32 $0x100, s26;
	[tilespmem:s3+$0x0] =	vst v8;
	v5 =	vsel vm3, $0xBF800000, v46  }
0x4bd: {  	s17 =	sor.u32 $0x180, s26;
	v8 =	vsel vm3, $0xBF800000, v40;
	[tilespmem:s16+$0x2B80] =	vst v5;
	v0 =	vadd.f32 v2, v0;
	v3 =	vmul.f32 $5.000000000e-01, v3  }
0x4be: {  	vm14 =	vmmov vm2;
	s18 =	sadd.s32 $0x20, s12;
	v2 =	vsel vm1, $0xBF800000, v45;
	[tilespmem:s17+$0x2B80] =	vst v8  }
0x4bf: {  	s4 =	sand.u32 $0x60, s18;
	s19 =	sshll.u32 s30, $0x4;
	[tilespmem:s3+$0x80] =	vst v2;
	v0 =	vmul.f32 $5.000000000e-01, v0;
	v3 =	vsel vm14, $0xBF800000, v3  }
0x4c0: {  	vm15 =	vmmov vm0;
	s21 =	sor.u32 s4, s31;
	s2 =	sadd.s32 s22, s19;
	v2 =	vsel vm2, $0xBF800000, v37;
	[tilespmem:s20+$0x47A0] =	vst v3  }
0x4c1: {  	s1 =	sadd.s32 $0x10, s12;
	s23 =	sadd.s32 $0x30, s2;
	v0 =	vsel vm15, $0xBF800000, v0;
	[tilespmem:s21+$0x80] =	vst v2  }
0x4c2: {  	s1 =	sand.u32 $0x50, s1;
	s5 =	sor.u32 $0x100, s23;
	v2 =	vsel vm1, $0xBF800000, v41;
	[tilespmem:s20+$0x4790] =	vst v0  }
0x4c3: {  	s24 =	sand.u32 $0x3, s13;
	s1 =	sor.u32 s1, s31;
	v0 =	vsel vm0, $0xBF800000, v32;
	[tilespmem:s5+$0x2B80] =	vst v2  }
0x4c4: {  	s25 =	sshll.u32 s24, $0x5;
	s4 =	sor.u32 $0x180, s23;
	v2 =	vsel vm1, $0xBF800000, v31;
	[tilespmem:s1+$0x80] =	vst v0  }
0x4c5: {  	s5 =	sadd.s32 s22, s25;
	v0 =	vsel vm0, $0xBF800000, v39;
	[tilespmem:s4+$0x2B80] =	vst v2  }
0x4c6: {  	s26 =	sadd.s32 $0x20, s5;
	v2 =	vsel vm2, $0xBF800000, v36;
	[tilespmem:s1+$0x0] =	vst v0  }
0x4c7: {  	v0 =	vsel vm2, $0xBF800000, v29;
	[tilespmem:s21+$0x0] =	vst v2;
	s28 =	sor.u32 $0x100, s26  }
0x4c8: {  	s2 =	sadd.s32 $0x10, s2;
	v2 =	vsel vm2, $0xBF800000, v30;
	s29 =	sor.u32 $0x180, s26;
	[tilespmem:s28+$0x2B80] =	vst v0  }
0x4c9: {  	s30 =	sor.u32 $0x100, s2;
	v0 =	vsel vm0, $0xBF800000, v28;
	[tilespmem:s29+$0x2B80] =	vst v2  }
0x4ca: {  	s31 =	sor.u32 $0x180, s2;
	v2 =	vsel vm0, $0xBF800000, v33;
	[tilespmem:s30+$0x2B80] =	vst v0  }
0x4cb: {  	[tilespmem:s31+$0x2B80] =	vst v2  }
0x4cc: {  	s2 =	simm.s32 @!p5 $0x2480;
	s1 =	simm.s32 @!p5 $0x0;
	s3 =	rddreg [dreg:$0x10]  }
0x4cd: {  	[hbm4b:s3+s1] =	stream.linear.scatter @!p5 [tilespmem:s2], [sflag:$0x3], $0x700, $0x38;
	[tilespmem:$0x4E80] =	vst v63  }
0x4ce: {  	s2 =	simm.s32 @!p5 $0x2B80;
	s3 =	rddreg [dreg:$0x11]  }
0x4cf: {  	[hbm4b:s3+s1] =	stream.linear.scatter @!p5 [tilespmem:s2], [sflag:$0x3], $0x1C00, $0x38;
	[tilespmem:$0x4E80] =	vst v63  }
0x4d0: {  	s2 =	simm.s32 @!p5 $0x4780;
	s3 =	rddreg [dreg:$0x12]  }
0x4d1: {  	[hbm4b:s3+s1] =	stream.linear.scatter @!p5 [tilespmem:s2], [sflag:$0x3], $0x700, $0x38;
	[tilespmem:$0x4E80] =	vst v63  }
0x4d2: {  	s1 =	simm.s32 @!p5 $0x3  }
0x4d3: {  	_ =	swait.ge @!p5 [sflag:s1], $0x700  }
0x4d4: {  	[sflag:s1] =	ssyncset.done @!p5 $0x0  }
0x4d5: {  	[sflag:s1] =	ssyncadd.s32 @!p5 $0xFFFFF900  }
0x4d6: {  	_ =	swait.ge @!p5 [sflag:s1], $0x1C00  }
.Ltmp11:
0x4d7: {  	[sflag:s1] =	ssyncset.done @!p5 $0x0;
	(pc) =	sbr.rel @p1 .LBB3_14-.Ltmp11, $4  }
0x4d8: {  	[sflag:s1] =	ssyncadd.s32 @!p5 $0xFFFFE400  }
0x4d9: {  	_ =	swait.ge @!p5 [sflag:s1], $0x700  }
0x4da: {  	[sflag:s1] =	ssyncset.done @!p5 $0x0  }
0x4db: {  	[sflag:s1] =	ssyncadd.s32 @!p5 $0xFFFFF900  }
0x4dc: {  	s3 =	sld [smem:$0x7F2];
	_ =	sdelay $0x1  }
0x4dd: {  	s1 =	simm.s32 @p2 $0x0;
	s2 =	simm.s32 @p2 $0x2480  }
0x4de: {  	[hbm4b:s3+s1] =	stream.linear.scatter @p2 [tilespmem:s2], [sflag:$0x3], $0x700, $0x38;
	[tilespmem:$0x4E80] =	vst v63  }
0x4df: {  	s2 =	simm.s32 @p2 $0x2B80;
	s3 =	rddreg [dreg:$0x1d]  }
0x4e0: {  	[hbm4b:s3+s1] =	stream.linear.scatter @p2 [tilespmem:s2], [sflag:$0x3], $0x1C00, $0x38;
	[tilespmem:$0x4E80] =	vst v63  }
0x4e1: {  	s3 =	sld [smem:$0x7F3];
	_ =	sdelay $0x1  }
0x4e2: {  	s2 =	simm.s32 @p2 $0x4780  }
0x4e3: {  	[hbm4b:s3+s1] =	stream.linear.scatter @p2 [tilespmem:s2], [sflag:$0x3], $0x700, $0x38;
	[tilespmem:$0x4E80] =	vst v63  }
0x4e4: {  	s1 =	simm.s32 @p2 $0x3  }
0x4e5: {  	_ =	swait.ge @p2 [sflag:s1], $0x700  }
0x4e6: {  	[sflag:s1] =	ssyncset.done @p2 $0x0  }
0x4e7: {  	[sflag:s1] =	ssyncadd.s32 @p2 $0xFFFFF900  }
0x4e8: {  	_ =	swait.ge @p2 [sflag:s1], $0x1C00  }
0x4e9: {  	[sflag:s1] =	ssyncset.done @p2 $0x0  }
0x4ea: {  	[sflag:s1] =	ssyncadd.s32 @p2 $0xFFFFE400  }
0x4eb: {  	_ =	swait.ge @p2 [sflag:s1], $0x700  }
0x4ec: {  	s2 =	simm.s32 @!p6 $0x2480;
	[sflag:s1] =	ssyncset.done @p2 $0x0  }
0x4ed: {  	s3 =	rddreg [dreg:$0x1a];
	[sflag:s1] =	ssyncadd.s32 @p2 $0xFFFFF900;
	s1 =	simm.s32 @!p6 $0x0  }
0x4ee: {  	[hbm4b:s3+s1] =	stream.linear.scatter @!p6 [tilespmem:s2], [sflag:$0x3], $0x480, $0x38;
	[tilespmem:$0x4E80] =	vst v63  }
0x4ef: {  	s2 =	simm.s32 @!p6 $0x2B80;
	s3 =	rddreg [dreg:$0x19]  }
0x4f0: {  	[hbm4b:s3+s1] =	stream.linear.scatter @!p6 [tilespmem:s2], [sflag:$0x3], $0x1200, $0x38;
	[tilespmem:$0x4E80] =	vst v63  }
0x4f1: {  	s2 =	simm.s32 @!p6 $0x4780;
	s3 =	rddreg [dreg:$0x1b]  }
0x4f2: {  	[hbm4b:s3+s1] =	stream.linear.scatter @!p6 [tilespmem:s2], [sflag:$0x3], $0x480, $0x38;
	[tilespmem:$0x4E80] =	vst v63  }
0x4f3: {  	s2 =	simm.s32 @!p6 $0x3  }
0x4f4: {  	_ =	swait.ge @!p6 [sflag:s2], $0x480  }
0x4f5: {  	[sflag:s2] =	ssyncset.done @!p6 $0x0  }
0x4f6: {  	[sflag:s2] =	ssyncadd.s32 @!p6 $0xFFFFFB80  }
0x4f7: {  	_ =	swait.ge @!p6 [sflag:s2], $0x1200  }
0x4f8: {  	[sflag:s2] =	ssyncset.done @!p6 $0x0  }
0x4f9: {  	[sflag:s2] =	ssyncadd.s32 @!p6 $0xFFFFEE00  }
0x4fa: {  	_ =	swait.ge @!p6 [sflag:s2], $0x480  }
0x4fb: {  	s4 =	sld [smem:$0x7F5]  }
0x4fc: {  	[sflag:s2] =	ssyncset.done @!p6 $0x0  }
0x4fd: {  	s3 =	simm.s32 @!p6 $0x2900;
	[sflag:s2] =	ssyncadd.s32 @!p6 $0xFFFFFB80  }
0x4fe: {  	[hbm4b:s4+s1] =	stream.linear.scatter @!p6 [tilespmem:s3], [sflag:$0x3], $0x280, $0x38;
	[tilespmem:$0x4E80] =	vst v63  }
0x4ff: {  	s3 =	simm.s32 @!p6 $0x3D80;
	s4 =	rddreg [dreg:$0x1e]  }
0x500: {  	[hbm4b:s4+s1] =	stream.linear.scatter @!p6 [tilespmem:s3], [sflag:$0x3], $0xA00, $0x38;
	[tilespmem:$0x4E80] =	vst v63  }
0x501: {  	s4 =	sld [smem:$0x7F6];
	_ =	sdelay $0x1  }
0x502: {  	s3 =	simm.s32 @!p6 $0x4C00  }
0x503: {  	[hbm4b:s4+s1] =	stream.linear.scatter @!p6 [tilespmem:s3], [sflag:$0x3], $0x280, $0x38;
	[tilespmem:$0x4E80] =	vst v63  }
0x504: {  	_ =	swait.ge @!p6 [sflag:s2], $0x280  }
0x505: {  	[sflag:s2] =	ssyncset.done @!p6 $0x0  }
0x506: {  	[sflag:s2] =	ssyncadd.s32 @!p6 $0xFFFFFD80  }
0x507: {  	_ =	swait.ge @!p6 [sflag:s2], $0xA00  }
0x508: {  	[sflag:s2] =	ssyncset.done @!p6 $0x0  }
0x509: {  	[sflag:s2] =	ssyncadd.s32 @!p6 $0xFFFFF600  }
.Ltmp12:
0x50a: {  	_ =	swait.ge @!p6 [sflag:s2], $0x280;
	(pc) =	sbr.rel .LBB3_15-.Ltmp12, $4  }
0x50b: {  	v0 =	vld [tilespmem:$0x1FFC0]  }
0x50c: {  	v2 =	vld [tilespmem:$0x1FFD0]  }
0x50d: {  	s5 =	simm.s32 $0x1D80;
	[sflag:s2] =	ssyncset.done @!p6 $0x0;
	v3 =	vld [tilespmem:$0x1FFE0]  }
0x50e: {  	s4 =	simm.s32 $0x1680;
	v5 =	vld [tilespmem:$0x1FFF0];
	[sflag:s2] =	ssyncadd.s32 @!p6 $0xFFFFFD80;
	s2 =	sld [smem:$0x7EF]  }
.LBB3_16:
0x50f: {  	_ =	sfence.sel $0x180000  }
0x510: {  	[bflag:$0x0] =	sbarrier.arrive $0xFFFF  }
0x511: {  	_ =	strace $0x90000047  }
0x512: {  	s0 =	stileid.u32;
	[bflag:$0x2] =	sbarrier.arrive $0xFFFF  }
0x513: {  	p0 =	sne.s32 s0, $0x0;
	s0 =	sld [smem:$0x7F4];
	_ =	sdelay $0x2  }
0x514: {  	s0 =	sadd.s32 @!p0 $0x100000, s0  }
0x515: {  	[sflag:s0] =	ssyncadd.tile.s32 @!p0 $0x1;
	_ =	shalt  }
.Lfunc_end3:
_tile_overlayer_lowered:
.L_overlay_start_3:
0x516: {  	(tag) =	ssettag $0x3  }
0x517: {  	s0 =	rddreg [dreg:$0x0];
	s2 =	stileid.u32  }
0x518: {  	s1 =	rddreg [dreg:$0x1];
	p0 =	sne.s32 s2, $0x0  }
0x519: {  	s3 =	rddreg [dreg:$0x2];
	[bflag:$0x3] =	sbarrier.arrive $0xFFFF;
	s2 =	simm.s32 @!p0 $0x1C04  }
0x51a: {  	[timem:s3], [sflag:s2] =	dma.local @!p0 [hbm:s0], s1  }
0x51b: {  	s0 =	simm.s32 @!p0 $0x4  }
0x51c: {  	_ =	swait.ge @!p0 [sflag:s0], s1  }
0x51d: {  	s1 =	ssub.s32 @!p0 $0x0, s1;
	[sflag:s0] =	ssyncset.done @!p0 $0x0  }
0x51e: {  	[sflag:s0] =	ssyncadd.s32 @!p0 s1  }
0x51f: {  	[bflag:$0x3] =	sbarrier.arrive $0xFFFF  }
0x520: {  	_ =	shalt  }

</sc_bundles>
